<compile_context>
chip_gen: v7x
topology: tpu7x:2x2x1
jax: 0.10.2.dev20260603
libtpu: 0.0.44.dev20260713+nightly
codegen_flags: <defaults>
</compile_context>

<pallas_src>
import jax
import jax.numpy as jnp
from jax import lax
from jax.experimental import pallas as pl
from jax.experimental.pallas import tpu as pltpu
from jax.experimental.pallas import tpu_sc as plsc

BATCH = 4096
SEQ = 200
DIM = 64
VOCAB = 1000
NC = 2
NS = 16
PG = 4
BG = 8
PP = SEQ // PG
BB = BATCH // BG
TB = 16
NT = BB // TB
NSL = DIM // 16


def _body(x_hbm, nucleo_hbm, pos_hbm, out_hbm,
          idx0, idx1, buf0, buf1, pos_v, table_sh,
          isem0, isem1, gsem0, gsem1, ssem0, ssem1):
    idxv = (idx0, idx1)
    buf = (buf0, buf1)
    isem = (isem0, isem1)
    gsem = (gsem0, gsem1)
    ssem = (ssem0, ssem1)
    wid = lax.axis_index("s") * NC + lax.axis_index("c")
    wp = wid % PG
    wb = wid // PG
    p0 = wp * PP
    b0 = wb * BB

    @pl.when(lax.axis_index("s") == 0)
    def _stage_table():
        pltpu.sync_copy(nucleo_hbm, table_sh)

    plsc.subcore_barrier()
    pltpu.sync_copy(pos_hbm.at[pl.ds(p0, PP)], pos_v)

    def stage_idx(i, s):
        pltpu.async_copy(
            x_hbm.at[wp, pl.ds(b0 + i * TB, TB)], idxv[s], isem[s])

    def fire_gathers(s):
        for n in range(TB):
            pltpu.async_copy(
                table_sh.at[idxv[s].at[n]], buf[s].at[n], gsem[s])

    def out_slice(i):
        return out_hbm.at[pl.ds(b0 + i * TB, TB), pl.ds(p0, PP)]

    stage_idx(0, 0)
    pltpu.make_async_copy(
        x_hbm.at[wp, pl.ds(b0, TB)], idxv[0], isem[0]).wait()
    fire_gathers(0)

    def pair(g, carry):
        for b in range(2):
            i = g * 2 + b
            s, t = b, 1 - b

            @pl.when(i + 1 < NT)
            def _stage():
                stage_idx(i + 1, t)

                @pl.when(i >= 1)
                def _drain_store():
                    pltpu.make_async_copy(
                        buf[t], out_slice(i - 1), ssem[t]).wait()

                pltpu.make_async_copy(
                    x_hbm.at[wp, pl.ds(b0 + (i + 1) * TB, TB)],
                    idxv[t], isem[t]).wait()
                fire_gathers(t)

            for n in range(TB):
                pltpu.make_async_copy(
                    table_sh.at[idxv[s].at[n]], buf[s].at[n],
                    gsem[s]).wait()

            def padd(p, carry2):
                posr = [pos_v[p, pl.ds(j * 16, 16)] for j in range(NSL)]
                for n in range(TB):
                    for j in range(NSL):
                        sl = pl.ds(j * 16, 16)
                        buf[s][n, p, sl] = buf[s][n, p, sl] + posr[j]
                return carry2

            lax.fori_loop(0, PP, padd, 0)
            pltpu.async_copy(buf[s], out_slice(i), ssem[s])
        return carry

    lax.fori_loop(0, NT // 2, pair, 0)

    pltpu.make_async_copy(buf[0], out_slice(NT - 2), ssem[0]).wait()
    pltpu.make_async_copy(buf[1], out_slice(NT - 1), ssem[1]).wait()


def kernel(X, nucleo_table, pos_table):
    xb = X.reshape(BATCH, PG, PP).transpose(1, 0, 2)
    mesh = plsc.VectorSubcoreMesh(core_axis_name="c", subcore_axis_name="s")
    k = pl.kernel(
        _body,
        mesh=mesh,
        compiler_params=pltpu.CompilerParams(use_tc_tiling_on_sc=False),
        out_type=jax.ShapeDtypeStruct((BATCH, SEQ, DIM), jnp.float32),
        scratch_types=[
            pltpu.VMEM((TB, PP), jnp.int32),
            pltpu.VMEM((TB, PP), jnp.int32),
            pltpu.VMEM((TB, PP, DIM), jnp.float32),
            pltpu.VMEM((TB, PP, DIM), jnp.float32),
            pltpu.VMEM((PP, DIM), jnp.float32),
            pltpu.VMEM_SHARED((VOCAB, DIM), jnp.float32),
            pltpu.SemaphoreType.DMA,
            pltpu.SemaphoreType.DMA,
            pltpu.SemaphoreType.DMA,
            pltpu.SemaphoreType.DMA,
            pltpu.SemaphoreType.DMA,
            pltpu.SemaphoreType.DMA,
        ],
    )
    return k(xb, nucleo_table, pos_table)

# --- scband reference (transcript-rebuilt; emitter-appended) ---
"""Pipeline reference for scband-nucleo-pos-embedder-833223656485 (READ-ONLY COPY).

The authoritative reference and input builder live on the scoring server;
editing this copy changes nothing except your own understanding.
"""

import jax, jax.numpy as jnp
import numpy as np

NUM_NUCLEOTIDES = 1000
SEQ_LENGTH = 200
EMBED_DIM = 64
BATCH = 4096

def setup_inputs(seed: int = 0) -> dict:
    key = jax.random.key(seed)
    k1, k2, k3 = jax.random.split(key, 3)
    X = jax.random.randint(k1, (BATCH, SEQ_LENGTH), 0, NUM_NUCLEOTIDES, dtype=jnp.int64 if jax.config.jax_enable_x64 else jnp.int32).astype(jnp.int32)
    nucleo_table = jax.random.normal(k2, (NUM_NUCLEOTIDES, EMBED_DIM), dtype=jnp.float32)
    pos_table = jax.random.normal(k3, (SEQ_LENGTH, EMBED_DIM), dtype=jnp.float32)
    return {"X": X, "nucleo_table": nucleo_table, "pos_table": pos_table}

def reference(X, nucleo_table, pos_table):
    # nucleo embedding lookup: (batch, seq) -> (batch, seq, dim)
    X_emb = jnp.take(nucleo_table, X, axis=0)
    bsize, seqlen, featdim = X_emb.shape
    positions = jnp.arange(seqlen)
    positions_emb = jnp.take(pos_table, positions, axis=0)[None, :, :]
    positions_emb = jnp.broadcast_to(positions_emb, (bsize, seqlen, featdim))
    X_embpos = X_emb + positions_emb
    return X_embpos

if __name__ == "__main__":
    import jax
    _d = setup_inputs()
    print(jax.jit(kernel)(*tuple(_d.values())))

</pallas_src>

<mosaic_0001>
#map = affine_map<(d0, d1) -> (0, 0, 0)>
#map1 = affine_map<(d0, d1) -> (0, 0)>
module attributes {stable_mosaic.version = 14 : i64} {
  func.func @_body(%arg0: i32, %arg1: i32, %arg2: memref<4x4096x50xi32, #tpu.memory_space<hbm>>, %arg3: memref<1000x64xf32, #tpu.memory_space<hbm>>, %arg4: memref<200x64xf32, #tpu.memory_space<hbm>>, %arg5: memref<4096x200x64xf32, #tpu.memory_space<hbm>>, %arg6: memref<16x50xi32, #tpu.memory_space<vmem>>, %arg7: memref<16x50xi32, #tpu.memory_space<vmem>>, %arg8: memref<16x50x64xf32, #tpu.memory_space<vmem>>, %arg9: memref<16x50x64xf32, #tpu.memory_space<vmem>>, %arg10: memref<50x64xf32, #tpu.memory_space<vmem>>, %arg11: memref<1000x64xf32, #tpu.memory_space<vmem_shared>>, %arg12: memref<!tpu.dma_semaphore, #tpu.memory_space<semaphore_mem>>, %arg13: memref<!tpu.dma_semaphore, #tpu.memory_space<semaphore_mem>>, %arg14: memref<!tpu.dma_semaphore, #tpu.memory_space<semaphore_mem>>, %arg15: memref<!tpu.dma_semaphore, #tpu.memory_space<semaphore_mem>>, %arg16: memref<!tpu.dma_semaphore, #tpu.memory_space<semaphore_mem>>, %arg17: memref<!tpu.dma_semaphore, #tpu.memory_space<semaphore_mem>>) attributes {dimension_semantics = [#tpu.dimension_semantics<core_parallel>, #tpu.dimension_semantics<subcore_parallel>], iteration_bounds = array<i64: 2, 16>, scalar_prefetch = 0 : i64, scratch_operands = 12 : i64, tpu.core_type = #tpu.core_type<sc_vector_subcore>, window_params = [{transform_indices = #map}, {transform_indices = #map1}, {transform_indices = #map1}, {transform_indices = #map}]} {
    %mul3A = arith.constant 2 : i32
    %mul3A_0 = arith.muli %arg1, %mul3A : i32
    %add3A = arith.addi %mul3A_0, %arg0 : i32
    %jit3A = arith.constant 4 : i32
    %eq3A = arith.constant 0 : i32
    %eq3A_1 = arith.cmpi eq, %jit3A, %eq3A : i32
    %jit3A_2 = arith.constant 1 : i32
    %select_n3A = arith.select %eq3A_1, %jit3A_2, %jit3A : i32
    %rem3A = arith.remsi %add3A, %select_n3A : i32
    %ne3A = arith.constant 0 : i32
    %ne3A_3 = arith.cmpi ne, %rem3A, %ne3A : i32
    %lt3A = arith.constant 0 : i32
    %lt3A_4 = arith.cmpi slt, %rem3A, %lt3A : i32
    %lt3A_5 = arith.constant 0 : i32
    %lt3A_6 = arith.cmpi slt, %select_n3A, %lt3A_5 : i32
    %ne3A_7 = arith.xori %lt3A_4, %lt3A_6 : i1
    %and3A = arith.andi %ne3A_7, %ne3A_3 : i1
    %add3A_8 = arith.addi %rem3A, %select_n3A : i32
    %select_n3A_9 = arith.select %and3A, %add3A_8, %rem3A : i32
    %jit3A_10 = arith.constant 4 : i32
    %div3A = arith.divsi %add3A, %jit3A_10 : i32
    %sign3A = arith.constant 0 : i32
    %sign3A_11 = arith.cmpi sgt, %add3A, %sign3A : i32
    %sign3A_12 = arith.extui %sign3A_11 : i1 to i32
    %sign3A_13 = arith.constant 0 : i32
    %sign3A_14 = arith.cmpi slt, %add3A, %sign3A_13 : i32
    %sign3A_15 = arith.extui %sign3A_14 : i1 to i32
    %sign3A_16 = arith.subi %sign3A_12, %sign3A_15 : i32
    %sign3A_17 = arith.constant 0 : i32
    %sign3A_18 = arith.cmpi sgt, %jit3A_10, %sign3A_17 : i32
    %sign3A_19 = arith.extui %sign3A_18 : i1 to i32
    %sign3A_20 = arith.constant 0 : i32
    %sign3A_21 = arith.cmpi slt, %jit3A_10, %sign3A_20 : i32
    %sign3A_22 = arith.extui %sign3A_21 : i1 to i32
    %sign3A_23 = arith.subi %sign3A_19, %sign3A_22 : i32
    %ne3A_24 = arith.cmpi ne, %sign3A_16, %sign3A_23 : i32
    %rem3A_25 = arith.remsi %add3A, %jit3A_10 : i32
    %ne3A_26 = arith.constant 0 : i32
    %ne3A_27 = arith.cmpi ne, %rem3A_25, %ne3A_26 : i32
    %and3A_28 = arith.andi %ne3A_24, %ne3A_27 : i1
    %sub3A = arith.constant 1 : i32
    %sub3A_29 = arith.subi %div3A, %sub3A : i32
    %select_n3A_30 = arith.select %and3A_28, %sub3A_29, %div3A : i32
    %mul3A_31 = arith.constant 50 : i32
    %mul3A_32 = arith.muli %select_n3A_9, %mul3A_31 : i32
    %mul3A_33 = arith.constant 512 : i32
    %mul3A_34 = arith.muli %select_n3A_30, %mul3A_33 : i32
    %eq3A_35 = arith.constant 0 : i32
    %eq3A_36 = arith.cmpi eq, %arg1, %eq3A_35 : i32
    %convert_element_type3A = arith.extui %eq3A_36 : i1 to i32
    %cond3A = arith.constant 0 : i32
    %cond3A_37 = arith.cmpi ne, %convert_element_type3A, %cond3A : i32
    scf.if %cond3A_37 {
      "tpu.region"() ({
        %run_scoped3A = tpu.sem_alloc : memref<!tpu.dma_semaphore, #tpu.memory_space<semaphore_mem>>
        tpu.enqueue_dma source(%arg3 : memref<1000x64xf32, #tpu.memory_space<hbm>>) target(%arg11 : memref<1000x64xf32, #tpu.memory_space<vmem_shared>>) target_semaphore(%run_scoped3A : memref<!tpu.dma_semaphore, #tpu.memory_space<semaphore_mem>>)
        tpu.wait_dma2 semaphore(%run_scoped3A : memref<!tpu.dma_semaphore, #tpu.memory_space<semaphore_mem>>) src(%arg3 : memref<1000x64xf32, #tpu.memory_space<hbm>>) dst(%arg11 : memref<1000x64xf32, #tpu.memory_space<vmem_shared>>)
        tpu.yield
      }) : () -> ()
    } else {
    }
    %barrier3A = arith.constant 0 : index
    tpu.barrier barrier_id(%barrier3A)
    "tpu.region"() ({
      %run_scoped3A = tpu.sem_alloc : memref<!tpu.dma_semaphore, #tpu.memory_space<semaphore_mem>>
      %dma_start3A_259 = arith.constant 0 : i32
      %dma_start3A_260 = tpu.memref_slice %arg4[%mul3A_32, %dma_start3A_259] : memref<200x64xf32, #tpu.memory_space<hbm>> -> memref<50x64xf32, #tpu.memory_space<hbm>>
      %dma_start3A_261 = arith.constant 0 : i32
      %dma_start3A_262 = tpu.memref_slice %arg4[%mul3A_32, %dma_start3A_261] : memref<200x64xf32, #tpu.memory_space<hbm>> -> memref<50x64xf32, #tpu.memory_space<hbm>>
      tpu.enqueue_dma source(%dma_start3A_262 : memref<50x64xf32, #tpu.memory_space<hbm>>) target(%arg10 : memref<50x64xf32, #tpu.memory_space<vmem>>) target_semaphore(%run_scoped3A : memref<!tpu.dma_semaphore, #tpu.memory_space<semaphore_mem>>)
      %dma_wait3A_263 = arith.constant 0 : i32
      %dma_wait3A_264 = tpu.memref_slice %arg4[%mul3A_32, %dma_wait3A_263] : memref<200x64xf32, #tpu.memory_space<hbm>> -> memref<50x64xf32, #tpu.memory_space<hbm>>
      %dma_wait3A_265 = arith.constant 0 : i32
      %dma_wait3A_266 = tpu.memref_slice %arg4[%mul3A_32, %dma_wait3A_265] : memref<200x64xf32, #tpu.memory_space<hbm>> -> memref<50x64xf32, #tpu.memory_space<hbm>>
      tpu.wait_dma2 semaphore(%run_scoped3A : memref<!tpu.dma_semaphore, #tpu.memory_space<semaphore_mem>>) src(%dma_wait3A_266 : memref<50x64xf32, #tpu.memory_space<hbm>>) dst(%arg10 : memref<50x64xf32, #tpu.memory_space<vmem>>)
      tpu.yield
    }) : () -> ()
    %add3A_38 = arith.constant 0 : i32
    %add3A_39 = arith.addi %mul3A_34, %add3A_38 : i32
    %dma_start3A = arith.constant 0 : i32
    %dma_start3A_40 = tpu.memref_slice %arg2[%select_n3A_9, %add3A_39, %dma_start3A] : memref<4x4096x50xi32, #tpu.memory_space<hbm>> -> memref<1x16x50xi32, #tpu.memory_space<hbm>>
    %dma_start3A_41 = tpu.memref_squeeze %dma_start3A_40 : memref<1x16x50xi32, #tpu.memory_space<hbm>> -> memref<16x50xi32, #tpu.memory_space<hbm>>
    %dma_start3A_42 = arith.constant 0 : i32
    %dma_start3A_43 = tpu.memref_slice %arg2[%select_n3A_9, %add3A_39, %dma_start3A_42] : memref<4x4096x50xi32, #tpu.memory_space<hbm>> -> memref<1x16x50xi32, #tpu.memory_space<hbm>>
    %dma_start3A_44 = tpu.memref_squeeze %dma_start3A_43 : memref<1x16x50xi32, #tpu.memory_space<hbm>> -> memref<16x50xi32, #tpu.memory_space<hbm>>
    tpu.enqueue_dma source(%dma_start3A_44 : memref<16x50xi32, #tpu.memory_space<hbm>>) target(%arg6 : memref<16x50xi32, #tpu.memory_space<vmem>>) target_semaphore(%arg12 : memref<!tpu.dma_semaphore, #tpu.memory_space<semaphore_mem>>)
    %dma_wait3A = arith.constant 0 : i32
    %dma_wait3A_45 = tpu.memref_slice %arg2[%select_n3A_9, %mul3A_34, %dma_wait3A] : memref<4x4096x50xi32, #tpu.memory_space<hbm>> -> memref<1x16x50xi32, #tpu.memory_space<hbm>>
    %dma_wait3A_46 = tpu.memref_squeeze %dma_wait3A_45 : memref<1x16x50xi32, #tpu.memory_space<hbm>> -> memref<16x50xi32, #tpu.memory_space<hbm>>
    %dma_wait3A_47 = arith.constant 0 : i32
    %dma_wait3A_48 = tpu.memref_slice %arg2[%select_n3A_9, %mul3A_34, %dma_wait3A_47] : memref<4x4096x50xi32, #tpu.memory_space<hbm>> -> memref<1x16x50xi32, #tpu.memory_space<hbm>>
    %dma_wait3A_49 = tpu.memref_squeeze %dma_wait3A_48 : memref<1x16x50xi32, #tpu.memory_space<hbm>> -> memref<16x50xi32, #tpu.memory_space<hbm>>
    tpu.wait_dma2 semaphore(%arg12 : memref<!tpu.dma_semaphore, #tpu.memory_space<semaphore_mem>>) src(%dma_wait3A_49 : memref<16x50xi32, #tpu.memory_space<hbm>>) dst(%arg6 : memref<16x50xi32, #tpu.memory_space<vmem>>)
    %dma_start3A_50 = arith.constant 0 : i32
    %dma_start3A_51 = arith.constant 0 : i32
    %dma_start3A_52 = arith.constant 0 : i32
    %dma_start3A_53 = arith.constant 0 : i32
    %dma_start3A_54 = tpu.memref_slice %arg8[%dma_start3A_51, %dma_start3A_52, %dma_start3A_53] : memref<16x50x64xf32, #tpu.memory_space<vmem>> -> memref<1x50x64xf32, #tpu.memory_space<vmem>>
    %dma_start3A_55 = tpu.memref_squeeze %dma_start3A_54 : memref<1x50x64xf32, #tpu.memory_space<vmem>> -> memref<50x64xf32, #tpu.memory_space<vmem>>
    %dma_start3A_56 = arith.constant 0 : i32
    %dma_start3A_57 = tpu.memref_slice %arg6[%dma_start3A_50, %dma_start3A_56] : memref<16x50xi32, #tpu.memory_space<vmem>> -> memref<1x50xi32, #tpu.memory_space<vmem>>
    %dma_start3A_58 = tpu.memref_squeeze %dma_start3A_57 : memref<1x50xi32, #tpu.memory_space<vmem>> -> memref<50xi32, #tpu.memory_space<vmem>>
    %dma_start3A_59 = arith.constant 0 : i32
    %dma_start3A_60 = arith.constant 0 : i32
    %dma_start3A_61 = tpu.memref_slice %arg11[%dma_start3A_59, %dma_start3A_60] : memref<1000x64xf32, #tpu.memory_space<vmem_shared>> -> memref<1000x64xf32, #tpu.memory_space<vmem_shared>>
    tpu.enqueue_indirect_dma source(%dma_start3A_61 : memref<1000x64xf32, #tpu.memory_space<vmem_shared>>) target(%dma_start3A_55 : memref<50x64xf32, #tpu.memory_space<vmem>>) offsets(%dma_start3A_58 : memref<50xi32, #tpu.memory_space<vmem>>) semaphore(%arg14 : memref<!tpu.dma_semaphore, #tpu.memory_space<semaphore_mem>>)
    %dma_start3A_62 = arith.constant 1 : i32
    %dma_start3A_63 = arith.constant 1 : i32
    %dma_start3A_64 = arith.constant 0 : i32
    %dma_start3A_65 = arith.constant 0 : i32
    %dma_start3A_66 = tpu.memref_slice %arg8[%dma_start3A_63, %dma_start3A_64, %dma_start3A_65] : memref<16x50x64xf32, #tpu.memory_space<vmem>> -> memref<1x50x64xf32, #tpu.memory_space<vmem>>
    %dma_start3A_67 = tpu.memref_squeeze %dma_start3A_66 : memref<1x50x64xf32, #tpu.memory_space<vmem>> -> memref<50x64xf32, #tpu.memory_space<vmem>>
    %dma_start3A_68 = arith.constant 0 : i32
    %dma_start3A_69 = tpu.memref_slice %arg6[%dma_start3A_62, %dma_start3A_68] : memref<16x50xi32, #tpu.memory_space<vmem>> -> memref<1x50xi32, #tpu.memory_space<vmem>>
    %dma_start3A_70 = tpu.memref_squeeze %dma_start3A_69 : memref<1x50xi32, #tpu.memory_space<vmem>> -> memref<50xi32, #tpu.memory_space<vmem>>
    %dma_start3A_71 = arith.constant 0 : i32
    %dma_start3A_72 = arith.constant 0 : i32
    %dma_start3A_73 = tpu.memref_slice %arg11[%dma_start3A_71, %dma_start3A_72] : memref<1000x64xf32, #tpu.memory_space<vmem_shared>> -> memref<1000x64xf32, #tpu.memory_space<vmem_shared>>
    tpu.enqueue_indirect_dma source(%dma_start3A_73 : memref<1000x64xf32, #tpu.memory_space<vmem_shared>>) target(%dma_start3A_67 : memref<50x64xf32, #tpu.memory_space<vmem>>) offsets(%dma_start3A_70 : memref<50xi32, #tpu.memory_space<vmem>>) semaphore(%arg14 : memref<!tpu.dma_semaphore, #tpu.memory_space<semaphore_mem>>)
    %dma_start3A_74 = arith.constant 2 : i32
    %dma_start3A_75 = arith.constant 2 : i32
    %dma_start3A_76 = arith.constant 0 : i32
    %dma_start3A_77 = arith.constant 0 : i32
    %dma_start3A_78 = tpu.memref_slice %arg8[%dma_start3A_75, %dma_start3A_76, %dma_start3A_77] : memref<16x50x64xf32, #tpu.memory_space<vmem>> -> memref<1x50x64xf32, #tpu.memory_space<vmem>>
    %dma_start3A_79 = tpu.memref_squeeze %dma_start3A_78 : memref<1x50x64xf32, #tpu.memory_space<vmem>> -> memref<50x64xf32, #tpu.memory_space<vmem>>
    %dma_start3A_80 = arith.constant 0 : i32
    %dma_start3A_81 = tpu.memref_slice %arg6[%dma_start3A_74, %dma_start3A_80] : memref<16x50xi32, #tpu.memory_space<vmem>> -> memref<1x50xi32, #tpu.memory_space<vmem>>
    %dma_start3A_82 = tpu.memref_squeeze %dma_start3A_81 : memref<1x50xi32, #tpu.memory_space<vmem>> -> memref<50xi32, #tpu.memory_space<vmem>>
    %dma_start3A_83 = arith.constant 0 : i32
    %dma_start3A_84 = arith.constant 0 : i32
    %dma_start3A_85 = tpu.memref_slice %arg11[%dma_start3A_83, %dma_start3A_84] : memref<1000x64xf32, #tpu.memory_space<vmem_shared>> -> memref<1000x64xf32, #tpu.memory_space<vmem_shared>>
    tpu.enqueue_indirect_dma source(%dma_start3A_85 : memref<1000x64xf32, #tpu.memory_space<vmem_shared>>) target(%dma_start3A_79 : memref<50x64xf32, #tpu.memory_space<vmem>>) offsets(%dma_start3A_82 : memref<50xi32, #tpu.memory_space<vmem>>) semaphore(%arg14 : memref<!tpu.dma_semaphore, #tpu.memory_space<semaphore_mem>>)
    %dma_start3A_86 = arith.constant 3 : i32
    %dma_start3A_87 = arith.constant 3 : i32
    %dma_start3A_88 = arith.constant 0 : i32
    %dma_start3A_89 = arith.constant 0 : i32
    %dma_start3A_90 = tpu.memref_slice %arg8[%dma_start3A_87, %dma_start3A_88, %dma_start3A_89] : memref<16x50x64xf32, #tpu.memory_space<vmem>> -> memref<1x50x64xf32, #tpu.memory_space<vmem>>
    %dma_start3A_91 = tpu.memref_squeeze %dma_start3A_90 : memref<1x50x64xf32, #tpu.memory_space<vmem>> -> memref<50x64xf32, #tpu.memory_space<vmem>>
    %dma_start3A_92 = arith.constant 0 : i32
    %dma_start3A_93 = tpu.memref_slice %arg6[%dma_start3A_86, %dma_start3A_92] : memref<16x50xi32, #tpu.memory_space<vmem>> -> memref<1x50xi32, #tpu.memory_space<vmem>>
    %dma_start3A_94 = tpu.memref_squeeze %dma_start3A_93 : memref<1x50xi32, #tpu.memory_space<vmem>> -> memref<50xi32, #tpu.memory_space<vmem>>
    %dma_start3A_95 = arith.constant 0 : i32
    %dma_start3A_96 = arith.constant 0 : i32
    %dma_start3A_97 = tpu.memref_slice %arg11[%dma_start3A_95, %dma_start3A_96] : memref<1000x64xf32, #tpu.memory_space<vmem_shared>> -> memref<1000x64xf32, #tpu.memory_space<vmem_shared>>
    tpu.enqueue_indirect_dma source(%dma_start3A_97 : memref<1000x64xf32, #tpu.memory_space<vmem_shared>>) target(%dma_start3A_91 : memref<50x64xf32, #tpu.memory_space<vmem>>) offsets(%dma_start3A_94 : memref<50xi32, #tpu.memory_space<vmem>>) semaphore(%arg14 : memref<!tpu.dma_semaphore, #tpu.memory_space<semaphore_mem>>)
    %dma_start3A_98 = arith.constant 4 : i32
    %dma_start3A_99 = arith.constant 4 : i32
    %dma_start3A_100 = arith.constant 0 : i32
    %dma_start3A_101 = arith.constant 0 : i32
    %dma_start3A_102 = tpu.memref_slice %arg8[%dma_start3A_99, %dma_start3A_100, %dma_start3A_101] : memref<16x50x64xf32, #tpu.memory_space<vmem>> -> memref<1x50x64xf32, #tpu.memory_space<vmem>>
    %dma_start3A_103 = tpu.memref_squeeze %dma_start3A_102 : memref<1x50x64xf32, #tpu.memory_space<vmem>> -> memref<50x64xf32, #tpu.memory_space<vmem>>
    %dma_start3A_104 = arith.constant 0 : i32
    %dma_start3A_105 = tpu.memref_slice %arg6[%dma_start3A_98, %dma_start3A_104] : memref<16x50xi32, #tpu.memory_space<vmem>> -> memref<1x50xi32, #tpu.memory_space<vmem>>
    %dma_start3A_106 = tpu.memref_squeeze %dma_start3A_105 : memref<1x50xi32, #tpu.memory_space<vmem>> -> memref<50xi32, #tpu.memory_space<vmem>>
    %dma_start3A_107 = arith.constant 0 : i32
    %dma_start3A_108 = arith.constant 0 : i32
    %dma_start3A_109 = tpu.memref_slice %arg11[%dma_start3A_107, %dma_start3A_108] : memref<1000x64xf32, #tpu.memory_space<vmem_shared>> -> memref<1000x64xf32, #tpu.memory_space<vmem_shared>>
    tpu.enqueue_indirect_dma source(%dma_start3A_109 : memref<1000x64xf32, #tpu.memory_space<vmem_shared>>) target(%dma_start3A_103 : memref<50x64xf32, #tpu.memory_space<vmem>>) offsets(%dma_start3A_106 : memref<50xi32, #tpu.memory_space<vmem>>) semaphore(%arg14 : memref<!tpu.dma_semaphore, #tpu.memory_space<semaphore_mem>>)
    %dma_start3A_110 = arith.constant 5 : i32
    %dma_start3A_111 = arith.constant 5 : i32
    %dma_start3A_112 = arith.constant 0 : i32
    %dma_start3A_113 = arith.constant 0 : i32
    %dma_start3A_114 = tpu.memref_slice %arg8[%dma_start3A_111, %dma_start3A_112, %dma_start3A_113] : memref<16x50x64xf32, #tpu.memory_space<vmem>> -> memref<1x50x64xf32, #tpu.memory_space<vmem>>
    %dma_start3A_115 = tpu.memref_squeeze %dma_start3A_114 : memref<1x50x64xf32, #tpu.memory_space<vmem>> -> memref<50x64xf32, #tpu.memory_space<vmem>>
    %dma_start3A_116 = arith.constant 0 : i32
    %dma_start3A_117 = tpu.memref_slice %arg6[%dma_start3A_110, %dma_start3A_116] : memref<16x50xi32, #tpu.memory_space<vmem>> -> memref<1x50xi32, #tpu.memory_space<vmem>>
    %dma_start3A_118 = tpu.memref_squeeze %dma_start3A_117 : memref<1x50xi32, #tpu.memory_space<vmem>> -> memref<50xi32, #tpu.memory_space<vmem>>
    %dma_start3A_119 = arith.constant 0 : i32
    %dma_start3A_120 = arith.constant 0 : i32
    %dma_start3A_121 = tpu.memref_slice %arg11[%dma_start3A_119, %dma_start3A_120] : memref<1000x64xf32, #tpu.memory_space<vmem_shared>> -> memref<1000x64xf32, #tpu.memory_space<vmem_shared>>
    tpu.enqueue_indirect_dma source(%dma_start3A_121 : memref<1000x64xf32, #tpu.memory_space<vmem_shared>>) target(%dma_start3A_115 : memref<50x64xf32, #tpu.memory_space<vmem>>) offsets(%dma_start3A_118 : memref<50xi32, #tpu.memory_space<vmem>>) semaphore(%arg14 : memref<!tpu.dma_semaphore, #tpu.memory_space<semaphore_mem>>)
    %dma_start3A_122 = arith.constant 6 : i32
    %dma_start3A_123 = arith.constant 6 : i32
    %dma_start3A_124 = arith.constant 0 : i32
    %dma_start3A_125 = arith.constant 0 : i32
    %dma_start3A_126 = tpu.memref_slice %arg8[%dma_start3A_123, %dma_start3A_124, %dma_start3A_125] : memref<16x50x64xf32, #tpu.memory_space<vmem>> -> memref<1x50x64xf32, #tpu.memory_space<vmem>>
    %dma_start3A_127 = tpu.memref_squeeze %dma_start3A_126 : memref<1x50x64xf32, #tpu.memory_space<vmem>> -> memref<50x64xf32, #tpu.memory_space<vmem>>
    %dma_start3A_128 = arith.constant 0 : i32
    %dma_start3A_129 = tpu.memref_slice %arg6[%dma_start3A_122, %dma_start3A_128] : memref<16x50xi32, #tpu.memory_space<vmem>> -> memref<1x50xi32, #tpu.memory_space<vmem>>
    %dma_start3A_130 = tpu.memref_squeeze %dma_start3A_129 : memref<1x50xi32, #tpu.memory_space<vmem>> -> memref<50xi32, #tpu.memory_space<vmem>>
    %dma_start3A_131 = arith.constant 0 : i32
    %dma_start3A_132 = arith.constant 0 : i32
    %dma_start3A_133 = tpu.memref_slice %arg11[%dma_start3A_131, %dma_start3A_132] : memref<1000x64xf32, #tpu.memory_space<vmem_shared>> -> memref<1000x64xf32, #tpu.memory_space<vmem_shared>>
    tpu.enqueue_indirect_dma source(%dma_start3A_133 : memref<1000x64xf32, #tpu.memory_space<vmem_shared>>) target(%dma_start3A_127 : memref<50x64xf32, #tpu.memory_space<vmem>>) offsets(%dma_start3A_130 : memref<50xi32, #tpu.memory_space<vmem>>) semaphore(%arg14 : memref<!tpu.dma_semaphore, #tpu.memory_space<semaphore_mem>>)
    %dma_start3A_134 = arith.constant 7 : i32
    %dma_start3A_135 = arith.constant 7 : i32
    %dma_start3A_136 = arith.constant 0 : i32
    %dma_start3A_137 = arith.constant 0 : i32
    %dma_start3A_138 = tpu.memref_slice %arg8[%dma_start3A_135, %dma_start3A_136, %dma_start3A_137] : memref<16x50x64xf32, #tpu.memory_space<vmem>> -> memref<1x50x64xf32, #tpu.memory_space<vmem>>
    %dma_start3A_139 = tpu.memref_squeeze %dma_start3A_138 : memref<1x50x64xf32, #tpu.memory_space<vmem>> -> memref<50x64xf32, #tpu.memory_space<vmem>>
    %dma_start3A_140 = arith.constant 0 : i32
    %dma_start3A_141 = tpu.memref_slice %arg6[%dma_start3A_134, %dma_start3A_140] : memref<16x50xi32, #tpu.memory_space<vmem>> -> memref<1x50xi32, #tpu.memory_space<vmem>>
    %dma_start3A_142 = tpu.memref_squeeze %dma_start3A_141 : memref<1x50xi32, #tpu.memory_space<vmem>> -> memref<50xi32, #tpu.memory_space<vmem>>
    %dma_start3A_143 = arith.constant 0 : i32
    %dma_start3A_144 = arith.constant 0 : i32
    %dma_start3A_145 = tpu.memref_slice %arg11[%dma_start3A_143, %dma_start3A_144] : memref<1000x64xf32, #tpu.memory_space<vmem_shared>> -> memref<1000x64xf32, #tpu.memory_space<vmem_shared>>
    tpu.enqueue_indirect_dma source(%dma_start3A_145 : memref<1000x64xf32, #tpu.memory_space<vmem_shared>>) target(%dma_start3A_139 : memref<50x64xf32, #tpu.memory_space<vmem>>) offsets(%dma_start3A_142 : memref<50xi32, #tpu.memory_space<vmem>>) semaphore(%arg14 : memref<!tpu.dma_semaphore, #tpu.memory_space<semaphore_mem>>)
    %dma_start3A_146 = arith.constant 8 : i32
    %dma_start3A_147 = arith.constant 8 : i32
    %dma_start3A_148 = arith.constant 0 : i32
    %dma_start3A_149 = arith.constant 0 : i32
    %dma_start3A_150 = tpu.memref_slice %arg8[%dma_start3A_147, %dma_start3A_148, %dma_start3A_149] : memref<16x50x64xf32, #tpu.memory_space<vmem>> -> memref<1x50x64xf32, #tpu.memory_space<vmem>>
    %dma_start3A_151 = tpu.memref_squeeze %dma_start3A_150 : memref<1x50x64xf32, #tpu.memory_space<vmem>> -> memref<50x64xf32, #tpu.memory_space<vmem>>
    %dma_start3A_152 = arith.constant 0 : i32
    %dma_start3A_153 = tpu.memref_slice %arg6[%dma_start3A_146, %dma_start3A_152] : memref<16x50xi32, #tpu.memory_space<vmem>> -> memref<1x50xi32, #tpu.memory_space<vmem>>
    %dma_start3A_154 = tpu.memref_squeeze %dma_start3A_153 : memref<1x50xi32, #tpu.memory_space<vmem>> -> memref<50xi32, #tpu.memory_space<vmem>>
    %dma_start3A_155 = arith.constant 0 : i32
    %dma_start3A_156 = arith.constant 0 : i32
    %dma_start3A_157 = tpu.memref_slice %arg11[%dma_start3A_155, %dma_start3A_156] : memref<1000x64xf32, #tpu.memory_space<vmem_shared>> -> memref<1000x64xf32, #tpu.memory_space<vmem_shared>>
    tpu.enqueue_indirect_dma source(%dma_start3A_157 : memref<1000x64xf32, #tpu.memory_space<vmem_shared>>) target(%dma_start3A_151 : memref<50x64xf32, #tpu.memory_space<vmem>>) offsets(%dma_start3A_154 : memref<50xi32, #tpu.memory_space<vmem>>) semaphore(%arg14 : memref<!tpu.dma_semaphore, #tpu.memory_space<semaphore_mem>>)
    %dma_start3A_158 = arith.constant 9 : i32
    %dma_start3A_159 = arith.constant 9 : i32
    %dma_start3A_160 = arith.constant 0 : i32
    %dma_start3A_161 = arith.constant 0 : i32
    %dma_start3A_162 = tpu.memref_slice %arg8[%dma_start3A_159, %dma_start3A_160, %dma_start3A_161] : memref<16x50x64xf32, #tpu.memory_space<vmem>> -> memref<1x50x64xf32, #tpu.memory_space<vmem>>
    %dma_start3A_163 = tpu.memref_squeeze %dma_start3A_162 : memref<1x50x64xf32, #tpu.memory_space<vmem>> -> memref<50x64xf32, #tpu.memory_space<vmem>>
    %dma_start3A_164 = arith.constant 0 : i32
    %dma_start3A_165 = tpu.memref_slice %arg6[%dma_start3A_158, %dma_start3A_164] : memref<16x50xi32, #tpu.memory_space<vmem>> -> memref<1x50xi32, #tpu.memory_space<vmem>>
    %dma_start3A_166 = tpu.memref_squeeze %dma_start3A_165 : memref<1x50xi32, #tpu.memory_space<vmem>> -> memref<50xi32, #tpu.memory_space<vmem>>
    %dma_start3A_167 = arith.constant 0 : i32
    %dma_start3A_168 = arith.constant 0 : i32
    %dma_start3A_169 = tpu.memref_slice %arg11[%dma_start3A_167, %dma_start3A_168] : memref<1000x64xf32, #tpu.memory_space<vmem_shared>> -> memref<1000x64xf32, #tpu.memory_space<vmem_shared>>
    tpu.enqueue_indirect_dma source(%dma_start3A_169 : memref<1000x64xf32, #tpu.memory_space<vmem_shared>>) target(%dma_start3A_163 : memref<50x64xf32, #tpu.memory_space<vmem>>) offsets(%dma_start3A_166 : memref<50xi32, #tpu.memory_space<vmem>>) semaphore(%arg14 : memref<!tpu.dma_semaphore, #tpu.memory_space<semaphore_mem>>)
    %dma_start3A_170 = arith.constant 10 : i32
    %dma_start3A_171 = arith.constant 10 : i32
    %dma_start3A_172 = arith.constant 0 : i32
    %dma_start3A_173 = arith.constant 0 : i32
    %dma_start3A_174 = tpu.memref_slice %arg8[%dma_start3A_171, %dma_start3A_172, %dma_start3A_173] : memref<16x50x64xf32, #tpu.memory_space<vmem>> -> memref<1x50x64xf32, #tpu.memory_space<vmem>>
    %dma_start3A_175 = tpu.memref_squeeze %dma_start3A_174 : memref<1x50x64xf32, #tpu.memory_space<vmem>> -> memref<50x64xf32, #tpu.memory_space<vmem>>
    %dma_start3A_176 = arith.constant 0 : i32
    %dma_start3A_177 = tpu.memref_slice %arg6[%dma_start3A_170, %dma_start3A_176] : memref<16x50xi32, #tpu.memory_space<vmem>> -> memref<1x50xi32, #tpu.memory_space<vmem>>
    %dma_start3A_178 = tpu.memref_squeeze %dma_start3A_177 : memref<1x50xi32, #tpu.memory_space<vmem>> -> memref<50xi32, #tpu.memory_space<vmem>>
    %dma_start3A_179 = arith.constant 0 : i32
    %dma_start3A_180 = arith.constant 0 : i32
    %dma_start3A_181 = tpu.memref_slice %arg11[%dma_start3A_179, %dma_start3A_180] : memref<1000x64xf32, #tpu.memory_space<vmem_shared>> -> memref<1000x64xf32, #tpu.memory_space<vmem_shared>>
    tpu.enqueue_indirect_dma source(%dma_start3A_181 : memref<1000x64xf32, #tpu.memory_space<vmem_shared>>) target(%dma_start3A_175 : memref<50x64xf32, #tpu.memory_space<vmem>>) offsets(%dma_start3A_178 : memref<50xi32, #tpu.memory_space<vmem>>) semaphore(%arg14 : memref<!tpu.dma_semaphore, #tpu.memory_space<semaphore_mem>>)
    %dma_start3A_182 = arith.constant 11 : i32
    %dma_start3A_183 = arith.constant 11 : i32
    %dma_start3A_184 = arith.constant 0 : i32
    %dma_start3A_185 = arith.constant 0 : i32
    %dma_start3A_186 = tpu.memref_slice %arg8[%dma_start3A_183, %dma_start3A_184, %dma_start3A_185] : memref<16x50x64xf32, #tpu.memory_space<vmem>> -> memref<1x50x64xf32, #tpu.memory_space<vmem>>
    %dma_start3A_187 = tpu.memref_squeeze %dma_start3A_186 : memref<1x50x64xf32, #tpu.memory_space<vmem>> -> memref<50x64xf32, #tpu.memory_space<vmem>>
    %dma_start3A_188 = arith.constant 0 : i32
    %dma_start3A_189 = tpu.memref_slice %arg6[%dma_start3A_182, %dma_start3A_188] : memref<16x50xi32, #tpu.memory_space<vmem>> -> memref<1x50xi32, #tpu.memory_space<vmem>>
    %dma_start3A_190 = tpu.memref_squeeze %dma_start3A_189 : memref<1x50xi32, #tpu.memory_space<vmem>> -> memref<50xi32, #tpu.memory_space<vmem>>
    %dma_start3A_191 = arith.constant 0 : i32
    %dma_start3A_192 = arith.constant 0 : i32
    %dma_start3A_193 = tpu.memref_slice %arg11[%dma_start3A_191, %dma_start3A_192] : memref<1000x64xf32, #tpu.memory_space<vmem_shared>> -> memref<1000x64xf32, #tpu.memory_space<vmem_shared>>
    tpu.enqueue_indirect_dma source(%dma_start3A_193 : memref<1000x64xf32, #tpu.memory_space<vmem_shared>>) target(%dma_start3A_187 : memref<50x64xf32, #tpu.memory_space<vmem>>) offsets(%dma_start3A_190 : memref<50xi32, #tpu.memory_space<vmem>>) semaphore(%arg14 : memref<!tpu.dma_semaphore, #tpu.memory_space<semaphore_mem>>)
    %dma_start3A_194 = arith.constant 12 : i32
    %dma_start3A_195 = arith.constant 12 : i32
    %dma_start3A_196 = arith.constant 0 : i32
    %dma_start3A_197 = arith.constant 0 : i32
    %dma_start3A_198 = tpu.memref_slice %arg8[%dma_start3A_195, %dma_start3A_196, %dma_start3A_197] : memref<16x50x64xf32, #tpu.memory_space<vmem>> -> memref<1x50x64xf32, #tpu.memory_space<vmem>>
    %dma_start3A_199 = tpu.memref_squeeze %dma_start3A_198 : memref<1x50x64xf32, #tpu.memory_space<vmem>> -> memref<50x64xf32, #tpu.memory_space<vmem>>
    %dma_start3A_200 = arith.constant 0 : i32
    %dma_start3A_201 = tpu.memref_slice %arg6[%dma_start3A_194, %dma_start3A_200] : memref<16x50xi32, #tpu.memory_space<vmem>> -> memref<1x50xi32, #tpu.memory_space<vmem>>
    %dma_start3A_202 = tpu.memref_squeeze %dma_start3A_201 : memref<1x50xi32, #tpu.memory_space<vmem>> -> memref<50xi32, #tpu.memory_space<vmem>>
    %dma_start3A_203 = arith.constant 0 : i32
    %dma_start3A_204 = arith.constant 0 : i32
    %dma_start3A_205 = tpu.memref_slice %arg11[%dma_start3A_203, %dma_start3A_204] : memref<1000x64xf32, #tpu.memory_space<vmem_shared>> -> memref<1000x64xf32, #tpu.memory_space<vmem_shared>>
    tpu.enqueue_indirect_dma source(%dma_start3A_205 : memref<1000x64xf32, #tpu.memory_space<vmem_shared>>) target(%dma_start3A_199 : memref<50x64xf32, #tpu.memory_space<vmem>>) offsets(%dma_start3A_202 : memref<50xi32, #tpu.memory_space<vmem>>) semaphore(%arg14 : memref<!tpu.dma_semaphore, #tpu.memory_space<semaphore_mem>>)
    %dma_start3A_206 = arith.constant 13 : i32
    %dma_start3A_207 = arith.constant 13 : i32
    %dma_start3A_208 = arith.constant 0 : i32
    %dma_start3A_209 = arith.constant 0 : i32
    %dma_start3A_210 = tpu.memref_slice %arg8[%dma_start3A_207, %dma_start3A_208, %dma_start3A_209] : memref<16x50x64xf32, #tpu.memory_space<vmem>> -> memref<1x50x64xf32, #tpu.memory_space<vmem>>
    %dma_start3A_211 = tpu.memref_squeeze %dma_start3A_210 : memref<1x50x64xf32, #tpu.memory_space<vmem>> -> memref<50x64xf32, #tpu.memory_space<vmem>>
    %dma_start3A_212 = arith.constant 0 : i32
    %dma_start3A_213 = tpu.memref_slice %arg6[%dma_start3A_206, %dma_start3A_212] : memref<16x50xi32, #tpu.memory_space<vmem>> -> memref<1x50xi32, #tpu.memory_space<vmem>>
    %dma_start3A_214 = tpu.memref_squeeze %dma_start3A_213 : memref<1x50xi32, #tpu.memory_space<vmem>> -> memref<50xi32, #tpu.memory_space<vmem>>
    %dma_start3A_215 = arith.constant 0 : i32
    %dma_start3A_216 = arith.constant 0 : i32
    %dma_start3A_217 = tpu.memref_slice %arg11[%dma_start3A_215, %dma_start3A_216] : memref<1000x64xf32, #tpu.memory_space<vmem_shared>> -> memref<1000x64xf32, #tpu.memory_space<vmem_shared>>
    tpu.enqueue_indirect_dma source(%dma_start3A_217 : memref<1000x64xf32, #tpu.memory_space<vmem_shared>>) target(%dma_start3A_211 : memref<50x64xf32, #tpu.memory_space<vmem>>) offsets(%dma_start3A_214 : memref<50xi32, #tpu.memory_space<vmem>>) semaphore(%arg14 : memref<!tpu.dma_semaphore, #tpu.memory_space<semaphore_mem>>)
    %dma_start3A_218 = arith.constant 14 : i32
    %dma_start3A_219 = arith.constant 14 : i32
    %dma_start3A_220 = arith.constant 0 : i32
    %dma_start3A_221 = arith.constant 0 : i32
    %dma_start3A_222 = tpu.memref_slice %arg8[%dma_start3A_219, %dma_start3A_220, %dma_start3A_221] : memref<16x50x64xf32, #tpu.memory_space<vmem>> -> memref<1x50x64xf32, #tpu.memory_space<vmem>>
    %dma_start3A_223 = tpu.memref_squeeze %dma_start3A_222 : memref<1x50x64xf32, #tpu.memory_space<vmem>> -> memref<50x64xf32, #tpu.memory_space<vmem>>
    %dma_start3A_224 = arith.constant 0 : i32
    %dma_start3A_225 = tpu.memref_slice %arg6[%dma_start3A_218, %dma_start3A_224] : memref<16x50xi32, #tpu.memory_space<vmem>> -> memref<1x50xi32, #tpu.memory_space<vmem>>
    %dma_start3A_226 = tpu.memref_squeeze %dma_start3A_225 : memref<1x50xi32, #tpu.memory_space<vmem>> -> memref<50xi32, #tpu.memory_space<vmem>>
    %dma_start3A_227 = arith.constant 0 : i32
    %dma_start3A_228 = arith.constant 0 : i32
    %dma_start3A_229 = tpu.memref_slice %arg11[%dma_start3A_227, %dma_start3A_228] : memref<1000x64xf32, #tpu.memory_space<vmem_shared>> -> memref<1000x64xf32, #tpu.memory_space<vmem_shared>>
    tpu.enqueue_indirect_dma source(%dma_start3A_229 : memref<1000x64xf32, #tpu.memory_space<vmem_shared>>) target(%dma_start3A_223 : memref<50x64xf32, #tpu.memory_space<vmem>>) offsets(%dma_start3A_226 : memref<50xi32, #tpu.memory_space<vmem>>) semaphore(%arg14 : memref<!tpu.dma_semaphore, #tpu.memory_space<semaphore_mem>>)
    %dma_start3A_230 = arith.constant 15 : i32
    %dma_start3A_231 = arith.constant 15 : i32
    %dma_start3A_232 = arith.constant 0 : i32
    %dma_start3A_233 = arith.constant 0 : i32
    %dma_start3A_234 = tpu.memref_slice %arg8[%dma_start3A_231, %dma_start3A_232, %dma_start3A_233] : memref<16x50x64xf32, #tpu.memory_space<vmem>> -> memref<1x50x64xf32, #tpu.memory_space<vmem>>
    %dma_start3A_235 = tpu.memref_squeeze %dma_start3A_234 : memref<1x50x64xf32, #tpu.memory_space<vmem>> -> memref<50x64xf32, #tpu.memory_space<vmem>>
    %dma_start3A_236 = arith.constant 0 : i32
    %dma_start3A_237 = tpu.memref_slice %arg6[%dma_start3A_230, %dma_start3A_236] : memref<16x50xi32, #tpu.memory_space<vmem>> -> memref<1x50xi32, #tpu.memory_space<vmem>>
    %dma_start3A_238 = tpu.memref_squeeze %dma_start3A_237 : memref<1x50xi32, #tpu.memory_space<vmem>> -> memref<50xi32, #tpu.memory_space<vmem>>
    %dma_start3A_239 = arith.constant 0 : i32
    %dma_start3A_240 = arith.constant 0 : i32
    %dma_start3A_241 = tpu.memref_slice %arg11[%dma_start3A_239, %dma_start3A_240] : memref<1000x64xf32, #tpu.memory_space<vmem_shared>> -> memref<1000x64xf32, #tpu.memory_space<vmem_shared>>
    tpu.enqueue_indirect_dma source(%dma_start3A_241 : memref<1000x64xf32, #tpu.memory_space<vmem_shared>>) target(%dma_start3A_235 : memref<50x64xf32, #tpu.memory_space<vmem>>) offsets(%dma_start3A_238 : memref<50xi32, #tpu.memory_space<vmem>>) semaphore(%arg14 : memref<!tpu.dma_semaphore, #tpu.memory_space<semaphore_mem>>)
    %scan3A = arith.constant 0 : i32
    %scan3A_242 = arith.constant 0 : i32
    %scan3A_243 = arith.constant 16 : i32
    %scan3A_244 = arith.addi %scan3A_242, %scan3A_243 : i32
    %scan3A_245 = arith.constant 1 : i32
    scf.for %scan3A_259 = %scan3A_242 to %scan3A_244 step %scan3A_245  : i32 {
      %mul3A_260 = arith.constant 2 : i32
      %mul3A_261 = arith.muli %scan3A_259, %mul3A_260 : i32
      %add3A_262 = arith.constant 0 : i32
      %add3A_263 = arith.addi %mul3A_261, %add3A_262 : i32
      %add3A_264 = arith.constant 1 : i32
      %add3A_265 = arith.addi %add3A_263, %add3A_264 : i32
      %lt3A_266 = arith.constant 32 : i32
      %lt3A_267 = arith.cmpi slt, %add3A_265, %lt3A_266 : i32
      %convert_element_type3A_268 = arith.extui %lt3A_267 : i1 to i32
      %cond3A_269 = arith.constant 0 : i32
      %cond3A_270 = arith.cmpi ne, %convert_element_type3A_268, %cond3A_269 : i32
      scf.if %cond3A_270 {
        %add3A_692 = arith.constant 1 : i32
        %add3A_693 = arith.addi %add3A_263, %add3A_692 : i32
        %mul3A_694 = arith.constant 16 : i32
        %mul3A_695 = arith.muli %add3A_693, %mul3A_694 : i32
        %add3A_696 = arith.addi %mul3A_34, %mul3A_695 : i32
        %dma_start3A_697 = arith.constant 0 : i32
        %dma_start3A_698 = tpu.memref_slice %arg2[%select_n3A_9, %add3A_696, %dma_start3A_697] : memref<4x4096x50xi32, #tpu.memory_space<hbm>> -> memref<1x16x50xi32, #tpu.memory_space<hbm>>
        %dma_start3A_699 = tpu.memref_squeeze %dma_start3A_698 : memref<1x16x50xi32, #tpu.memory_space<hbm>> -> memref<16x50xi32, #tpu.memory_space<hbm>>
        %dma_start3A_700 = arith.constant 0 : i32
        %dma_start3A_701 = tpu.memref_slice %arg2[%select_n3A_9, %add3A_696, %dma_start3A_700] : memref<4x4096x50xi32, #tpu.memory_space<hbm>> -> memref<1x16x50xi32, #tpu.memory_space<hbm>>
        %dma_start3A_702 = tpu.memref_squeeze %dma_start3A_701 : memref<1x16x50xi32, #tpu.memory_space<hbm>> -> memref<16x50xi32, #tpu.memory_space<hbm>>
        tpu.enqueue_dma source(%dma_start3A_702 : memref<16x50xi32, #tpu.memory_space<hbm>>) target(%arg7 : memref<16x50xi32, #tpu.memory_space<vmem>>) target_semaphore(%arg13 : memref<!tpu.dma_semaphore, #tpu.memory_space<semaphore_mem>>)
        %ge3A = arith.constant 1 : i32
        %ge3A_703 = arith.cmpi sge, %add3A_263, %ge3A : i32
        %convert_element_type3A_704 = arith.extui %ge3A_703 : i1 to i32
        %cond3A_705 = arith.constant 0 : i32
        %cond3A_706 = arith.cmpi ne, %convert_element_type3A_704, %cond3A_705 : i32
        scf.if %cond3A_706 {
          %sub3A_910 = arith.constant 1 : i32
          %sub3A_911 = arith.subi %add3A_263, %sub3A_910 : i32
          %mul3A_912 = arith.constant 16 : i32
          %mul3A_913 = arith.muli %sub3A_911, %mul3A_912 : i32
          %add3A_914 = arith.addi %mul3A_34, %mul3A_913 : i32
          %dma_wait3A_915 = arith.constant 0 : i32
          %dma_wait3A_916 = tpu.memref_slice %arg5[%add3A_914, %mul3A_32, %dma_wait3A_915] : memref<4096x200x64xf32, #tpu.memory_space<hbm>> -> memref<16x50x64xf32, #tpu.memory_space<hbm>>
          %dma_wait3A_917 = arith.constant 0 : i32
          %dma_wait3A_918 = tpu.memref_slice %arg5[%add3A_914, %mul3A_32, %dma_wait3A_917] : memref<4096x200x64xf32, #tpu.memory_space<hbm>> -> memref<16x50x64xf32, #tpu.memory_space<hbm>>
          tpu.wait_dma2 semaphore(%arg17 : memref<!tpu.dma_semaphore, #tpu.memory_space<semaphore_mem>>) src(%arg9 : memref<16x50x64xf32, #tpu.memory_space<vmem>>) dst(%dma_wait3A_918 : memref<16x50x64xf32, #tpu.memory_space<hbm>>)
        } else {
        }
        %add3A_707 = arith.constant 1 : i32
        %add3A_708 = arith.addi %add3A_263, %add3A_707 : i32
        %mul3A_709 = arith.constant 16 : i32
        %mul3A_710 = arith.muli %add3A_708, %mul3A_709 : i32
        %add3A_711 = arith.addi %mul3A_34, %mul3A_710 : i32
        %dma_wait3A_712 = arith.constant 0 : i32
        %dma_wait3A_713 = tpu.memref_slice %arg2[%select_n3A_9, %add3A_711, %dma_wait3A_712] : memref<4x4096x50xi32, #tpu.memory_space<hbm>> -> memref<1x16x50xi32, #tpu.memory_space<hbm>>
        %dma_wait3A_714 = tpu.memref_squeeze %dma_wait3A_713 : memref<1x16x50xi32, #tpu.memory_space<hbm>> -> memref<16x50xi32, #tpu.memory_space<hbm>>
        %dma_wait3A_715 = arith.constant 0 : i32
        %dma_wait3A_716 = tpu.memref_slice %arg2[%select_n3A_9, %add3A_711, %dma_wait3A_715] : memref<4x4096x50xi32, #tpu.memory_space<hbm>> -> memref<1x16x50xi32, #tpu.memory_space<hbm>>
        %dma_wait3A_717 = tpu.memref_squeeze %dma_wait3A_716 : memref<1x16x50xi32, #tpu.memory_space<hbm>> -> memref<16x50xi32, #tpu.memory_space<hbm>>
        tpu.wait_dma2 semaphore(%arg13 : memref<!tpu.dma_semaphore, #tpu.memory_space<semaphore_mem>>) src(%dma_wait3A_717 : memref<16x50xi32, #tpu.memory_space<hbm>>) dst(%arg7 : memref<16x50xi32, #tpu.memory_space<vmem>>)
        %dma_start3A_718 = arith.constant 0 : i32
        %dma_start3A_719 = arith.constant 0 : i32
        %dma_start3A_720 = arith.constant 0 : i32
        %dma_start3A_721 = arith.constant 0 : i32
        %dma_start3A_722 = tpu.memref_slice %arg9[%dma_start3A_719, %dma_start3A_720, %dma_start3A_721] : memref<16x50x64xf32, #tpu.memory_space<vmem>> -> memref<1x50x64xf32, #tpu.memory_space<vmem>>
        %dma_start3A_723 = tpu.memref_squeeze %dma_start3A_722 : memref<1x50x64xf32, #tpu.memory_space<vmem>> -> memref<50x64xf32, #tpu.memory_space<vmem>>
        %dma_start3A_724 = arith.constant 0 : i32
        %dma_start3A_725 = tpu.memref_slice %arg7[%dma_start3A_718, %dma_start3A_724] : memref<16x50xi32, #tpu.memory_space<vmem>> -> memref<1x50xi32, #tpu.memory_space<vmem>>
        %dma_start3A_726 = tpu.memref_squeeze %dma_start3A_725 : memref<1x50xi32, #tpu.memory_space<vmem>> -> memref<50xi32, #tpu.memory_space<vmem>>
        %dma_start3A_727 = arith.constant 0 : i32
        %dma_start3A_728 = arith.constant 0 : i32
        %dma_start3A_729 = tpu.memref_slice %arg11[%dma_start3A_727, %dma_start3A_728] : memref<1000x64xf32, #tpu.memory_space<vmem_shared>> -> memref<1000x64xf32, #tpu.memory_space<vmem_shared>>
        tpu.enqueue_indirect_dma source(%dma_start3A_729 : memref<1000x64xf32, #tpu.memory_space<vmem_shared>>) target(%dma_start3A_723 : memref<50x64xf32, #tpu.memory_space<vmem>>) offsets(%dma_start3A_726 : memref<50xi32, #tpu.memory_space<vmem>>) semaphore(%arg15 : memref<!tpu.dma_semaphore, #tpu.memory_space<semaphore_mem>>)
        %dma_start3A_730 = arith.constant 1 : i32
        %dma_start3A_731 = arith.constant 1 : i32
        %dma_start3A_732 = arith.constant 0 : i32
        %dma_start3A_733 = arith.constant 0 : i32
        %dma_start3A_734 = tpu.memref_slice %arg9[%dma_start3A_731, %dma_start3A_732, %dma_start3A_733] : memref<16x50x64xf32, #tpu.memory_space<vmem>> -> memref<1x50x64xf32, #tpu.memory_space<vmem>>
        %dma_start3A_735 = tpu.memref_squeeze %dma_start3A_734 : memref<1x50x64xf32, #tpu.memory_space<vmem>> -> memref<50x64xf32, #tpu.memory_space<vmem>>
        %dma_start3A_736 = arith.constant 0 : i32
        %dma_start3A_737 = tpu.memref_slice %arg7[%dma_start3A_730, %dma_start3A_736] : memref<16x50xi32, #tpu.memory_space<vmem>> -> memref<1x50xi32, #tpu.memory_space<vmem>>
        %dma_start3A_738 = tpu.memref_squeeze %dma_start3A_737 : memref<1x50xi32, #tpu.memory_space<vmem>> -> memref<50xi32, #tpu.memory_space<vmem>>
        %dma_start3A_739 = arith.constant 0 : i32
        %dma_start3A_740 = arith.constant 0 : i32
        %dma_start3A_741 = tpu.memref_slice %arg11[%dma_start3A_739, %dma_start3A_740] : memref<1000x64xf32, #tpu.memory_space<vmem_shared>> -> memref<1000x64xf32, #tpu.memory_space<vmem_shared>>
        tpu.enqueue_indirect_dma source(%dma_start3A_741 : memref<1000x64xf32, #tpu.memory_space<vmem_shared>>) target(%dma_start3A_735 : memref<50x64xf32, #tpu.memory_space<vmem>>) offsets(%dma_start3A_738 : memref<50xi32, #tpu.memory_space<vmem>>) semaphore(%arg15 : memref<!tpu.dma_semaphore, #tpu.memory_space<semaphore_mem>>)
        %dma_start3A_742 = arith.constant 2 : i32
        %dma_start3A_743 = arith.constant 2 : i32
        %dma_start3A_744 = arith.constant 0 : i32
        %dma_start3A_745 = arith.constant 0 : i32
        %dma_start3A_746 = tpu.memref_slice %arg9[%dma_start3A_743, %dma_start3A_744, %dma_start3A_745] : memref<16x50x64xf32, #tpu.memory_space<vmem>> -> memref<1x50x64xf32, #tpu.memory_space<vmem>>
        %dma_start3A_747 = tpu.memref_squeeze %dma_start3A_746 : memref<1x50x64xf32, #tpu.memory_space<vmem>> -> memref<50x64xf32, #tpu.memory_space<vmem>>
        %dma_start3A_748 = arith.constant 0 : i32
        %dma_start3A_749 = tpu.memref_slice %arg7[%dma_start3A_742, %dma_start3A_748] : memref<16x50xi32, #tpu.memory_space<vmem>> -> memref<1x50xi32, #tpu.memory_space<vmem>>
        %dma_start3A_750 = tpu.memref_squeeze %dma_start3A_749 : memref<1x50xi32, #tpu.memory_space<vmem>> -> memref<50xi32, #tpu.memory_space<vmem>>
        %dma_start3A_751 = arith.constant 0 : i32
        %dma_start3A_752 = arith.constant 0 : i32
        %dma_start3A_753 = tpu.memref_slice %arg11[%dma_start3A_751, %dma_start3A_752] : memref<1000x64xf32, #tpu.memory_space<vmem_shared>> -> memref<1000x64xf32, #tpu.memory_space<vmem_shared>>
        tpu.enqueue_indirect_dma source(%dma_start3A_753 : memref<1000x64xf32, #tpu.memory_space<vmem_shared>>) target(%dma_start3A_747 : memref<50x64xf32, #tpu.memory_space<vmem>>) offsets(%dma_start3A_750 : memref<50xi32, #tpu.memory_space<vmem>>) semaphore(%arg15 : memref<!tpu.dma_semaphore, #tpu.memory_space<semaphore_mem>>)
        %dma_start3A_754 = arith.constant 3 : i32
        %dma_start3A_755 = arith.constant 3 : i32
        %dma_start3A_756 = arith.constant 0 : i32
        %dma_start3A_757 = arith.constant 0 : i32
        %dma_start3A_758 = tpu.memref_slice %arg9[%dma_start3A_755, %dma_start3A_756, %dma_start3A_757] : memref<16x50x64xf32, #tpu.memory_space<vmem>> -> memref<1x50x64xf32, #tpu.memory_space<vmem>>
        %dma_start3A_759 = tpu.memref_squeeze %dma_start3A_758 : memref<1x50x64xf32, #tpu.memory_space<vmem>> -> memref<50x64xf32, #tpu.memory_space<vmem>>
        %dma_start3A_760 = arith.constant 0 : i32
        %dma_start3A_761 = tpu.memref_slice %arg7[%dma_start3A_754, %dma_start3A_760] : memref<16x50xi32, #tpu.memory_space<vmem>> -> memref<1x50xi32, #tpu.memory_space<vmem>>
        %dma_start3A_762 = tpu.memref_squeeze %dma_start3A_761 : memref<1x50xi32, #tpu.memory_space<vmem>> -> memref<50xi32, #tpu.memory_space<vmem>>
        %dma_start3A_763 = arith.constant 0 : i32
        %dma_start3A_764 = arith.constant 0 : i32
        %dma_start3A_765 = tpu.memref_slice %arg11[%dma_start3A_763, %dma_start3A_764] : memref<1000x64xf32, #tpu.memory_space<vmem_shared>> -> memref<1000x64xf32, #tpu.memory_space<vmem_shared>>
        tpu.enqueue_indirect_dma source(%dma_start3A_765 : memref<1000x64xf32, #tpu.memory_space<vmem_shared>>) target(%dma_start3A_759 : memref<50x64xf32, #tpu.memory_space<vmem>>) offsets(%dma_start3A_762 : memref<50xi32, #tpu.memory_space<vmem>>) semaphore(%arg15 : memref<!tpu.dma_semaphore, #tpu.memory_space<semaphore_mem>>)
        %dma_start3A_766 = arith.constant 4 : i32
        %dma_start3A_767 = arith.constant 4 : i32
        %dma_start3A_768 = arith.constant 0 : i32
        %dma_start3A_769 = arith.constant 0 : i32
        %dma_start3A_770 = tpu.memref_slice %arg9[%dma_start3A_767, %dma_start3A_768, %dma_start3A_769] : memref<16x50x64xf32, #tpu.memory_space<vmem>> -> memref<1x50x64xf32, #tpu.memory_space<vmem>>
        %dma_start3A_771 = tpu.memref_squeeze %dma_start3A_770 : memref<1x50x64xf32, #tpu.memory_space<vmem>> -> memref<50x64xf32, #tpu.memory_space<vmem>>
        %dma_start3A_772 = arith.constant 0 : i32
        %dma_start3A_773 = tpu.memref_slice %arg7[%dma_start3A_766, %dma_start3A_772] : memref<16x50xi32, #tpu.memory_space<vmem>> -> memref<1x50xi32, #tpu.memory_space<vmem>>
        %dma_start3A_774 = tpu.memref_squeeze %dma_start3A_773 : memref<1x50xi32, #tpu.memory_space<vmem>> -> memref<50xi32, #tpu.memory_space<vmem>>
        %dma_start3A_775 = arith.constant 0 : i32
        %dma_start3A_776 = arith.constant 0 : i32
        %dma_start3A_777 = tpu.memref_slice %arg11[%dma_start3A_775, %dma_start3A_776] : memref<1000x64xf32, #tpu.memory_space<vmem_shared>> -> memref<1000x64xf32, #tpu.memory_space<vmem_shared>>
        tpu.enqueue_indirect_dma source(%dma_start3A_777 : memref<1000x64xf32, #tpu.memory_space<vmem_shared>>) target(%dma_start3A_771 : memref<50x64xf32, #tpu.memory_space<vmem>>) offsets(%dma_start3A_774 : memref<50xi32, #tpu.memory_space<vmem>>) semaphore(%arg15 : memref<!tpu.dma_semaphore, #tpu.memory_space<semaphore_mem>>)
        %dma_start3A_778 = arith.constant 5 : i32
        %dma_start3A_779 = arith.constant 5 : i32
        %dma_start3A_780 = arith.constant 0 : i32
        %dma_start3A_781 = arith.constant 0 : i32
        %dma_start3A_782 = tpu.memref_slice %arg9[%dma_start3A_779, %dma_start3A_780, %dma_start3A_781] : memref<16x50x64xf32, #tpu.memory_space<vmem>> -> memref<1x50x64xf32, #tpu.memory_space<vmem>>
        %dma_start3A_783 = tpu.memref_squeeze %dma_start3A_782 : memref<1x50x64xf32, #tpu.memory_space<vmem>> -> memref<50x64xf32, #tpu.memory_space<vmem>>
        %dma_start3A_784 = arith.constant 0 : i32
        %dma_start3A_785 = tpu.memref_slice %arg7[%dma_start3A_778, %dma_start3A_784] : memref<16x50xi32, #tpu.memory_space<vmem>> -> memref<1x50xi32, #tpu.memory_space<vmem>>
        %dma_start3A_786 = tpu.memref_squeeze %dma_start3A_785 : memref<1x50xi32, #tpu.memory_space<vmem>> -> memref<50xi32, #tpu.memory_space<vmem>>
        %dma_start3A_787 = arith.constant 0 : i32
        %dma_start3A_788 = arith.constant 0 : i32
        %dma_start3A_789 = tpu.memref_slice %arg11[%dma_start3A_787, %dma_start3A_788] : memref<1000x64xf32, #tpu.memory_space<vmem_shared>> -> memref<1000x64xf32, #tpu.memory_space<vmem_shared>>
        tpu.enqueue_indirect_dma source(%dma_start3A_789 : memref<1000x64xf32, #tpu.memory_space<vmem_shared>>) target(%dma_start3A_783 : memref<50x64xf32, #tpu.memory_space<vmem>>) offsets(%dma_start3A_786 : memref<50xi32, #tpu.memory_space<vmem>>) semaphore(%arg15 : memref<!tpu.dma_semaphore, #tpu.memory_space<semaphore_mem>>)
        %dma_start3A_790 = arith.constant 6 : i32
        %dma_start3A_791 = arith.constant 6 : i32
        %dma_start3A_792 = arith.constant 0 : i32
        %dma_start3A_793 = arith.constant 0 : i32
        %dma_start3A_794 = tpu.memref_slice %arg9[%dma_start3A_791, %dma_start3A_792, %dma_start3A_793] : memref<16x50x64xf32, #tpu.memory_space<vmem>> -> memref<1x50x64xf32, #tpu.memory_space<vmem>>
        %dma_start3A_795 = tpu.memref_squeeze %dma_start3A_794 : memref<1x50x64xf32, #tpu.memory_space<vmem>> -> memref<50x64xf32, #tpu.memory_space<vmem>>
        %dma_start3A_796 = arith.constant 0 : i32
        %dma_start3A_797 = tpu.memref_slice %arg7[%dma_start3A_790, %dma_start3A_796] : memref<16x50xi32, #tpu.memory_space<vmem>> -> memref<1x50xi32, #tpu.memory_space<vmem>>
        %dma_start3A_798 = tpu.memref_squeeze %dma_start3A_797 : memref<1x50xi32, #tpu.memory_space<vmem>> -> memref<50xi32, #tpu.memory_space<vmem>>
        %dma_start3A_799 = arith.constant 0 : i32
        %dma_start3A_800 = arith.constant 0 : i32
        %dma_start3A_801 = tpu.memref_slice %arg11[%dma_start3A_799, %dma_start3A_800] : memref<1000x64xf32, #tpu.memory_space<vmem_shared>> -> memref<1000x64xf32, #tpu.memory_space<vmem_shared>>
        tpu.enqueue_indirect_dma source(%dma_start3A_801 : memref<1000x64xf32, #tpu.memory_space<vmem_shared>>) target(%dma_start3A_795 : memref<50x64xf32, #tpu.memory_space<vmem>>) offsets(%dma_start3A_798 : memref<50xi32, #tpu.memory_space<vmem>>) semaphore(%arg15 : memref<!tpu.dma_semaphore, #tpu.memory_space<semaphore_mem>>)
        %dma_start3A_802 = arith.constant 7 : i32
        %dma_start3A_803 = arith.constant 7 : i32
        %dma_start3A_804 = arith.constant 0 : i32
        %dma_start3A_805 = arith.constant 0 : i32
        %dma_start3A_806 = tpu.memref_slice %arg9[%dma_start3A_803, %dma_start3A_804, %dma_start3A_805] : memref<16x50x64xf32, #tpu.memory_space<vmem>> -> memref<1x50x64xf32, #tpu.memory_space<vmem>>
        %dma_start3A_807 = tpu.memref_squeeze %dma_start3A_806 : memref<1x50x64xf32, #tpu.memory_space<vmem>> -> memref<50x64xf32, #tpu.memory_space<vmem>>
        %dma_start3A_808 = arith.constant 0 : i32
        %dma_start3A_809 = tpu.memref_slice %arg7[%dma_start3A_802, %dma_start3A_808] : memref<16x50xi32, #tpu.memory_space<vmem>> -> memref<1x50xi32, #tpu.memory_space<vmem>>
        %dma_start3A_810 = tpu.memref_squeeze %dma_start3A_809 : memref<1x50xi32, #tpu.memory_space<vmem>> -> memref<50xi32, #tpu.memory_space<vmem>>
        %dma_start3A_811 = arith.constant 0 : i32
        %dma_start3A_812 = arith.constant 0 : i32
        %dma_start3A_813 = tpu.memref_slice %arg11[%dma_start3A_811, %dma_start3A_812] : memref<1000x64xf32, #tpu.memory_space<vmem_shared>> -> memref<1000x64xf32, #tpu.memory_space<vmem_shared>>
        tpu.enqueue_indirect_dma source(%dma_start3A_813 : memref<1000x64xf32, #tpu.memory_space<vmem_shared>>) target(%dma_start3A_807 : memref<50x64xf32, #tpu.memory_space<vmem>>) offsets(%dma_start3A_810 : memref<50xi32, #tpu.memory_space<vmem>>) semaphore(%arg15 : memref<!tpu.dma_semaphore, #tpu.memory_space<semaphore_mem>>)
        %dma_start3A_814 = arith.constant 8 : i32
        %dma_start3A_815 = arith.constant 8 : i32
        %dma_start3A_816 = arith.constant 0 : i32
        %dma_start3A_817 = arith.constant 0 : i32
        %dma_start3A_818 = tpu.memref_slice %arg9[%dma_start3A_815, %dma_start3A_816, %dma_start3A_817] : memref<16x50x64xf32, #tpu.memory_space<vmem>> -> memref<1x50x64xf32, #tpu.memory_space<vmem>>
        %dma_start3A_819 = tpu.memref_squeeze %dma_start3A_818 : memref<1x50x64xf32, #tpu.memory_space<vmem>> -> memref<50x64xf32, #tpu.memory_space<vmem>>
        %dma_start3A_820 = arith.constant 0 : i32
        %dma_start3A_821 = tpu.memref_slice %arg7[%dma_start3A_814, %dma_start3A_820] : memref<16x50xi32, #tpu.memory_space<vmem>> -> memref<1x50xi32, #tpu.memory_space<vmem>>
        %dma_start3A_822 = tpu.memref_squeeze %dma_start3A_821 : memref<1x50xi32, #tpu.memory_space<vmem>> -> memref<50xi32, #tpu.memory_space<vmem>>
        %dma_start3A_823 = arith.constant 0 : i32
        %dma_start3A_824 = arith.constant 0 : i32
        %dma_start3A_825 = tpu.memref_slice %arg11[%dma_start3A_823, %dma_start3A_824] : memref<1000x64xf32, #tpu.memory_space<vmem_shared>> -> memref<1000x64xf32, #tpu.memory_space<vmem_shared>>
        tpu.enqueue_indirect_dma source(%dma_start3A_825 : memref<1000x64xf32, #tpu.memory_space<vmem_shared>>) target(%dma_start3A_819 : memref<50x64xf32, #tpu.memory_space<vmem>>) offsets(%dma_start3A_822 : memref<50xi32, #tpu.memory_space<vmem>>) semaphore(%arg15 : memref<!tpu.dma_semaphore, #tpu.memory_space<semaphore_mem>>)
        %dma_start3A_826 = arith.constant 9 : i32
        %dma_start3A_827 = arith.constant 9 : i32
        %dma_start3A_828 = arith.constant 0 : i32
        %dma_start3A_829 = arith.constant 0 : i32
        %dma_start3A_830 = tpu.memref_slice %arg9[%dma_start3A_827, %dma_start3A_828, %dma_start3A_829] : memref<16x50x64xf32, #tpu.memory_space<vmem>> -> memref<1x50x64xf32, #tpu.memory_space<vmem>>
        %dma_start3A_831 = tpu.memref_squeeze %dma_start3A_830 : memref<1x50x64xf32, #tpu.memory_space<vmem>> -> memref<50x64xf32, #tpu.memory_space<vmem>>
        %dma_start3A_832 = arith.constant 0 : i32
        %dma_start3A_833 = tpu.memref_slice %arg7[%dma_start3A_826, %dma_start3A_832] : memref<16x50xi32, #tpu.memory_space<vmem>> -> memref<1x50xi32, #tpu.memory_space<vmem>>
        %dma_start3A_834 = tpu.memref_squeeze %dma_start3A_833 : memref<1x50xi32, #tpu.memory_space<vmem>> -> memref<50xi32, #tpu.memory_space<vmem>>
        %dma_start3A_835 = arith.constant 0 : i32
        %dma_start3A_836 = arith.constant 0 : i32
        %dma_start3A_837 = tpu.memref_slice %arg11[%dma_start3A_835, %dma_start3A_836] : memref<1000x64xf32, #tpu.memory_space<vmem_shared>> -> memref<1000x64xf32, #tpu.memory_space<vmem_shared>>
        tpu.enqueue_indirect_dma source(%dma_start3A_837 : memref<1000x64xf32, #tpu.memory_space<vmem_shared>>) target(%dma_start3A_831 : memref<50x64xf32, #tpu.memory_space<vmem>>) offsets(%dma_start3A_834 : memref<50xi32, #tpu.memory_space<vmem>>) semaphore(%arg15 : memref<!tpu.dma_semaphore, #tpu.memory_space<semaphore_mem>>)
        %dma_start3A_838 = arith.constant 10 : i32
        %dma_start3A_839 = arith.constant 10 : i32
        %dma_start3A_840 = arith.constant 0 : i32
        %dma_start3A_841 = arith.constant 0 : i32
        %dma_start3A_842 = tpu.memref_slice %arg9[%dma_start3A_839, %dma_start3A_840, %dma_start3A_841] : memref<16x50x64xf32, #tpu.memory_space<vmem>> -> memref<1x50x64xf32, #tpu.memory_space<vmem>>
        %dma_start3A_843 = tpu.memref_squeeze %dma_start3A_842 : memref<1x50x64xf32, #tpu.memory_space<vmem>> -> memref<50x64xf32, #tpu.memory_space<vmem>>
        %dma_start3A_844 = arith.constant 0 : i32
        %dma_start3A_845 = tpu.memref_slice %arg7[%dma_start3A_838, %dma_start3A_844] : memref<16x50xi32, #tpu.memory_space<vmem>> -> memref<1x50xi32, #tpu.memory_space<vmem>>
        %dma_start3A_846 = tpu.memref_squeeze %dma_start3A_845 : memref<1x50xi32, #tpu.memory_space<vmem>> -> memref<50xi32, #tpu.memory_space<vmem>>
        %dma_start3A_847 = arith.constant 0 : i32
        %dma_start3A_848 = arith.constant 0 : i32
        %dma_start3A_849 = tpu.memref_slice %arg11[%dma_start3A_847, %dma_start3A_848] : memref<1000x64xf32, #tpu.memory_space<vmem_shared>> -> memref<1000x64xf32, #tpu.memory_space<vmem_shared>>
        tpu.enqueue_indirect_dma source(%dma_start3A_849 : memref<1000x64xf32, #tpu.memory_space<vmem_shared>>) target(%dma_start3A_843 : memref<50x64xf32, #tpu.memory_space<vmem>>) offsets(%dma_start3A_846 : memref<50xi32, #tpu.memory_space<vmem>>) semaphore(%arg15 : memref<!tpu.dma_semaphore, #tpu.memory_space<semaphore_mem>>)
        %dma_start3A_850 = arith.constant 11 : i32
        %dma_start3A_851 = arith.constant 11 : i32
        %dma_start3A_852 = arith.constant 0 : i32
        %dma_start3A_853 = arith.constant 0 : i32
        %dma_start3A_854 = tpu.memref_slice %arg9[%dma_start3A_851, %dma_start3A_852, %dma_start3A_853] : memref<16x50x64xf32, #tpu.memory_space<vmem>> -> memref<1x50x64xf32, #tpu.memory_space<vmem>>
        %dma_start3A_855 = tpu.memref_squeeze %dma_start3A_854 : memref<1x50x64xf32, #tpu.memory_space<vmem>> -> memref<50x64xf32, #tpu.memory_space<vmem>>
        %dma_start3A_856 = arith.constant 0 : i32
        %dma_start3A_857 = tpu.memref_slice %arg7[%dma_start3A_850, %dma_start3A_856] : memref<16x50xi32, #tpu.memory_space<vmem>> -> memref<1x50xi32, #tpu.memory_space<vmem>>
        %dma_start3A_858 = tpu.memref_squeeze %dma_start3A_857 : memref<1x50xi32, #tpu.memory_space<vmem>> -> memref<50xi32, #tpu.memory_space<vmem>>
        %dma_start3A_859 = arith.constant 0 : i32
        %dma_start3A_860 = arith.constant 0 : i32
        %dma_start3A_861 = tpu.memref_slice %arg11[%dma_start3A_859, %dma_start3A_860] : memref<1000x64xf32, #tpu.memory_space<vmem_shared>> -> memref<1000x64xf32, #tpu.memory_space<vmem_shared>>
        tpu.enqueue_indirect_dma source(%dma_start3A_861 : memref<1000x64xf32, #tpu.memory_space<vmem_shared>>) target(%dma_start3A_855 : memref<50x64xf32, #tpu.memory_space<vmem>>) offsets(%dma_start3A_858 : memref<50xi32, #tpu.memory_space<vmem>>) semaphore(%arg15 : memref<!tpu.dma_semaphore, #tpu.memory_space<semaphore_mem>>)
        %dma_start3A_862 = arith.constant 12 : i32
        %dma_start3A_863 = arith.constant 12 : i32
        %dma_start3A_864 = arith.constant 0 : i32
        %dma_start3A_865 = arith.constant 0 : i32
        %dma_start3A_866 = tpu.memref_slice %arg9[%dma_start3A_863, %dma_start3A_864, %dma_start3A_865] : memref<16x50x64xf32, #tpu.memory_space<vmem>> -> memref<1x50x64xf32, #tpu.memory_space<vmem>>
        %dma_start3A_867 = tpu.memref_squeeze %dma_start3A_866 : memref<1x50x64xf32, #tpu.memory_space<vmem>> -> memref<50x64xf32, #tpu.memory_space<vmem>>
        %dma_start3A_868 = arith.constant 0 : i32
        %dma_start3A_869 = tpu.memref_slice %arg7[%dma_start3A_862, %dma_start3A_868] : memref<16x50xi32, #tpu.memory_space<vmem>> -> memref<1x50xi32, #tpu.memory_space<vmem>>
        %dma_start3A_870 = tpu.memref_squeeze %dma_start3A_869 : memref<1x50xi32, #tpu.memory_space<vmem>> -> memref<50xi32, #tpu.memory_space<vmem>>
        %dma_start3A_871 = arith.constant 0 : i32
        %dma_start3A_872 = arith.constant 0 : i32
        %dma_start3A_873 = tpu.memref_slice %arg11[%dma_start3A_871, %dma_start3A_872] : memref<1000x64xf32, #tpu.memory_space<vmem_shared>> -> memref<1000x64xf32, #tpu.memory_space<vmem_shared>>
        tpu.enqueue_indirect_dma source(%dma_start3A_873 : memref<1000x64xf32, #tpu.memory_space<vmem_shared>>) target(%dma_start3A_867 : memref<50x64xf32, #tpu.memory_space<vmem>>) offsets(%dma_start3A_870 : memref<50xi32, #tpu.memory_space<vmem>>) semaphore(%arg15 : memref<!tpu.dma_semaphore, #tpu.memory_space<semaphore_mem>>)
        %dma_start3A_874 = arith.constant 13 : i32
        %dma_start3A_875 = arith.constant 13 : i32
        %dma_start3A_876 = arith.constant 0 : i32
        %dma_start3A_877 = arith.constant 0 : i32
        %dma_start3A_878 = tpu.memref_slice %arg9[%dma_start3A_875, %dma_start3A_876, %dma_start3A_877] : memref<16x50x64xf32, #tpu.memory_space<vmem>> -> memref<1x50x64xf32, #tpu.memory_space<vmem>>
        %dma_start3A_879 = tpu.memref_squeeze %dma_start3A_878 : memref<1x50x64xf32, #tpu.memory_space<vmem>> -> memref<50x64xf32, #tpu.memory_space<vmem>>
        %dma_start3A_880 = arith.constant 0 : i32
        %dma_start3A_881 = tpu.memref_slice %arg7[%dma_start3A_874, %dma_start3A_880] : memref<16x50xi32, #tpu.memory_space<vmem>> -> memref<1x50xi32, #tpu.memory_space<vmem>>
        %dma_start3A_882 = tpu.memref_squeeze %dma_start3A_881 : memref<1x50xi32, #tpu.memory_space<vmem>> -> memref<50xi32, #tpu.memory_space<vmem>>
        %dma_start3A_883 = arith.constant 0 : i32
        %dma_start3A_884 = arith.constant 0 : i32
        %dma_start3A_885 = tpu.memref_slice %arg11[%dma_start3A_883, %dma_start3A_884] : memref<1000x64xf32, #tpu.memory_space<vmem_shared>> -> memref<1000x64xf32, #tpu.memory_space<vmem_shared>>
        tpu.enqueue_indirect_dma source(%dma_start3A_885 : memref<1000x64xf32, #tpu.memory_space<vmem_shared>>) target(%dma_start3A_879 : memref<50x64xf32, #tpu.memory_space<vmem>>) offsets(%dma_start3A_882 : memref<50xi32, #tpu.memory_space<vmem>>) semaphore(%arg15 : memref<!tpu.dma_semaphore, #tpu.memory_space<semaphore_mem>>)
        %dma_start3A_886 = arith.constant 14 : i32
        %dma_start3A_887 = arith.constant 14 : i32
        %dma_start3A_888 = arith.constant 0 : i32
        %dma_start3A_889 = arith.constant 0 : i32
        %dma_start3A_890 = tpu.memref_slice %arg9[%dma_start3A_887, %dma_start3A_888, %dma_start3A_889] : memref<16x50x64xf32, #tpu.memory_space<vmem>> -> memref<1x50x64xf32, #tpu.memory_space<vmem>>
        %dma_start3A_891 = tpu.memref_squeeze %dma_start3A_890 : memref<1x50x64xf32, #tpu.memory_space<vmem>> -> memref<50x64xf32, #tpu.memory_space<vmem>>
        %dma_start3A_892 = arith.constant 0 : i32
        %dma_start3A_893 = tpu.memref_slice %arg7[%dma_start3A_886, %dma_start3A_892] : memref<16x50xi32, #tpu.memory_space<vmem>> -> memref<1x50xi32, #tpu.memory_space<vmem>>
        %dma_start3A_894 = tpu.memref_squeeze %dma_start3A_893 : memref<1x50xi32, #tpu.memory_space<vmem>> -> memref<50xi32, #tpu.memory_space<vmem>>
        %dma_start3A_895 = arith.constant 0 : i32
        %dma_start3A_896 = arith.constant 0 : i32
        %dma_start3A_897 = tpu.memref_slice %arg11[%dma_start3A_895, %dma_start3A_896] : memref<1000x64xf32, #tpu.memory_space<vmem_shared>> -> memref<1000x64xf32, #tpu.memory_space<vmem_shared>>
        tpu.enqueue_indirect_dma source(%dma_start3A_897 : memref<1000x64xf32, #tpu.memory_space<vmem_shared>>) target(%dma_start3A_891 : memref<50x64xf32, #tpu.memory_space<vmem>>) offsets(%dma_start3A_894 : memref<50xi32, #tpu.memory_space<vmem>>) semaphore(%arg15 : memref<!tpu.dma_semaphore, #tpu.memory_space<semaphore_mem>>)
        %dma_start3A_898 = arith.constant 15 : i32
        %dma_start3A_899 = arith.constant 15 : i32
        %dma_start3A_900 = arith.constant 0 : i32
        %dma_start3A_901 = arith.constant 0 : i32
        %dma_start3A_902 = tpu.memref_slice %arg9[%dma_start3A_899, %dma_start3A_900, %dma_start3A_901] : memref<16x50x64xf32, #tpu.memory_space<vmem>> -> memref<1x50x64xf32, #tpu.memory_space<vmem>>
        %dma_start3A_903 = tpu.memref_squeeze %dma_start3A_902 : memref<1x50x64xf32, #tpu.memory_space<vmem>> -> memref<50x64xf32, #tpu.memory_space<vmem>>
        %dma_start3A_904 = arith.constant 0 : i32
        %dma_start3A_905 = tpu.memref_slice %arg7[%dma_start3A_898, %dma_start3A_904] : memref<16x50xi32, #tpu.memory_space<vmem>> -> memref<1x50xi32, #tpu.memory_space<vmem>>
        %dma_start3A_906 = tpu.memref_squeeze %dma_start3A_905 : memref<1x50xi32, #tpu.memory_space<vmem>> -> memref<50xi32, #tpu.memory_space<vmem>>
        %dma_start3A_907 = arith.constant 0 : i32
        %dma_start3A_908 = arith.constant 0 : i32
        %dma_start3A_909 = tpu.memref_slice %arg11[%dma_start3A_907, %dma_start3A_908] : memref<1000x64xf32, #tpu.memory_space<vmem_shared>> -> memref<1000x64xf32, #tpu.memory_space<vmem_shared>>
        tpu.enqueue_indirect_dma source(%dma_start3A_909 : memref<1000x64xf32, #tpu.memory_space<vmem_shared>>) target(%dma_start3A_903 : memref<50x64xf32, #tpu.memory_space<vmem>>) offsets(%dma_start3A_906 : memref<50xi32, #tpu.memory_space<vmem>>) semaphore(%arg15 : memref<!tpu.dma_semaphore, #tpu.memory_space<semaphore_mem>>)
      } else {
      }
      %dma_wait3A_271 = arith.constant 0 : i32
      %dma_wait3A_272 = arith.constant 0 : i32
      %dma_wait3A_273 = arith.constant 0 : i32
      %dma_wait3A_274 = arith.constant 0 : i32
      %dma_wait3A_275 = tpu.memref_slice %arg8[%dma_wait3A_272, %dma_wait3A_273, %dma_wait3A_274] : memref<16x50x64xf32, #tpu.memory_space<vmem>> -> memref<1x50x64xf32, #tpu.memory_space<vmem>>
      %dma_wait3A_276 = tpu.memref_squeeze %dma_wait3A_275 : memref<1x50x64xf32, #tpu.memory_space<vmem>> -> memref<50x64xf32, #tpu.memory_space<vmem>>
      %dma_wait3A_277 = arith.constant 0 : i32
      %dma_wait3A_278 = tpu.memref_slice %arg6[%dma_wait3A_271, %dma_wait3A_277] : memref<16x50xi32, #tpu.memory_space<vmem>> -> memref<1x50xi32, #tpu.memory_space<vmem>>
      %dma_wait3A_279 = tpu.memref_squeeze %dma_wait3A_278 : memref<1x50xi32, #tpu.memory_space<vmem>> -> memref<50xi32, #tpu.memory_space<vmem>>
      %dma_wait3A_280 = arith.constant 0 : i32
      %dma_wait3A_281 = arith.constant 0 : i32
      %dma_wait3A_282 = tpu.memref_slice %arg11[%dma_wait3A_280, %dma_wait3A_281] : memref<1000x64xf32, #tpu.memory_space<vmem_shared>> -> memref<1000x64xf32, #tpu.memory_space<vmem_shared>>
      tpu.wait_indirect_dma semaphore(%arg14 : memref<!tpu.dma_semaphore, #tpu.memory_space<semaphore_mem>>) src(%dma_wait3A_282 : memref<1000x64xf32, #tpu.memory_space<vmem_shared>>) dst(%dma_wait3A_276 : memref<50x64xf32, #tpu.memory_space<vmem>>)
      %dma_wait3A_283 = arith.constant 1 : i32
      %dma_wait3A_284 = arith.constant 1 : i32
      %dma_wait3A_285 = arith.constant 0 : i32
      %dma_wait3A_286 = arith.constant 0 : i32
      %dma_wait3A_287 = tpu.memref_slice %arg8[%dma_wait3A_284, %dma_wait3A_285, %dma_wait3A_286] : memref<16x50x64xf32, #tpu.memory_space<vmem>> -> memref<1x50x64xf32, #tpu.memory_space<vmem>>
      %dma_wait3A_288 = tpu.memref_squeeze %dma_wait3A_287 : memref<1x50x64xf32, #tpu.memory_space<vmem>> -> memref<50x64xf32, #tpu.memory_space<vmem>>
      %dma_wait3A_289 = arith.constant 0 : i32
      %dma_wait3A_290 = tpu.memref_slice %arg6[%dma_wait3A_283, %dma_wait3A_289] : memref<16x50xi32, #tpu.memory_space<vmem>> -> memref<1x50xi32, #tpu.memory_space<vmem>>
      %dma_wait3A_291 = tpu.memref_squeeze %dma_wait3A_290 : memref<1x50xi32, #tpu.memory_space<vmem>> -> memref<50xi32, #tpu.memory_space<vmem>>
      %dma_wait3A_292 = arith.constant 0 : i32
      %dma_wait3A_293 = arith.constant 0 : i32
      %dma_wait3A_294 = tpu.memref_slice %arg11[%dma_wait3A_292, %dma_wait3A_293] : memref<1000x64xf32, #tpu.memory_space<vmem_shared>> -> memref<1000x64xf32, #tpu.memory_space<vmem_shared>>
      tpu.wait_indirect_dma semaphore(%arg14 : memref<!tpu.dma_semaphore, #tpu.memory_space<semaphore_mem>>) src(%dma_wait3A_294 : memref<1000x64xf32, #tpu.memory_space<vmem_shared>>) dst(%dma_wait3A_288 : memref<50x64xf32, #tpu.memory_space<vmem>>)
      %dma_wait3A_295 = arith.constant 2 : i32
      %dma_wait3A_296 = arith.constant 2 : i32
      %dma_wait3A_297 = arith.constant 0 : i32
      %dma_wait3A_298 = arith.constant 0 : i32
      %dma_wait3A_299 = tpu.memref_slice %arg8[%dma_wait3A_296, %dma_wait3A_297, %dma_wait3A_298] : memref<16x50x64xf32, #tpu.memory_space<vmem>> -> memref<1x50x64xf32, #tpu.memory_space<vmem>>
      %dma_wait3A_300 = tpu.memref_squeeze %dma_wait3A_299 : memref<1x50x64xf32, #tpu.memory_space<vmem>> -> memref<50x64xf32, #tpu.memory_space<vmem>>
      %dma_wait3A_301 = arith.constant 0 : i32
      %dma_wait3A_302 = tpu.memref_slice %arg6[%dma_wait3A_295, %dma_wait3A_301] : memref<16x50xi32, #tpu.memory_space<vmem>> -> memref<1x50xi32, #tpu.memory_space<vmem>>
      %dma_wait3A_303 = tpu.memref_squeeze %dma_wait3A_302 : memref<1x50xi32, #tpu.memory_space<vmem>> -> memref<50xi32, #tpu.memory_space<vmem>>
      %dma_wait3A_304 = arith.constant 0 : i32
      %dma_wait3A_305 = arith.constant 0 : i32
      %dma_wait3A_306 = tpu.memref_slice %arg11[%dma_wait3A_304, %dma_wait3A_305] : memref<1000x64xf32, #tpu.memory_space<vmem_shared>> -> memref<1000x64xf32, #tpu.memory_space<vmem_shared>>
      tpu.wait_indirect_dma semaphore(%arg14 : memref<!tpu.dma_semaphore, #tpu.memory_space<semaphore_mem>>) src(%dma_wait3A_306 : memref<1000x64xf32, #tpu.memory_space<vmem_shared>>) dst(%dma_wait3A_300 : memref<50x64xf32, #tpu.memory_space<vmem>>)
      %dma_wait3A_307 = arith.constant 3 : i32
      %dma_wait3A_308 = arith.constant 3 : i32
      %dma_wait3A_309 = arith.constant 0 : i32
      %dma_wait3A_310 = arith.constant 0 : i32
      %dma_wait3A_311 = tpu.memref_slice %arg8[%dma_wait3A_308, %dma_wait3A_309, %dma_wait3A_310] : memref<16x50x64xf32, #tpu.memory_space<vmem>> -> memref<1x50x64xf32, #tpu.memory_space<vmem>>
      %dma_wait3A_312 = tpu.memref_squeeze %dma_wait3A_311 : memref<1x50x64xf32, #tpu.memory_space<vmem>> -> memref<50x64xf32, #tpu.memory_space<vmem>>
      %dma_wait3A_313 = arith.constant 0 : i32
      %dma_wait3A_314 = tpu.memref_slice %arg6[%dma_wait3A_307, %dma_wait3A_313] : memref<16x50xi32, #tpu.memory_space<vmem>> -> memref<1x50xi32, #tpu.memory_space<vmem>>
      %dma_wait3A_315 = tpu.memref_squeeze %dma_wait3A_314 : memref<1x50xi32, #tpu.memory_space<vmem>> -> memref<50xi32, #tpu.memory_space<vmem>>
      %dma_wait3A_316 = arith.constant 0 : i32
      %dma_wait3A_317 = arith.constant 0 : i32
      %dma_wait3A_318 = tpu.memref_slice %arg11[%dma_wait3A_316, %dma_wait3A_317] : memref<1000x64xf32, #tpu.memory_space<vmem_shared>> -> memref<1000x64xf32, #tpu.memory_space<vmem_shared>>
      tpu.wait_indirect_dma semaphore(%arg14 : memref<!tpu.dma_semaphore, #tpu.memory_space<semaphore_mem>>) src(%dma_wait3A_318 : memref<1000x64xf32, #tpu.memory_space<vmem_shared>>) dst(%dma_wait3A_312 : memref<50x64xf32, #tpu.memory_space<vmem>>)
      %dma_wait3A_319 = arith.constant 4 : i32
      %dma_wait3A_320 = arith.constant 4 : i32
      %dma_wait3A_321 = arith.constant 0 : i32
      %dma_wait3A_322 = arith.constant 0 : i32
      %dma_wait3A_323 = tpu.memref_slice %arg8[%dma_wait3A_320, %dma_wait3A_321, %dma_wait3A_322] : memref<16x50x64xf32, #tpu.memory_space<vmem>> -> memref<1x50x64xf32, #tpu.memory_space<vmem>>
      %dma_wait3A_324 = tpu.memref_squeeze %dma_wait3A_323 : memref<1x50x64xf32, #tpu.memory_space<vmem>> -> memref<50x64xf32, #tpu.memory_space<vmem>>
      %dma_wait3A_325 = arith.constant 0 : i32
      %dma_wait3A_326 = tpu.memref_slice %arg6[%dma_wait3A_319, %dma_wait3A_325] : memref<16x50xi32, #tpu.memory_space<vmem>> -> memref<1x50xi32, #tpu.memory_space<vmem>>
      %dma_wait3A_327 = tpu.memref_squeeze %dma_wait3A_326 : memref<1x50xi32, #tpu.memory_space<vmem>> -> memref<50xi32, #tpu.memory_space<vmem>>
      %dma_wait3A_328 = arith.constant 0 : i32
      %dma_wait3A_329 = arith.constant 0 : i32
      %dma_wait3A_330 = tpu.memref_slice %arg11[%dma_wait3A_328, %dma_wait3A_329] : memref<1000x64xf32, #tpu.memory_space<vmem_shared>> -> memref<1000x64xf32, #tpu.memory_space<vmem_shared>>
      tpu.wait_indirect_dma semaphore(%arg14 : memref<!tpu.dma_semaphore, #tpu.memory_space<semaphore_mem>>) src(%dma_wait3A_330 : memref<1000x64xf32, #tpu.memory_space<vmem_shared>>) dst(%dma_wait3A_324 : memref<50x64xf32, #tpu.memory_space<vmem>>)
      %dma_wait3A_331 = arith.constant 5 : i32
      %dma_wait3A_332 = arith.constant 5 : i32
      %dma_wait3A_333 = arith.constant 0 : i32
      %dma_wait3A_334 = arith.constant 0 : i32
      %dma_wait3A_335 = tpu.memref_slice %arg8[%dma_wait3A_332, %dma_wait3A_333, %dma_wait3A_334] : memref<16x50x64xf32, #tpu.memory_space<vmem>> -> memref<1x50x64xf32, #tpu.memory_space<vmem>>
      %dma_wait3A_336 = tpu.memref_squeeze %dma_wait3A_335 : memref<1x50x64xf32, #tpu.memory_space<vmem>> -> memref<50x64xf32, #tpu.memory_space<vmem>>
      %dma_wait3A_337 = arith.constant 0 : i32
      %dma_wait3A_338 = tpu.memref_slice %arg6[%dma_wait3A_331, %dma_wait3A_337] : memref<16x50xi32, #tpu.memory_space<vmem>> -> memref<1x50xi32, #tpu.memory_space<vmem>>
      %dma_wait3A_339 = tpu.memref_squeeze %dma_wait3A_338 : memref<1x50xi32, #tpu.memory_space<vmem>> -> memref<50xi32, #tpu.memory_space<vmem>>
      %dma_wait3A_340 = arith.constant 0 : i32
      %dma_wait3A_341 = arith.constant 0 : i32
      %dma_wait3A_342 = tpu.memref_slice %arg11[%dma_wait3A_340, %dma_wait3A_341] : memref<1000x64xf32, #tpu.memory_space<vmem_shared>> -> memref<1000x64xf32, #tpu.memory_space<vmem_shared>>
      tpu.wait_indirect_dma semaphore(%arg14 : memref<!tpu.dma_semaphore, #tpu.memory_space<semaphore_mem>>) src(%dma_wait3A_342 : memref<1000x64xf32, #tpu.memory_space<vmem_shared>>) dst(%dma_wait3A_336 : memref<50x64xf32, #tpu.memory_space<vmem>>)
      %dma_wait3A_343 = arith.constant 6 : i32
      %dma_wait3A_344 = arith.constant 6 : i32
      %dma_wait3A_345 = arith.constant 0 : i32
      %dma_wait3A_346 = arith.constant 0 : i32
      %dma_wait3A_347 = tpu.memref_slice %arg8[%dma_wait3A_344, %dma_wait3A_345, %dma_wait3A_346] : memref<16x50x64xf32, #tpu.memory_space<vmem>> -> memref<1x50x64xf32, #tpu.memory_space<vmem>>
      %dma_wait3A_348 = tpu.memref_squeeze %dma_wait3A_347 : memref<1x50x64xf32, #tpu.memory_space<vmem>> -> memref<50x64xf32, #tpu.memory_space<vmem>>
      %dma_wait3A_349 = arith.constant 0 : i32
      %dma_wait3A_350 = tpu.memref_slice %arg6[%dma_wait3A_343, %dma_wait3A_349] : memref<16x50xi32, #tpu.memory_space<vmem>> -> memref<1x50xi32, #tpu.memory_space<vmem>>
      %dma_wait3A_351 = tpu.memref_squeeze %dma_wait3A_350 : memref<1x50xi32, #tpu.memory_space<vmem>> -> memref<50xi32, #tpu.memory_space<vmem>>
      %dma_wait3A_352 = arith.constant 0 : i32
      %dma_wait3A_353 = arith.constant 0 : i32
      %dma_wait3A_354 = tpu.memref_slice %arg11[%dma_wait3A_352, %dma_wait3A_353] : memref<1000x64xf32, #tpu.memory_space<vmem_shared>> -> memref<1000x64xf32, #tpu.memory_space<vmem_shared>>
      tpu.wait_indirect_dma semaphore(%arg14 : memref<!tpu.dma_semaphore, #tpu.memory_space<semaphore_mem>>) src(%dma_wait3A_354 : memref<1000x64xf32, #tpu.memory_space<vmem_shared>>) dst(%dma_wait3A_348 : memref<50x64xf32, #tpu.memory_space<vmem>>)
      %dma_wait3A_355 = arith.constant 7 : i32
      %dma_wait3A_356 = arith.constant 7 : i32
      %dma_wait3A_357 = arith.constant 0 : i32
      %dma_wait3A_358 = arith.constant 0 : i32
      %dma_wait3A_359 = tpu.memref_slice %arg8[%dma_wait3A_356, %dma_wait3A_357, %dma_wait3A_358] : memref<16x50x64xf32, #tpu.memory_space<vmem>> -> memref<1x50x64xf32, #tpu.memory_space<vmem>>
      %dma_wait3A_360 = tpu.memref_squeeze %dma_wait3A_359 : memref<1x50x64xf32, #tpu.memory_space<vmem>> -> memref<50x64xf32, #tpu.memory_space<vmem>>
      %dma_wait3A_361 = arith.constant 0 : i32
      %dma_wait3A_362 = tpu.memref_slice %arg6[%dma_wait3A_355, %dma_wait3A_361] : memref<16x50xi32, #tpu.memory_space<vmem>> -> memref<1x50xi32, #tpu.memory_space<vmem>>
      %dma_wait3A_363 = tpu.memref_squeeze %dma_wait3A_362 : memref<1x50xi32, #tpu.memory_space<vmem>> -> memref<50xi32, #tpu.memory_space<vmem>>
      %dma_wait3A_364 = arith.constant 0 : i32
      %dma_wait3A_365 = arith.constant 0 : i32
      %dma_wait3A_366 = tpu.memref_slice %arg11[%dma_wait3A_364, %dma_wait3A_365] : memref<1000x64xf32, #tpu.memory_space<vmem_shared>> -> memref<1000x64xf32, #tpu.memory_space<vmem_shared>>
      tpu.wait_indirect_dma semaphore(%arg14 : memref<!tpu.dma_semaphore, #tpu.memory_space<semaphore_mem>>) src(%dma_wait3A_366 : memref<1000x64xf32, #tpu.memory_space<vmem_shared>>) dst(%dma_wait3A_360 : memref<50x64xf32, #tpu.memory_space<vmem>>)
      %dma_wait3A_367 = arith.constant 8 : i32
      %dma_wait3A_368 = arith.constant 8 : i32
      %dma_wait3A_369 = arith.constant 0 : i32
      %dma_wait3A_370 = arith.constant 0 : i32
      %dma_wait3A_371 = tpu.memref_slice %arg8[%dma_wait3A_368, %dma_wait3A_369, %dma_wait3A_370] : memref<16x50x64xf32, #tpu.memory_space<vmem>> -> memref<1x50x64xf32, #tpu.memory_space<vmem>>
      %dma_wait3A_372 = tpu.memref_squeeze %dma_wait3A_371 : memref<1x50x64xf32, #tpu.memory_space<vmem>> -> memref<50x64xf32, #tpu.memory_space<vmem>>
      %dma_wait3A_373 = arith.constant 0 : i32
      %dma_wait3A_374 = tpu.memref_slice %arg6[%dma_wait3A_367, %dma_wait3A_373] : memref<16x50xi32, #tpu.memory_space<vmem>> -> memref<1x50xi32, #tpu.memory_space<vmem>>
      %dma_wait3A_375 = tpu.memref_squeeze %dma_wait3A_374 : memref<1x50xi32, #tpu.memory_space<vmem>> -> memref<50xi32, #tpu.memory_space<vmem>>
      %dma_wait3A_376 = arith.constant 0 : i32
      %dma_wait3A_377 = arith.constant 0 : i32
      %dma_wait3A_378 = tpu.memref_slice %arg11[%dma_wait3A_376, %dma_wait3A_377] : memref<1000x64xf32, #tpu.memory_space<vmem_shared>> -> memref<1000x64xf32, #tpu.memory_space<vmem_shared>>
      tpu.wait_indirect_dma semaphore(%arg14 : memref<!tpu.dma_semaphore, #tpu.memory_space<semaphore_mem>>) src(%dma_wait3A_378 : memref<1000x64xf32, #tpu.memory_space<vmem_shared>>) dst(%dma_wait3A_372 : memref<50x64xf32, #tpu.memory_space<vmem>>)
      %dma_wait3A_379 = arith.constant 9 : i32
      %dma_wait3A_380 = arith.constant 9 : i32
      %dma_wait3A_381 = arith.constant 0 : i32
      %dma_wait3A_382 = arith.constant 0 : i32
      %dma_wait3A_383 = tpu.memref_slice %arg8[%dma_wait3A_380, %dma_wait3A_381, %dma_wait3A_382] : memref<16x50x64xf32, #tpu.memory_space<vmem>> -> memref<1x50x64xf32, #tpu.memory_space<vmem>>
      %dma_wait3A_384 = tpu.memref_squeeze %dma_wait3A_383 : memref<1x50x64xf32, #tpu.memory_space<vmem>> -> memref<50x64xf32, #tpu.memory_space<vmem>>
      %dma_wait3A_385 = arith.constant 0 : i32
      %dma_wait3A_386 = tpu.memref_slice %arg6[%dma_wait3A_379, %dma_wait3A_385] : memref<16x50xi32, #tpu.memory_space<vmem>> -> memref<1x50xi32, #tpu.memory_space<vmem>>
      %dma_wait3A_387 = tpu.memref_squeeze %dma_wait3A_386 : memref<1x50xi32, #tpu.memory_space<vmem>> -> memref<50xi32, #tpu.memory_space<vmem>>
      %dma_wait3A_388 = arith.constant 0 : i32
      %dma_wait3A_389 = arith.constant 0 : i32
      %dma_wait3A_390 = tpu.memref_slice %arg11[%dma_wait3A_388, %dma_wait3A_389] : memref<1000x64xf32, #tpu.memory_space<vmem_shared>> -> memref<1000x64xf32, #tpu.memory_space<vmem_shared>>
      tpu.wait_indirect_dma semaphore(%arg14 : memref<!tpu.dma_semaphore, #tpu.memory_space<semaphore_mem>>) src(%dma_wait3A_390 : memref<1000x64xf32, #tpu.memory_space<vmem_shared>>) dst(%dma_wait3A_384 : memref<50x64xf32, #tpu.memory_space<vmem>>)
      %dma_wait3A_391 = arith.constant 10 : i32
      %dma_wait3A_392 = arith.constant 10 : i32
      %dma_wait3A_393 = arith.constant 0 : i32
      %dma_wait3A_394 = arith.constant 0 : i32
      %dma_wait3A_395 = tpu.memref_slice %arg8[%dma_wait3A_392, %dma_wait3A_393, %dma_wait3A_394] : memref<16x50x64xf32, #tpu.memory_space<vmem>> -> memref<1x50x64xf32, #tpu.memory_space<vmem>>
      %dma_wait3A_396 = tpu.memref_squeeze %dma_wait3A_395 : memref<1x50x64xf32, #tpu.memory_space<vmem>> -> memref<50x64xf32, #tpu.memory_space<vmem>>
      %dma_wait3A_397 = arith.constant 0 : i32
      %dma_wait3A_398 = tpu.memref_slice %arg6[%dma_wait3A_391, %dma_wait3A_397] : memref<16x50xi32, #tpu.memory_space<vmem>> -> memref<1x50xi32, #tpu.memory_space<vmem>>
      %dma_wait3A_399 = tpu.memref_squeeze %dma_wait3A_398 : memref<1x50xi32, #tpu.memory_space<vmem>> -> memref<50xi32, #tpu.memory_space<vmem>>
      %dma_wait3A_400 = arith.constant 0 : i32
      %dma_wait3A_401 = arith.constant 0 : i32
      %dma_wait3A_402 = tpu.memref_slice %arg11[%dma_wait3A_400, %dma_wait3A_401] : memref<1000x64xf32, #tpu.memory_space<vmem_shared>> -> memref<1000x64xf32, #tpu.memory_space<vmem_shared>>
      tpu.wait_indirect_dma semaphore(%arg14 : memref<!tpu.dma_semaphore, #tpu.memory_space<semaphore_mem>>) src(%dma_wait3A_402 : memref<1000x64xf32, #tpu.memory_space<vmem_shared>>) dst(%dma_wait3A_396 : memref<50x64xf32, #tpu.memory_space<vmem>>)
      %dma_wait3A_403 = arith.constant 11 : i32
      %dma_wait3A_404 = arith.constant 11 : i32
      %dma_wait3A_405 = arith.constant 0 : i32
      %dma_wait3A_406 = arith.constant 0 : i32
      %dma_wait3A_407 = tpu.memref_slice %arg8[%dma_wait3A_404, %dma_wait3A_405, %dma_wait3A_406] : memref<16x50x64xf32, #tpu.memory_space<vmem>> -> memref<1x50x64xf32, #tpu.memory_space<vmem>>
      %dma_wait3A_408 = tpu.memref_squeeze %dma_wait3A_407 : memref<1x50x64xf32, #tpu.memory_space<vmem>> -> memref<50x64xf32, #tpu.memory_space<vmem>>
      %dma_wait3A_409 = arith.constant 0 : i32
      %dma_wait3A_410 = tpu.memref_slice %arg6[%dma_wait3A_403, %dma_wait3A_409] : memref<16x50xi32, #tpu.memory_space<vmem>> -> memref<1x50xi32, #tpu.memory_space<vmem>>
      %dma_wait3A_411 = tpu.memref_squeeze %dma_wait3A_410 : memref<1x50xi32, #tpu.memory_space<vmem>> -> memref<50xi32, #tpu.memory_space<vmem>>
      %dma_wait3A_412 = arith.constant 0 : i32
      %dma_wait3A_413 = arith.constant 0 : i32
      %dma_wait3A_414 = tpu.memref_slice %arg11[%dma_wait3A_412, %dma_wait3A_413] : memref<1000x64xf32, #tpu.memory_space<vmem_shared>> -> memref<1000x64xf32, #tpu.memory_space<vmem_shared>>
      tpu.wait_indirect_dma semaphore(%arg14 : memref<!tpu.dma_semaphore, #tpu.memory_space<semaphore_mem>>) src(%dma_wait3A_414 : memref<1000x64xf32, #tpu.memory_space<vmem_shared>>) dst(%dma_wait3A_408 : memref<50x64xf32, #tpu.memory_space<vmem>>)
      %dma_wait3A_415 = arith.constant 12 : i32
      %dma_wait3A_416 = arith.constant 12 : i32
      %dma_wait3A_417 = arith.constant 0 : i32
      %dma_wait3A_418 = arith.constant 0 : i32
      %dma_wait3A_419 = tpu.memref_slice %arg8[%dma_wait3A_416, %dma_wait3A_417, %dma_wait3A_418] : memref<16x50x64xf32, #tpu.memory_space<vmem>> -> memref<1x50x64xf32, #tpu.memory_space<vmem>>
      %dma_wait3A_420 = tpu.memref_squeeze %dma_wait3A_419 : memref<1x50x64xf32, #tpu.memory_space<vmem>> -> memref<50x64xf32, #tpu.memory_space<vmem>>
      %dma_wait3A_421 = arith.constant 0 : i32
      %dma_wait3A_422 = tpu.memref_slice %arg6[%dma_wait3A_415, %dma_wait3A_421] : memref<16x50xi32, #tpu.memory_space<vmem>> -> memref<1x50xi32, #tpu.memory_space<vmem>>
      %dma_wait3A_423 = tpu.memref_squeeze %dma_wait3A_422 : memref<1x50xi32, #tpu.memory_space<vmem>> -> memref<50xi32, #tpu.memory_space<vmem>>
      %dma_wait3A_424 = arith.constant 0 : i32
      %dma_wait3A_425 = arith.constant 0 : i32
      %dma_wait3A_426 = tpu.memref_slice %arg11[%dma_wait3A_424, %dma_wait3A_425] : memref<1000x64xf32, #tpu.memory_space<vmem_shared>> -> memref<1000x64xf32, #tpu.memory_space<vmem_shared>>
      tpu.wait_indirect_dma semaphore(%arg14 : memref<!tpu.dma_semaphore, #tpu.memory_space<semaphore_mem>>) src(%dma_wait3A_426 : memref<1000x64xf32, #tpu.memory_space<vmem_shared>>) dst(%dma_wait3A_420 : memref<50x64xf32, #tpu.memory_space<vmem>>)
      %dma_wait3A_427 = arith.constant 13 : i32
      %dma_wait3A_428 = arith.constant 13 : i32
      %dma_wait3A_429 = arith.constant 0 : i32
      %dma_wait3A_430 = arith.constant 0 : i32
      %dma_wait3A_431 = tpu.memref_slice %arg8[%dma_wait3A_428, %dma_wait3A_429, %dma_wait3A_430] : memref<16x50x64xf32, #tpu.memory_space<vmem>> -> memref<1x50x64xf32, #tpu.memory_space<vmem>>
      %dma_wait3A_432 = tpu.memref_squeeze %dma_wait3A_431 : memref<1x50x64xf32, #tpu.memory_space<vmem>> -> memref<50x64xf32, #tpu.memory_space<vmem>>
      %dma_wait3A_433 = arith.constant 0 : i32
      %dma_wait3A_434 = tpu.memref_slice %arg6[%dma_wait3A_427, %dma_wait3A_433] : memref<16x50xi32, #tpu.memory_space<vmem>> -> memref<1x50xi32, #tpu.memory_space<vmem>>
      %dma_wait3A_435 = tpu.memref_squeeze %dma_wait3A_434 : memref<1x50xi32, #tpu.memory_space<vmem>> -> memref<50xi32, #tpu.memory_space<vmem>>
      %dma_wait3A_436 = arith.constant 0 : i32
      %dma_wait3A_437 = arith.constant 0 : i32
      %dma_wait3A_438 = tpu.memref_slice %arg11[%dma_wait3A_436, %dma_wait3A_437] : memref<1000x64xf32, #tpu.memory_space<vmem_shared>> -> memref<1000x64xf32, #tpu.memory_space<vmem_shared>>
      tpu.wait_indirect_dma semaphore(%arg14 : memref<!tpu.dma_semaphore, #tpu.memory_space<semaphore_mem>>) src(%dma_wait3A_438 : memref<1000x64xf32, #tpu.memory_space<vmem_shared>>) dst(%dma_wait3A_432 : memref<50x64xf32, #tpu.memory_space<vmem>>)
      %dma_wait3A_439 = arith.constant 14 : i32
      %dma_wait3A_440 = arith.constant 14 : i32
      %dma_wait3A_441 = arith.constant 0 : i32
      %dma_wait3A_442 = arith.constant 0 : i32
      %dma_wait3A_443 = tpu.memref_slice %arg8[%dma_wait3A_440, %dma_wait3A_441, %dma_wait3A_442] : memref<16x50x64xf32, #tpu.memory_space<vmem>> -> memref<1x50x64xf32, #tpu.memory_space<vmem>>
      %dma_wait3A_444 = tpu.memref_squeeze %dma_wait3A_443 : memref<1x50x64xf32, #tpu.memory_space<vmem>> -> memref<50x64xf32, #tpu.memory_space<vmem>>
      %dma_wait3A_445 = arith.constant 0 : i32
      %dma_wait3A_446 = tpu.memref_slice %arg6[%dma_wait3A_439, %dma_wait3A_445] : memref<16x50xi32, #tpu.memory_space<vmem>> -> memref<1x50xi32, #tpu.memory_space<vmem>>
      %dma_wait3A_447 = tpu.memref_squeeze %dma_wait3A_446 : memref<1x50xi32, #tpu.memory_space<vmem>> -> memref<50xi32, #tpu.memory_space<vmem>>
      %dma_wait3A_448 = arith.constant 0 : i32
      %dma_wait3A_449 = arith.constant 0 : i32
      %dma_wait3A_450 = tpu.memref_slice %arg11[%dma_wait3A_448, %dma_wait3A_449] : memref<1000x64xf32, #tpu.memory_space<vmem_shared>> -> memref<1000x64xf32, #tpu.memory_space<vmem_shared>>
      tpu.wait_indirect_dma semaphore(%arg14 : memref<!tpu.dma_semaphore, #tpu.memory_space<semaphore_mem>>) src(%dma_wait3A_450 : memref<1000x64xf32, #tpu.memory_space<vmem_shared>>) dst(%dma_wait3A_444 : memref<50x64xf32, #tpu.memory_space<vmem>>)
      %dma_wait3A_451 = arith.constant 15 : i32
      %dma_wait3A_452 = arith.constant 15 : i32
      %dma_wait3A_453 = arith.constant 0 : i32
      %dma_wait3A_454 = arith.constant 0 : i32
      %dma_wait3A_455 = tpu.memref_slice %arg8[%dma_wait3A_452, %dma_wait3A_453, %dma_wait3A_454] : memref<16x50x64xf32, #tpu.memory_space<vmem>> -> memref<1x50x64xf32, #tpu.memory_space<vmem>>
      %dma_wait3A_456 = tpu.memref_squeeze %dma_wait3A_455 : memref<1x50x64xf32, #tpu.memory_space<vmem>> -> memref<50x64xf32, #tpu.memory_space<vmem>>
      %dma_wait3A_457 = arith.constant 0 : i32
      %dma_wait3A_458 = tpu.memref_slice %arg6[%dma_wait3A_451, %dma_wait3A_457] : memref<16x50xi32, #tpu.memory_space<vmem>> -> memref<1x50xi32, #tpu.memory_space<vmem>>
      %dma_wait3A_459 = tpu.memref_squeeze %dma_wait3A_458 : memref<1x50xi32, #tpu.memory_space<vmem>> -> memref<50xi32, #tpu.memory_space<vmem>>
      %dma_wait3A_460 = arith.constant 0 : i32
      %dma_wait3A_461 = arith.constant 0 : i32
      %dma_wait3A_462 = tpu.memref_slice %arg11[%dma_wait3A_460, %dma_wait3A_461] : memref<1000x64xf32, #tpu.memory_space<vmem_shared>> -> memref<1000x64xf32, #tpu.memory_space<vmem_shared>>
      tpu.wait_indirect_dma semaphore(%arg14 : memref<!tpu.dma_semaphore, #tpu.memory_space<semaphore_mem>>) src(%dma_wait3A_462 : memref<1000x64xf32, #tpu.memory_space<vmem_shared>>) dst(%dma_wait3A_456 : memref<50x64xf32, #tpu.memory_space<vmem>>)
      %scan3A_463 = arith.constant 0 : i32
      %scan3A_464 = arith.constant 0 : i32
      %scan3A_465 = arith.constant 50 : i32
      %scan3A_466 = arith.addi %scan3A_464, %scan3A_465 : i32
      %scan3A_467 = arith.constant 1 : i32
      scf.for %scan3A_692 = %scan3A_464 to %scan3A_466 step %scan3A_467  : i32 {
        %get3A = arith.index_cast %scan3A_692 : i32 to index
        %get3A_693 = arith.constant 0 : index
        %get3A_694 = tpu.vector_load %arg10[%get3A, %get3A_693] {strides = array<i32>} : memref<50x64xf32, #tpu.memory_space<vmem>>, vector<1x16xf32>,
        %get3A_695 = vector.shape_cast %get3A_694 : vector<1x16xf32> to vector<16xf32>
        %get3A_696 = arith.index_cast %scan3A_692 : i32 to index
        %get3A_697 = arith.constant 16 : index
        %get3A_698 = tpu.vector_load %arg10[%get3A_696, %get3A_697] {strides = array<i32>} : memref<50x64xf32, #tpu.memory_space<vmem>>, vector<1x16xf32>,
        %get3A_699 = vector.shape_cast %get3A_698 : vector<1x16xf32> to vector<16xf32>
        %get3A_700 = arith.index_cast %scan3A_692 : i32 to index
        %get3A_701 = arith.constant 32 : index
        %get3A_702 = tpu.vector_load %arg10[%get3A_700, %get3A_701] {strides = array<i32>} : memref<50x64xf32, #tpu.memory_space<vmem>>, vector<1x16xf32>,
        %get3A_703 = vector.shape_cast %get3A_702 : vector<1x16xf32> to vector<16xf32>
        %get3A_704 = arith.index_cast %scan3A_692 : i32 to index
        %get3A_705 = arith.constant 48 : index
        %get3A_706 = tpu.vector_load %arg10[%get3A_704, %get3A_705] {strides = array<i32>} : memref<50x64xf32, #tpu.memory_space<vmem>>, vector<1x16xf32>,
        %get3A_707 = vector.shape_cast %get3A_706 : vector<1x16xf32> to vector<16xf32>
        %get3A_708 = arith.constant 0 : i32
        %get3A_709 = arith.index_cast %get3A_708 : i32 to index
        %get3A_710 = arith.index_cast %scan3A_692 : i32 to index
        %get3A_711 = arith.constant 0 : index
        %get3A_712 = tpu.vector_load %arg8[%get3A_709, %get3A_710, %get3A_711] {strides = array<i32>} : memref<16x50x64xf32, #tpu.memory_space<vmem>>, vector<1x1x16xf32>,
        %get3A_713 = vector.shape_cast %get3A_712 : vector<1x1x16xf32> to vector<16xf32>
        %add3A_714 = arith.addf %get3A_713, %get3A_695 : vector<16xf32>
        %swap3A = arith.constant 0 : i32
        %swap3A_715 = arith.index_cast %swap3A : i32 to index
        %swap3A_716 = arith.index_cast %scan3A_692 : i32 to index
        %swap3A_717 = arith.constant 0 : index
        %swap3A_718 = tpu.vector_load %arg8[%swap3A_715, %swap3A_716, %swap3A_717] {strides = array<i32>} : memref<16x50x64xf32, #tpu.memory_space<vmem>>, vector<1x1x16xf32>,
        %swap3A_719 = vector.shape_cast %swap3A_718 : vector<1x1x16xf32> to vector<16xf32>
        %swap3A_720 = vector.shape_cast %add3A_714 : vector<16xf32> to vector<1x1x16xf32>
        tpu.vector_store %arg8[%swap3A_715, %swap3A_716, %swap3A_717], %swap3A_720 {strides = array<i32>} : memref<16x50x64xf32, #tpu.memory_space<vmem>>, vector<1x1x16xf32>,
        %get3A_721 = arith.constant 0 : i32
        %get3A_722 = arith.index_cast %get3A_721 : i32 to index
        %get3A_723 = arith.index_cast %scan3A_692 : i32 to index
        %get3A_724 = arith.constant 16 : index
        %get3A_725 = tpu.vector_load %arg8[%get3A_722, %get3A_723, %get3A_724] {strides = array<i32>} : memref<16x50x64xf32, #tpu.memory_space<vmem>>, vector<1x1x16xf32>,
        %get3A_726 = vector.shape_cast %get3A_725 : vector<1x1x16xf32> to vector<16xf32>
        %add3A_727 = arith.addf %get3A_726, %get3A_699 : vector<16xf32>
        %swap3A_728 = arith.constant 0 : i32
        %swap3A_729 = arith.index_cast %swap3A_728 : i32 to index
        %swap3A_730 = arith.index_cast %scan3A_692 : i32 to index
        %swap3A_731 = arith.constant 16 : index
        %swap3A_732 = tpu.vector_load %arg8[%swap3A_729, %swap3A_730, %swap3A_731] {strides = array<i32>} : memref<16x50x64xf32, #tpu.memory_space<vmem>>, vector<1x1x16xf32>,
        %swap3A_733 = vector.shape_cast %swap3A_732 : vector<1x1x16xf32> to vector<16xf32>
        %swap3A_734 = vector.shape_cast %add3A_727 : vector<16xf32> to vector<1x1x16xf32>
        tpu.vector_store %arg8[%swap3A_729, %swap3A_730, %swap3A_731], %swap3A_734 {strides = array<i32>} : memref<16x50x64xf32, #tpu.memory_space<vmem>>, vector<1x1x16xf32>,
        %get3A_735 = arith.constant 0 : i32
        %get3A_736 = arith.index_cast %get3A_735 : i32 to index
        %get3A_737 = arith.index_cast %scan3A_692 : i32 to index
        %get3A_738 = arith.constant 32 : index
        %get3A_739 = tpu.vector_load %arg8[%get3A_736, %get3A_737, %get3A_738] {strides = array<i32>} : memref<16x50x64xf32, #tpu.memory_space<vmem>>, vector<1x1x16xf32>,
        %get3A_740 = vector.shape_cast %get3A_739 : vector<1x1x16xf32> to vector<16xf32>
        %add3A_741 = arith.addf %get3A_740, %get3A_703 : vector<16xf32>
        %swap3A_742 = arith.constant 0 : i32
        %swap3A_743 = arith.index_cast %swap3A_742 : i32 to index
        %swap3A_744 = arith.index_cast %scan3A_692 : i32 to index
        %swap3A_745 = arith.constant 32 : index
        %swap3A_746 = tpu.vector_load %arg8[%swap3A_743, %swap3A_744, %swap3A_745] {strides = array<i32>} : memref<16x50x64xf32, #tpu.memory_space<vmem>>, vector<1x1x16xf32>,
        %swap3A_747 = vector.shape_cast %swap3A_746 : vector<1x1x16xf32> to vector<16xf32>
        %swap3A_748 = vector.shape_cast %add3A_741 : vector<16xf32> to vector<1x1x16xf32>
        tpu.vector_store %arg8[%swap3A_743, %swap3A_744, %swap3A_745], %swap3A_748 {strides = array<i32>} : memref<16x50x64xf32, #tpu.memory_space<vmem>>, vector<1x1x16xf32>,
        %get3A_749 = arith.constant 0 : i32
        %get3A_750 = arith.index_cast %get3A_749 : i32 to index
        %get3A_751 = arith.index_cast %scan3A_692 : i32 to index
        %get3A_752 = arith.constant 48 : index
        %get3A_753 = tpu.vector_load %arg8[%get3A_750, %get3A_751, %get3A_752] {strides = array<i32>} : memref<16x50x64xf32, #tpu.memory_space<vmem>>, vector<1x1x16xf32>,
        %get3A_754 = vector.shape_cast %get3A_753 : vector<1x1x16xf32> to vector<16xf32>
        %add3A_755 = arith.addf %get3A_754, %get3A_707 : vector<16xf32>
        %swap3A_756 = arith.constant 0 : i32
        %swap3A_757 = arith.index_cast %swap3A_756 : i32 to index
        %swap3A_758 = arith.index_cast %scan3A_692 : i32 to index
        %swap3A_759 = arith.constant 48 : index
        %swap3A_760 = tpu.vector_load %arg8[%swap3A_757, %swap3A_758, %swap3A_759] {strides = array<i32>} : memref<16x50x64xf32, #tpu.memory_space<vmem>>, vector<1x1x16xf32>,
        %swap3A_761 = vector.shape_cast %swap3A_760 : vector<1x1x16xf32> to vector<16xf32>
        %swap3A_762 = vector.shape_cast %add3A_755 : vector<16xf32> to vector<1x1x16xf32>
        tpu.vector_store %arg8[%swap3A_757, %swap3A_758, %swap3A_759], %swap3A_762 {strides = array<i32>} : memref<16x50x64xf32, #tpu.memory_space<vmem>>, vector<1x1x16xf32>,
        %get3A_763 = arith.constant 1 : i32
        %get3A_764 = arith.index_cast %get3A_763 : i32 to index
        %get3A_765 = arith.index_cast %scan3A_692 : i32 to index
        %get3A_766 = arith.constant 0 : index
        %get3A_767 = tpu.vector_load %arg8[%get3A_764, %get3A_765, %get3A_766] {strides = array<i32>} : memref<16x50x64xf32, #tpu.memory_space<vmem>>, vector<1x1x16xf32>,
        %get3A_768 = vector.shape_cast %get3A_767 : vector<1x1x16xf32> to vector<16xf32>
        %add3A_769 = arith.addf %get3A_768, %get3A_695 : vector<16xf32>
        %swap3A_770 = arith.constant 1 : i32
        %swap3A_771 = arith.index_cast %swap3A_770 : i32 to index
        %swap3A_772 = arith.index_cast %scan3A_692 : i32 to index
        %swap3A_773 = arith.constant 0 : index
        %swap3A_774 = tpu.vector_load %arg8[%swap3A_771, %swap3A_772, %swap3A_773] {strides = array<i32>} : memref<16x50x64xf32, #tpu.memory_space<vmem>>, vector<1x1x16xf32>,
        %swap3A_775 = vector.shape_cast %swap3A_774 : vector<1x1x16xf32> to vector<16xf32>
        %swap3A_776 = vector.shape_cast %add3A_769 : vector<16xf32> to vector<1x1x16xf32>
        tpu.vector_store %arg8[%swap3A_771, %swap3A_772, %swap3A_773], %swap3A_776 {strides = array<i32>} : memref<16x50x64xf32, #tpu.memory_space<vmem>>, vector<1x1x16xf32>,
        %get3A_777 = arith.constant 1 : i32
        %get3A_778 = arith.index_cast %get3A_777 : i32 to index
        %get3A_779 = arith.index_cast %scan3A_692 : i32 to index
        %get3A_780 = arith.constant 16 : index
        %get3A_781 = tpu.vector_load %arg8[%get3A_778, %get3A_779, %get3A_780] {strides = array<i32>} : memref<16x50x64xf32, #tpu.memory_space<vmem>>, vector<1x1x16xf32>,
        %get3A_782 = vector.shape_cast %get3A_781 : vector<1x1x16xf32> to vector<16xf32>
        %add3A_783 = arith.addf %get3A_782, %get3A_699 : vector<16xf32>
        %swap3A_784 = arith.constant 1 : i32
        %swap3A_785 = arith.index_cast %swap3A_784 : i32 to index
        %swap3A_786 = arith.index_cast %scan3A_692 : i32 to index
        %swap3A_787 = arith.constant 16 : index
        %swap3A_788 = tpu.vector_load %arg8[%swap3A_785, %swap3A_786, %swap3A_787] {strides = array<i32>} : memref<16x50x64xf32, #tpu.memory_space<vmem>>, vector<1x1x16xf32>,
        %swap3A_789 = vector.shape_cast %swap3A_788 : vector<1x1x16xf32> to vector<16xf32>
        %swap3A_790 = vector.shape_cast %add3A_783 : vector<16xf32> to vector<1x1x16xf32>
        tpu.vector_store %arg8[%swap3A_785, %swap3A_786, %swap3A_787], %swap3A_790 {strides = array<i32>} : memref<16x50x64xf32, #tpu.memory_space<vmem>>, vector<1x1x16xf32>,
        %get3A_791 = arith.constant 1 : i32
        %get3A_792 = arith.index_cast %get3A_791 : i32 to index
        %get3A_793 = arith.index_cast %scan3A_692 : i32 to index
        %get3A_794 = arith.constant 32 : index
        %get3A_795 = tpu.vector_load %arg8[%get3A_792, %get3A_793, %get3A_794] {strides = array<i32>} : memref<16x50x64xf32, #tpu.memory_space<vmem>>, vector<1x1x16xf32>,
        %get3A_796 = vector.shape_cast %get3A_795 : vector<1x1x16xf32> to vector<16xf32>
        %add3A_797 = arith.addf %get3A_796, %get3A_703 : vector<16xf32>
        %swap3A_798 = arith.constant 1 : i32
        %swap3A_799 = arith.index_cast %swap3A_798 : i32 to index
        %swap3A_800 = arith.index_cast %scan3A_692 : i32 to index
        %swap3A_801 = arith.constant 32 : index
        %swap3A_802 = tpu.vector_load %arg8[%swap3A_799, %swap3A_800, %swap3A_801] {strides = array<i32>} : memref<16x50x64xf32, #tpu.memory_space<vmem>>, vector<1x1x16xf32>,
        %swap3A_803 = vector.shape_cast %swap3A_802 : vector<1x1x16xf32> to vector<16xf32>
        %swap3A_804 = vector.shape_cast %add3A_797 : vector<16xf32> to vector<1x1x16xf32>
        tpu.vector_store %arg8[%swap3A_799, %swap3A_800, %swap3A_801], %swap3A_804 {strides = array<i32>} : memref<16x50x64xf32, #tpu.memory_space<vmem>>, vector<1x1x16xf32>,
        %get3A_805 = arith.constant 1 : i32
        %get3A_806 = arith.index_cast %get3A_805 : i32 to index
        %get3A_807 = arith.index_cast %scan3A_692 : i32 to index
        %get3A_808 = arith.constant 48 : index
        %get3A_809 = tpu.vector_load %arg8[%get3A_806, %get3A_807, %get3A_808] {strides = array<i32>} : memref<16x50x64xf32, #tpu.memory_space<vmem>>, vector<1x1x16xf32>,
        %get3A_810 = vector.shape_cast %get3A_809 : vector<1x1x16xf32> to vector<16xf32>
        %add3A_811 = arith.addf %get3A_810, %get3A_707 : vector<16xf32>
        %swap3A_812 = arith.constant 1 : i32
        %swap3A_813 = arith.index_cast %swap3A_812 : i32 to index
        %swap3A_814 = arith.index_cast %scan3A_692 : i32 to index
        %swap3A_815 = arith.constant 48 : index
        %swap3A_816 = tpu.vector_load %arg8[%swap3A_813, %swap3A_814, %swap3A_815] {strides = array<i32>} : memref<16x50x64xf32, #tpu.memory_space<vmem>>, vector<1x1x16xf32>,
        %swap3A_817 = vector.shape_cast %swap3A_816 : vector<1x1x16xf32> to vector<16xf32>
        %swap3A_818 = vector.shape_cast %add3A_811 : vector<16xf32> to vector<1x1x16xf32>
        tpu.vector_store %arg8[%swap3A_813, %swap3A_814, %swap3A_815], %swap3A_818 {strides = array<i32>} : memref<16x50x64xf32, #tpu.memory_space<vmem>>, vector<1x1x16xf32>,
        %get3A_819 = arith.constant 2 : i32
        %get3A_820 = arith.index_cast %get3A_819 : i32 to index
        %get3A_821 = arith.index_cast %scan3A_692 : i32 to index
        %get3A_822 = arith.constant 0 : index
        %get3A_823 = tpu.vector_load %arg8[%get3A_820, %get3A_821, %get3A_822] {strides = array<i32>} : memref<16x50x64xf32, #tpu.memory_space<vmem>>, vector<1x1x16xf32>,
        %get3A_824 = vector.shape_cast %get3A_823 : vector<1x1x16xf32> to vector<16xf32>
        %add3A_825 = arith.addf %get3A_824, %get3A_695 : vector<16xf32>
        %swap3A_826 = arith.constant 2 : i32
        %swap3A_827 = arith.index_cast %swap3A_826 : i32 to index
        %swap3A_828 = arith.index_cast %scan3A_692 : i32 to index
        %swap3A_829 = arith.constant 0 : index
        %swap3A_830 = tpu.vector_load %arg8[%swap3A_827, %swap3A_828, %swap3A_829] {strides = array<i32>} : memref<16x50x64xf32, #tpu.memory_space<vmem>>, vector<1x1x16xf32>,
        %swap3A_831 = vector.shape_cast %swap3A_830 : vector<1x1x16xf32> to vector<16xf32>
        %swap3A_832 = vector.shape_cast %add3A_825 : vector<16xf32> to vector<1x1x16xf32>
        tpu.vector_store %arg8[%swap3A_827, %swap3A_828, %swap3A_829], %swap3A_832 {strides = array<i32>} : memref<16x50x64xf32, #tpu.memory_space<vmem>>, vector<1x1x16xf32>,
        %get3A_833 = arith.constant 2 : i32
        %get3A_834 = arith.index_cast %get3A_833 : i32 to index
        %get3A_835 = arith.index_cast %scan3A_692 : i32 to index
        %get3A_836 = arith.constant 16 : index
        %get3A_837 = tpu.vector_load %arg8[%get3A_834, %get3A_835, %get3A_836] {strides = array<i32>} : memref<16x50x64xf32, #tpu.memory_space<vmem>>, vector<1x1x16xf32>,
        %get3A_838 = vector.shape_cast %get3A_837 : vector<1x1x16xf32> to vector<16xf32>
        %add3A_839 = arith.addf %get3A_838, %get3A_699 : vector<16xf32>
        %swap3A_840 = arith.constant 2 : i32
        %swap3A_841 = arith.index_cast %swap3A_840 : i32 to index
        %swap3A_842 = arith.index_cast %scan3A_692 : i32 to index
        %swap3A_843 = arith.constant 16 : index
        %swap3A_844 = tpu.vector_load %arg8[%swap3A_841, %swap3A_842, %swap3A_843] {strides = array<i32>} : memref<16x50x64xf32, #tpu.memory_space<vmem>>, vector<1x1x16xf32>,
        %swap3A_845 = vector.shape_cast %swap3A_844 : vector<1x1x16xf32> to vector<16xf32>
        %swap3A_846 = vector.shape_cast %add3A_839 : vector<16xf32> to vector<1x1x16xf32>
        tpu.vector_store %arg8[%swap3A_841, %swap3A_842, %swap3A_843], %swap3A_846 {strides = array<i32>} : memref<16x50x64xf32, #tpu.memory_space<vmem>>, vector<1x1x16xf32>,
        %get3A_847 = arith.constant 2 : i32
        %get3A_848 = arith.index_cast %get3A_847 : i32 to index
        %get3A_849 = arith.index_cast %scan3A_692 : i32 to index
        %get3A_850 = arith.constant 32 : index
        %get3A_851 = tpu.vector_load %arg8[%get3A_848, %get3A_849, %get3A_850] {strides = array<i32>} : memref<16x50x64xf32, #tpu.memory_space<vmem>>, vector<1x1x16xf32>,
        %get3A_852 = vector.shape_cast %get3A_851 : vector<1x1x16xf32> to vector<16xf32>
        %add3A_853 = arith.addf %get3A_852, %get3A_703 : vector<16xf32>
        %swap3A_854 = arith.constant 2 : i32
        %swap3A_855 = arith.index_cast %swap3A_854 : i32 to index
        %swap3A_856 = arith.index_cast %scan3A_692 : i32 to index
        %swap3A_857 = arith.constant 32 : index
        %swap3A_858 = tpu.vector_load %arg8[%swap3A_855, %swap3A_856, %swap3A_857] {strides = array<i32>} : memref<16x50x64xf32, #tpu.memory_space<vmem>>, vector<1x1x16xf32>,
        %swap3A_859 = vector.shape_cast %swap3A_858 : vector<1x1x16xf32> to vector<16xf32>
        %swap3A_860 = vector.shape_cast %add3A_853 : vector<16xf32> to vector<1x1x16xf32>
        tpu.vector_store %arg8[%swap3A_855, %swap3A_856, %swap3A_857], %swap3A_860 {strides = array<i32>} : memref<16x50x64xf32, #tpu.memory_space<vmem>>, vector<1x1x16xf32>,
        %get3A_861 = arith.constant 2 : i32
        %get3A_862 = arith.index_cast %get3A_861 : i32 to index
        %get3A_863 = arith.index_cast %scan3A_692 : i32 to index
        %get3A_864 = arith.constant 48 : index
        %get3A_865 = tpu.vector_load %arg8[%get3A_862, %get3A_863, %get3A_864] {strides = array<i32>} : memref<16x50x64xf32, #tpu.memory_space<vmem>>, vector<1x1x16xf32>,
        %get3A_866 = vector.shape_cast %get3A_865 : vector<1x1x16xf32> to vector<16xf32>
        %add3A_867 = arith.addf %get3A_866, %get3A_707 : vector<16xf32>
        %swap3A_868 = arith.constant 2 : i32
        %swap3A_869 = arith.index_cast %swap3A_868 : i32 to index
        %swap3A_870 = arith.index_cast %scan3A_692 : i32 to index
        %swap3A_871 = arith.constant 48 : index
        %swap3A_872 = tpu.vector_load %arg8[%swap3A_869, %swap3A_870, %swap3A_871] {strides = array<i32>} : memref<16x50x64xf32, #tpu.memory_space<vmem>>, vector<1x1x16xf32>,
        %swap3A_873 = vector.shape_cast %swap3A_872 : vector<1x1x16xf32> to vector<16xf32>
        %swap3A_874 = vector.shape_cast %add3A_867 : vector<16xf32> to vector<1x1x16xf32>
        tpu.vector_store %arg8[%swap3A_869, %swap3A_870, %swap3A_871], %swap3A_874 {strides = array<i32>} : memref<16x50x64xf32, #tpu.memory_space<vmem>>, vector<1x1x16xf32>,
        %get3A_875 = arith.constant 3 : i32
        %get3A_876 = arith.index_cast %get3A_875 : i32 to index
        %get3A_877 = arith.index_cast %scan3A_692 : i32 to index
        %get3A_878 = arith.constant 0 : index
        %get3A_879 = tpu.vector_load %arg8[%get3A_876, %get3A_877, %get3A_878] {strides = array<i32>} : memref<16x50x64xf32, #tpu.memory_space<vmem>>, vector<1x1x16xf32>,
        %get3A_880 = vector.shape_cast %get3A_879 : vector<1x1x16xf32> to vector<16xf32>
        %add3A_881 = arith.addf %get3A_880, %get3A_695 : vector<16xf32>
        %swap3A_882 = arith.constant 3 : i32
        %swap3A_883 = arith.index_cast %swap3A_882 : i32 to index
        %swap3A_884 = arith.index_cast %scan3A_692 : i32 to index
        %swap3A_885 = arith.constant 0 : index
        %swap3A_886 = tpu.vector_load %arg8[%swap3A_883, %swap3A_884, %swap3A_885] {strides = array<i32>} : memref<16x50x64xf32, #tpu.memory_space<vmem>>, vector<1x1x16xf32>,
        %swap3A_887 = vector.shape_cast %swap3A_886 : vector<1x1x16xf32> to vector<16xf32>
        %swap3A_888 = vector.shape_cast %add3A_881 : vector<16xf32> to vector<1x1x16xf32>
        tpu.vector_store %arg8[%swap3A_883, %swap3A_884, %swap3A_885], %swap3A_888 {strides = array<i32>} : memref<16x50x64xf32, #tpu.memory_space<vmem>>, vector<1x1x16xf32>,
        %get3A_889 = arith.constant 3 : i32
        %get3A_890 = arith.index_cast %get3A_889 : i32 to index
        %get3A_891 = arith.index_cast %scan3A_692 : i32 to index
        %get3A_892 = arith.constant 16 : index
        %get3A_893 = tpu.vector_load %arg8[%get3A_890, %get3A_891, %get3A_892] {strides = array<i32>} : memref<16x50x64xf32, #tpu.memory_space<vmem>>, vector<1x1x16xf32>,
        %get3A_894 = vector.shape_cast %get3A_893 : vector<1x1x16xf32> to vector<16xf32>
        %add3A_895 = arith.addf %get3A_894, %get3A_699 : vector<16xf32>
        %swap3A_896 = arith.constant 3 : i32
        %swap3A_897 = arith.index_cast %swap3A_896 : i32 to index
        %swap3A_898 = arith.index_cast %scan3A_692 : i32 to index
        %swap3A_899 = arith.constant 16 : index
        %swap3A_900 = tpu.vector_load %arg8[%swap3A_897, %swap3A_898, %swap3A_899] {strides = array<i32>} : memref<16x50x64xf32, #tpu.memory_space<vmem>>, vector<1x1x16xf32>,
        %swap3A_901 = vector.shape_cast %swap3A_900 : vector<1x1x16xf32> to vector<16xf32>
        %swap3A_902 = vector.shape_cast %add3A_895 : vector<16xf32> to vector<1x1x16xf32>
        tpu.vector_store %arg8[%swap3A_897, %swap3A_898, %swap3A_899], %swap3A_902 {strides = array<i32>} : memref<16x50x64xf32, #tpu.memory_space<vmem>>, vector<1x1x16xf32>,
        %get3A_903 = arith.constant 3 : i32
        %get3A_904 = arith.index_cast %get3A_903 : i32 to index
        %get3A_905 = arith.index_cast %scan3A_692 : i32 to index
        %get3A_906 = arith.constant 32 : index
        %get3A_907 = tpu.vector_load %arg8[%get3A_904, %get3A_905, %get3A_906] {strides = array<i32>} : memref<16x50x64xf32, #tpu.memory_space<vmem>>, vector<1x1x16xf32>,
        %get3A_908 = vector.shape_cast %get3A_907 : vector<1x1x16xf32> to vector<16xf32>
        %add3A_909 = arith.addf %get3A_908, %get3A_703 : vector<16xf32>
        %swap3A_910 = arith.constant 3 : i32
        %swap3A_911 = arith.index_cast %swap3A_910 : i32 to index
        %swap3A_912 = arith.index_cast %scan3A_692 : i32 to index
        %swap3A_913 = arith.constant 32 : index
        %swap3A_914 = tpu.vector_load %arg8[%swap3A_911, %swap3A_912, %swap3A_913] {strides = array<i32>} : memref<16x50x64xf32, #tpu.memory_space<vmem>>, vector<1x1x16xf32>,
        %swap3A_915 = vector.shape_cast %swap3A_914 : vector<1x1x16xf32> to vector<16xf32>
        %swap3A_916 = vector.shape_cast %add3A_909 : vector<16xf32> to vector<1x1x16xf32>
        tpu.vector_store %arg8[%swap3A_911, %swap3A_912, %swap3A_913], %swap3A_916 {strides = array<i32>} : memref<16x50x64xf32, #tpu.memory_space<vmem>>, vector<1x1x16xf32>,
        %get3A_917 = arith.constant 3 : i32
        %get3A_918 = arith.index_cast %get3A_917 : i32 to index
        %get3A_919 = arith.index_cast %scan3A_692 : i32 to index
        %get3A_920 = arith.constant 48 : index
        %get3A_921 = tpu.vector_load %arg8[%get3A_918, %get3A_919, %get3A_920] {strides = array<i32>} : memref<16x50x64xf32, #tpu.memory_space<vmem>>, vector<1x1x16xf32>,
        %get3A_922 = vector.shape_cast %get3A_921 : vector<1x1x16xf32> to vector<16xf32>
        %add3A_923 = arith.addf %get3A_922, %get3A_707 : vector<16xf32>
        %swap3A_924 = arith.constant 3 : i32
        %swap3A_925 = arith.index_cast %swap3A_924 : i32 to index
        %swap3A_926 = arith.index_cast %scan3A_692 : i32 to index
        %swap3A_927 = arith.constant 48 : index
        %swap3A_928 = tpu.vector_load %arg8[%swap3A_925, %swap3A_926, %swap3A_927] {strides = array<i32>} : memref<16x50x64xf32, #tpu.memory_space<vmem>>, vector<1x1x16xf32>,
        %swap3A_929 = vector.shape_cast %swap3A_928 : vector<1x1x16xf32> to vector<16xf32>
        %swap3A_930 = vector.shape_cast %add3A_923 : vector<16xf32> to vector<1x1x16xf32>
        tpu.vector_store %arg8[%swap3A_925, %swap3A_926, %swap3A_927], %swap3A_930 {strides = array<i32>} : memref<16x50x64xf32, #tpu.memory_space<vmem>>, vector<1x1x16xf32>,
        %get3A_931 = arith.constant 4 : i32
        %get3A_932 = arith.index_cast %get3A_931 : i32 to index
        %get3A_933 = arith.index_cast %scan3A_692 : i32 to index
        %get3A_934 = arith.constant 0 : index
        %get3A_935 = tpu.vector_load %arg8[%get3A_932, %get3A_933, %get3A_934] {strides = array<i32>} : memref<16x50x64xf32, #tpu.memory_space<vmem>>, vector<1x1x16xf32>,
        %get3A_936 = vector.shape_cast %get3A_935 : vector<1x1x16xf32> to vector<16xf32>
        %add3A_937 = arith.addf %get3A_936, %get3A_695 : vector<16xf32>
        %swap3A_938 = arith.constant 4 : i32
        %swap3A_939 = arith.index_cast %swap3A_938 : i32 to index
        %swap3A_940 = arith.index_cast %scan3A_692 : i32 to index
        %swap3A_941 = arith.constant 0 : index
        %swap3A_942 = tpu.vector_load %arg8[%swap3A_939, %swap3A_940, %swap3A_941] {strides = array<i32>} : memref<16x50x64xf32, #tpu.memory_space<vmem>>, vector<1x1x16xf32>,
        %swap3A_943 = vector.shape_cast %swap3A_942 : vector<1x1x16xf32> to vector<16xf32>
        %swap3A_944 = vector.shape_cast %add3A_937 : vector<16xf32> to vector<1x1x16xf32>
        tpu.vector_store %arg8[%swap3A_939, %swap3A_940, %swap3A_941], %swap3A_944 {strides = array<i32>} : memref<16x50x64xf32, #tpu.memory_space<vmem>>, vector<1x1x16xf32>,
        %get3A_945 = arith.constant 4 : i32
        %get3A_946 = arith.index_cast %get3A_945 : i32 to index
        %get3A_947 = arith.index_cast %scan3A_692 : i32 to index
        %get3A_948 = arith.constant 16 : index
        %get3A_949 = tpu.vector_load %arg8[%get3A_946, %get3A_947, %get3A_948] {strides = array<i32>} : memref<16x50x64xf32, #tpu.memory_space<vmem>>, vector<1x1x16xf32>,
        %get3A_950 = vector.shape_cast %get3A_949 : vector<1x1x16xf32> to vector<16xf32>
        %add3A_951 = arith.addf %get3A_950, %get3A_699 : vector<16xf32>
        %swap3A_952 = arith.constant 4 : i32
        %swap3A_953 = arith.index_cast %swap3A_952 : i32 to index
        %swap3A_954 = arith.index_cast %scan3A_692 : i32 to index
        %swap3A_955 = arith.constant 16 : index
        %swap3A_956 = tpu.vector_load %arg8[%swap3A_953, %swap3A_954, %swap3A_955] {strides = array<i32>} : memref<16x50x64xf32, #tpu.memory_space<vmem>>, vector<1x1x16xf32>,
        %swap3A_957 = vector.shape_cast %swap3A_956 : vector<1x1x16xf32> to vector<16xf32>
        %swap3A_958 = vector.shape_cast %add3A_951 : vector<16xf32> to vector<1x1x16xf32>
        tpu.vector_store %arg8[%swap3A_953, %swap3A_954, %swap3A_955], %swap3A_958 {strides = array<i32>} : memref<16x50x64xf32, #tpu.memory_space<vmem>>, vector<1x1x16xf32>,
        %get3A_959 = arith.constant 4 : i32
        %get3A_960 = arith.index_cast %get3A_959 : i32 to index
        %get3A_961 = arith.index_cast %scan3A_692 : i32 to index
        %get3A_962 = arith.constant 32 : index
        %get3A_963 = tpu.vector_load %arg8[%get3A_960, %get3A_961, %get3A_962] {strides = array<i32>} : memref<16x50x64xf32, #tpu.memory_space<vmem>>, vector<1x1x16xf32>,
        %get3A_964 = vector.shape_cast %get3A_963 : vector<1x1x16xf32> to vector<16xf32>
        %add3A_965 = arith.addf %get3A_964, %get3A_703 : vector<16xf32>
        %swap3A_966 = arith.constant 4 : i32
        %swap3A_967 = arith.index_cast %swap3A_966 : i32 to index
        %swap3A_968 = arith.index_cast %scan3A_692 : i32 to index
        %swap3A_969 = arith.constant 32 : index
        %swap3A_970 = tpu.vector_load %arg8[%swap3A_967, %swap3A_968, %swap3A_969] {strides = array<i32>} : memref<16x50x64xf32, #tpu.memory_space<vmem>>, vector<1x1x16xf32>,
        %swap3A_971 = vector.shape_cast %swap3A_970 : vector<1x1x16xf32> to vector<16xf32>
        %swap3A_972 = vector.shape_cast %add3A_965 : vector<16xf32> to vector<1x1x16xf32>
        tpu.vector_store %arg8[%swap3A_967, %swap3A_968, %swap3A_969], %swap3A_972 {strides = array<i32>} : memref<16x50x64xf32, #tpu.memory_space<vmem>>, vector<1x1x16xf32>,
        %get3A_973 = arith.constant 4 : i32
        %get3A_974 = arith.index_cast %get3A_973 : i32 to index
        %get3A_975 = arith.index_cast %scan3A_692 : i32 to index
        %get3A_976 = arith.constant 48 : index
        %get3A_977 = tpu.vector_load %arg8[%get3A_974, %get3A_975, %get3A_976] {strides = array<i32>} : memref<16x50x64xf32, #tpu.memory_space<vmem>>, vector<1x1x16xf32>,
        %get3A_978 = vector.shape_cast %get3A_977 : vector<1x1x16xf32> to vector<16xf32>
        %add3A_979 = arith.addf %get3A_978, %get3A_707 : vector<16xf32>
        %swap3A_980 = arith.constant 4 : i32
        %swap3A_981 = arith.index_cast %swap3A_980 : i32 to index
        %swap3A_982 = arith.index_cast %scan3A_692 : i32 to index
        %swap3A_983 = arith.constant 48 : index
        %swap3A_984 = tpu.vector_load %arg8[%swap3A_981, %swap3A_982, %swap3A_983] {strides = array<i32>} : memref<16x50x64xf32, #tpu.memory_space<vmem>>, vector<1x1x16xf32>,
        %swap3A_985 = vector.shape_cast %swap3A_984 : vector<1x1x16xf32> to vector<16xf32>
        %swap3A_986 = vector.shape_cast %add3A_979 : vector<16xf32> to vector<1x1x16xf32>
        tpu.vector_store %arg8[%swap3A_981, %swap3A_982, %swap3A_983], %swap3A_986 {strides = array<i32>} : memref<16x50x64xf32, #tpu.memory_space<vmem>>, vector<1x1x16xf32>,
        %get3A_987 = arith.constant 5 : i32
        %get3A_988 = arith.index_cast %get3A_987 : i32 to index
        %get3A_989 = arith.index_cast %scan3A_692 : i32 to index
        %get3A_990 = arith.constant 0 : index
        %get3A_991 = tpu.vector_load %arg8[%get3A_988, %get3A_989, %get3A_990] {strides = array<i32>} : memref<16x50x64xf32, #tpu.memory_space<vmem>>, vector<1x1x16xf32>,
        %get3A_992 = vector.shape_cast %get3A_991 : vector<1x1x16xf32> to vector<16xf32>
        %add3A_993 = arith.addf %get3A_992, %get3A_695 : vector<16xf32>
        %swap3A_994 = arith.constant 5 : i32
        %swap3A_995 = arith.index_cast %swap3A_994 : i32 to index
        %swap3A_996 = arith.index_cast %scan3A_692 : i32 to index
        %swap3A_997 = arith.constant 0 : index
        %swap3A_998 = tpu.vector_load %arg8[%swap3A_995, %swap3A_996, %swap3A_997] {strides = array<i32>} : memref<16x50x64xf32, #tpu.memory_space<vmem>>, vector<1x1x16xf32>,
        %swap3A_999 = vector.shape_cast %swap3A_998 : vector<1x1x16xf32> to vector<16xf32>
        %swap3A_1000 = vector.shape_cast %add3A_993 : vector<16xf32> to vector<1x1x16xf32>
        tpu.vector_store %arg8[%swap3A_995, %swap3A_996, %swap3A_997], %swap3A_1000 {strides = array<i32>} : memref<16x50x64xf32, #tpu.memory_space<vmem>>, vector<1x1x16xf32>,
        %get3A_1001 = arith.constant 5 : i32
        %get3A_1002 = arith.index_cast %get3A_1001 : i32 to index
        %get3A_1003 = arith.index_cast %scan3A_692 : i32 to index
        %get3A_1004 = arith.constant 16 : index
        %get3A_1005 = tpu.vector_load %arg8[%get3A_1002, %get3A_1003, %get3A_1004] {strides = array<i32>} : memref<16x50x64xf32, #tpu.memory_space<vmem>>, vector<1x1x16xf32>,
        %get3A_1006 = vector.shape_cast %get3A_1005 : vector<1x1x16xf32> to vector<16xf32>
        %add3A_1007 = arith.addf %get3A_1006, %get3A_699 : vector<16xf32>
        %swap3A_1008 = arith.constant 5 : i32
        %swap3A_1009 = arith.index_cast %swap3A_1008 : i32 to index
        %swap3A_1010 = arith.index_cast %scan3A_692 : i32 to index
        %swap3A_1011 = arith.constant 16 : index
        %swap3A_1012 = tpu.vector_load %arg8[%swap3A_1009, %swap3A_1010, %swap3A_1011] {strides = array<i32>} : memref<16x50x64xf32, #tpu.memory_space<vmem>>, vector<1x1x16xf32>,
        %swap3A_1013 = vector.shape_cast %swap3A_1012 : vector<1x1x16xf32> to vector<16xf32>
        %swap3A_1014 = vector.shape_cast %add3A_1007 : vector<16xf32> to vector<1x1x16xf32>
        tpu.vector_store %arg8[%swap3A_1009, %swap3A_1010, %swap3A_1011], %swap3A_1014 {strides = array<i32>} : memref<16x50x64xf32, #tpu.memory_space<vmem>>, vector<1x1x16xf32>,
        %get3A_1015 = arith.constant 5 : i32
        %get3A_1016 = arith.index_cast %get3A_1015 : i32 to index
        %get3A_1017 = arith.index_cast %scan3A_692 : i32 to index
        %get3A_1018 = arith.constant 32 : index
        %get3A_1019 = tpu.vector_load %arg8[%get3A_1016, %get3A_1017, %get3A_1018] {strides = array<i32>} : memref<16x50x64xf32, #tpu.memory_space<vmem>>, vector<1x1x16xf32>,
        %get3A_1020 = vector.shape_cast %get3A_1019 : vector<1x1x16xf32> to vector<16xf32>
        %add3A_1021 = arith.addf %get3A_1020, %get3A_703 : vector<16xf32>
        %swap3A_1022 = arith.constant 5 : i32
        %swap3A_1023 = arith.index_cast %swap3A_1022 : i32 to index
        %swap3A_1024 = arith.index_cast %scan3A_692 : i32 to index
        %swap3A_1025 = arith.constant 32 : index
        %swap3A_1026 = tpu.vector_load %arg8[%swap3A_1023, %swap3A_1024, %swap3A_1025] {strides = array<i32>} : memref<16x50x64xf32, #tpu.memory_space<vmem>>, vector<1x1x16xf32>,
        %swap3A_1027 = vector.shape_cast %swap3A_1026 : vector<1x1x16xf32> to vector<16xf32>
        %swap3A_1028 = vector.shape_cast %add3A_1021 : vector<16xf32> to vector<1x1x16xf32>
        tpu.vector_store %arg8[%swap3A_1023, %swap3A_1024, %swap3A_1025], %swap3A_1028 {strides = array<i32>} : memref<16x50x64xf32, #tpu.memory_space<vmem>>, vector<1x1x16xf32>,
        %get3A_1029 = arith.constant 5 : i32
        %get3A_1030 = arith.index_cast %get3A_1029 : i32 to index
        %get3A_1031 = arith.index_cast %scan3A_692 : i32 to index
        %get3A_1032 = arith.constant 48 : index
        %get3A_1033 = tpu.vector_load %arg8[%get3A_1030, %get3A_1031, %get3A_1032] {strides = array<i32>} : memref<16x50x64xf32, #tpu.memory_space<vmem>>, vector<1x1x16xf32>,
        %get3A_1034 = vector.shape_cast %get3A_1033 : vector<1x1x16xf32> to vector<16xf32>
        %add3A_1035 = arith.addf %get3A_1034, %get3A_707 : vector<16xf32>
        %swap3A_1036 = arith.constant 5 : i32
        %swap3A_1037 = arith.index_cast %swap3A_1036 : i32 to index
        %swap3A_1038 = arith.index_cast %scan3A_692 : i32 to index
        %swap3A_1039 = arith.constant 48 : index
        %swap3A_1040 = tpu.vector_load %arg8[%swap3A_1037, %swap3A_1038, %swap3A_1039] {strides = array<i32>} : memref<16x50x64xf32, #tpu.memory_space<vmem>>, vector<1x1x16xf32>,
        %swap3A_1041 = vector.shape_cast %swap3A_1040 : vector<1x1x16xf32> to vector<16xf32>
        %swap3A_1042 = vector.shape_cast %add3A_1035 : vector<16xf32> to vector<1x1x16xf32>
        tpu.vector_store %arg8[%swap3A_1037, %swap3A_1038, %swap3A_1039], %swap3A_1042 {strides = array<i32>} : memref<16x50x64xf32, #tpu.memory_space<vmem>>, vector<1x1x16xf32>,
        %get3A_1043 = arith.constant 6 : i32
        %get3A_1044 = arith.index_cast %get3A_1043 : i32 to index
        %get3A_1045 = arith.index_cast %scan3A_692 : i32 to index
        %get3A_1046 = arith.constant 0 : index
        %get3A_1047 = tpu.vector_load %arg8[%get3A_1044, %get3A_1045, %get3A_1046] {strides = array<i32>} : memref<16x50x64xf32, #tpu.memory_space<vmem>>, vector<1x1x16xf32>,
        %get3A_1048 = vector.shape_cast %get3A_1047 : vector<1x1x16xf32> to vector<16xf32>
        %add3A_1049 = arith.addf %get3A_1048, %get3A_695 : vector<16xf32>
        %swap3A_1050 = arith.constant 6 : i32
        %swap3A_1051 = arith.index_cast %swap3A_1050 : i32 to index
        %swap3A_1052 = arith.index_cast %scan3A_692 : i32 to index
        %swap3A_1053 = arith.constant 0 : index
        %swap3A_1054 = tpu.vector_load %arg8[%swap3A_1051, %swap3A_1052, %swap3A_1053] {strides = array<i32>} : memref<16x50x64xf32, #tpu.memory_space<vmem>>, vector<1x1x16xf32>,
        %swap3A_1055 = vector.shape_cast %swap3A_1054 : vector<1x1x16xf32> to vector<16xf32>
        %swap3A_1056 = vector.shape_cast %add3A_1049 : vector<16xf32> to vector<1x1x16xf32>
        tpu.vector_store %arg8[%swap3A_1051, %swap3A_1052, %swap3A_1053], %swap3A_1056 {strides = array<i32>} : memref<16x50x64xf32, #tpu.memory_space<vmem>>, vector<1x1x16xf32>,
        %get3A_1057 = arith.constant 6 : i32
        %get3A_1058 = arith.index_cast %get3A_1057 : i32 to index
        %get3A_1059 = arith.index_cast %scan3A_692 : i32 to index
        %get3A_1060 = arith.constant 16 : index
        %get3A_1061 = tpu.vector_load %arg8[%get3A_1058, %get3A_1059, %get3A_1060] {strides = array<i32>} : memref<16x50x64xf32, #tpu.memory_space<vmem>>, vector<1x1x16xf32>,
        %get3A_1062 = vector.shape_cast %get3A_1061 : vector<1x1x16xf32> to vector<16xf32>
        %add3A_1063 = arith.addf %get3A_1062, %get3A_699 : vector<16xf32>
        %swap3A_1064 = arith.constant 6 : i32
        %swap3A_1065 = arith.index_cast %swap3A_1064 : i32 to index
        %swap3A_1066 = arith.index_cast %scan3A_692 : i32 to index
        %swap3A_1067 = arith.constant 16 : index
        %swap3A_1068 = tpu.vector_load %arg8[%swap3A_1065, %swap3A_1066, %swap3A_1067] {strides = array<i32>} : memref<16x50x64xf32, #tpu.memory_space<vmem>>, vector<1x1x16xf32>,
        %swap3A_1069 = vector.shape_cast %swap3A_1068 : vector<1x1x16xf32> to vector<16xf32>
        %swap3A_1070 = vector.shape_cast %add3A_1063 : vector<16xf32> to vector<1x1x16xf32>
        tpu.vector_store %arg8[%swap3A_1065, %swap3A_1066, %swap3A_1067], %swap3A_1070 {strides = array<i32>} : memref<16x50x64xf32, #tpu.memory_space<vmem>>, vector<1x1x16xf32>,
        %get3A_1071 = arith.constant 6 : i32
        %get3A_1072 = arith.index_cast %get3A_1071 : i32 to index
        %get3A_1073 = arith.index_cast %scan3A_692 : i32 to index
        %get3A_1074 = arith.constant 32 : index
        %get3A_1075 = tpu.vector_load %arg8[%get3A_1072, %get3A_1073, %get3A_1074] {strides = array<i32>} : memref<16x50x64xf32, #tpu.memory_space<vmem>>, vector<1x1x16xf32>,
        %get3A_1076 = vector.shape_cast %get3A_1075 : vector<1x1x16xf32> to vector<16xf32>
        %add3A_1077 = arith.addf %get3A_1076, %get3A_703 : vector<16xf32>
        %swap3A_1078 = arith.constant 6 : i32
        %swap3A_1079 = arith.index_cast %swap3A_1078 : i32 to index
        %swap3A_1080 = arith.index_cast %scan3A_692 : i32 to index
        %swap3A_1081 = arith.constant 32 : index
        %swap3A_1082 = tpu.vector_load %arg8[%swap3A_1079, %swap3A_1080, %swap3A_1081] {strides = array<i32>} : memref<16x50x64xf32, #tpu.memory_space<vmem>>, vector<1x1x16xf32>,
        %swap3A_1083 = vector.shape_cast %swap3A_1082 : vector<1x1x16xf32> to vector<16xf32>
        %swap3A_1084 = vector.shape_cast %add3A_1077 : vector<16xf32> to vector<1x1x16xf32>
        tpu.vector_store %arg8[%swap3A_1079, %swap3A_1080, %swap3A_1081], %swap3A_1084 {strides = array<i32>} : memref<16x50x64xf32, #tpu.memory_space<vmem>>, vector<1x1x16xf32>,
        %get3A_1085 = arith.constant 6 : i32
        %get3A_1086 = arith.index_cast %get3A_1085 : i32 to index
        %get3A_1087 = arith.index_cast %scan3A_692 : i32 to index
        %get3A_1088 = arith.constant 48 : index
        %get3A_1089 = tpu.vector_load %arg8[%get3A_1086, %get3A_1087, %get3A_1088] {strides = array<i32>} : memref<16x50x64xf32, #tpu.memory_space<vmem>>, vector<1x1x16xf32>,
        %get3A_1090 = vector.shape_cast %get3A_1089 : vector<1x1x16xf32> to vector<16xf32>
        %add3A_1091 = arith.addf %get3A_1090, %get3A_707 : vector<16xf32>
        %swap3A_1092 = arith.constant 6 : i32
        %swap3A_1093 = arith.index_cast %swap3A_1092 : i32 to index
        %swap3A_1094 = arith.index_cast %scan3A_692 : i32 to index
        %swap3A_1095 = arith.constant 48 : index
        %swap3A_1096 = tpu.vector_load %arg8[%swap3A_1093, %swap3A_1094, %swap3A_1095] {strides = array<i32>} : memref<16x50x64xf32, #tpu.memory_space<vmem>>, vector<1x1x16xf32>,
        %swap3A_1097 = vector.shape_cast %swap3A_1096 : vector<1x1x16xf32> to vector<16xf32>
        %swap3A_1098 = vector.shape_cast %add3A_1091 : vector<16xf32> to vector<1x1x16xf32>
        tpu.vector_store %arg8[%swap3A_1093, %swap3A_1094, %swap3A_1095], %swap3A_1098 {strides = array<i32>} : memref<16x50x64xf32, #tpu.memory_space<vmem>>, vector<1x1x16xf32>,
        %get3A_1099 = arith.constant 7 : i32
        %get3A_1100 = arith.index_cast %get3A_1099 : i32 to index
        %get3A_1101 = arith.index_cast %scan3A_692 : i32 to index
        %get3A_1102 = arith.constant 0 : index
        %get3A_1103 = tpu.vector_load %arg8[%get3A_1100, %get3A_1101, %get3A_1102] {strides = array<i32>} : memref<16x50x64xf32, #tpu.memory_space<vmem>>, vector<1x1x16xf32>,
        %get3A_1104 = vector.shape_cast %get3A_1103 : vector<1x1x16xf32> to vector<16xf32>
        %add3A_1105 = arith.addf %get3A_1104, %get3A_695 : vector<16xf32>
        %swap3A_1106 = arith.constant 7 : i32
        %swap3A_1107 = arith.index_cast %swap3A_1106 : i32 to index
        %swap3A_1108 = arith.index_cast %scan3A_692 : i32 to index
        %swap3A_1109 = arith.constant 0 : index
        %swap3A_1110 = tpu.vector_load %arg8[%swap3A_1107, %swap3A_1108, %swap3A_1109] {strides = array<i32>} : memref<16x50x64xf32, #tpu.memory_space<vmem>>, vector<1x1x16xf32>,
        %swap3A_1111 = vector.shape_cast %swap3A_1110 : vector<1x1x16xf32> to vector<16xf32>
        %swap3A_1112 = vector.shape_cast %add3A_1105 : vector<16xf32> to vector<1x1x16xf32>
        tpu.vector_store %arg8[%swap3A_1107, %swap3A_1108, %swap3A_1109], %swap3A_1112 {strides = array<i32>} : memref<16x50x64xf32, #tpu.memory_space<vmem>>, vector<1x1x16xf32>,
        %get3A_1113 = arith.constant 7 : i32
        %get3A_1114 = arith.index_cast %get3A_1113 : i32 to index
        %get3A_1115 = arith.index_cast %scan3A_692 : i32 to index
        %get3A_1116 = arith.constant 16 : index
        %get3A_1117 = tpu.vector_load %arg8[%get3A_1114, %get3A_1115, %get3A_1116] {strides = array<i32>} : memref<16x50x64xf32, #tpu.memory_space<vmem>>, vector<1x1x16xf32>,
        %get3A_1118 = vector.shape_cast %get3A_1117 : vector<1x1x16xf32> to vector<16xf32>
        %add3A_1119 = arith.addf %get3A_1118, %get3A_699 : vector<16xf32>
        %swap3A_1120 = arith.constant 7 : i32
        %swap3A_1121 = arith.index_cast %swap3A_1120 : i32 to index
        %swap3A_1122 = arith.index_cast %scan3A_692 : i32 to index
        %swap3A_1123 = arith.constant 16 : index
        %swap3A_1124 = tpu.vector_load %arg8[%swap3A_1121, %swap3A_1122, %swap3A_1123] {strides = array<i32>} : memref<16x50x64xf32, #tpu.memory_space<vmem>>, vector<1x1x16xf32>,
        %swap3A_1125 = vector.shape_cast %swap3A_1124 : vector<1x1x16xf32> to vector<16xf32>
        %swap3A_1126 = vector.shape_cast %add3A_1119 : vector<16xf32> to vector<1x1x16xf32>
        tpu.vector_store %arg8[%swap3A_1121, %swap3A_1122, %swap3A_1123], %swap3A_1126 {strides = array<i32>} : memref<16x50x64xf32, #tpu.memory_space<vmem>>, vector<1x1x16xf32>,
        %get3A_1127 = arith.constant 7 : i32
        %get3A_1128 = arith.index_cast %get3A_1127 : i32 to index
        %get3A_1129 = arith.index_cast %scan3A_692 : i32 to index
        %get3A_1130 = arith.constant 32 : index
        %get3A_1131 = tpu.vector_load %arg8[%get3A_1128, %get3A_1129, %get3A_1130] {strides = array<i32>} : memref<16x50x64xf32, #tpu.memory_space<vmem>>, vector<1x1x16xf32>,
        %get3A_1132 = vector.shape_cast %get3A_1131 : vector<1x1x16xf32> to vector<16xf32>
        %add3A_1133 = arith.addf %get3A_1132, %get3A_703 : vector<16xf32>
        %swap3A_1134 = arith.constant 7 : i32
        %swap3A_1135 = arith.index_cast %swap3A_1134 : i32 to index
        %swap3A_1136 = arith.index_cast %scan3A_692 : i32 to index
        %swap3A_1137 = arith.constant 32 : index
        %swap3A_1138 = tpu.vector_load %arg8[%swap3A_1135, %swap3A_1136, %swap3A_1137] {strides = array<i32>} : memref<16x50x64xf32, #tpu.memory_space<vmem>>, vector<1x1x16xf32>,
        %swap3A_1139 = vector.shape_cast %swap3A_1138 : vector<1x1x16xf32> to vector<16xf32>
        %swap3A_1140 = vector.shape_cast %add3A_1133 : vector<16xf32> to vector<1x1x16xf32>
        tpu.vector_store %arg8[%swap3A_1135, %swap3A_1136, %swap3A_1137], %swap3A_1140 {strides = array<i32>} : memref<16x50x64xf32, #tpu.memory_space<vmem>>, vector<1x1x16xf32>,
        %get3A_1141 = arith.constant 7 : i32
        %get3A_1142 = arith.index_cast %get3A_1141 : i32 to index
        %get3A_1143 = arith.index_cast %scan3A_692 : i32 to index
        %get3A_1144 = arith.constant 48 : index
        %get3A_1145 = tpu.vector_load %arg8[%get3A_1142, %get3A_1143, %get3A_1144] {strides = array<i32>} : memref<16x50x64xf32, #tpu.memory_space<vmem>>, vector<1x1x16xf32>,
        %get3A_1146 = vector.shape_cast %get3A_1145 : vector<1x1x16xf32> to vector<16xf32>
        %add3A_1147 = arith.addf %get3A_1146, %get3A_707 : vector<16xf32>
        %swap3A_1148 = arith.constant 7 : i32
        %swap3A_1149 = arith.index_cast %swap3A_1148 : i32 to index
        %swap3A_1150 = arith.index_cast %scan3A_692 : i32 to index
        %swap3A_1151 = arith.constant 48 : index
        %swap3A_1152 = tpu.vector_load %arg8[%swap3A_1149, %swap3A_1150, %swap3A_1151] {strides = array<i32>} : memref<16x50x64xf32, #tpu.memory_space<vmem>>, vector<1x1x16xf32>,
        %swap3A_1153 = vector.shape_cast %swap3A_1152 : vector<1x1x16xf32> to vector<16xf32>
        %swap3A_1154 = vector.shape_cast %add3A_1147 : vector<16xf32> to vector<1x1x16xf32>
        tpu.vector_store %arg8[%swap3A_1149, %swap3A_1150, %swap3A_1151], %swap3A_1154 {strides = array<i32>} : memref<16x50x64xf32, #tpu.memory_space<vmem>>, vector<1x1x16xf32>,
        %get3A_1155 = arith.constant 8 : i32
        %get3A_1156 = arith.index_cast %get3A_1155 : i32 to index
        %get3A_1157 = arith.index_cast %scan3A_692 : i32 to index
        %get3A_1158 = arith.constant 0 : index
        %get3A_1159 = tpu.vector_load %arg8[%get3A_1156, %get3A_1157, %get3A_1158] {strides = array<i32>} : memref<16x50x64xf32, #tpu.memory_space<vmem>>, vector<1x1x16xf32>,
        %get3A_1160 = vector.shape_cast %get3A_1159 : vector<1x1x16xf32> to vector<16xf32>
        %add3A_1161 = arith.addf %get3A_1160, %get3A_695 : vector<16xf32>
        %swap3A_1162 = arith.constant 8 : i32
        %swap3A_1163 = arith.index_cast %swap3A_1162 : i32 to index
        %swap3A_1164 = arith.index_cast %scan3A_692 : i32 to index
        %swap3A_1165 = arith.constant 0 : index
        %swap3A_1166 = tpu.vector_load %arg8[%swap3A_1163, %swap3A_1164, %swap3A_1165] {strides = array<i32>} : memref<16x50x64xf32, #tpu.memory_space<vmem>>, vector<1x1x16xf32>,
        %swap3A_1167 = vector.shape_cast %swap3A_1166 : vector<1x1x16xf32> to vector<16xf32>
        %swap3A_1168 = vector.shape_cast %add3A_1161 : vector<16xf32> to vector<1x1x16xf32>
        tpu.vector_store %arg8[%swap3A_1163, %swap3A_1164, %swap3A_1165], %swap3A_1168 {strides = array<i32>} : memref<16x50x64xf32, #tpu.memory_space<vmem>>, vector<1x1x16xf32>,
        %get3A_1169 = arith.constant 8 : i32
        %get3A_1170 = arith.index_cast %get3A_1169 : i32 to index
        %get3A_1171 = arith.index_cast %scan3A_692 : i32 to index
        %get3A_1172 = arith.constant 16 : index
        %get3A_1173 = tpu.vector_load %arg8[%get3A_1170, %get3A_1171, %get3A_1172] {strides = array<i32>} : memref<16x50x64xf32, #tpu.memory_space<vmem>>, vector<1x1x16xf32>,
        %get3A_1174 = vector.shape_cast %get3A_1173 : vector<1x1x16xf32> to vector<16xf32>
        %add3A_1175 = arith.addf %get3A_1174, %get3A_699 : vector<16xf32>
        %swap3A_1176 = arith.constant 8 : i32
        %swap3A_1177 = arith.index_cast %swap3A_1176 : i32 to index
        %swap3A_1178 = arith.index_cast %scan3A_692 : i32 to index
        %swap3A_1179 = arith.constant 16 : index
        %swap3A_1180 = tpu.vector_load %arg8[%swap3A_1177, %swap3A_1178, %swap3A_1179] {strides = array<i32>} : memref<16x50x64xf32, #tpu.memory_space<vmem>>, vector<1x1x16xf32>,
        %swap3A_1181 = vector.shape_cast %swap3A_1180 : vector<1x1x16xf32> to vector<16xf32>
        %swap3A_1182 = vector.shape_cast %add3A_1175 : vector<16xf32> to vector<1x1x16xf32>
        tpu.vector_store %arg8[%swap3A_1177, %swap3A_1178, %swap3A_1179], %swap3A_1182 {strides = array<i32>} : memref<16x50x64xf32, #tpu.memory_space<vmem>>, vector<1x1x16xf32>,
        %get3A_1183 = arith.constant 8 : i32
        %get3A_1184 = arith.index_cast %get3A_1183 : i32 to index
        %get3A_1185 = arith.index_cast %scan3A_692 : i32 to index
        %get3A_1186 = arith.constant 32 : index
        %get3A_1187 = tpu.vector_load %arg8[%get3A_1184, %get3A_1185, %get3A_1186] {strides = array<i32>} : memref<16x50x64xf32, #tpu.memory_space<vmem>>, vector<1x1x16xf32>,
        %get3A_1188 = vector.shape_cast %get3A_1187 : vector<1x1x16xf32> to vector<16xf32>
        %add3A_1189 = arith.addf %get3A_1188, %get3A_703 : vector<16xf32>
        %swap3A_1190 = arith.constant 8 : i32
        %swap3A_1191 = arith.index_cast %swap3A_1190 : i32 to index
        %swap3A_1192 = arith.index_cast %scan3A_692 : i32 to index
        %swap3A_1193 = arith.constant 32 : index
        %swap3A_1194 = tpu.vector_load %arg8[%swap3A_1191, %swap3A_1192, %swap3A_1193] {strides = array<i32>} : memref<16x50x64xf32, #tpu.memory_space<vmem>>, vector<1x1x16xf32>,
        %swap3A_1195 = vector.shape_cast %swap3A_1194 : vector<1x1x16xf32> to vector<16xf32>
        %swap3A_1196 = vector.shape_cast %add3A_1189 : vector<16xf32> to vector<1x1x16xf32>
        tpu.vector_store %arg8[%swap3A_1191, %swap3A_1192, %swap3A_1193], %swap3A_1196 {strides = array<i32>} : memref<16x50x64xf32, #tpu.memory_space<vmem>>, vector<1x1x16xf32>,
        %get3A_1197 = arith.constant 8 : i32
        %get3A_1198 = arith.index_cast %get3A_1197 : i32 to index
        %get3A_1199 = arith.index_cast %scan3A_692 : i32 to index
        %get3A_1200 = arith.constant 48 : index
        %get3A_1201 = tpu.vector_load %arg8[%get3A_1198, %get3A_1199, %get3A_1200] {strides = array<i32>} : memref<16x50x64xf32, #tpu.memory_space<vmem>>, vector<1x1x16xf32>,
        %get3A_1202 = vector.shape_cast %get3A_1201 : vector<1x1x16xf32> to vector<16xf32>
        %add3A_1203 = arith.addf %get3A_1202, %get3A_707 : vector<16xf32>
        %swap3A_1204 = arith.constant 8 : i32
        %swap3A_1205 = arith.index_cast %swap3A_1204 : i32 to index
        %swap3A_1206 = arith.index_cast %scan3A_692 : i32 to index
        %swap3A_1207 = arith.constant 48 : index
        %swap3A_1208 = tpu.vector_load %arg8[%swap3A_1205, %swap3A_1206, %swap3A_1207] {strides = array<i32>} : memref<16x50x64xf32, #tpu.memory_space<vmem>>, vector<1x1x16xf32>,
        %swap3A_1209 = vector.shape_cast %swap3A_1208 : vector<1x1x16xf32> to vector<16xf32>
        %swap3A_1210 = vector.shape_cast %add3A_1203 : vector<16xf32> to vector<1x1x16xf32>
        tpu.vector_store %arg8[%swap3A_1205, %swap3A_1206, %swap3A_1207], %swap3A_1210 {strides = array<i32>} : memref<16x50x64xf32, #tpu.memory_space<vmem>>, vector<1x1x16xf32>,
        %get3A_1211 = arith.constant 9 : i32
        %get3A_1212 = arith.index_cast %get3A_1211 : i32 to index
        %get3A_1213 = arith.index_cast %scan3A_692 : i32 to index
        %get3A_1214 = arith.constant 0 : index
        %get3A_1215 = tpu.vector_load %arg8[%get3A_1212, %get3A_1213, %get3A_1214] {strides = array<i32>} : memref<16x50x64xf32, #tpu.memory_space<vmem>>, vector<1x1x16xf32>,
        %get3A_1216 = vector.shape_cast %get3A_1215 : vector<1x1x16xf32> to vector<16xf32>
        %add3A_1217 = arith.addf %get3A_1216, %get3A_695 : vector<16xf32>
        %swap3A_1218 = arith.constant 9 : i32
        %swap3A_1219 = arith.index_cast %swap3A_1218 : i32 to index
        %swap3A_1220 = arith.index_cast %scan3A_692 : i32 to index
        %swap3A_1221 = arith.constant 0 : index
        %swap3A_1222 = tpu.vector_load %arg8[%swap3A_1219, %swap3A_1220, %swap3A_1221] {strides = array<i32>} : memref<16x50x64xf32, #tpu.memory_space<vmem>>, vector<1x1x16xf32>,
        %swap3A_1223 = vector.shape_cast %swap3A_1222 : vector<1x1x16xf32> to vector<16xf32>
        %swap3A_1224 = vector.shape_cast %add3A_1217 : vector<16xf32> to vector<1x1x16xf32>
        tpu.vector_store %arg8[%swap3A_1219, %swap3A_1220, %swap3A_1221], %swap3A_1224 {strides = array<i32>} : memref<16x50x64xf32, #tpu.memory_space<vmem>>, vector<1x1x16xf32>,
        %get3A_1225 = arith.constant 9 : i32
        %get3A_1226 = arith.index_cast %get3A_1225 : i32 to index
        %get3A_1227 = arith.index_cast %scan3A_692 : i32 to index
        %get3A_1228 = arith.constant 16 : index
        %get3A_1229 = tpu.vector_load %arg8[%get3A_1226, %get3A_1227, %get3A_1228] {strides = array<i32>} : memref<16x50x64xf32, #tpu.memory_space<vmem>>, vector<1x1x16xf32>,
        %get3A_1230 = vector.shape_cast %get3A_1229 : vector<1x1x16xf32> to vector<16xf32>
        %add3A_1231 = arith.addf %get3A_1230, %get3A_699 : vector<16xf32>
        %swap3A_1232 = arith.constant 9 : i32
        %swap3A_1233 = arith.index_cast %swap3A_1232 : i32 to index
        %swap3A_1234 = arith.index_cast %scan3A_692 : i32 to index
        %swap3A_1235 = arith.constant 16 : index
        %swap3A_1236 = tpu.vector_load %arg8[%swap3A_1233, %swap3A_1234, %swap3A_1235] {strides = array<i32>} : memref<16x50x64xf32, #tpu.memory_space<vmem>>, vector<1x1x16xf32>,
        %swap3A_1237 = vector.shape_cast %swap3A_1236 : vector<1x1x16xf32> to vector<16xf32>
        %swap3A_1238 = vector.shape_cast %add3A_1231 : vector<16xf32> to vector<1x1x16xf32>
        tpu.vector_store %arg8[%swap3A_1233, %swap3A_1234, %swap3A_1235], %swap3A_1238 {strides = array<i32>} : memref<16x50x64xf32, #tpu.memory_space<vmem>>, vector<1x1x16xf32>,
        %get3A_1239 = arith.constant 9 : i32
        %get3A_1240 = arith.index_cast %get3A_1239 : i32 to index
        %get3A_1241 = arith.index_cast %scan3A_692 : i32 to index
        %get3A_1242 = arith.constant 32 : index
        %get3A_1243 = tpu.vector_load %arg8[%get3A_1240, %get3A_1241, %get3A_1242] {strides = array<i32>} : memref<16x50x64xf32, #tpu.memory_space<vmem>>, vector<1x1x16xf32>,
        %get3A_1244 = vector.shape_cast %get3A_1243 : vector<1x1x16xf32> to vector<16xf32>
        %add3A_1245 = arith.addf %get3A_1244, %get3A_703 : vector<16xf32>
        %swap3A_1246 = arith.constant 9 : i32
        %swap3A_1247 = arith.index_cast %swap3A_1246 : i32 to index
        %swap3A_1248 = arith.index_cast %scan3A_692 : i32 to index
        %swap3A_1249 = arith.constant 32 : index
        %swap3A_1250 = tpu.vector_load %arg8[%swap3A_1247, %swap3A_1248, %swap3A_1249] {strides = array<i32>} : memref<16x50x64xf32, #tpu.memory_space<vmem>>, vector<1x1x16xf32>,
        %swap3A_1251 = vector.shape_cast %swap3A_1250 : vector<1x1x16xf32> to vector<16xf32>
        %swap3A_1252 = vector.shape_cast %add3A_1245 : vector<16xf32> to vector<1x1x16xf32>
        tpu.vector_store %arg8[%swap3A_1247, %swap3A_1248, %swap3A_1249], %swap3A_1252 {strides = array<i32>} : memref<16x50x64xf32, #tpu.memory_space<vmem>>, vector<1x1x16xf32>,
        %get3A_1253 = arith.constant 9 : i32
        %get3A_1254 = arith.index_cast %get3A_1253 : i32 to index
        %get3A_1255 = arith.index_cast %scan3A_692 : i32 to index
        %get3A_1256 = arith.constant 48 : index
        %get3A_1257 = tpu.vector_load %arg8[%get3A_1254, %get3A_1255, %get3A_1256] {strides = array<i32>} : memref<16x50x64xf32, #tpu.memory_space<vmem>>, vector<1x1x16xf32>,
        %get3A_1258 = vector.shape_cast %get3A_1257 : vector<1x1x16xf32> to vector<16xf32>
        %add3A_1259 = arith.addf %get3A_1258, %get3A_707 : vector<16xf32>
        %swap3A_1260 = arith.constant 9 : i32
        %swap3A_1261 = arith.index_cast %swap3A_1260 : i32 to index
        %swap3A_1262 = arith.index_cast %scan3A_692 : i32 to index
        %swap3A_1263 = arith.constant 48 : index
        %swap3A_1264 = tpu.vector_load %arg8[%swap3A_1261, %swap3A_1262, %swap3A_1263] {strides = array<i32>} : memref<16x50x64xf32, #tpu.memory_space<vmem>>, vector<1x1x16xf32>,
        %swap3A_1265 = vector.shape_cast %swap3A_1264 : vector<1x1x16xf32> to vector<16xf32>
        %swap3A_1266 = vector.shape_cast %add3A_1259 : vector<16xf32> to vector<1x1x16xf32>
        tpu.vector_store %arg8[%swap3A_1261, %swap3A_1262, %swap3A_1263], %swap3A_1266 {strides = array<i32>} : memref<16x50x64xf32, #tpu.memory_space<vmem>>, vector<1x1x16xf32>,
        %get3A_1267 = arith.constant 10 : i32
        %get3A_1268 = arith.index_cast %get3A_1267 : i32 to index
        %get3A_1269 = arith.index_cast %scan3A_692 : i32 to index
        %get3A_1270 = arith.constant 0 : index
        %get3A_1271 = tpu.vector_load %arg8[%get3A_1268, %get3A_1269, %get3A_1270] {strides = array<i32>} : memref<16x50x64xf32, #tpu.memory_space<vmem>>, vector<1x1x16xf32>,
        %get3A_1272 = vector.shape_cast %get3A_1271 : vector<1x1x16xf32> to vector<16xf32>
        %add3A_1273 = arith.addf %get3A_1272, %get3A_695 : vector<16xf32>
        %swap3A_1274 = arith.constant 10 : i32
        %swap3A_1275 = arith.index_cast %swap3A_1274 : i32 to index
        %swap3A_1276 = arith.index_cast %scan3A_692 : i32 to index
        %swap3A_1277 = arith.constant 0 : index
        %swap3A_1278 = tpu.vector_load %arg8[%swap3A_1275, %swap3A_1276, %swap3A_1277] {strides = array<i32>} : memref<16x50x64xf32, #tpu.memory_space<vmem>>, vector<1x1x16xf32>,
        %swap3A_1279 = vector.shape_cast %swap3A_1278 : vector<1x1x16xf32> to vector<16xf32>
        %swap3A_1280 = vector.shape_cast %add3A_1273 : vector<16xf32> to vector<1x1x16xf32>
        tpu.vector_store %arg8[%swap3A_1275, %swap3A_1276, %swap3A_1277], %swap3A_1280 {strides = array<i32>} : memref<16x50x64xf32, #tpu.memory_space<vmem>>, vector<1x1x16xf32>,
        %get3A_1281 = arith.constant 10 : i32
        %get3A_1282 = arith.index_cast %get3A_1281 : i32 to index
        %get3A_1283 = arith.index_cast %scan3A_692 : i32 to index
        %get3A_1284 = arith.constant 16 : index
        %get3A_1285 = tpu.vector_load %arg8[%get3A_1282, %get3A_1283, %get3A_1284] {strides = array<i32>} : memref<16x50x64xf32, #tpu.memory_space<vmem>>, vector<1x1x16xf32>,
        %get3A_1286 = vector.shape_cast %get3A_1285 : vector<1x1x16xf32> to vector<16xf32>
        %add3A_1287 = arith.addf %get3A_1286, %get3A_699 : vector<16xf32>
        %swap3A_1288 = arith.constant 10 : i32
        %swap3A_1289 = arith.index_cast %swap3A_1288 : i32 to index
        %swap3A_1290 = arith.index_cast %scan3A_692 : i32 to index
        %swap3A_1291 = arith.constant 16 : index
        %swap3A_1292 = tpu.vector_load %arg8[%swap3A_1289, %swap3A_1290, %swap3A_1291] {strides = array<i32>} : memref<16x50x64xf32, #tpu.memory_space<vmem>>, vector<1x1x16xf32>,
        %swap3A_1293 = vector.shape_cast %swap3A_1292 : vector<1x1x16xf32> to vector<16xf32>
        %swap3A_1294 = vector.shape_cast %add3A_1287 : vector<16xf32> to vector<1x1x16xf32>
        tpu.vector_store %arg8[%swap3A_1289, %swap3A_1290, %swap3A_1291], %swap3A_1294 {strides = array<i32>} : memref<16x50x64xf32, #tpu.memory_space<vmem>>, vector<1x1x16xf32>,
        %get3A_1295 = arith.constant 10 : i32
        %get3A_1296 = arith.index_cast %get3A_1295 : i32 to index
        %get3A_1297 = arith.index_cast %scan3A_692 : i32 to index
        %get3A_1298 = arith.constant 32 : index
        %get3A_1299 = tpu.vector_load %arg8[%get3A_1296, %get3A_1297, %get3A_1298] {strides = array<i32>} : memref<16x50x64xf32, #tpu.memory_space<vmem>>, vector<1x1x16xf32>,
        %get3A_1300 = vector.shape_cast %get3A_1299 : vector<1x1x16xf32> to vector<16xf32>
        %add3A_1301 = arith.addf %get3A_1300, %get3A_703 : vector<16xf32>
        %swap3A_1302 = arith.constant 10 : i32
        %swap3A_1303 = arith.index_cast %swap3A_1302 : i32 to index
        %swap3A_1304 = arith.index_cast %scan3A_692 : i32 to index
        %swap3A_1305 = arith.constant 32 : index
        %swap3A_1306 = tpu.vector_load %arg8[%swap3A_1303, %swap3A_1304, %swap3A_1305] {strides = array<i32>} : memref<16x50x64xf32, #tpu.memory_space<vmem>>, vector<1x1x16xf32>,
        %swap3A_1307 = vector.shape_cast %swap3A_1306 : vector<1x1x16xf32> to vector<16xf32>
        %swap3A_1308 = vector.shape_cast %add3A_1301 : vector<16xf32> to vector<1x1x16xf32>
        tpu.vector_store %arg8[%swap3A_1303, %swap3A_1304, %swap3A_1305], %swap3A_1308 {strides = array<i32>} : memref<16x50x64xf32, #tpu.memory_space<vmem>>, vector<1x1x16xf32>,
        %get3A_1309 = arith.constant 10 : i32
        %get3A_1310 = arith.index_cast %get3A_1309 : i32 to index
        %get3A_1311 = arith.index_cast %scan3A_692 : i32 to index
        %get3A_1312 = arith.constant 48 : index
        %get3A_1313 = tpu.vector_load %arg8[%get3A_1310, %get3A_1311, %get3A_1312] {strides = array<i32>} : memref<16x50x64xf32, #tpu.memory_space<vmem>>, vector<1x1x16xf32>,
        %get3A_1314 = vector.shape_cast %get3A_1313 : vector<1x1x16xf32> to vector<16xf32>
        %add3A_1315 = arith.addf %get3A_1314, %get3A_707 : vector<16xf32>
        %swap3A_1316 = arith.constant 10 : i32
        %swap3A_1317 = arith.index_cast %swap3A_1316 : i32 to index
        %swap3A_1318 = arith.index_cast %scan3A_692 : i32 to index
        %swap3A_1319 = arith.constant 48 : index
        %swap3A_1320 = tpu.vector_load %arg8[%swap3A_1317, %swap3A_1318, %swap3A_1319] {strides = array<i32>} : memref<16x50x64xf32, #tpu.memory_space<vmem>>, vector<1x1x16xf32>,
        %swap3A_1321 = vector.shape_cast %swap3A_1320 : vector<1x1x16xf32> to vector<16xf32>
        %swap3A_1322 = vector.shape_cast %add3A_1315 : vector<16xf32> to vector<1x1x16xf32>
        tpu.vector_store %arg8[%swap3A_1317, %swap3A_1318, %swap3A_1319], %swap3A_1322 {strides = array<i32>} : memref<16x50x64xf32, #tpu.memory_space<vmem>>, vector<1x1x16xf32>,
        %get3A_1323 = arith.constant 11 : i32
        %get3A_1324 = arith.index_cast %get3A_1323 : i32 to index
        %get3A_1325 = arith.index_cast %scan3A_692 : i32 to index
        %get3A_1326 = arith.constant 0 : index
        %get3A_1327 = tpu.vector_load %arg8[%get3A_1324, %get3A_1325, %get3A_1326] {strides = array<i32>} : memref<16x50x64xf32, #tpu.memory_space<vmem>>, vector<1x1x16xf32>,
        %get3A_1328 = vector.shape_cast %get3A_1327 : vector<1x1x16xf32> to vector<16xf32>
        %add3A_1329 = arith.addf %get3A_1328, %get3A_695 : vector<16xf32>
        %swap3A_1330 = arith.constant 11 : i32
        %swap3A_1331 = arith.index_cast %swap3A_1330 : i32 to index
        %swap3A_1332 = arith.index_cast %scan3A_692 : i32 to index
        %swap3A_1333 = arith.constant 0 : index
        %swap3A_1334 = tpu.vector_load %arg8[%swap3A_1331, %swap3A_1332, %swap3A_1333] {strides = array<i32>} : memref<16x50x64xf32, #tpu.memory_space<vmem>>, vector<1x1x16xf32>,
        %swap3A_1335 = vector.shape_cast %swap3A_1334 : vector<1x1x16xf32> to vector<16xf32>
        %swap3A_1336 = vector.shape_cast %add3A_1329 : vector<16xf32> to vector<1x1x16xf32>
        tpu.vector_store %arg8[%swap3A_1331, %swap3A_1332, %swap3A_1333], %swap3A_1336 {strides = array<i32>} : memref<16x50x64xf32, #tpu.memory_space<vmem>>, vector<1x1x16xf32>,
        %get3A_1337 = arith.constant 11 : i32
        %get3A_1338 = arith.index_cast %get3A_1337 : i32 to index
        %get3A_1339 = arith.index_cast %scan3A_692 : i32 to index
        %get3A_1340 = arith.constant 16 : index
        %get3A_1341 = tpu.vector_load %arg8[%get3A_1338, %get3A_1339, %get3A_1340] {strides = array<i32>} : memref<16x50x64xf32, #tpu.memory_space<vmem>>, vector<1x1x16xf32>,
        %get3A_1342 = vector.shape_cast %get3A_1341 : vector<1x1x16xf32> to vector<16xf32>
        %add3A_1343 = arith.addf %get3A_1342, %get3A_699 : vector<16xf32>
        %swap3A_1344 = arith.constant 11 : i32
        %swap3A_1345 = arith.index_cast %swap3A_1344 : i32 to index
        %swap3A_1346 = arith.index_cast %scan3A_692 : i32 to index
        %swap3A_1347 = arith.constant 16 : index
        %swap3A_1348 = tpu.vector_load %arg8[%swap3A_1345, %swap3A_1346, %swap3A_1347] {strides = array<i32>} : memref<16x50x64xf32, #tpu.memory_space<vmem>>, vector<1x1x16xf32>,
        %swap3A_1349 = vector.shape_cast %swap3A_1348 : vector<1x1x16xf32> to vector<16xf32>
        %swap3A_1350 = vector.shape_cast %add3A_1343 : vector<16xf32> to vector<1x1x16xf32>
        tpu.vector_store %arg8[%swap3A_1345, %swap3A_1346, %swap3A_1347], %swap3A_1350 {strides = array<i32>} : memref<16x50x64xf32, #tpu.memory_space<vmem>>, vector<1x1x16xf32>,
        %get3A_1351 = arith.constant 11 : i32
        %get3A_1352 = arith.index_cast %get3A_1351 : i32 to index
        %get3A_1353 = arith.index_cast %scan3A_692 : i32 to index
        %get3A_1354 = arith.constant 32 : index
        %get3A_1355 = tpu.vector_load %arg8[%get3A_1352, %get3A_1353, %get3A_1354] {strides = array<i32>} : memref<16x50x64xf32, #tpu.memory_space<vmem>>, vector<1x1x16xf32>,
        %get3A_1356 = vector.shape_cast %get3A_1355 : vector<1x1x16xf32> to vector<16xf32>
        %add3A_1357 = arith.addf %get3A_1356, %get3A_703 : vector<16xf32>
        %swap3A_1358 = arith.constant 11 : i32
        %swap3A_1359 = arith.index_cast %swap3A_1358 : i32 to index
        %swap3A_1360 = arith.index_cast %scan3A_692 : i32 to index
        %swap3A_1361 = arith.constant 32 : index
        %swap3A_1362 = tpu.vector_load %arg8[%swap3A_1359, %swap3A_1360, %swap3A_1361] {strides = array<i32>} : memref<16x50x64xf32, #tpu.memory_space<vmem>>, vector<1x1x16xf32>,
        %swap3A_1363 = vector.shape_cast %swap3A_1362 : vector<1x1x16xf32> to vector<16xf32>
        %swap3A_1364 = vector.shape_cast %add3A_1357 : vector<16xf32> to vector<1x1x16xf32>
        tpu.vector_store %arg8[%swap3A_1359, %swap3A_1360, %swap3A_1361], %swap3A_1364 {strides = array<i32>} : memref<16x50x64xf32, #tpu.memory_space<vmem>>, vector<1x1x16xf32>,
        %get3A_1365 = arith.constant 11 : i32
        %get3A_1366 = arith.index_cast %get3A_1365 : i32 to index
        %get3A_1367 = arith.index_cast %scan3A_692 : i32 to index
        %get3A_1368 = arith.constant 48 : index
        %get3A_1369 = tpu.vector_load %arg8[%get3A_1366, %get3A_1367, %get3A_1368] {strides = array<i32>} : memref<16x50x64xf32, #tpu.memory_space<vmem>>, vector<1x1x16xf32>,
        %get3A_1370 = vector.shape_cast %get3A_1369 : vector<1x1x16xf32> to vector<16xf32>
        %add3A_1371 = arith.addf %get3A_1370, %get3A_707 : vector<16xf32>
        %swap3A_1372 = arith.constant 11 : i32
        %swap3A_1373 = arith.index_cast %swap3A_1372 : i32 to index
        %swap3A_1374 = arith.index_cast %scan3A_692 : i32 to index
        %swap3A_1375 = arith.constant 48 : index
        %swap3A_1376 = tpu.vector_load %arg8[%swap3A_1373, %swap3A_1374, %swap3A_1375] {strides = array<i32>} : memref<16x50x64xf32, #tpu.memory_space<vmem>>, vector<1x1x16xf32>,
        %swap3A_1377 = vector.shape_cast %swap3A_1376 : vector<1x1x16xf32> to vector<16xf32>
        %swap3A_1378 = vector.shape_cast %add3A_1371 : vector<16xf32> to vector<1x1x16xf32>
        tpu.vector_store %arg8[%swap3A_1373, %swap3A_1374, %swap3A_1375], %swap3A_1378 {strides = array<i32>} : memref<16x50x64xf32, #tpu.memory_space<vmem>>, vector<1x1x16xf32>,
        %get3A_1379 = arith.constant 12 : i32
        %get3A_1380 = arith.index_cast %get3A_1379 : i32 to index
        %get3A_1381 = arith.index_cast %scan3A_692 : i32 to index
        %get3A_1382 = arith.constant 0 : index
        %get3A_1383 = tpu.vector_load %arg8[%get3A_1380, %get3A_1381, %get3A_1382] {strides = array<i32>} : memref<16x50x64xf32, #tpu.memory_space<vmem>>, vector<1x1x16xf32>,
        %get3A_1384 = vector.shape_cast %get3A_1383 : vector<1x1x16xf32> to vector<16xf32>
        %add3A_1385 = arith.addf %get3A_1384, %get3A_695 : vector<16xf32>
        %swap3A_1386 = arith.constant 12 : i32
        %swap3A_1387 = arith.index_cast %swap3A_1386 : i32 to index
        %swap3A_1388 = arith.index_cast %scan3A_692 : i32 to index
        %swap3A_1389 = arith.constant 0 : index
        %swap3A_1390 = tpu.vector_load %arg8[%swap3A_1387, %swap3A_1388, %swap3A_1389] {strides = array<i32>} : memref<16x50x64xf32, #tpu.memory_space<vmem>>, vector<1x1x16xf32>,
        %swap3A_1391 = vector.shape_cast %swap3A_1390 : vector<1x1x16xf32> to vector<16xf32>
        %swap3A_1392 = vector.shape_cast %add3A_1385 : vector<16xf32> to vector<1x1x16xf32>
        tpu.vector_store %arg8[%swap3A_1387, %swap3A_1388, %swap3A_1389], %swap3A_1392 {strides = array<i32>} : memref<16x50x64xf32, #tpu.memory_space<vmem>>, vector<1x1x16xf32>,
        %get3A_1393 = arith.constant 12 : i32
        %get3A_1394 = arith.index_cast %get3A_1393 : i32 to index
        %get3A_1395 = arith.index_cast %scan3A_692 : i32 to index
        %get3A_1396 = arith.constant 16 : index
        %get3A_1397 = tpu.vector_load %arg8[%get3A_1394, %get3A_1395, %get3A_1396] {strides = array<i32>} : memref<16x50x64xf32, #tpu.memory_space<vmem>>, vector<1x1x16xf32>,
        %get3A_1398 = vector.shape_cast %get3A_1397 : vector<1x1x16xf32> to vector<16xf32>
        %add3A_1399 = arith.addf %get3A_1398, %get3A_699 : vector<16xf32>
        %swap3A_1400 = arith.constant 12 : i32
        %swap3A_1401 = arith.index_cast %swap3A_1400 : i32 to index
        %swap3A_1402 = arith.index_cast %scan3A_692 : i32 to index
        %swap3A_1403 = arith.constant 16 : index
        %swap3A_1404 = tpu.vector_load %arg8[%swap3A_1401, %swap3A_1402, %swap3A_1403] {strides = array<i32>} : memref<16x50x64xf32, #tpu.memory_space<vmem>>, vector<1x1x16xf32>,
        %swap3A_1405 = vector.shape_cast %swap3A_1404 : vector<1x1x16xf32> to vector<16xf32>
        %swap3A_1406 = vector.shape_cast %add3A_1399 : vector<16xf32> to vector<1x1x16xf32>
        tpu.vector_store %arg8[%swap3A_1401, %swap3A_1402, %swap3A_1403], %swap3A_1406 {strides = array<i32>} : memref<16x50x64xf32, #tpu.memory_space<vmem>>, vector<1x1x16xf32>,
        %get3A_1407 = arith.constant 12 : i32
        %get3A_1408 = arith.index_cast %get3A_1407 : i32 to index
        %get3A_1409 = arith.index_cast %scan3A_692 : i32 to index
        %get3A_1410 = arith.constant 32 : index
        %get3A_1411 = tpu.vector_load %arg8[%get3A_1408, %get3A_1409, %get3A_1410] {strides = array<i32>} : memref<16x50x64xf32, #tpu.memory_space<vmem>>, vector<1x1x16xf32>,
        %get3A_1412 = vector.shape_cast %get3A_1411 : vector<1x1x16xf32> to vector<16xf32>
        %add3A_1413 = arith.addf %get3A_1412, %get3A_703 : vector<16xf32>
        %swap3A_1414 = arith.constant 12 : i32
        %swap3A_1415 = arith.index_cast %swap3A_1414 : i32 to index
        %swap3A_1416 = arith.index_cast %scan3A_692 : i32 to index
        %swap3A_1417 = arith.constant 32 : index
        %swap3A_1418 = tpu.vector_load %arg8[%swap3A_1415, %swap3A_1416, %swap3A_1417] {strides = array<i32>} : memref<16x50x64xf32, #tpu.memory_space<vmem>>, vector<1x1x16xf32>,
        %swap3A_1419 = vector.shape_cast %swap3A_1418 : vector<1x1x16xf32> to vector<16xf32>
        %swap3A_1420 = vector.shape_cast %add3A_1413 : vector<16xf32> to vector<1x1x16xf32>
        tpu.vector_store %arg8[%swap3A_1415, %swap3A_1416, %swap3A_1417], %swap3A_1420 {strides = array<i32>} : memref<16x50x64xf32, #tpu.memory_space<vmem>>, vector<1x1x16xf32>,
        %get3A_1421 = arith.constant 12 : i32
        %get3A_1422 = arith.index_cast %get3A_1421 : i32 to index
        %get3A_1423 = arith.index_cast %scan3A_692 : i32 to index
        %get3A_1424 = arith.constant 48 : index
        %get3A_1425 = tpu.vector_load %arg8[%get3A_1422, %get3A_1423, %get3A_1424] {strides = array<i32>} : memref<16x50x64xf32, #tpu.memory_space<vmem>>, vector<1x1x16xf32>,
        %get3A_1426 = vector.shape_cast %get3A_1425 : vector<1x1x16xf32> to vector<16xf32>
        %add3A_1427 = arith.addf %get3A_1426, %get3A_707 : vector<16xf32>
        %swap3A_1428 = arith.constant 12 : i32
        %swap3A_1429 = arith.index_cast %swap3A_1428 : i32 to index
        %swap3A_1430 = arith.index_cast %scan3A_692 : i32 to index
        %swap3A_1431 = arith.constant 48 : index
        %swap3A_1432 = tpu.vector_load %arg8[%swap3A_1429, %swap3A_1430, %swap3A_1431] {strides = array<i32>} : memref<16x50x64xf32, #tpu.memory_space<vmem>>, vector<1x1x16xf32>,
        %swap3A_1433 = vector.shape_cast %swap3A_1432 : vector<1x1x16xf32> to vector<16xf32>
        %swap3A_1434 = vector.shape_cast %add3A_1427 : vector<16xf32> to vector<1x1x16xf32>
        tpu.vector_store %arg8[%swap3A_1429, %swap3A_1430, %swap3A_1431], %swap3A_1434 {strides = array<i32>} : memref<16x50x64xf32, #tpu.memory_space<vmem>>, vector<1x1x16xf32>,
        %get3A_1435 = arith.constant 13 : i32
        %get3A_1436 = arith.index_cast %get3A_1435 : i32 to index
        %get3A_1437 = arith.index_cast %scan3A_692 : i32 to index
        %get3A_1438 = arith.constant 0 : index
        %get3A_1439 = tpu.vector_load %arg8[%get3A_1436, %get3A_1437, %get3A_1438] {strides = array<i32>} : memref<16x50x64xf32, #tpu.memory_space<vmem>>, vector<1x1x16xf32>,
        %get3A_1440 = vector.shape_cast %get3A_1439 : vector<1x1x16xf32> to vector<16xf32>
        %add3A_1441 = arith.addf %get3A_1440, %get3A_695 : vector<16xf32>
        %swap3A_1442 = arith.constant 13 : i32
        %swap3A_1443 = arith.index_cast %swap3A_1442 : i32 to index
        %swap3A_1444 = arith.index_cast %scan3A_692 : i32 to index
        %swap3A_1445 = arith.constant 0 : index
        %swap3A_1446 = tpu.vector_load %arg8[%swap3A_1443, %swap3A_1444, %swap3A_1445] {strides = array<i32>} : memref<16x50x64xf32, #tpu.memory_space<vmem>>, vector<1x1x16xf32>,
        %swap3A_1447 = vector.shape_cast %swap3A_1446 : vector<1x1x16xf32> to vector<16xf32>
        %swap3A_1448 = vector.shape_cast %add3A_1441 : vector<16xf32> to vector<1x1x16xf32>
        tpu.vector_store %arg8[%swap3A_1443, %swap3A_1444, %swap3A_1445], %swap3A_1448 {strides = array<i32>} : memref<16x50x64xf32, #tpu.memory_space<vmem>>, vector<1x1x16xf32>,
        %get3A_1449 = arith.constant 13 : i32
        %get3A_1450 = arith.index_cast %get3A_1449 : i32 to index
        %get3A_1451 = arith.index_cast %scan3A_692 : i32 to index
        %get3A_1452 = arith.constant 16 : index
        %get3A_1453 = tpu.vector_load %arg8[%get3A_1450, %get3A_1451, %get3A_1452] {strides = array<i32>} : memref<16x50x64xf32, #tpu.memory_space<vmem>>, vector<1x1x16xf32>,
        %get3A_1454 = vector.shape_cast %get3A_1453 : vector<1x1x16xf32> to vector<16xf32>
        %add3A_1455 = arith.addf %get3A_1454, %get3A_699 : vector<16xf32>
        %swap3A_1456 = arith.constant 13 : i32
        %swap3A_1457 = arith.index_cast %swap3A_1456 : i32 to index
        %swap3A_1458 = arith.index_cast %scan3A_692 : i32 to index
        %swap3A_1459 = arith.constant 16 : index
        %swap3A_1460 = tpu.vector_load %arg8[%swap3A_1457, %swap3A_1458, %swap3A_1459] {strides = array<i32>} : memref<16x50x64xf32, #tpu.memory_space<vmem>>, vector<1x1x16xf32>,
        %swap3A_1461 = vector.shape_cast %swap3A_1460 : vector<1x1x16xf32> to vector<16xf32>
        %swap3A_1462 = vector.shape_cast %add3A_1455 : vector<16xf32> to vector<1x1x16xf32>
        tpu.vector_store %arg8[%swap3A_1457, %swap3A_1458, %swap3A_1459], %swap3A_1462 {strides = array<i32>} : memref<16x50x64xf32, #tpu.memory_space<vmem>>, vector<1x1x16xf32>,
        %get3A_1463 = arith.constant 13 : i32
        %get3A_1464 = arith.index_cast %get3A_1463 : i32 to index
        %get3A_1465 = arith.index_cast %scan3A_692 : i32 to index
        %get3A_1466 = arith.constant 32 : index
        %get3A_1467 = tpu.vector_load %arg8[%get3A_1464, %get3A_1465, %get3A_1466] {strides = array<i32>} : memref<16x50x64xf32, #tpu.memory_space<vmem>>, vector<1x1x16xf32>,
        %get3A_1468 = vector.shape_cast %get3A_1467 : vector<1x1x16xf32> to vector<16xf32>
        %add3A_1469 = arith.addf %get3A_1468, %get3A_703 : vector<16xf32>
        %swap3A_1470 = arith.constant 13 : i32
        %swap3A_1471 = arith.index_cast %swap3A_1470 : i32 to index
        %swap3A_1472 = arith.index_cast %scan3A_692 : i32 to index
        %swap3A_1473 = arith.constant 32 : index
        %swap3A_1474 = tpu.vector_load %arg8[%swap3A_1471, %swap3A_1472, %swap3A_1473] {strides = array<i32>} : memref<16x50x64xf32, #tpu.memory_space<vmem>>, vector<1x1x16xf32>,
        %swap3A_1475 = vector.shape_cast %swap3A_1474 : vector<1x1x16xf32> to vector<16xf32>
        %swap3A_1476 = vector.shape_cast %add3A_1469 : vector<16xf32> to vector<1x1x16xf32>
        tpu.vector_store %arg8[%swap3A_1471, %swap3A_1472, %swap3A_1473], %swap3A_1476 {strides = array<i32>} : memref<16x50x64xf32, #tpu.memory_space<vmem>>, vector<1x1x16xf32>,
        %get3A_1477 = arith.constant 13 : i32
        %get3A_1478 = arith.index_cast %get3A_1477 : i32 to index
        %get3A_1479 = arith.index_cast %scan3A_692 : i32 to index
        %get3A_1480 = arith.constant 48 : index
        %get3A_1481 = tpu.vector_load %arg8[%get3A_1478, %get3A_1479, %get3A_1480] {strides = array<i32>} : memref<16x50x64xf32, #tpu.memory_space<vmem>>, vector<1x1x16xf32>,
        %get3A_1482 = vector.shape_cast %get3A_1481 : vector<1x1x16xf32> to vector<16xf32>
        %add3A_1483 = arith.addf %get3A_1482, %get3A_707 : vector<16xf32>
        %swap3A_1484 = arith.constant 13 : i32
        %swap3A_1485 = arith.index_cast %swap3A_1484 : i32 to index
        %swap3A_1486 = arith.index_cast %scan3A_692 : i32 to index
        %swap3A_1487 = arith.constant 48 : index
        %swap3A_1488 = tpu.vector_load %arg8[%swap3A_1485, %swap3A_1486, %swap3A_1487] {strides = array<i32>} : memref<16x50x64xf32, #tpu.memory_space<vmem>>, vector<1x1x16xf32>,
        %swap3A_1489 = vector.shape_cast %swap3A_1488 : vector<1x1x16xf32> to vector<16xf32>
        %swap3A_1490 = vector.shape_cast %add3A_1483 : vector<16xf32> to vector<1x1x16xf32>
        tpu.vector_store %arg8[%swap3A_1485, %swap3A_1486, %swap3A_1487], %swap3A_1490 {strides = array<i32>} : memref<16x50x64xf32, #tpu.memory_space<vmem>>, vector<1x1x16xf32>,
        %get3A_1491 = arith.constant 14 : i32
        %get3A_1492 = arith.index_cast %get3A_1491 : i32 to index
        %get3A_1493 = arith.index_cast %scan3A_692 : i32 to index
        %get3A_1494 = arith.constant 0 : index
        %get3A_1495 = tpu.vector_load %arg8[%get3A_1492, %get3A_1493, %get3A_1494] {strides = array<i32>} : memref<16x50x64xf32, #tpu.memory_space<vmem>>, vector<1x1x16xf32>,
        %get3A_1496 = vector.shape_cast %get3A_1495 : vector<1x1x16xf32> to vector<16xf32>
        %add3A_1497 = arith.addf %get3A_1496, %get3A_695 : vector<16xf32>
        %swap3A_1498 = arith.constant 14 : i32
        %swap3A_1499 = arith.index_cast %swap3A_1498 : i32 to index
        %swap3A_1500 = arith.index_cast %scan3A_692 : i32 to index
        %swap3A_1501 = arith.constant 0 : index
        %swap3A_1502 = tpu.vector_load %arg8[%swap3A_1499, %swap3A_1500, %swap3A_1501] {strides = array<i32>} : memref<16x50x64xf32, #tpu.memory_space<vmem>>, vector<1x1x16xf32>,
        %swap3A_1503 = vector.shape_cast %swap3A_1502 : vector<1x1x16xf32> to vector<16xf32>
        %swap3A_1504 = vector.shape_cast %add3A_1497 : vector<16xf32> to vector<1x1x16xf32>
        tpu.vector_store %arg8[%swap3A_1499, %swap3A_1500, %swap3A_1501], %swap3A_1504 {strides = array<i32>} : memref<16x50x64xf32, #tpu.memory_space<vmem>>, vector<1x1x16xf32>,
        %get3A_1505 = arith.constant 14 : i32
        %get3A_1506 = arith.index_cast %get3A_1505 : i32 to index
        %get3A_1507 = arith.index_cast %scan3A_692 : i32 to index
        %get3A_1508 = arith.constant 16 : index
        %get3A_1509 = tpu.vector_load %arg8[%get3A_1506, %get3A_1507, %get3A_1508] {strides = array<i32>} : memref<16x50x64xf32, #tpu.memory_space<vmem>>, vector<1x1x16xf32>,
        %get3A_1510 = vector.shape_cast %get3A_1509 : vector<1x1x16xf32> to vector<16xf32>
        %add3A_1511 = arith.addf %get3A_1510, %get3A_699 : vector<16xf32>
        %swap3A_1512 = arith.constant 14 : i32
        %swap3A_1513 = arith.index_cast %swap3A_1512 : i32 to index
        %swap3A_1514 = arith.index_cast %scan3A_692 : i32 to index
        %swap3A_1515 = arith.constant 16 : index
        %swap3A_1516 = tpu.vector_load %arg8[%swap3A_1513, %swap3A_1514, %swap3A_1515] {strides = array<i32>} : memref<16x50x64xf32, #tpu.memory_space<vmem>>, vector<1x1x16xf32>,
        %swap3A_1517 = vector.shape_cast %swap3A_1516 : vector<1x1x16xf32> to vector<16xf32>
        %swap3A_1518 = vector.shape_cast %add3A_1511 : vector<16xf32> to vector<1x1x16xf32>
        tpu.vector_store %arg8[%swap3A_1513, %swap3A_1514, %swap3A_1515], %swap3A_1518 {strides = array<i32>} : memref<16x50x64xf32, #tpu.memory_space<vmem>>, vector<1x1x16xf32>,
        %get3A_1519 = arith.constant 14 : i32
        %get3A_1520 = arith.index_cast %get3A_1519 : i32 to index
        %get3A_1521 = arith.index_cast %scan3A_692 : i32 to index
        %get3A_1522 = arith.constant 32 : index
        %get3A_1523 = tpu.vector_load %arg8[%get3A_1520, %get3A_1521, %get3A_1522] {strides = array<i32>} : memref<16x50x64xf32, #tpu.memory_space<vmem>>, vector<1x1x16xf32>,
        %get3A_1524 = vector.shape_cast %get3A_1523 : vector<1x1x16xf32> to vector<16xf32>
        %add3A_1525 = arith.addf %get3A_1524, %get3A_703 : vector<16xf32>
        %swap3A_1526 = arith.constant 14 : i32
        %swap3A_1527 = arith.index_cast %swap3A_1526 : i32 to index
        %swap3A_1528 = arith.index_cast %scan3A_692 : i32 to index
        %swap3A_1529 = arith.constant 32 : index
        %swap3A_1530 = tpu.vector_load %arg8[%swap3A_1527, %swap3A_1528, %swap3A_1529] {strides = array<i32>} : memref<16x50x64xf32, #tpu.memory_space<vmem>>, vector<1x1x16xf32>,
        %swap3A_1531 = vector.shape_cast %swap3A_1530 : vector<1x1x16xf32> to vector<16xf32>
        %swap3A_1532 = vector.shape_cast %add3A_1525 : vector<16xf32> to vector<1x1x16xf32>
        tpu.vector_store %arg8[%swap3A_1527, %swap3A_1528, %swap3A_1529], %swap3A_1532 {strides = array<i32>} : memref<16x50x64xf32, #tpu.memory_space<vmem>>, vector<1x1x16xf32>,
        %get3A_1533 = arith.constant 14 : i32
        %get3A_1534 = arith.index_cast %get3A_1533 : i32 to index
        %get3A_1535 = arith.index_cast %scan3A_692 : i32 to index
        %get3A_1536 = arith.constant 48 : index
        %get3A_1537 = tpu.vector_load %arg8[%get3A_1534, %get3A_1535, %get3A_1536] {strides = array<i32>} : memref<16x50x64xf32, #tpu.memory_space<vmem>>, vector<1x1x16xf32>,
        %get3A_1538 = vector.shape_cast %get3A_1537 : vector<1x1x16xf32> to vector<16xf32>
        %add3A_1539 = arith.addf %get3A_1538, %get3A_707 : vector<16xf32>
        %swap3A_1540 = arith.constant 14 : i32
        %swap3A_1541 = arith.index_cast %swap3A_1540 : i32 to index
        %swap3A_1542 = arith.index_cast %scan3A_692 : i32 to index
        %swap3A_1543 = arith.constant 48 : index
        %swap3A_1544 = tpu.vector_load %arg8[%swap3A_1541, %swap3A_1542, %swap3A_1543] {strides = array<i32>} : memref<16x50x64xf32, #tpu.memory_space<vmem>>, vector<1x1x16xf32>,
        %swap3A_1545 = vector.shape_cast %swap3A_1544 : vector<1x1x16xf32> to vector<16xf32>
        %swap3A_1546 = vector.shape_cast %add3A_1539 : vector<16xf32> to vector<1x1x16xf32>
        tpu.vector_store %arg8[%swap3A_1541, %swap3A_1542, %swap3A_1543], %swap3A_1546 {strides = array<i32>} : memref<16x50x64xf32, #tpu.memory_space<vmem>>, vector<1x1x16xf32>,
        %get3A_1547 = arith.constant 15 : i32
        %get3A_1548 = arith.index_cast %get3A_1547 : i32 to index
        %get3A_1549 = arith.index_cast %scan3A_692 : i32 to index
        %get3A_1550 = arith.constant 0 : index
        %get3A_1551 = tpu.vector_load %arg8[%get3A_1548, %get3A_1549, %get3A_1550] {strides = array<i32>} : memref<16x50x64xf32, #tpu.memory_space<vmem>>, vector<1x1x16xf32>,
        %get3A_1552 = vector.shape_cast %get3A_1551 : vector<1x1x16xf32> to vector<16xf32>
        %add3A_1553 = arith.addf %get3A_1552, %get3A_695 : vector<16xf32>
        %swap3A_1554 = arith.constant 15 : i32
        %swap3A_1555 = arith.index_cast %swap3A_1554 : i32 to index
        %swap3A_1556 = arith.index_cast %scan3A_692 : i32 to index
        %swap3A_1557 = arith.constant 0 : index
        %swap3A_1558 = tpu.vector_load %arg8[%swap3A_1555, %swap3A_1556, %swap3A_1557] {strides = array<i32>} : memref<16x50x64xf32, #tpu.memory_space<vmem>>, vector<1x1x16xf32>,
        %swap3A_1559 = vector.shape_cast %swap3A_1558 : vector<1x1x16xf32> to vector<16xf32>
        %swap3A_1560 = vector.shape_cast %add3A_1553 : vector<16xf32> to vector<1x1x16xf32>
        tpu.vector_store %arg8[%swap3A_1555, %swap3A_1556, %swap3A_1557], %swap3A_1560 {strides = array<i32>} : memref<16x50x64xf32, #tpu.memory_space<vmem>>, vector<1x1x16xf32>,
        %get3A_1561 = arith.constant 15 : i32
        %get3A_1562 = arith.index_cast %get3A_1561 : i32 to index
        %get3A_1563 = arith.index_cast %scan3A_692 : i32 to index
        %get3A_1564 = arith.constant 16 : index
        %get3A_1565 = tpu.vector_load %arg8[%get3A_1562, %get3A_1563, %get3A_1564] {strides = array<i32>} : memref<16x50x64xf32, #tpu.memory_space<vmem>>, vector<1x1x16xf32>,
        %get3A_1566 = vector.shape_cast %get3A_1565 : vector<1x1x16xf32> to vector<16xf32>
        %add3A_1567 = arith.addf %get3A_1566, %get3A_699 : vector<16xf32>
        %swap3A_1568 = arith.constant 15 : i32
        %swap3A_1569 = arith.index_cast %swap3A_1568 : i32 to index
        %swap3A_1570 = arith.index_cast %scan3A_692 : i32 to index
        %swap3A_1571 = arith.constant 16 : index
        %swap3A_1572 = tpu.vector_load %arg8[%swap3A_1569, %swap3A_1570, %swap3A_1571] {strides = array<i32>} : memref<16x50x64xf32, #tpu.memory_space<vmem>>, vector<1x1x16xf32>,
        %swap3A_1573 = vector.shape_cast %swap3A_1572 : vector<1x1x16xf32> to vector<16xf32>
        %swap3A_1574 = vector.shape_cast %add3A_1567 : vector<16xf32> to vector<1x1x16xf32>
        tpu.vector_store %arg8[%swap3A_1569, %swap3A_1570, %swap3A_1571], %swap3A_1574 {strides = array<i32>} : memref<16x50x64xf32, #tpu.memory_space<vmem>>, vector<1x1x16xf32>,
        %get3A_1575 = arith.constant 15 : i32
        %get3A_1576 = arith.index_cast %get3A_1575 : i32 to index
        %get3A_1577 = arith.index_cast %scan3A_692 : i32 to index
        %get3A_1578 = arith.constant 32 : index
        %get3A_1579 = tpu.vector_load %arg8[%get3A_1576, %get3A_1577, %get3A_1578] {strides = array<i32>} : memref<16x50x64xf32, #tpu.memory_space<vmem>>, vector<1x1x16xf32>,
        %get3A_1580 = vector.shape_cast %get3A_1579 : vector<1x1x16xf32> to vector<16xf32>
        %add3A_1581 = arith.addf %get3A_1580, %get3A_703 : vector<16xf32>
        %swap3A_1582 = arith.constant 15 : i32
        %swap3A_1583 = arith.index_cast %swap3A_1582 : i32 to index
        %swap3A_1584 = arith.index_cast %scan3A_692 : i32 to index
        %swap3A_1585 = arith.constant 32 : index
        %swap3A_1586 = tpu.vector_load %arg8[%swap3A_1583, %swap3A_1584, %swap3A_1585] {strides = array<i32>} : memref<16x50x64xf32, #tpu.memory_space<vmem>>, vector<1x1x16xf32>,
        %swap3A_1587 = vector.shape_cast %swap3A_1586 : vector<1x1x16xf32> to vector<16xf32>
        %swap3A_1588 = vector.shape_cast %add3A_1581 : vector<16xf32> to vector<1x1x16xf32>
        tpu.vector_store %arg8[%swap3A_1583, %swap3A_1584, %swap3A_1585], %swap3A_1588 {strides = array<i32>} : memref<16x50x64xf32, #tpu.memory_space<vmem>>, vector<1x1x16xf32>,
        %get3A_1589 = arith.constant 15 : i32
        %get3A_1590 = arith.index_cast %get3A_1589 : i32 to index
        %get3A_1591 = arith.index_cast %scan3A_692 : i32 to index
        %get3A_1592 = arith.constant 48 : index
        %get3A_1593 = tpu.vector_load %arg8[%get3A_1590, %get3A_1591, %get3A_1592] {strides = array<i32>} : memref<16x50x64xf32, #tpu.memory_space<vmem>>, vector<1x1x16xf32>,
        %get3A_1594 = vector.shape_cast %get3A_1593 : vector<1x1x16xf32> to vector<16xf32>
        %add3A_1595 = arith.addf %get3A_1594, %get3A_707 : vector<16xf32>
        %swap3A_1596 = arith.constant 15 : i32
        %swap3A_1597 = arith.index_cast %swap3A_1596 : i32 to index
        %swap3A_1598 = arith.index_cast %scan3A_692 : i32 to index
        %swap3A_1599 = arith.constant 48 : index
        %swap3A_1600 = tpu.vector_load %arg8[%swap3A_1597, %swap3A_1598, %swap3A_1599] {strides = array<i32>} : memref<16x50x64xf32, #tpu.memory_space<vmem>>, vector<1x1x16xf32>,
        %swap3A_1601 = vector.shape_cast %swap3A_1600 : vector<1x1x16xf32> to vector<16xf32>
        %swap3A_1602 = vector.shape_cast %add3A_1595 : vector<16xf32> to vector<1x1x16xf32>
        tpu.vector_store %arg8[%swap3A_1597, %swap3A_1598, %swap3A_1599], %swap3A_1602 {strides = array<i32>} : memref<16x50x64xf32, #tpu.memory_space<vmem>>, vector<1x1x16xf32>,
      }
      %scan3A_468 = arith.constant 50 : i32
      %mul3A_469 = arith.constant 16 : i32
      %mul3A_470 = arith.muli %add3A_263, %mul3A_469 : i32
      %add3A_471 = arith.addi %mul3A_34, %mul3A_470 : i32
      %dma_start3A_472 = arith.constant 0 : i32
      %dma_start3A_473 = tpu.memref_slice %arg5[%add3A_471, %mul3A_32, %dma_start3A_472] : memref<4096x200x64xf32, #tpu.memory_space<hbm>> -> memref<16x50x64xf32, #tpu.memory_space<hbm>>
      %dma_start3A_474 = arith.constant 0 : i32
      %dma_start3A_475 = tpu.memref_slice %arg5[%add3A_471, %mul3A_32, %dma_start3A_474] : memref<4096x200x64xf32, #tpu.memory_space<hbm>> -> memref<16x50x64xf32, #tpu.memory_space<hbm>>
      tpu.enqueue_dma source(%arg8 : memref<16x50x64xf32, #tpu.memory_space<vmem>>) target(%dma_start3A_475 : memref<16x50x64xf32, #tpu.memory_space<hbm>>) target_semaphore(%arg16 : memref<!tpu.dma_semaphore, #tpu.memory_space<semaphore_mem>>)
      %mul3A_476 = arith.constant 2 : i32
      %mul3A_477 = arith.muli %scan3A_259, %mul3A_476 : i32
      %add3A_478 = arith.constant 1 : i32
      %add3A_479 = arith.addi %mul3A_477, %add3A_478 : i32
      %add3A_480 = arith.constant 1 : i32
      %add3A_481 = arith.addi %add3A_479, %add3A_480 : i32
      %lt3A_482 = arith.constant 32 : i32
      %lt3A_483 = arith.cmpi slt, %add3A_481, %lt3A_482 : i32
      %convert_element_type3A_484 = arith.extui %lt3A_483 : i1 to i32
      %cond3A_485 = arith.constant 0 : i32
      %cond3A_486 = arith.cmpi ne, %convert_element_type3A_484, %cond3A_485 : i32
      scf.if %cond3A_486 {
        %add3A_692 = arith.constant 1 : i32
        %add3A_693 = arith.addi %add3A_479, %add3A_692 : i32
        %mul3A_694 = arith.constant 16 : i32
        %mul3A_695 = arith.muli %add3A_693, %mul3A_694 : i32
        %add3A_696 = arith.addi %mul3A_34, %mul3A_695 : i32
        %dma_start3A_697 = arith.constant 0 : i32
        %dma_start3A_698 = tpu.memref_slice %arg2[%select_n3A_9, %add3A_696, %dma_start3A_697] : memref<4x4096x50xi32, #tpu.memory_space<hbm>> -> memref<1x16x50xi32, #tpu.memory_space<hbm>>
        %dma_start3A_699 = tpu.memref_squeeze %dma_start3A_698 : memref<1x16x50xi32, #tpu.memory_space<hbm>> -> memref<16x50xi32, #tpu.memory_space<hbm>>
        %dma_start3A_700 = arith.constant 0 : i32
        %dma_start3A_701 = tpu.memref_slice %arg2[%select_n3A_9, %add3A_696, %dma_start3A_700] : memref<4x4096x50xi32, #tpu.memory_space<hbm>> -> memref<1x16x50xi32, #tpu.memory_space<hbm>>
        %dma_start3A_702 = tpu.memref_squeeze %dma_start3A_701 : memref<1x16x50xi32, #tpu.memory_space<hbm>> -> memref<16x50xi32, #tpu.memory_space<hbm>>
        tpu.enqueue_dma source(%dma_start3A_702 : memref<16x50xi32, #tpu.memory_space<hbm>>) target(%arg6 : memref<16x50xi32, #tpu.memory_space<vmem>>) target_semaphore(%arg12 : memref<!tpu.dma_semaphore, #tpu.memory_space<semaphore_mem>>)
        %ge3A = arith.constant 1 : i32
        %ge3A_703 = arith.cmpi sge, %add3A_479, %ge3A : i32
        %convert_element_type3A_704 = arith.extui %ge3A_703 : i1 to i32
        %cond3A_705 = arith.constant 0 : i32
        %cond3A_706 = arith.cmpi ne, %convert_element_type3A_704, %cond3A_705 : i32
        scf.if %cond3A_706 {
          %sub3A_910 = arith.constant 1 : i32
          %sub3A_911 = arith.subi %add3A_479, %sub3A_910 : i32
          %mul3A_912 = arith.constant 16 : i32
          %mul3A_913 = arith.muli %sub3A_911, %mul3A_912 : i32
          %add3A_914 = arith.addi %mul3A_34, %mul3A_913 : i32
          %dma_wait3A_915 = arith.constant 0 : i32
          %dma_wait3A_916 = tpu.memref_slice %arg5[%add3A_914, %mul3A_32, %dma_wait3A_915] : memref<4096x200x64xf32, #tpu.memory_space<hbm>> -> memref<16x50x64xf32, #tpu.memory_space<hbm>>
          %dma_wait3A_917 = arith.constant 0 : i32
          %dma_wait3A_918 = tpu.memref_slice %arg5[%add3A_914, %mul3A_32, %dma_wait3A_917] : memref<4096x200x64xf32, #tpu.memory_space<hbm>> -> memref<16x50x64xf32, #tpu.memory_space<hbm>>
          tpu.wait_dma2 semaphore(%arg16 : memref<!tpu.dma_semaphore, #tpu.memory_space<semaphore_mem>>) src(%arg8 : memref<16x50x64xf32, #tpu.memory_space<vmem>>) dst(%dma_wait3A_918 : memref<16x50x64xf32, #tpu.memory_space<hbm>>)
        } else {
        }
        %add3A_707 = arith.constant 1 : i32
        %add3A_708 = arith.addi %add3A_479, %add3A_707 : i32
        %mul3A_709 = arith.constant 16 : i32
        %mul3A_710 = arith.muli %add3A_708, %mul3A_709 : i32
        %add3A_711 = arith.addi %mul3A_34, %mul3A_710 : i32
        %dma_wait3A_712 = arith.constant 0 : i32
        %dma_wait3A_713 = tpu.memref_slice %arg2[%select_n3A_9, %add3A_711, %dma_wait3A_712] : memref<4x4096x50xi32, #tpu.memory_space<hbm>> -> memref<1x16x50xi32, #tpu.memory_space<hbm>>
        %dma_wait3A_714 = tpu.memref_squeeze %dma_wait3A_713 : memref<1x16x50xi32, #tpu.memory_space<hbm>> -> memref<16x50xi32, #tpu.memory_space<hbm>>
        %dma_wait3A_715 = arith.constant 0 : i32
        %dma_wait3A_716 = tpu.memref_slice %arg2[%select_n3A_9, %add3A_711, %dma_wait3A_715] : memref<4x4096x50xi32, #tpu.memory_space<hbm>> -> memref<1x16x50xi32, #tpu.memory_space<hbm>>
        %dma_wait3A_717 = tpu.memref_squeeze %dma_wait3A_716 : memref<1x16x50xi32, #tpu.memory_space<hbm>> -> memref<16x50xi32, #tpu.memory_space<hbm>>
        tpu.wait_dma2 semaphore(%arg12 : memref<!tpu.dma_semaphore, #tpu.memory_space<semaphore_mem>>) src(%dma_wait3A_717 : memref<16x50xi32, #tpu.memory_space<hbm>>) dst(%arg6 : memref<16x50xi32, #tpu.memory_space<vmem>>)
        %dma_start3A_718 = arith.constant 0 : i32
        %dma_start3A_719 = arith.constant 0 : i32
        %dma_start3A_720 = arith.constant 0 : i32
        %dma_start3A_721 = arith.constant 0 : i32
        %dma_start3A_722 = tpu.memref_slice %arg8[%dma_start3A_719, %dma_start3A_720, %dma_start3A_721] : memref<16x50x64xf32, #tpu.memory_space<vmem>> -> memref<1x50x64xf32, #tpu.memory_space<vmem>>
        %dma_start3A_723 = tpu.memref_squeeze %dma_start3A_722 : memref<1x50x64xf32, #tpu.memory_space<vmem>> -> memref<50x64xf32, #tpu.memory_space<vmem>>
        %dma_start3A_724 = arith.constant 0 : i32
        %dma_start3A_725 = tpu.memref_slice %arg6[%dma_start3A_718, %dma_start3A_724] : memref<16x50xi32, #tpu.memory_space<vmem>> -> memref<1x50xi32, #tpu.memory_space<vmem>>
        %dma_start3A_726 = tpu.memref_squeeze %dma_start3A_725 : memref<1x50xi32, #tpu.memory_space<vmem>> -> memref<50xi32, #tpu.memory_space<vmem>>
        %dma_start3A_727 = arith.constant 0 : i32
        %dma_start3A_728 = arith.constant 0 : i32
        %dma_start3A_729 = tpu.memref_slice %arg11[%dma_start3A_727, %dma_start3A_728] : memref<1000x64xf32, #tpu.memory_space<vmem_shared>> -> memref<1000x64xf32, #tpu.memory_space<vmem_shared>>
        tpu.enqueue_indirect_dma source(%dma_start3A_729 : memref<1000x64xf32, #tpu.memory_space<vmem_shared>>) target(%dma_start3A_723 : memref<50x64xf32, #tpu.memory_space<vmem>>) offsets(%dma_start3A_726 : memref<50xi32, #tpu.memory_space<vmem>>) semaphore(%arg14 : memref<!tpu.dma_semaphore, #tpu.memory_space<semaphore_mem>>)
        %dma_start3A_730 = arith.constant 1 : i32
        %dma_start3A_731 = arith.constant 1 : i32
        %dma_start3A_732 = arith.constant 0 : i32
        %dma_start3A_733 = arith.constant 0 : i32
        %dma_start3A_734 = tpu.memref_slice %arg8[%dma_start3A_731, %dma_start3A_732, %dma_start3A_733] : memref<16x50x64xf32, #tpu.memory_space<vmem>> -> memref<1x50x64xf32, #tpu.memory_space<vmem>>
        %dma_start3A_735 = tpu.memref_squeeze %dma_start3A_734 : memref<1x50x64xf32, #tpu.memory_space<vmem>> -> memref<50x64xf32, #tpu.memory_space<vmem>>
        %dma_start3A_736 = arith.constant 0 : i32
        %dma_start3A_737 = tpu.memref_slice %arg6[%dma_start3A_730, %dma_start3A_736] : memref<16x50xi32, #tpu.memory_space<vmem>> -> memref<1x50xi32, #tpu.memory_space<vmem>>
        %dma_start3A_738 = tpu.memref_squeeze %dma_start3A_737 : memref<1x50xi32, #tpu.memory_space<vmem>> -> memref<50xi32, #tpu.memory_space<vmem>>
        %dma_start3A_739 = arith.constant 0 : i32
        %dma_start3A_740 = arith.constant 0 : i32
        %dma_start3A_741 = tpu.memref_slice %arg11[%dma_start3A_739, %dma_start3A_740] : memref<1000x64xf32, #tpu.memory_space<vmem_shared>> -> memref<1000x64xf32, #tpu.memory_space<vmem_shared>>
        tpu.enqueue_indirect_dma source(%dma_start3A_741 : memref<1000x64xf32, #tpu.memory_space<vmem_shared>>) target(%dma_start3A_735 : memref<50x64xf32, #tpu.memory_space<vmem>>) offsets(%dma_start3A_738 : memref<50xi32, #tpu.memory_space<vmem>>) semaphore(%arg14 : memref<!tpu.dma_semaphore, #tpu.memory_space<semaphore_mem>>)
        %dma_start3A_742 = arith.constant 2 : i32
        %dma_start3A_743 = arith.constant 2 : i32
        %dma_start3A_744 = arith.constant 0 : i32
        %dma_start3A_745 = arith.constant 0 : i32
        %dma_start3A_746 = tpu.memref_slice %arg8[%dma_start3A_743, %dma_start3A_744, %dma_start3A_745] : memref<16x50x64xf32, #tpu.memory_space<vmem>> -> memref<1x50x64xf32, #tpu.memory_space<vmem>>
        %dma_start3A_747 = tpu.memref_squeeze %dma_start3A_746 : memref<1x50x64xf32, #tpu.memory_space<vmem>> -> memref<50x64xf32, #tpu.memory_space<vmem>>
        %dma_start3A_748 = arith.constant 0 : i32
        %dma_start3A_749 = tpu.memref_slice %arg6[%dma_start3A_742, %dma_start3A_748] : memref<16x50xi32, #tpu.memory_space<vmem>> -> memref<1x50xi32, #tpu.memory_space<vmem>>
        %dma_start3A_750 = tpu.memref_squeeze %dma_start3A_749 : memref<1x50xi32, #tpu.memory_space<vmem>> -> memref<50xi32, #tpu.memory_space<vmem>>
        %dma_start3A_751 = arith.constant 0 : i32
        %dma_start3A_752 = arith.constant 0 : i32
        %dma_start3A_753 = tpu.memref_slice %arg11[%dma_start3A_751, %dma_start3A_752] : memref<1000x64xf32, #tpu.memory_space<vmem_shared>> -> memref<1000x64xf32, #tpu.memory_space<vmem_shared>>
        tpu.enqueue_indirect_dma source(%dma_start3A_753 : memref<1000x64xf32, #tpu.memory_space<vmem_shared>>) target(%dma_start3A_747 : memref<50x64xf32, #tpu.memory_space<vmem>>) offsets(%dma_start3A_750 : memref<50xi32, #tpu.memory_space<vmem>>) semaphore(%arg14 : memref<!tpu.dma_semaphore, #tpu.memory_space<semaphore_mem>>)
        %dma_start3A_754 = arith.constant 3 : i32
        %dma_start3A_755 = arith.constant 3 : i32
        %dma_start3A_756 = arith.constant 0 : i32
        %dma_start3A_757 = arith.constant 0 : i32
        %dma_start3A_758 = tpu.memref_slice %arg8[%dma_start3A_755, %dma_start3A_756, %dma_start3A_757] : memref<16x50x64xf32, #tpu.memory_space<vmem>> -> memref<1x50x64xf32, #tpu.memory_space<vmem>>
        %dma_start3A_759 = tpu.memref_squeeze %dma_start3A_758 : memref<1x50x64xf32, #tpu.memory_space<vmem>> -> memref<50x64xf32, #tpu.memory_space<vmem>>
        %dma_start3A_760 = arith.constant 0 : i32
        %dma_start3A_761 = tpu.memref_slice %arg6[%dma_start3A_754, %dma_start3A_760] : memref<16x50xi32, #tpu.memory_space<vmem>> -> memref<1x50xi32, #tpu.memory_space<vmem>>
        %dma_start3A_762 = tpu.memref_squeeze %dma_start3A_761 : memref<1x50xi32, #tpu.memory_space<vmem>> -> memref<50xi32, #tpu.memory_space<vmem>>
        %dma_start3A_763 = arith.constant 0 : i32
        %dma_start3A_764 = arith.constant 0 : i32
        %dma_start3A_765 = tpu.memref_slice %arg11[%dma_start3A_763, %dma_start3A_764] : memref<1000x64xf32, #tpu.memory_space<vmem_shared>> -> memref<1000x64xf32, #tpu.memory_space<vmem_shared>>
        tpu.enqueue_indirect_dma source(%dma_start3A_765 : memref<1000x64xf32, #tpu.memory_space<vmem_shared>>) target(%dma_start3A_759 : memref<50x64xf32, #tpu.memory_space<vmem>>) offsets(%dma_start3A_762 : memref<50xi32, #tpu.memory_space<vmem>>) semaphore(%arg14 : memref<!tpu.dma_semaphore, #tpu.memory_space<semaphore_mem>>)
        %dma_start3A_766 = arith.constant 4 : i32
        %dma_start3A_767 = arith.constant 4 : i32
        %dma_start3A_768 = arith.constant 0 : i32
        %dma_start3A_769 = arith.constant 0 : i32
        %dma_start3A_770 = tpu.memref_slice %arg8[%dma_start3A_767, %dma_start3A_768, %dma_start3A_769] : memref<16x50x64xf32, #tpu.memory_space<vmem>> -> memref<1x50x64xf32, #tpu.memory_space<vmem>>
        %dma_start3A_771 = tpu.memref_squeeze %dma_start3A_770 : memref<1x50x64xf32, #tpu.memory_space<vmem>> -> memref<50x64xf32, #tpu.memory_space<vmem>>
        %dma_start3A_772 = arith.constant 0 : i32
        %dma_start3A_773 = tpu.memref_slice %arg6[%dma_start3A_766, %dma_start3A_772] : memref<16x50xi32, #tpu.memory_space<vmem>> -> memref<1x50xi32, #tpu.memory_space<vmem>>
        %dma_start3A_774 = tpu.memref_squeeze %dma_start3A_773 : memref<1x50xi32, #tpu.memory_space<vmem>> -> memref<50xi32, #tpu.memory_space<vmem>>
        %dma_start3A_775 = arith.constant 0 : i32
        %dma_start3A_776 = arith.constant 0 : i32
        %dma_start3A_777 = tpu.memref_slice %arg11[%dma_start3A_775, %dma_start3A_776] : memref<1000x64xf32, #tpu.memory_space<vmem_shared>> -> memref<1000x64xf32, #tpu.memory_space<vmem_shared>>
        tpu.enqueue_indirect_dma source(%dma_start3A_777 : memref<1000x64xf32, #tpu.memory_space<vmem_shared>>) target(%dma_start3A_771 : memref<50x64xf32, #tpu.memory_space<vmem>>) offsets(%dma_start3A_774 : memref<50xi32, #tpu.memory_space<vmem>>) semaphore(%arg14 : memref<!tpu.dma_semaphore, #tpu.memory_space<semaphore_mem>>)
        %dma_start3A_778 = arith.constant 5 : i32
        %dma_start3A_779 = arith.constant 5 : i32
        %dma_start3A_780 = arith.constant 0 : i32
        %dma_start3A_781 = arith.constant 0 : i32
        %dma_start3A_782 = tpu.memref_slice %arg8[%dma_start3A_779, %dma_start3A_780, %dma_start3A_781] : memref<16x50x64xf32, #tpu.memory_space<vmem>> -> memref<1x50x64xf32, #tpu.memory_space<vmem>>
        %dma_start3A_783 = tpu.memref_squeeze %dma_start3A_782 : memref<1x50x64xf32, #tpu.memory_space<vmem>> -> memref<50x64xf32, #tpu.memory_space<vmem>>
        %dma_start3A_784 = arith.constant 0 : i32
        %dma_start3A_785 = tpu.memref_slice %arg6[%dma_start3A_778, %dma_start3A_784] : memref<16x50xi32, #tpu.memory_space<vmem>> -> memref<1x50xi32, #tpu.memory_space<vmem>>
        %dma_start3A_786 = tpu.memref_squeeze %dma_start3A_785 : memref<1x50xi32, #tpu.memory_space<vmem>> -> memref<50xi32, #tpu.memory_space<vmem>>
        %dma_start3A_787 = arith.constant 0 : i32
        %dma_start3A_788 = arith.constant 0 : i32
        %dma_start3A_789 = tpu.memref_slice %arg11[%dma_start3A_787, %dma_start3A_788] : memref<1000x64xf32, #tpu.memory_space<vmem_shared>> -> memref<1000x64xf32, #tpu.memory_space<vmem_shared>>
        tpu.enqueue_indirect_dma source(%dma_start3A_789 : memref<1000x64xf32, #tpu.memory_space<vmem_shared>>) target(%dma_start3A_783 : memref<50x64xf32, #tpu.memory_space<vmem>>) offsets(%dma_start3A_786 : memref<50xi32, #tpu.memory_space<vmem>>) semaphore(%arg14 : memref<!tpu.dma_semaphore, #tpu.memory_space<semaphore_mem>>)
        %dma_start3A_790 = arith.constant 6 : i32
        %dma_start3A_791 = arith.constant 6 : i32
        %dma_start3A_792 = arith.constant 0 : i32
        %dma_start3A_793 = arith.constant 0 : i32
        %dma_start3A_794 = tpu.memref_slice %arg8[%dma_start3A_791, %dma_start3A_792, %dma_start3A_793] : memref<16x50x64xf32, #tpu.memory_space<vmem>> -> memref<1x50x64xf32, #tpu.memory_space<vmem>>
        %dma_start3A_795 = tpu.memref_squeeze %dma_start3A_794 : memref<1x50x64xf32, #tpu.memory_space<vmem>> -> memref<50x64xf32, #tpu.memory_space<vmem>>
        %dma_start3A_796 = arith.constant 0 : i32
        %dma_start3A_797 = tpu.memref_slice %arg6[%dma_start3A_790, %dma_start3A_796] : memref<16x50xi32, #tpu.memory_space<vmem>> -> memref<1x50xi32, #tpu.memory_space<vmem>>
        %dma_start3A_798 = tpu.memref_squeeze %dma_start3A_797 : memref<1x50xi32, #tpu.memory_space<vmem>> -> memref<50xi32, #tpu.memory_space<vmem>>
        %dma_start3A_799 = arith.constant 0 : i32
        %dma_start3A_800 = arith.constant 0 : i32
        %dma_start3A_801 = tpu.memref_slice %arg11[%dma_start3A_799, %dma_start3A_800] : memref<1000x64xf32, #tpu.memory_space<vmem_shared>> -> memref<1000x64xf32, #tpu.memory_space<vmem_shared>>
        tpu.enqueue_indirect_dma source(%dma_start3A_801 : memref<1000x64xf32, #tpu.memory_space<vmem_shared>>) target(%dma_start3A_795 : memref<50x64xf32, #tpu.memory_space<vmem>>) offsets(%dma_start3A_798 : memref<50xi32, #tpu.memory_space<vmem>>) semaphore(%arg14 : memref<!tpu.dma_semaphore, #tpu.memory_space<semaphore_mem>>)
        %dma_start3A_802 = arith.constant 7 : i32
        %dma_start3A_803 = arith.constant 7 : i32
        %dma_start3A_804 = arith.constant 0 : i32
        %dma_start3A_805 = arith.constant 0 : i32
        %dma_start3A_806 = tpu.memref_slice %arg8[%dma_start3A_803, %dma_start3A_804, %dma_start3A_805] : memref<16x50x64xf32, #tpu.memory_space<vmem>> -> memref<1x50x64xf32, #tpu.memory_space<vmem>>
        %dma_start3A_807 = tpu.memref_squeeze %dma_start3A_806 : memref<1x50x64xf32, #tpu.memory_space<vmem>> -> memref<50x64xf32, #tpu.memory_space<vmem>>
        %dma_start3A_808 = arith.constant 0 : i32
        %dma_start3A_809 = tpu.memref_slice %arg6[%dma_start3A_802, %dma_start3A_808] : memref<16x50xi32, #tpu.memory_space<vmem>> -> memref<1x50xi32, #tpu.memory_space<vmem>>
        %dma_start3A_810 = tpu.memref_squeeze %dma_start3A_809 : memref<1x50xi32, #tpu.memory_space<vmem>> -> memref<50xi32, #tpu.memory_space<vmem>>
        %dma_start3A_811 = arith.constant 0 : i32
        %dma_start3A_812 = arith.constant 0 : i32
        %dma_start3A_813 = tpu.memref_slice %arg11[%dma_start3A_811, %dma_start3A_812] : memref<1000x64xf32, #tpu.memory_space<vmem_shared>> -> memref<1000x64xf32, #tpu.memory_space<vmem_shared>>
        tpu.enqueue_indirect_dma source(%dma_start3A_813 : memref<1000x64xf32, #tpu.memory_space<vmem_shared>>) target(%dma_start3A_807 : memref<50x64xf32, #tpu.memory_space<vmem>>) offsets(%dma_start3A_810 : memref<50xi32, #tpu.memory_space<vmem>>) semaphore(%arg14 : memref<!tpu.dma_semaphore, #tpu.memory_space<semaphore_mem>>)
        %dma_start3A_814 = arith.constant 8 : i32
        %dma_start3A_815 = arith.constant 8 : i32
        %dma_start3A_816 = arith.constant 0 : i32
        %dma_start3A_817 = arith.constant 0 : i32
        %dma_start3A_818 = tpu.memref_slice %arg8[%dma_start3A_815, %dma_start3A_816, %dma_start3A_817] : memref<16x50x64xf32, #tpu.memory_space<vmem>> -> memref<1x50x64xf32, #tpu.memory_space<vmem>>
        %dma_start3A_819 = tpu.memref_squeeze %dma_start3A_818 : memref<1x50x64xf32, #tpu.memory_space<vmem>> -> memref<50x64xf32, #tpu.memory_space<vmem>>
        %dma_start3A_820 = arith.constant 0 : i32
        %dma_start3A_821 = tpu.memref_slice %arg6[%dma_start3A_814, %dma_start3A_820] : memref<16x50xi32, #tpu.memory_space<vmem>> -> memref<1x50xi32, #tpu.memory_space<vmem>>
        %dma_start3A_822 = tpu.memref_squeeze %dma_start3A_821 : memref<1x50xi32, #tpu.memory_space<vmem>> -> memref<50xi32, #tpu.memory_space<vmem>>
        %dma_start3A_823 = arith.constant 0 : i32
        %dma_start3A_824 = arith.constant 0 : i32
        %dma_start3A_825 = tpu.memref_slice %arg11[%dma_start3A_823, %dma_start3A_824] : memref<1000x64xf32, #tpu.memory_space<vmem_shared>> -> memref<1000x64xf32, #tpu.memory_space<vmem_shared>>
        tpu.enqueue_indirect_dma source(%dma_start3A_825 : memref<1000x64xf32, #tpu.memory_space<vmem_shared>>) target(%dma_start3A_819 : memref<50x64xf32, #tpu.memory_space<vmem>>) offsets(%dma_start3A_822 : memref<50xi32, #tpu.memory_space<vmem>>) semaphore(%arg14 : memref<!tpu.dma_semaphore, #tpu.memory_space<semaphore_mem>>)
        %dma_start3A_826 = arith.constant 9 : i32
        %dma_start3A_827 = arith.constant 9 : i32
        %dma_start3A_828 = arith.constant 0 : i32
        %dma_start3A_829 = arith.constant 0 : i32
        %dma_start3A_830 = tpu.memref_slice %arg8[%dma_start3A_827, %dma_start3A_828, %dma_start3A_829] : memref<16x50x64xf32, #tpu.memory_space<vmem>> -> memref<1x50x64xf32, #tpu.memory_space<vmem>>
        %dma_start3A_831 = tpu.memref_squeeze %dma_start3A_830 : memref<1x50x64xf32, #tpu.memory_space<vmem>> -> memref<50x64xf32, #tpu.memory_space<vmem>>
        %dma_start3A_832 = arith.constant 0 : i32
        %dma_start3A_833 = tpu.memref_slice %arg6[%dma_start3A_826, %dma_start3A_832] : memref<16x50xi32, #tpu.memory_space<vmem>> -> memref<1x50xi32, #tpu.memory_space<vmem>>
        %dma_start3A_834 = tpu.memref_squeeze %dma_start3A_833 : memref<1x50xi32, #tpu.memory_space<vmem>> -> memref<50xi32, #tpu.memory_space<vmem>>
        %dma_start3A_835 = arith.constant 0 : i32
        %dma_start3A_836 = arith.constant 0 : i32
        %dma_start3A_837 = tpu.memref_slice %arg11[%dma_start3A_835, %dma_start3A_836] : memref<1000x64xf32, #tpu.memory_space<vmem_shared>> -> memref<1000x64xf32, #tpu.memory_space<vmem_shared>>
        tpu.enqueue_indirect_dma source(%dma_start3A_837 : memref<1000x64xf32, #tpu.memory_space<vmem_shared>>) target(%dma_start3A_831 : memref<50x64xf32, #tpu.memory_space<vmem>>) offsets(%dma_start3A_834 : memref<50xi32, #tpu.memory_space<vmem>>) semaphore(%arg14 : memref<!tpu.dma_semaphore, #tpu.memory_space<semaphore_mem>>)
        %dma_start3A_838 = arith.constant 10 : i32
        %dma_start3A_839 = arith.constant 10 : i32
        %dma_start3A_840 = arith.constant 0 : i32
        %dma_start3A_841 = arith.constant 0 : i32
        %dma_start3A_842 = tpu.memref_slice %arg8[%dma_start3A_839, %dma_start3A_840, %dma_start3A_841] : memref<16x50x64xf32, #tpu.memory_space<vmem>> -> memref<1x50x64xf32, #tpu.memory_space<vmem>>
        %dma_start3A_843 = tpu.memref_squeeze %dma_start3A_842 : memref<1x50x64xf32, #tpu.memory_space<vmem>> -> memref<50x64xf32, #tpu.memory_space<vmem>>
        %dma_start3A_844 = arith.constant 0 : i32
        %dma_start3A_845 = tpu.memref_slice %arg6[%dma_start3A_838, %dma_start3A_844] : memref<16x50xi32, #tpu.memory_space<vmem>> -> memref<1x50xi32, #tpu.memory_space<vmem>>
        %dma_start3A_846 = tpu.memref_squeeze %dma_start3A_845 : memref<1x50xi32, #tpu.memory_space<vmem>> -> memref<50xi32, #tpu.memory_space<vmem>>
        %dma_start3A_847 = arith.constant 0 : i32
        %dma_start3A_848 = arith.constant 0 : i32
        %dma_start3A_849 = tpu.memref_slice %arg11[%dma_start3A_847, %dma_start3A_848] : memref<1000x64xf32, #tpu.memory_space<vmem_shared>> -> memref<1000x64xf32, #tpu.memory_space<vmem_shared>>
        tpu.enqueue_indirect_dma source(%dma_start3A_849 : memref<1000x64xf32, #tpu.memory_space<vmem_shared>>) target(%dma_start3A_843 : memref<50x64xf32, #tpu.memory_space<vmem>>) offsets(%dma_start3A_846 : memref<50xi32, #tpu.memory_space<vmem>>) semaphore(%arg14 : memref<!tpu.dma_semaphore, #tpu.memory_space<semaphore_mem>>)
        %dma_start3A_850 = arith.constant 11 : i32
        %dma_start3A_851 = arith.constant 11 : i32
        %dma_start3A_852 = arith.constant 0 : i32
        %dma_start3A_853 = arith.constant 0 : i32
        %dma_start3A_854 = tpu.memref_slice %arg8[%dma_start3A_851, %dma_start3A_852, %dma_start3A_853] : memref<16x50x64xf32, #tpu.memory_space<vmem>> -> memref<1x50x64xf32, #tpu.memory_space<vmem>>
        %dma_start3A_855 = tpu.memref_squeeze %dma_start3A_854 : memref<1x50x64xf32, #tpu.memory_space<vmem>> -> memref<50x64xf32, #tpu.memory_space<vmem>>
        %dma_start3A_856 = arith.constant 0 : i32
        %dma_start3A_857 = tpu.memref_slice %arg6[%dma_start3A_850, %dma_start3A_856] : memref<16x50xi32, #tpu.memory_space<vmem>> -> memref<1x50xi32, #tpu.memory_space<vmem>>
        %dma_start3A_858 = tpu.memref_squeeze %dma_start3A_857 : memref<1x50xi32, #tpu.memory_space<vmem>> -> memref<50xi32, #tpu.memory_space<vmem>>
        %dma_start3A_859 = arith.constant 0 : i32
        %dma_start3A_860 = arith.constant 0 : i32
        %dma_start3A_861 = tpu.memref_slice %arg11[%dma_start3A_859, %dma_start3A_860] : memref<1000x64xf32, #tpu.memory_space<vmem_shared>> -> memref<1000x64xf32, #tpu.memory_space<vmem_shared>>
        tpu.enqueue_indirect_dma source(%dma_start3A_861 : memref<1000x64xf32, #tpu.memory_space<vmem_shared>>) target(%dma_start3A_855 : memref<50x64xf32, #tpu.memory_space<vmem>>) offsets(%dma_start3A_858 : memref<50xi32, #tpu.memory_space<vmem>>) semaphore(%arg14 : memref<!tpu.dma_semaphore, #tpu.memory_space<semaphore_mem>>)
        %dma_start3A_862 = arith.constant 12 : i32
        %dma_start3A_863 = arith.constant 12 : i32
        %dma_start3A_864 = arith.constant 0 : i32
        %dma_start3A_865 = arith.constant 0 : i32
        %dma_start3A_866 = tpu.memref_slice %arg8[%dma_start3A_863, %dma_start3A_864, %dma_start3A_865] : memref<16x50x64xf32, #tpu.memory_space<vmem>> -> memref<1x50x64xf32, #tpu.memory_space<vmem>>
        %dma_start3A_867 = tpu.memref_squeeze %dma_start3A_866 : memref<1x50x64xf32, #tpu.memory_space<vmem>> -> memref<50x64xf32, #tpu.memory_space<vmem>>
        %dma_start3A_868 = arith.constant 0 : i32
        %dma_start3A_869 = tpu.memref_slice %arg6[%dma_start3A_862, %dma_start3A_868] : memref<16x50xi32, #tpu.memory_space<vmem>> -> memref<1x50xi32, #tpu.memory_space<vmem>>
        %dma_start3A_870 = tpu.memref_squeeze %dma_start3A_869 : memref<1x50xi32, #tpu.memory_space<vmem>> -> memref<50xi32, #tpu.memory_space<vmem>>
        %dma_start3A_871 = arith.constant 0 : i32
        %dma_start3A_872 = arith.constant 0 : i32
        %dma_start3A_873 = tpu.memref_slice %arg11[%dma_start3A_871, %dma_start3A_872] : memref<1000x64xf32, #tpu.memory_space<vmem_shared>> -> memref<1000x64xf32, #tpu.memory_space<vmem_shared>>
        tpu.enqueue_indirect_dma source(%dma_start3A_873 : memref<1000x64xf32, #tpu.memory_space<vmem_shared>>) target(%dma_start3A_867 : memref<50x64xf32, #tpu.memory_space<vmem>>) offsets(%dma_start3A_870 : memref<50xi32, #tpu.memory_space<vmem>>) semaphore(%arg14 : memref<!tpu.dma_semaphore, #tpu.memory_space<semaphore_mem>>)
        %dma_start3A_874 = arith.constant 13 : i32
        %dma_start3A_875 = arith.constant 13 : i32
        %dma_start3A_876 = arith.constant 0 : i32
        %dma_start3A_877 = arith.constant 0 : i32
        %dma_start3A_878 = tpu.memref_slice %arg8[%dma_start3A_875, %dma_start3A_876, %dma_start3A_877] : memref<16x50x64xf32, #tpu.memory_space<vmem>> -> memref<1x50x64xf32, #tpu.memory_space<vmem>>
        %dma_start3A_879 = tpu.memref_squeeze %dma_start3A_878 : memref<1x50x64xf32, #tpu.memory_space<vmem>> -> memref<50x64xf32, #tpu.memory_space<vmem>>
        %dma_start3A_880 = arith.constant 0 : i32
        %dma_start3A_881 = tpu.memref_slice %arg6[%dma_start3A_874, %dma_start3A_880] : memref<16x50xi32, #tpu.memory_space<vmem>> -> memref<1x50xi32, #tpu.memory_space<vmem>>
        %dma_start3A_882 = tpu.memref_squeeze %dma_start3A_881 : memref<1x50xi32, #tpu.memory_space<vmem>> -> memref<50xi32, #tpu.memory_space<vmem>>
        %dma_start3A_883 = arith.constant 0 : i32
        %dma_start3A_884 = arith.constant 0 : i32
        %dma_start3A_885 = tpu.memref_slice %arg11[%dma_start3A_883, %dma_start3A_884] : memref<1000x64xf32, #tpu.memory_space<vmem_shared>> -> memref<1000x64xf32, #tpu.memory_space<vmem_shared>>
        tpu.enqueue_indirect_dma source(%dma_start3A_885 : memref<1000x64xf32, #tpu.memory_space<vmem_shared>>) target(%dma_start3A_879 : memref<50x64xf32, #tpu.memory_space<vmem>>) offsets(%dma_start3A_882 : memref<50xi32, #tpu.memory_space<vmem>>) semaphore(%arg14 : memref<!tpu.dma_semaphore, #tpu.memory_space<semaphore_mem>>)
        %dma_start3A_886 = arith.constant 14 : i32
        %dma_start3A_887 = arith.constant 14 : i32
        %dma_start3A_888 = arith.constant 0 : i32
        %dma_start3A_889 = arith.constant 0 : i32
        %dma_start3A_890 = tpu.memref_slice %arg8[%dma_start3A_887, %dma_start3A_888, %dma_start3A_889] : memref<16x50x64xf32, #tpu.memory_space<vmem>> -> memref<1x50x64xf32, #tpu.memory_space<vmem>>
        %dma_start3A_891 = tpu.memref_squeeze %dma_start3A_890 : memref<1x50x64xf32, #tpu.memory_space<vmem>> -> memref<50x64xf32, #tpu.memory_space<vmem>>
        %dma_start3A_892 = arith.constant 0 : i32
        %dma_start3A_893 = tpu.memref_slice %arg6[%dma_start3A_886, %dma_start3A_892] : memref<16x50xi32, #tpu.memory_space<vmem>> -> memref<1x50xi32, #tpu.memory_space<vmem>>
        %dma_start3A_894 = tpu.memref_squeeze %dma_start3A_893 : memref<1x50xi32, #tpu.memory_space<vmem>> -> memref<50xi32, #tpu.memory_space<vmem>>
        %dma_start3A_895 = arith.constant 0 : i32
        %dma_start3A_896 = arith.constant 0 : i32
        %dma_start3A_897 = tpu.memref_slice %arg11[%dma_start3A_895, %dma_start3A_896] : memref<1000x64xf32, #tpu.memory_space<vmem_shared>> -> memref<1000x64xf32, #tpu.memory_space<vmem_shared>>
        tpu.enqueue_indirect_dma source(%dma_start3A_897 : memref<1000x64xf32, #tpu.memory_space<vmem_shared>>) target(%dma_start3A_891 : memref<50x64xf32, #tpu.memory_space<vmem>>) offsets(%dma_start3A_894 : memref<50xi32, #tpu.memory_space<vmem>>) semaphore(%arg14 : memref<!tpu.dma_semaphore, #tpu.memory_space<semaphore_mem>>)
        %dma_start3A_898 = arith.constant 15 : i32
        %dma_start3A_899 = arith.constant 15 : i32
        %dma_start3A_900 = arith.constant 0 : i32
        %dma_start3A_901 = arith.constant 0 : i32
        %dma_start3A_902 = tpu.memref_slice %arg8[%dma_start3A_899, %dma_start3A_900, %dma_start3A_901] : memref<16x50x64xf32, #tpu.memory_space<vmem>> -> memref<1x50x64xf32, #tpu.memory_space<vmem>>
        %dma_start3A_903 = tpu.memref_squeeze %dma_start3A_902 : memref<1x50x64xf32, #tpu.memory_space<vmem>> -> memref<50x64xf32, #tpu.memory_space<vmem>>
        %dma_start3A_904 = arith.constant 0 : i32
        %dma_start3A_905 = tpu.memref_slice %arg6[%dma_start3A_898, %dma_start3A_904] : memref<16x50xi32, #tpu.memory_space<vmem>> -> memref<1x50xi32, #tpu.memory_space<vmem>>
        %dma_start3A_906 = tpu.memref_squeeze %dma_start3A_905 : memref<1x50xi32, #tpu.memory_space<vmem>> -> memref<50xi32, #tpu.memory_space<vmem>>
        %dma_start3A_907 = arith.constant 0 : i32
        %dma_start3A_908 = arith.constant 0 : i32
        %dma_start3A_909 = tpu.memref_slice %arg11[%dma_start3A_907, %dma_start3A_908] : memref<1000x64xf32, #tpu.memory_space<vmem_shared>> -> memref<1000x64xf32, #tpu.memory_space<vmem_shared>>
        tpu.enqueue_indirect_dma source(%dma_start3A_909 : memref<1000x64xf32, #tpu.memory_space<vmem_shared>>) target(%dma_start3A_903 : memref<50x64xf32, #tpu.memory_space<vmem>>) offsets(%dma_start3A_906 : memref<50xi32, #tpu.memory_space<vmem>>) semaphore(%arg14 : memref<!tpu.dma_semaphore, #tpu.memory_space<semaphore_mem>>)
      } else {
      }
      %dma_wait3A_487 = arith.constant 0 : i32
      %dma_wait3A_488 = arith.constant 0 : i32
      %dma_wait3A_489 = arith.constant 0 : i32
      %dma_wait3A_490 = arith.constant 0 : i32
      %dma_wait3A_491 = tpu.memref_slice %arg9[%dma_wait3A_488, %dma_wait3A_489, %dma_wait3A_490] : memref<16x50x64xf32, #tpu.memory_space<vmem>> -> memref<1x50x64xf32, #tpu.memory_space<vmem>>
      %dma_wait3A_492 = tpu.memref_squeeze %dma_wait3A_491 : memref<1x50x64xf32, #tpu.memory_space<vmem>> -> memref<50x64xf32, #tpu.memory_space<vmem>>
      %dma_wait3A_493 = arith.constant 0 : i32
      %dma_wait3A_494 = tpu.memref_slice %arg7[%dma_wait3A_487, %dma_wait3A_493] : memref<16x50xi32, #tpu.memory_space<vmem>> -> memref<1x50xi32, #tpu.memory_space<vmem>>
      %dma_wait3A_495 = tpu.memref_squeeze %dma_wait3A_494 : memref<1x50xi32, #tpu.memory_space<vmem>> -> memref<50xi32, #tpu.memory_space<vmem>>
      %dma_wait3A_496 = arith.constant 0 : i32
      %dma_wait3A_497 = arith.constant 0 : i32
      %dma_wait3A_498 = tpu.memref_slice %arg11[%dma_wait3A_496, %dma_wait3A_497] : memref<1000x64xf32, #tpu.memory_space<vmem_shared>> -> memref<1000x64xf32, #tpu.memory_space<vmem_shared>>
      tpu.wait_indirect_dma semaphore(%arg15 : memref<!tpu.dma_semaphore, #tpu.memory_space<semaphore_mem>>) src(%dma_wait3A_498 : memref<1000x64xf32, #tpu.memory_space<vmem_shared>>) dst(%dma_wait3A_492 : memref<50x64xf32, #tpu.memory_space<vmem>>)
      %dma_wait3A_499 = arith.constant 1 : i32
      %dma_wait3A_500 = arith.constant 1 : i32
      %dma_wait3A_501 = arith.constant 0 : i32
      %dma_wait3A_502 = arith.constant 0 : i32
      %dma_wait3A_503 = tpu.memref_slice %arg9[%dma_wait3A_500, %dma_wait3A_501, %dma_wait3A_502] : memref<16x50x64xf32, #tpu.memory_space<vmem>> -> memref<1x50x64xf32, #tpu.memory_space<vmem>>
      %dma_wait3A_504 = tpu.memref_squeeze %dma_wait3A_503 : memref<1x50x64xf32, #tpu.memory_space<vmem>> -> memref<50x64xf32, #tpu.memory_space<vmem>>
      %dma_wait3A_505 = arith.constant 0 : i32
      %dma_wait3A_506 = tpu.memref_slice %arg7[%dma_wait3A_499, %dma_wait3A_505] : memref<16x50xi32, #tpu.memory_space<vmem>> -> memref<1x50xi32, #tpu.memory_space<vmem>>
      %dma_wait3A_507 = tpu.memref_squeeze %dma_wait3A_506 : memref<1x50xi32, #tpu.memory_space<vmem>> -> memref<50xi32, #tpu.memory_space<vmem>>
      %dma_wait3A_508 = arith.constant 0 : i32
      %dma_wait3A_509 = arith.constant 0 : i32
      %dma_wait3A_510 = tpu.memref_slice %arg11[%dma_wait3A_508, %dma_wait3A_509] : memref<1000x64xf32, #tpu.memory_space<vmem_shared>> -> memref<1000x64xf32, #tpu.memory_space<vmem_shared>>
      tpu.wait_indirect_dma semaphore(%arg15 : memref<!tpu.dma_semaphore, #tpu.memory_space<semaphore_mem>>) src(%dma_wait3A_510 : memref<1000x64xf32, #tpu.memory_space<vmem_shared>>) dst(%dma_wait3A_504 : memref<50x64xf32, #tpu.memory_space<vmem>>)
      %dma_wait3A_511 = arith.constant 2 : i32
      %dma_wait3A_512 = arith.constant 2 : i32
      %dma_wait3A_513 = arith.constant 0 : i32
      %dma_wait3A_514 = arith.constant 0 : i32
      %dma_wait3A_515 = tpu.memref_slice %arg9[%dma_wait3A_512, %dma_wait3A_513, %dma_wait3A_514] : memref<16x50x64xf32, #tpu.memory_space<vmem>> -> memref<1x50x64xf32, #tpu.memory_space<vmem>>
      %dma_wait3A_516 = tpu.memref_squeeze %dma_wait3A_515 : memref<1x50x64xf32, #tpu.memory_space<vmem>> -> memref<50x64xf32, #tpu.memory_space<vmem>>
      %dma_wait3A_517 = arith.constant 0 : i32
      %dma_wait3A_518 = tpu.memref_slice %arg7[%dma_wait3A_511, %dma_wait3A_517] : memref<16x50xi32, #tpu.memory_space<vmem>> -> memref<1x50xi32, #tpu.memory_space<vmem>>
      %dma_wait3A_519 = tpu.memref_squeeze %dma_wait3A_518 : memref<1x50xi32, #tpu.memory_space<vmem>> -> memref<50xi32, #tpu.memory_space<vmem>>
      %dma_wait3A_520 = arith.constant 0 : i32
      %dma_wait3A_521 = arith.constant 0 : i32
      %dma_wait3A_522 = tpu.memref_slice %arg11[%dma_wait3A_520, %dma_wait3A_521] : memref<1000x64xf32, #tpu.memory_space<vmem_shared>> -> memref<1000x64xf32, #tpu.memory_space<vmem_shared>>
      tpu.wait_indirect_dma semaphore(%arg15 : memref<!tpu.dma_semaphore, #tpu.memory_space<semaphore_mem>>) src(%dma_wait3A_522 : memref<1000x64xf32, #tpu.memory_space<vmem_shared>>) dst(%dma_wait3A_516 : memref<50x64xf32, #tpu.memory_space<vmem>>)
      %dma_wait3A_523 = arith.constant 3 : i32
      %dma_wait3A_524 = arith.constant 3 : i32
      %dma_wait3A_525 = arith.constant 0 : i32
      %dma_wait3A_526 = arith.constant 0 : i32
      %dma_wait3A_527 = tpu.memref_slice %arg9[%dma_wait3A_524, %dma_wait3A_525, %dma_wait3A_526] : memref<16x50x64xf32, #tpu.memory_space<vmem>> -> memref<1x50x64xf32, #tpu.memory_space<vmem>>
      %dma_wait3A_528 = tpu.memref_squeeze %dma_wait3A_527 : memref<1x50x64xf32, #tpu.memory_space<vmem>> -> memref<50x64xf32, #tpu.memory_space<vmem>>
      %dma_wait3A_529 = arith.constant 0 : i32
      %dma_wait3A_530 = tpu.memref_slice %arg7[%dma_wait3A_523, %dma_wait3A_529] : memref<16x50xi32, #tpu.memory_space<vmem>> -> memref<1x50xi32, #tpu.memory_space<vmem>>
      %dma_wait3A_531 = tpu.memref_squeeze %dma_wait3A_530 : memref<1x50xi32, #tpu.memory_space<vmem>> -> memref<50xi32, #tpu.memory_space<vmem>>
      %dma_wait3A_532 = arith.constant 0 : i32
      %dma_wait3A_533 = arith.constant 0 : i32
      %dma_wait3A_534 = tpu.memref_slice %arg11[%dma_wait3A_532, %dma_wait3A_533] : memref<1000x64xf32, #tpu.memory_space<vmem_shared>> -> memref<1000x64xf32, #tpu.memory_space<vmem_shared>>
      tpu.wait_indirect_dma semaphore(%arg15 : memref<!tpu.dma_semaphore, #tpu.memory_space<semaphore_mem>>) src(%dma_wait3A_534 : memref<1000x64xf32, #tpu.memory_space<vmem_shared>>) dst(%dma_wait3A_528 : memref<50x64xf32, #tpu.memory_space<vmem>>)
      %dma_wait3A_535 = arith.constant 4 : i32
      %dma_wait3A_536 = arith.constant 4 : i32
      %dma_wait3A_537 = arith.constant 0 : i32
      %dma_wait3A_538 = arith.constant 0 : i32
      %dma_wait3A_539 = tpu.memref_slice %arg9[%dma_wait3A_536, %dma_wait3A_537, %dma_wait3A_538] : memref<16x50x64xf32, #tpu.memory_space<vmem>> -> memref<1x50x64xf32, #tpu.memory_space<vmem>>
      %dma_wait3A_540 = tpu.memref_squeeze %dma_wait3A_539 : memref<1x50x64xf32, #tpu.memory_space<vmem>> -> memref<50x64xf32, #tpu.memory_space<vmem>>
      %dma_wait3A_541 = arith.constant 0 : i32
      %dma_wait3A_542 = tpu.memref_slice %arg7[%dma_wait3A_535, %dma_wait3A_541] : memref<16x50xi32, #tpu.memory_space<vmem>> -> memref<1x50xi32, #tpu.memory_space<vmem>>
      %dma_wait3A_543 = tpu.memref_squeeze %dma_wait3A_542 : memref<1x50xi32, #tpu.memory_space<vmem>> -> memref<50xi32, #tpu.memory_space<vmem>>
      %dma_wait3A_544 = arith.constant 0 : i32
      %dma_wait3A_545 = arith.constant 0 : i32
      %dma_wait3A_546 = tpu.memref_slice %arg11[%dma_wait3A_544, %dma_wait3A_545] : memref<1000x64xf32, #tpu.memory_space<vmem_shared>> -> memref<1000x64xf32, #tpu.memory_space<vmem_shared>>
      tpu.wait_indirect_dma semaphore(%arg15 : memref<!tpu.dma_semaphore, #tpu.memory_space<semaphore_mem>>) src(%dma_wait3A_546 : memref<1000x64xf32, #tpu.memory_space<vmem_shared>>) dst(%dma_wait3A_540 : memref<50x64xf32, #tpu.memory_space<vmem>>)
      %dma_wait3A_547 = arith.constant 5 : i32
      %dma_wait3A_548 = arith.constant 5 : i32
      %dma_wait3A_549 = arith.constant 0 : i32
      %dma_wait3A_550 = arith.constant 0 : i32
      %dma_wait3A_551 = tpu.memref_slice %arg9[%dma_wait3A_548, %dma_wait3A_549, %dma_wait3A_550] : memref<16x50x64xf32, #tpu.memory_space<vmem>> -> memref<1x50x64xf32, #tpu.memory_space<vmem>>
      %dma_wait3A_552 = tpu.memref_squeeze %dma_wait3A_551 : memref<1x50x64xf32, #tpu.memory_space<vmem>> -> memref<50x64xf32, #tpu.memory_space<vmem>>
      %dma_wait3A_553 = arith.constant 0 : i32
      %dma_wait3A_554 = tpu.memref_slice %arg7[%dma_wait3A_547, %dma_wait3A_553] : memref<16x50xi32, #tpu.memory_space<vmem>> -> memref<1x50xi32, #tpu.memory_space<vmem>>
      %dma_wait3A_555 = tpu.memref_squeeze %dma_wait3A_554 : memref<1x50xi32, #tpu.memory_space<vmem>> -> memref<50xi32, #tpu.memory_space<vmem>>
      %dma_wait3A_556 = arith.constant 0 : i32
      %dma_wait3A_557 = arith.constant 0 : i32
      %dma_wait3A_558 = tpu.memref_slice %arg11[%dma_wait3A_556, %dma_wait3A_557] : memref<1000x64xf32, #tpu.memory_space<vmem_shared>> -> memref<1000x64xf32, #tpu.memory_space<vmem_shared>>
      tpu.wait_indirect_dma semaphore(%arg15 : memref<!tpu.dma_semaphore, #tpu.memory_space<semaphore_mem>>) src(%dma_wait3A_558 : memref<1000x64xf32, #tpu.memory_space<vmem_shared>>) dst(%dma_wait3A_552 : memref<50x64xf32, #tpu.memory_space<vmem>>)
      %dma_wait3A_559 = arith.constant 6 : i32
      %dma_wait3A_560 = arith.constant 6 : i32
      %dma_wait3A_561 = arith.constant 0 : i32
      %dma_wait3A_562 = arith.constant 0 : i32
      %dma_wait3A_563 = tpu.memref_slice %arg9[%dma_wait3A_560, %dma_wait3A_561, %dma_wait3A_562] : memref<16x50x64xf32, #tpu.memory_space<vmem>> -> memref<1x50x64xf32, #tpu.memory_space<vmem>>
      %dma_wait3A_564 = tpu.memref_squeeze %dma_wait3A_563 : memref<1x50x64xf32, #tpu.memory_space<vmem>> -> memref<50x64xf32, #tpu.memory_space<vmem>>
      %dma_wait3A_565 = arith.constant 0 : i32
      %dma_wait3A_566 = tpu.memref_slice %arg7[%dma_wait3A_559, %dma_wait3A_565] : memref<16x50xi32, #tpu.memory_space<vmem>> -> memref<1x50xi32, #tpu.memory_space<vmem>>
      %dma_wait3A_567 = tpu.memref_squeeze %dma_wait3A_566 : memref<1x50xi32, #tpu.memory_space<vmem>> -> memref<50xi32, #tpu.memory_space<vmem>>
      %dma_wait3A_568 = arith.constant 0 : i32
      %dma_wait3A_569 = arith.constant 0 : i32
      %dma_wait3A_570 = tpu.memref_slice %arg11[%dma_wait3A_568, %dma_wait3A_569] : memref<1000x64xf32, #tpu.memory_space<vmem_shared>> -> memref<1000x64xf32, #tpu.memory_space<vmem_shared>>
      tpu.wait_indirect_dma semaphore(%arg15 : memref<!tpu.dma_semaphore, #tpu.memory_space<semaphore_mem>>) src(%dma_wait3A_570 : memref<1000x64xf32, #tpu.memory_space<vmem_shared>>) dst(%dma_wait3A_564 : memref<50x64xf32, #tpu.memory_space<vmem>>)
      %dma_wait3A_571 = arith.constant 7 : i32
      %dma_wait3A_572 = arith.constant 7 : i32
      %dma_wait3A_573 = arith.constant 0 : i32
      %dma_wait3A_574 = arith.constant 0 : i32
      %dma_wait3A_575 = tpu.memref_slice %arg9[%dma_wait3A_572, %dma_wait3A_573, %dma_wait3A_574] : memref<16x50x64xf32, #tpu.memory_space<vmem>> -> memref<1x50x64xf32, #tpu.memory_space<vmem>>
      %dma_wait3A_576 = tpu.memref_squeeze %dma_wait3A_575 : memref<1x50x64xf32, #tpu.memory_space<vmem>> -> memref<50x64xf32, #tpu.memory_space<vmem>>
      %dma_wait3A_577 = arith.constant 0 : i32
      %dma_wait3A_578 = tpu.memref_slice %arg7[%dma_wait3A_571, %dma_wait3A_577] : memref<16x50xi32, #tpu.memory_space<vmem>> -> memref<1x50xi32, #tpu.memory_space<vmem>>
      %dma_wait3A_579 = tpu.memref_squeeze %dma_wait3A_578 : memref<1x50xi32, #tpu.memory_space<vmem>> -> memref<50xi32, #tpu.memory_space<vmem>>
      %dma_wait3A_580 = arith.constant 0 : i32
      %dma_wait3A_581 = arith.constant 0 : i32
      %dma_wait3A_582 = tpu.memref_slice %arg11[%dma_wait3A_580, %dma_wait3A_581] : memref<1000x64xf32, #tpu.memory_space<vmem_shared>> -> memref<1000x64xf32, #tpu.memory_space<vmem_shared>>
      tpu.wait_indirect_dma semaphore(%arg15 : memref<!tpu.dma_semaphore, #tpu.memory_space<semaphore_mem>>) src(%dma_wait3A_582 : memref<1000x64xf32, #tpu.memory_space<vmem_shared>>) dst(%dma_wait3A_576 : memref<50x64xf32, #tpu.memory_space<vmem>>)
      %dma_wait3A_583 = arith.constant 8 : i32
      %dma_wait3A_584 = arith.constant 8 : i32
      %dma_wait3A_585 = arith.constant 0 : i32
      %dma_wait3A_586 = arith.constant 0 : i32
      %dma_wait3A_587 = tpu.memref_slice %arg9[%dma_wait3A_584, %dma_wait3A_585, %dma_wait3A_586] : memref<16x50x64xf32, #tpu.memory_space<vmem>> -> memref<1x50x64xf32, #tpu.memory_space<vmem>>
      %dma_wait3A_588 = tpu.memref_squeeze %dma_wait3A_587 : memref<1x50x64xf32, #tpu.memory_space<vmem>> -> memref<50x64xf32, #tpu.memory_space<vmem>>
      %dma_wait3A_589 = arith.constant 0 : i32
      %dma_wait3A_590 = tpu.memref_slice %arg7[%dma_wait3A_583, %dma_wait3A_589] : memref<16x50xi32, #tpu.memory_space<vmem>> -> memref<1x50xi32, #tpu.memory_space<vmem>>
      %dma_wait3A_591 = tpu.memref_squeeze %dma_wait3A_590 : memref<1x50xi32, #tpu.memory_space<vmem>> -> memref<50xi32, #tpu.memory_space<vmem>>
      %dma_wait3A_592 = arith.constant 0 : i32
      %dma_wait3A_593 = arith.constant 0 : i32
      %dma_wait3A_594 = tpu.memref_slice %arg11[%dma_wait3A_592, %dma_wait3A_593] : memref<1000x64xf32, #tpu.memory_space<vmem_shared>> -> memref<1000x64xf32, #tpu.memory_space<vmem_shared>>
      tpu.wait_indirect_dma semaphore(%arg15 : memref<!tpu.dma_semaphore, #tpu.memory_space<semaphore_mem>>) src(%dma_wait3A_594 : memref<1000x64xf32, #tpu.memory_space<vmem_shared>>) dst(%dma_wait3A_588 : memref<50x64xf32, #tpu.memory_space<vmem>>)
      %dma_wait3A_595 = arith.constant 9 : i32
      %dma_wait3A_596 = arith.constant 9 : i32
      %dma_wait3A_597 = arith.constant 0 : i32
      %dma_wait3A_598 = arith.constant 0 : i32
      %dma_wait3A_599 = tpu.memref_slice %arg9[%dma_wait3A_596, %dma_wait3A_597, %dma_wait3A_598] : memref<16x50x64xf32, #tpu.memory_space<vmem>> -> memref<1x50x64xf32, #tpu.memory_space<vmem>>
      %dma_wait3A_600 = tpu.memref_squeeze %dma_wait3A_599 : memref<1x50x64xf32, #tpu.memory_space<vmem>> -> memref<50x64xf32, #tpu.memory_space<vmem>>
      %dma_wait3A_601 = arith.constant 0 : i32
      %dma_wait3A_602 = tpu.memref_slice %arg7[%dma_wait3A_595, %dma_wait3A_601] : memref<16x50xi32, #tpu.memory_space<vmem>> -> memref<1x50xi32, #tpu.memory_space<vmem>>
      %dma_wait3A_603 = tpu.memref_squeeze %dma_wait3A_602 : memref<1x50xi32, #tpu.memory_space<vmem>> -> memref<50xi32, #tpu.memory_space<vmem>>
      %dma_wait3A_604 = arith.constant 0 : i32
      %dma_wait3A_605 = arith.constant 0 : i32
      %dma_wait3A_606 = tpu.memref_slice %arg11[%dma_wait3A_604, %dma_wait3A_605] : memref<1000x64xf32, #tpu.memory_space<vmem_shared>> -> memref<1000x64xf32, #tpu.memory_space<vmem_shared>>
      tpu.wait_indirect_dma semaphore(%arg15 : memref<!tpu.dma_semaphore, #tpu.memory_space<semaphore_mem>>) src(%dma_wait3A_606 : memref<1000x64xf32, #tpu.memory_space<vmem_shared>>) dst(%dma_wait3A_600 : memref<50x64xf32, #tpu.memory_space<vmem>>)
      %dma_wait3A_607 = arith.constant 10 : i32
      %dma_wait3A_608 = arith.constant 10 : i32
      %dma_wait3A_609 = arith.constant 0 : i32
      %dma_wait3A_610 = arith.constant 0 : i32
      %dma_wait3A_611 = tpu.memref_slice %arg9[%dma_wait3A_608, %dma_wait3A_609, %dma_wait3A_610] : memref<16x50x64xf32, #tpu.memory_space<vmem>> -> memref<1x50x64xf32, #tpu.memory_space<vmem>>
      %dma_wait3A_612 = tpu.memref_squeeze %dma_wait3A_611 : memref<1x50x64xf32, #tpu.memory_space<vmem>> -> memref<50x64xf32, #tpu.memory_space<vmem>>
      %dma_wait3A_613 = arith.constant 0 : i32
      %dma_wait3A_614 = tpu.memref_slice %arg7[%dma_wait3A_607, %dma_wait3A_613] : memref<16x50xi32, #tpu.memory_space<vmem>> -> memref<1x50xi32, #tpu.memory_space<vmem>>
      %dma_wait3A_615 = tpu.memref_squeeze %dma_wait3A_614 : memref<1x50xi32, #tpu.memory_space<vmem>> -> memref<50xi32, #tpu.memory_space<vmem>>
      %dma_wait3A_616 = arith.constant 0 : i32
      %dma_wait3A_617 = arith.constant 0 : i32
      %dma_wait3A_618 = tpu.memref_slice %arg11[%dma_wait3A_616, %dma_wait3A_617] : memref<1000x64xf32, #tpu.memory_space<vmem_shared>> -> memref<1000x64xf32, #tpu.memory_space<vmem_shared>>
      tpu.wait_indirect_dma semaphore(%arg15 : memref<!tpu.dma_semaphore, #tpu.memory_space<semaphore_mem>>) src(%dma_wait3A_618 : memref<1000x64xf32, #tpu.memory_space<vmem_shared>>) dst(%dma_wait3A_612 : memref<50x64xf32, #tpu.memory_space<vmem>>)
      %dma_wait3A_619 = arith.constant 11 : i32
      %dma_wait3A_620 = arith.constant 11 : i32
      %dma_wait3A_621 = arith.constant 0 : i32
      %dma_wait3A_622 = arith.constant 0 : i32
      %dma_wait3A_623 = tpu.memref_slice %arg9[%dma_wait3A_620, %dma_wait3A_621, %dma_wait3A_622] : memref<16x50x64xf32, #tpu.memory_space<vmem>> -> memref<1x50x64xf32, #tpu.memory_space<vmem>>
      %dma_wait3A_624 = tpu.memref_squeeze %dma_wait3A_623 : memref<1x50x64xf32, #tpu.memory_space<vmem>> -> memref<50x64xf32, #tpu.memory_space<vmem>>
      %dma_wait3A_625 = arith.constant 0 : i32
      %dma_wait3A_626 = tpu.memref_slice %arg7[%dma_wait3A_619, %dma_wait3A_625] : memref<16x50xi32, #tpu.memory_space<vmem>> -> memref<1x50xi32, #tpu.memory_space<vmem>>
      %dma_wait3A_627 = tpu.memref_squeeze %dma_wait3A_626 : memref<1x50xi32, #tpu.memory_space<vmem>> -> memref<50xi32, #tpu.memory_space<vmem>>
      %dma_wait3A_628 = arith.constant 0 : i32
      %dma_wait3A_629 = arith.constant 0 : i32
      %dma_wait3A_630 = tpu.memref_slice %arg11[%dma_wait3A_628, %dma_wait3A_629] : memref<1000x64xf32, #tpu.memory_space<vmem_shared>> -> memref<1000x64xf32, #tpu.memory_space<vmem_shared>>
      tpu.wait_indirect_dma semaphore(%arg15 : memref<!tpu.dma_semaphore, #tpu.memory_space<semaphore_mem>>) src(%dma_wait3A_630 : memref<1000x64xf32, #tpu.memory_space<vmem_shared>>) dst(%dma_wait3A_624 : memref<50x64xf32, #tpu.memory_space<vmem>>)
      %dma_wait3A_631 = arith.constant 12 : i32
      %dma_wait3A_632 = arith.constant 12 : i32
      %dma_wait3A_633 = arith.constant 0 : i32
      %dma_wait3A_634 = arith.constant 0 : i32
      %dma_wait3A_635 = tpu.memref_slice %arg9[%dma_wait3A_632, %dma_wait3A_633, %dma_wait3A_634] : memref<16x50x64xf32, #tpu.memory_space<vmem>> -> memref<1x50x64xf32, #tpu.memory_space<vmem>>
      %dma_wait3A_636 = tpu.memref_squeeze %dma_wait3A_635 : memref<1x50x64xf32, #tpu.memory_space<vmem>> -> memref<50x64xf32, #tpu.memory_space<vmem>>
      %dma_wait3A_637 = arith.constant 0 : i32
      %dma_wait3A_638 = tpu.memref_slice %arg7[%dma_wait3A_631, %dma_wait3A_637] : memref<16x50xi32, #tpu.memory_space<vmem>> -> memref<1x50xi32, #tpu.memory_space<vmem>>
      %dma_wait3A_639 = tpu.memref_squeeze %dma_wait3A_638 : memref<1x50xi32, #tpu.memory_space<vmem>> -> memref<50xi32, #tpu.memory_space<vmem>>
      %dma_wait3A_640 = arith.constant 0 : i32
      %dma_wait3A_641 = arith.constant 0 : i32
      %dma_wait3A_642 = tpu.memref_slice %arg11[%dma_wait3A_640, %dma_wait3A_641] : memref<1000x64xf32, #tpu.memory_space<vmem_shared>> -> memref<1000x64xf32, #tpu.memory_space<vmem_shared>>
      tpu.wait_indirect_dma semaphore(%arg15 : memref<!tpu.dma_semaphore, #tpu.memory_space<semaphore_mem>>) src(%dma_wait3A_642 : memref<1000x64xf32, #tpu.memory_space<vmem_shared>>) dst(%dma_wait3A_636 : memref<50x64xf32, #tpu.memory_space<vmem>>)
      %dma_wait3A_643 = arith.constant 13 : i32
      %dma_wait3A_644 = arith.constant 13 : i32
      %dma_wait3A_645 = arith.constant 0 : i32
      %dma_wait3A_646 = arith.constant 0 : i32
      %dma_wait3A_647 = tpu.memref_slice %arg9[%dma_wait3A_644, %dma_wait3A_645, %dma_wait3A_646] : memref<16x50x64xf32, #tpu.memory_space<vmem>> -> memref<1x50x64xf32, #tpu.memory_space<vmem>>
      %dma_wait3A_648 = tpu.memref_squeeze %dma_wait3A_647 : memref<1x50x64xf32, #tpu.memory_space<vmem>> -> memref<50x64xf32, #tpu.memory_space<vmem>>
      %dma_wait3A_649 = arith.constant 0 : i32
      %dma_wait3A_650 = tpu.memref_slice %arg7[%dma_wait3A_643, %dma_wait3A_649] : memref<16x50xi32, #tpu.memory_space<vmem>> -> memref<1x50xi32, #tpu.memory_space<vmem>>
      %dma_wait3A_651 = tpu.memref_squeeze %dma_wait3A_650 : memref<1x50xi32, #tpu.memory_space<vmem>> -> memref<50xi32, #tpu.memory_space<vmem>>
      %dma_wait3A_652 = arith.constant 0 : i32
      %dma_wait3A_653 = arith.constant 0 : i32
      %dma_wait3A_654 = tpu.memref_slice %arg11[%dma_wait3A_652, %dma_wait3A_653] : memref<1000x64xf32, #tpu.memory_space<vmem_shared>> -> memref<1000x64xf32, #tpu.memory_space<vmem_shared>>
      tpu.wait_indirect_dma semaphore(%arg15 : memref<!tpu.dma_semaphore, #tpu.memory_space<semaphore_mem>>) src(%dma_wait3A_654 : memref<1000x64xf32, #tpu.memory_space<vmem_shared>>) dst(%dma_wait3A_648 : memref<50x64xf32, #tpu.memory_space<vmem>>)
      %dma_wait3A_655 = arith.constant 14 : i32
      %dma_wait3A_656 = arith.constant 14 : i32
      %dma_wait3A_657 = arith.constant 0 : i32
      %dma_wait3A_658 = arith.constant 0 : i32
      %dma_wait3A_659 = tpu.memref_slice %arg9[%dma_wait3A_656, %dma_wait3A_657, %dma_wait3A_658] : memref<16x50x64xf32, #tpu.memory_space<vmem>> -> memref<1x50x64xf32, #tpu.memory_space<vmem>>
      %dma_wait3A_660 = tpu.memref_squeeze %dma_wait3A_659 : memref<1x50x64xf32, #tpu.memory_space<vmem>> -> memref<50x64xf32, #tpu.memory_space<vmem>>
      %dma_wait3A_661 = arith.constant 0 : i32
      %dma_wait3A_662 = tpu.memref_slice %arg7[%dma_wait3A_655, %dma_wait3A_661] : memref<16x50xi32, #tpu.memory_space<vmem>> -> memref<1x50xi32, #tpu.memory_space<vmem>>
      %dma_wait3A_663 = tpu.memref_squeeze %dma_wait3A_662 : memref<1x50xi32, #tpu.memory_space<vmem>> -> memref<50xi32, #tpu.memory_space<vmem>>
      %dma_wait3A_664 = arith.constant 0 : i32
      %dma_wait3A_665 = arith.constant 0 : i32
      %dma_wait3A_666 = tpu.memref_slice %arg11[%dma_wait3A_664, %dma_wait3A_665] : memref<1000x64xf32, #tpu.memory_space<vmem_shared>> -> memref<1000x64xf32, #tpu.memory_space<vmem_shared>>
      tpu.wait_indirect_dma semaphore(%arg15 : memref<!tpu.dma_semaphore, #tpu.memory_space<semaphore_mem>>) src(%dma_wait3A_666 : memref<1000x64xf32, #tpu.memory_space<vmem_shared>>) dst(%dma_wait3A_660 : memref<50x64xf32, #tpu.memory_space<vmem>>)
      %dma_wait3A_667 = arith.constant 15 : i32
      %dma_wait3A_668 = arith.constant 15 : i32
      %dma_wait3A_669 = arith.constant 0 : i32
      %dma_wait3A_670 = arith.constant 0 : i32
      %dma_wait3A_671 = tpu.memref_slice %arg9[%dma_wait3A_668, %dma_wait3A_669, %dma_wait3A_670] : memref<16x50x64xf32, #tpu.memory_space<vmem>> -> memref<1x50x64xf32, #tpu.memory_space<vmem>>
      %dma_wait3A_672 = tpu.memref_squeeze %dma_wait3A_671 : memref<1x50x64xf32, #tpu.memory_space<vmem>> -> memref<50x64xf32, #tpu.memory_space<vmem>>
      %dma_wait3A_673 = arith.constant 0 : i32
      %dma_wait3A_674 = tpu.memref_slice %arg7[%dma_wait3A_667, %dma_wait3A_673] : memref<16x50xi32, #tpu.memory_space<vmem>> -> memref<1x50xi32, #tpu.memory_space<vmem>>
      %dma_wait3A_675 = tpu.memref_squeeze %dma_wait3A_674 : memref<1x50xi32, #tpu.memory_space<vmem>> -> memref<50xi32, #tpu.memory_space<vmem>>
      %dma_wait3A_676 = arith.constant 0 : i32
      %dma_wait3A_677 = arith.constant 0 : i32
      %dma_wait3A_678 = tpu.memref_slice %arg11[%dma_wait3A_676, %dma_wait3A_677] : memref<1000x64xf32, #tpu.memory_space<vmem_shared>> -> memref<1000x64xf32, #tpu.memory_space<vmem_shared>>
      tpu.wait_indirect_dma semaphore(%arg15 : memref<!tpu.dma_semaphore, #tpu.memory_space<semaphore_mem>>) src(%dma_wait3A_678 : memref<1000x64xf32, #tpu.memory_space<vmem_shared>>) dst(%dma_wait3A_672 : memref<50x64xf32, #tpu.memory_space<vmem>>)
      %scan3A_679 = arith.constant 0 : i32
      %scan3A_680 = arith.constant 0 : i32
      %scan3A_681 = arith.constant 50 : i32
      %scan3A_682 = arith.addi %scan3A_680, %scan3A_681 : i32
      %scan3A_683 = arith.constant 1 : i32
      scf.for %scan3A_692 = %scan3A_680 to %scan3A_682 step %scan3A_683  : i32 {
        %get3A = arith.index_cast %scan3A_692 : i32 to index
        %get3A_693 = arith.constant 0 : index
        %get3A_694 = tpu.vector_load %arg10[%get3A, %get3A_693] {strides = array<i32>} : memref<50x64xf32, #tpu.memory_space<vmem>>, vector<1x16xf32>,
        %get3A_695 = vector.shape_cast %get3A_694 : vector<1x16xf32> to vector<16xf32>
        %get3A_696 = arith.index_cast %scan3A_692 : i32 to index
        %get3A_697 = arith.constant 16 : index
        %get3A_698 = tpu.vector_load %arg10[%get3A_696, %get3A_697] {strides = array<i32>} : memref<50x64xf32, #tpu.memory_space<vmem>>, vector<1x16xf32>,
        %get3A_699 = vector.shape_cast %get3A_698 : vector<1x16xf32> to vector<16xf32>
        %get3A_700 = arith.index_cast %scan3A_692 : i32 to index
        %get3A_701 = arith.constant 32 : index
        %get3A_702 = tpu.vector_load %arg10[%get3A_700, %get3A_701] {strides = array<i32>} : memref<50x64xf32, #tpu.memory_space<vmem>>, vector<1x16xf32>,
        %get3A_703 = vector.shape_cast %get3A_702 : vector<1x16xf32> to vector<16xf32>
        %get3A_704 = arith.index_cast %scan3A_692 : i32 to index
        %get3A_705 = arith.constant 48 : index
        %get3A_706 = tpu.vector_load %arg10[%get3A_704, %get3A_705] {strides = array<i32>} : memref<50x64xf32, #tpu.memory_space<vmem>>, vector<1x16xf32>,
        %get3A_707 = vector.shape_cast %get3A_706 : vector<1x16xf32> to vector<16xf32>
        %get3A_708 = arith.constant 0 : i32
        %get3A_709 = arith.index_cast %get3A_708 : i32 to index
        %get3A_710 = arith.index_cast %scan3A_692 : i32 to index
        %get3A_711 = arith.constant 0 : index
        %get3A_712 = tpu.vector_load %arg9[%get3A_709, %get3A_710, %get3A_711] {strides = array<i32>} : memref<16x50x64xf32, #tpu.memory_space<vmem>>, vector<1x1x16xf32>,
        %get3A_713 = vector.shape_cast %get3A_712 : vector<1x1x16xf32> to vector<16xf32>
        %add3A_714 = arith.addf %get3A_713, %get3A_695 : vector<16xf32>
        %swap3A = arith.constant 0 : i32
        %swap3A_715 = arith.index_cast %swap3A : i32 to index
        %swap3A_716 = arith.index_cast %scan3A_692 : i32 to index
        %swap3A_717 = arith.constant 0 : index
        %swap3A_718 = tpu.vector_load %arg9[%swap3A_715, %swap3A_716, %swap3A_717] {strides = array<i32>} : memref<16x50x64xf32, #tpu.memory_space<vmem>>, vector<1x1x16xf32>,
        %swap3A_719 = vector.shape_cast %swap3A_718 : vector<1x1x16xf32> to vector<16xf32>
        %swap3A_720 = vector.shape_cast %add3A_714 : vector<16xf32> to vector<1x1x16xf32>
        tpu.vector_store %arg9[%swap3A_715, %swap3A_716, %swap3A_717], %swap3A_720 {strides = array<i32>} : memref<16x50x64xf32, #tpu.memory_space<vmem>>, vector<1x1x16xf32>,
        %get3A_721 = arith.constant 0 : i32
        %get3A_722 = arith.index_cast %get3A_721 : i32 to index
        %get3A_723 = arith.index_cast %scan3A_692 : i32 to index
        %get3A_724 = arith.constant 16 : index
        %get3A_725 = tpu.vector_load %arg9[%get3A_722, %get3A_723, %get3A_724] {strides = array<i32>} : memref<16x50x64xf32, #tpu.memory_space<vmem>>, vector<1x1x16xf32>,
        %get3A_726 = vector.shape_cast %get3A_725 : vector<1x1x16xf32> to vector<16xf32>
        %add3A_727 = arith.addf %get3A_726, %get3A_699 : vector<16xf32>
        %swap3A_728 = arith.constant 0 : i32
        %swap3A_729 = arith.index_cast %swap3A_728 : i32 to index
        %swap3A_730 = arith.index_cast %scan3A_692 : i32 to index
        %swap3A_731 = arith.constant 16 : index
        %swap3A_732 = tpu.vector_load %arg9[%swap3A_729, %swap3A_730, %swap3A_731] {strides = array<i32>} : memref<16x50x64xf32, #tpu.memory_space<vmem>>, vector<1x1x16xf32>,
        %swap3A_733 = vector.shape_cast %swap3A_732 : vector<1x1x16xf32> to vector<16xf32>
        %swap3A_734 = vector.shape_cast %add3A_727 : vector<16xf32> to vector<1x1x16xf32>
        tpu.vector_store %arg9[%swap3A_729, %swap3A_730, %swap3A_731], %swap3A_734 {strides = array<i32>} : memref<16x50x64xf32, #tpu.memory_space<vmem>>, vector<1x1x16xf32>,
        %get3A_735 = arith.constant 0 : i32
        %get3A_736 = arith.index_cast %get3A_735 : i32 to index
        %get3A_737 = arith.index_cast %scan3A_692 : i32 to index
        %get3A_738 = arith.constant 32 : index
        %get3A_739 = tpu.vector_load %arg9[%get3A_736, %get3A_737, %get3A_738] {strides = array<i32>} : memref<16x50x64xf32, #tpu.memory_space<vmem>>, vector<1x1x16xf32>,
        %get3A_740 = vector.shape_cast %get3A_739 : vector<1x1x16xf32> to vector<16xf32>
        %add3A_741 = arith.addf %get3A_740, %get3A_703 : vector<16xf32>
        %swap3A_742 = arith.constant 0 : i32
        %swap3A_743 = arith.index_cast %swap3A_742 : i32 to index
        %swap3A_744 = arith.index_cast %scan3A_692 : i32 to index
        %swap3A_745 = arith.constant 32 : index
        %swap3A_746 = tpu.vector_load %arg9[%swap3A_743, %swap3A_744, %swap3A_745] {strides = array<i32>} : memref<16x50x64xf32, #tpu.memory_space<vmem>>, vector<1x1x16xf32>,
        %swap3A_747 = vector.shape_cast %swap3A_746 : vector<1x1x16xf32> to vector<16xf32>
        %swap3A_748 = vector.shape_cast %add3A_741 : vector<16xf32> to vector<1x1x16xf32>
        tpu.vector_store %arg9[%swap3A_743, %swap3A_744, %swap3A_745], %swap3A_748 {strides = array<i32>} : memref<16x50x64xf32, #tpu.memory_space<vmem>>, vector<1x1x16xf32>,
        %get3A_749 = arith.constant 0 : i32
        %get3A_750 = arith.index_cast %get3A_749 : i32 to index
        %get3A_751 = arith.index_cast %scan3A_692 : i32 to index
        %get3A_752 = arith.constant 48 : index
        %get3A_753 = tpu.vector_load %arg9[%get3A_750, %get3A_751, %get3A_752] {strides = array<i32>} : memref<16x50x64xf32, #tpu.memory_space<vmem>>, vector<1x1x16xf32>,
        %get3A_754 = vector.shape_cast %get3A_753 : vector<1x1x16xf32> to vector<16xf32>
        %add3A_755 = arith.addf %get3A_754, %get3A_707 : vector<16xf32>
        %swap3A_756 = arith.constant 0 : i32
        %swap3A_757 = arith.index_cast %swap3A_756 : i32 to index
        %swap3A_758 = arith.index_cast %scan3A_692 : i32 to index
        %swap3A_759 = arith.constant 48 : index
        %swap3A_760 = tpu.vector_load %arg9[%swap3A_757, %swap3A_758, %swap3A_759] {strides = array<i32>} : memref<16x50x64xf32, #tpu.memory_space<vmem>>, vector<1x1x16xf32>,
        %swap3A_761 = vector.shape_cast %swap3A_760 : vector<1x1x16xf32> to vector<16xf32>
        %swap3A_762 = vector.shape_cast %add3A_755 : vector<16xf32> to vector<1x1x16xf32>
        tpu.vector_store %arg9[%swap3A_757, %swap3A_758, %swap3A_759], %swap3A_762 {strides = array<i32>} : memref<16x50x64xf32, #tpu.memory_space<vmem>>, vector<1x1x16xf32>,
        %get3A_763 = arith.constant 1 : i32
        %get3A_764 = arith.index_cast %get3A_763 : i32 to index
        %get3A_765 = arith.index_cast %scan3A_692 : i32 to index
        %get3A_766 = arith.constant 0 : index
        %get3A_767 = tpu.vector_load %arg9[%get3A_764, %get3A_765, %get3A_766] {strides = array<i32>} : memref<16x50x64xf32, #tpu.memory_space<vmem>>, vector<1x1x16xf32>,
        %get3A_768 = vector.shape_cast %get3A_767 : vector<1x1x16xf32> to vector<16xf32>
        %add3A_769 = arith.addf %get3A_768, %get3A_695 : vector<16xf32>
        %swap3A_770 = arith.constant 1 : i32
        %swap3A_771 = arith.index_cast %swap3A_770 : i32 to index
        %swap3A_772 = arith.index_cast %scan3A_692 : i32 to index
        %swap3A_773 = arith.constant 0 : index
        %swap3A_774 = tpu.vector_load %arg9[%swap3A_771, %swap3A_772, %swap3A_773] {strides = array<i32>} : memref<16x50x64xf32, #tpu.memory_space<vmem>>, vector<1x1x16xf32>,
        %swap3A_775 = vector.shape_cast %swap3A_774 : vector<1x1x16xf32> to vector<16xf32>
        %swap3A_776 = vector.shape_cast %add3A_769 : vector<16xf32> to vector<1x1x16xf32>
        tpu.vector_store %arg9[%swap3A_771, %swap3A_772, %swap3A_773], %swap3A_776 {strides = array<i32>} : memref<16x50x64xf32, #tpu.memory_space<vmem>>, vector<1x1x16xf32>,
        %get3A_777 = arith.constant 1 : i32
        %get3A_778 = arith.index_cast %get3A_777 : i32 to index
        %get3A_779 = arith.index_cast %scan3A_692 : i32 to index
        %get3A_780 = arith.constant 16 : index
        %get3A_781 = tpu.vector_load %arg9[%get3A_778, %get3A_779, %get3A_780] {strides = array<i32>} : memref<16x50x64xf32, #tpu.memory_space<vmem>>, vector<1x1x16xf32>,
        %get3A_782 = vector.shape_cast %get3A_781 : vector<1x1x16xf32> to vector<16xf32>
        %add3A_783 = arith.addf %get3A_782, %get3A_699 : vector<16xf32>
        %swap3A_784 = arith.constant 1 : i32
        %swap3A_785 = arith.index_cast %swap3A_784 : i32 to index
        %swap3A_786 = arith.index_cast %scan3A_692 : i32 to index
        %swap3A_787 = arith.constant 16 : index
        %swap3A_788 = tpu.vector_load %arg9[%swap3A_785, %swap3A_786, %swap3A_787] {strides = array<i32>} : memref<16x50x64xf32, #tpu.memory_space<vmem>>, vector<1x1x16xf32>,
        %swap3A_789 = vector.shape_cast %swap3A_788 : vector<1x1x16xf32> to vector<16xf32>
        %swap3A_790 = vector.shape_cast %add3A_783 : vector<16xf32> to vector<1x1x16xf32>
        tpu.vector_store %arg9[%swap3A_785, %swap3A_786, %swap3A_787], %swap3A_790 {strides = array<i32>} : memref<16x50x64xf32, #tpu.memory_space<vmem>>, vector<1x1x16xf32>,
        %get3A_791 = arith.constant 1 : i32
        %get3A_792 = arith.index_cast %get3A_791 : i32 to index
        %get3A_793 = arith.index_cast %scan3A_692 : i32 to index
        %get3A_794 = arith.constant 32 : index
        %get3A_795 = tpu.vector_load %arg9[%get3A_792, %get3A_793, %get3A_794] {strides = array<i32>} : memref<16x50x64xf32, #tpu.memory_space<vmem>>, vector<1x1x16xf32>,
        %get3A_796 = vector.shape_cast %get3A_795 : vector<1x1x16xf32> to vector<16xf32>
        %add3A_797 = arith.addf %get3A_796, %get3A_703 : vector<16xf32>
        %swap3A_798 = arith.constant 1 : i32
        %swap3A_799 = arith.index_cast %swap3A_798 : i32 to index
        %swap3A_800 = arith.index_cast %scan3A_692 : i32 to index
        %swap3A_801 = arith.constant 32 : index
        %swap3A_802 = tpu.vector_load %arg9[%swap3A_799, %swap3A_800, %swap3A_801] {strides = array<i32>} : memref<16x50x64xf32, #tpu.memory_space<vmem>>, vector<1x1x16xf32>,
        %swap3A_803 = vector.shape_cast %swap3A_802 : vector<1x1x16xf32> to vector<16xf32>
        %swap3A_804 = vector.shape_cast %add3A_797 : vector<16xf32> to vector<1x1x16xf32>
        tpu.vector_store %arg9[%swap3A_799, %swap3A_800, %swap3A_801], %swap3A_804 {strides = array<i32>} : memref<16x50x64xf32, #tpu.memory_space<vmem>>, vector<1x1x16xf32>,
        %get3A_805 = arith.constant 1 : i32
        %get3A_806 = arith.index_cast %get3A_805 : i32 to index
        %get3A_807 = arith.index_cast %scan3A_692 : i32 to index
        %get3A_808 = arith.constant 48 : index
        %get3A_809 = tpu.vector_load %arg9[%get3A_806, %get3A_807, %get3A_808] {strides = array<i32>} : memref<16x50x64xf32, #tpu.memory_space<vmem>>, vector<1x1x16xf32>,
        %get3A_810 = vector.shape_cast %get3A_809 : vector<1x1x16xf32> to vector<16xf32>
        %add3A_811 = arith.addf %get3A_810, %get3A_707 : vector<16xf32>
        %swap3A_812 = arith.constant 1 : i32
        %swap3A_813 = arith.index_cast %swap3A_812 : i32 to index
        %swap3A_814 = arith.index_cast %scan3A_692 : i32 to index
        %swap3A_815 = arith.constant 48 : index
        %swap3A_816 = tpu.vector_load %arg9[%swap3A_813, %swap3A_814, %swap3A_815] {strides = array<i32>} : memref<16x50x64xf32, #tpu.memory_space<vmem>>, vector<1x1x16xf32>,
        %swap3A_817 = vector.shape_cast %swap3A_816 : vector<1x1x16xf32> to vector<16xf32>
        %swap3A_818 = vector.shape_cast %add3A_811 : vector<16xf32> to vector<1x1x16xf32>
        tpu.vector_store %arg9[%swap3A_813, %swap3A_814, %swap3A_815], %swap3A_818 {strides = array<i32>} : memref<16x50x64xf32, #tpu.memory_space<vmem>>, vector<1x1x16xf32>,
        %get3A_819 = arith.constant 2 : i32
        %get3A_820 = arith.index_cast %get3A_819 : i32 to index
        %get3A_821 = arith.index_cast %scan3A_692 : i32 to index
        %get3A_822 = arith.constant 0 : index
        %get3A_823 = tpu.vector_load %arg9[%get3A_820, %get3A_821, %get3A_822] {strides = array<i32>} : memref<16x50x64xf32, #tpu.memory_space<vmem>>, vector<1x1x16xf32>,
        %get3A_824 = vector.shape_cast %get3A_823 : vector<1x1x16xf32> to vector<16xf32>
        %add3A_825 = arith.addf %get3A_824, %get3A_695 : vector<16xf32>
        %swap3A_826 = arith.constant 2 : i32
        %swap3A_827 = arith.index_cast %swap3A_826 : i32 to index
        %swap3A_828 = arith.index_cast %scan3A_692 : i32 to index
        %swap3A_829 = arith.constant 0 : index
        %swap3A_830 = tpu.vector_load %arg9[%swap3A_827, %swap3A_828, %swap3A_829] {strides = array<i32>} : memref<16x50x64xf32, #tpu.memory_space<vmem>>, vector<1x1x16xf32>,
        %swap3A_831 = vector.shape_cast %swap3A_830 : vector<1x1x16xf32> to vector<16xf32>
        %swap3A_832 = vector.shape_cast %add3A_825 : vector<16xf32> to vector<1x1x16xf32>
        tpu.vector_store %arg9[%swap3A_827, %swap3A_828, %swap3A_829], %swap3A_832 {strides = array<i32>} : memref<16x50x64xf32, #tpu.memory_space<vmem>>, vector<1x1x16xf32>,
        %get3A_833 = arith.constant 2 : i32
        %get3A_834 = arith.index_cast %get3A_833 : i32 to index
        %get3A_835 = arith.index_cast %scan3A_692 : i32 to index
        %get3A_836 = arith.constant 16 : index
        %get3A_837 = tpu.vector_load %arg9[%get3A_834, %get3A_835, %get3A_836] {strides = array<i32>} : memref<16x50x64xf32, #tpu.memory_space<vmem>>, vector<1x1x16xf32>,
        %get3A_838 = vector.shape_cast %get3A_837 : vector<1x1x16xf32> to vector<16xf32>
        %add3A_839 = arith.addf %get3A_838, %get3A_699 : vector<16xf32>
        %swap3A_840 = arith.constant 2 : i32
        %swap3A_841 = arith.index_cast %swap3A_840 : i32 to index
        %swap3A_842 = arith.index_cast %scan3A_692 : i32 to index
        %swap3A_843 = arith.constant 16 : index
        %swap3A_844 = tpu.vector_load %arg9[%swap3A_841, %swap3A_842, %swap3A_843] {strides = array<i32>} : memref<16x50x64xf32, #tpu.memory_space<vmem>>, vector<1x1x16xf32>,
        %swap3A_845 = vector.shape_cast %swap3A_844 : vector<1x1x16xf32> to vector<16xf32>
        %swap3A_846 = vector.shape_cast %add3A_839 : vector<16xf32> to vector<1x1x16xf32>
        tpu.vector_store %arg9[%swap3A_841, %swap3A_842, %swap3A_843], %swap3A_846 {strides = array<i32>} : memref<16x50x64xf32, #tpu.memory_space<vmem>>, vector<1x1x16xf32>,
        %get3A_847 = arith.constant 2 : i32
        %get3A_848 = arith.index_cast %get3A_847 : i32 to index
        %get3A_849 = arith.index_cast %scan3A_692 : i32 to index
        %get3A_850 = arith.constant 32 : index
        %get3A_851 = tpu.vector_load %arg9[%get3A_848, %get3A_849, %get3A_850] {strides = array<i32>} : memref<16x50x64xf32, #tpu.memory_space<vmem>>, vector<1x1x16xf32>,
        %get3A_852 = vector.shape_cast %get3A_851 : vector<1x1x16xf32> to vector<16xf32>
        %add3A_853 = arith.addf %get3A_852, %get3A_703 : vector<16xf32>
        %swap3A_854 = arith.constant 2 : i32
        %swap3A_855 = arith.index_cast %swap3A_854 : i32 to index
        %swap3A_856 = arith.index_cast %scan3A_692 : i32 to index
        %swap3A_857 = arith.constant 32 : index
        %swap3A_858 = tpu.vector_load %arg9[%swap3A_855, %swap3A_856, %swap3A_857] {strides = array<i32>} : memref<16x50x64xf32, #tpu.memory_space<vmem>>, vector<1x1x16xf32>,
        %swap3A_859 = vector.shape_cast %swap3A_858 : vector<1x1x16xf32> to vector<16xf32>
        %swap3A_860 = vector.shape_cast %add3A_853 : vector<16xf32> to vector<1x1x16xf32>
        tpu.vector_store %arg9[%swap3A_855, %swap3A_856, %swap3A_857], %swap3A_860 {strides = array<i32>} : memref<16x50x64xf32, #tpu.memory_space<vmem>>, vector<1x1x16xf32>,
        %get3A_861 = arith.constant 2 : i32
        %get3A_862 = arith.index_cast %get3A_861 : i32 to index
        %get3A_863 = arith.index_cast %scan3A_692 : i32 to index
        %get3A_864 = arith.constant 48 : index
        %get3A_865 = tpu.vector_load %arg9[%get3A_862, %get3A_863, %get3A_864] {strides = array<i32>} : memref<16x50x64xf32, #tpu.memory_space<vmem>>, vector<1x1x16xf32>,
        %get3A_866 = vector.shape_cast %get3A_865 : vector<1x1x16xf32> to vector<16xf32>
        %add3A_867 = arith.addf %get3A_866, %get3A_707 : vector<16xf32>
        %swap3A_868 = arith.constant 2 : i32
        %swap3A_869 = arith.index_cast %swap3A_868 : i32 to index
        %swap3A_870 = arith.index_cast %scan3A_692 : i32 to index
        %swap3A_871 = arith.constant 48 : index
        %swap3A_872 = tpu.vector_load %arg9[%swap3A_869, %swap3A_870, %swap3A_871] {strides = array<i32>} : memref<16x50x64xf32, #tpu.memory_space<vmem>>, vector<1x1x16xf32>,
        %swap3A_873 = vector.shape_cast %swap3A_872 : vector<1x1x16xf32> to vector<16xf32>
        %swap3A_874 = vector.shape_cast %add3A_867 : vector<16xf32> to vector<1x1x16xf32>
        tpu.vector_store %arg9[%swap3A_869, %swap3A_870, %swap3A_871], %swap3A_874 {strides = array<i32>} : memref<16x50x64xf32, #tpu.memory_space<vmem>>, vector<1x1x16xf32>,
        %get3A_875 = arith.constant 3 : i32
        %get3A_876 = arith.index_cast %get3A_875 : i32 to index
        %get3A_877 = arith.index_cast %scan3A_692 : i32 to index
        %get3A_878 = arith.constant 0 : index
        %get3A_879 = tpu.vector_load %arg9[%get3A_876, %get3A_877, %get3A_878] {strides = array<i32>} : memref<16x50x64xf32, #tpu.memory_space<vmem>>, vector<1x1x16xf32>,
        %get3A_880 = vector.shape_cast %get3A_879 : vector<1x1x16xf32> to vector<16xf32>
        %add3A_881 = arith.addf %get3A_880, %get3A_695 : vector<16xf32>
        %swap3A_882 = arith.constant 3 : i32
        %swap3A_883 = arith.index_cast %swap3A_882 : i32 to index
        %swap3A_884 = arith.index_cast %scan3A_692 : i32 to index
        %swap3A_885 = arith.constant 0 : index
        %swap3A_886 = tpu.vector_load %arg9[%swap3A_883, %swap3A_884, %swap3A_885] {strides = array<i32>} : memref<16x50x64xf32, #tpu.memory_space<vmem>>, vector<1x1x16xf32>,
        %swap3A_887 = vector.shape_cast %swap3A_886 : vector<1x1x16xf32> to vector<16xf32>
        %swap3A_888 = vector.shape_cast %add3A_881 : vector<16xf32> to vector<1x1x16xf32>
        tpu.vector_store %arg9[%swap3A_883, %swap3A_884, %swap3A_885], %swap3A_888 {strides = array<i32>} : memref<16x50x64xf32, #tpu.memory_space<vmem>>, vector<1x1x16xf32>,
        %get3A_889 = arith.constant 3 : i32
        %get3A_890 = arith.index_cast %get3A_889 : i32 to index
        %get3A_891 = arith.index_cast %scan3A_692 : i32 to index
        %get3A_892 = arith.constant 16 : index
        %get3A_893 = tpu.vector_load %arg9[%get3A_890, %get3A_891, %get3A_892] {strides = array<i32>} : memref<16x50x64xf32, #tpu.memory_space<vmem>>, vector<1x1x16xf32>,
        %get3A_894 = vector.shape_cast %get3A_893 : vector<1x1x16xf32> to vector<16xf32>
        %add3A_895 = arith.addf %get3A_894, %get3A_699 : vector<16xf32>
        %swap3A_896 = arith.constant 3 : i32
        %swap3A_897 = arith.index_cast %swap3A_896 : i32 to index
        %swap3A_898 = arith.index_cast %scan3A_692 : i32 to index
        %swap3A_899 = arith.constant 16 : index
        %swap3A_900 = tpu.vector_load %arg9[%swap3A_897, %swap3A_898, %swap3A_899] {strides = array<i32>} : memref<16x50x64xf32, #tpu.memory_space<vmem>>, vector<1x1x16xf32>,
        %swap3A_901 = vector.shape_cast %swap3A_900 : vector<1x1x16xf32> to vector<16xf32>
        %swap3A_902 = vector.shape_cast %add3A_895 : vector<16xf32> to vector<1x1x16xf32>
        tpu.vector_store %arg9[%swap3A_897, %swap3A_898, %swap3A_899], %swap3A_902 {strides = array<i32>} : memref<16x50x64xf32, #tpu.memory_space<vmem>>, vector<1x1x16xf32>,
        %get3A_903 = arith.constant 3 : i32
        %get3A_904 = arith.index_cast %get3A_903 : i32 to index
        %get3A_905 = arith.index_cast %scan3A_692 : i32 to index
        %get3A_906 = arith.constant 32 : index
        %get3A_907 = tpu.vector_load %arg9[%get3A_904, %get3A_905, %get3A_906] {strides = array<i32>} : memref<16x50x64xf32, #tpu.memory_space<vmem>>, vector<1x1x16xf32>,
        %get3A_908 = vector.shape_cast %get3A_907 : vector<1x1x16xf32> to vector<16xf32>
        %add3A_909 = arith.addf %get3A_908, %get3A_703 : vector<16xf32>
        %swap3A_910 = arith.constant 3 : i32
        %swap3A_911 = arith.index_cast %swap3A_910 : i32 to index
        %swap3A_912 = arith.index_cast %scan3A_692 : i32 to index
        %swap3A_913 = arith.constant 32 : index
        %swap3A_914 = tpu.vector_load %arg9[%swap3A_911, %swap3A_912, %swap3A_913] {strides = array<i32>} : memref<16x50x64xf32, #tpu.memory_space<vmem>>, vector<1x1x16xf32>,
        %swap3A_915 = vector.shape_cast %swap3A_914 : vector<1x1x16xf32> to vector<16xf32>
        %swap3A_916 = vector.shape_cast %add3A_909 : vector<16xf32> to vector<1x1x16xf32>
        tpu.vector_store %arg9[%swap3A_911, %swap3A_912, %swap3A_913], %swap3A_916 {strides = array<i32>} : memref<16x50x64xf32, #tpu.memory_space<vmem>>, vector<1x1x16xf32>,
        %get3A_917 = arith.constant 3 : i32
        %get3A_918 = arith.index_cast %get3A_917 : i32 to index
        %get3A_919 = arith.index_cast %scan3A_692 : i32 to index
        %get3A_920 = arith.constant 48 : index
        %get3A_921 = tpu.vector_load %arg9[%get3A_918, %get3A_919, %get3A_920] {strides = array<i32>} : memref<16x50x64xf32, #tpu.memory_space<vmem>>, vector<1x1x16xf32>,
        %get3A_922 = vector.shape_cast %get3A_921 : vector<1x1x16xf32> to vector<16xf32>
        %add3A_923 = arith.addf %get3A_922, %get3A_707 : vector<16xf32>
        %swap3A_924 = arith.constant 3 : i32
        %swap3A_925 = arith.index_cast %swap3A_924 : i32 to index
        %swap3A_926 = arith.index_cast %scan3A_692 : i32 to index
        %swap3A_927 = arith.constant 48 : index
        %swap3A_928 = tpu.vector_load %arg9[%swap3A_925, %swap3A_926, %swap3A_927] {strides = array<i32>} : memref<16x50x64xf32, #tpu.memory_space<vmem>>, vector<1x1x16xf32>,
        %swap3A_929 = vector.shape_cast %swap3A_928 : vector<1x1x16xf32> to vector<16xf32>
        %swap3A_930 = vector.shape_cast %add3A_923 : vector<16xf32> to vector<1x1x16xf32>
        tpu.vector_store %arg9[%swap3A_925, %swap3A_926, %swap3A_927], %swap3A_930 {strides = array<i32>} : memref<16x50x64xf32, #tpu.memory_space<vmem>>, vector<1x1x16xf32>,
        %get3A_931 = arith.constant 4 : i32
        %get3A_932 = arith.index_cast %get3A_931 : i32 to index
        %get3A_933 = arith.index_cast %scan3A_692 : i32 to index
        %get3A_934 = arith.constant 0 : index
        %get3A_935 = tpu.vector_load %arg9[%get3A_932, %get3A_933, %get3A_934] {strides = array<i32>} : memref<16x50x64xf32, #tpu.memory_space<vmem>>, vector<1x1x16xf32>,
        %get3A_936 = vector.shape_cast %get3A_935 : vector<1x1x16xf32> to vector<16xf32>
        %add3A_937 = arith.addf %get3A_936, %get3A_695 : vector<16xf32>
        %swap3A_938 = arith.constant 4 : i32
        %swap3A_939 = arith.index_cast %swap3A_938 : i32 to index
        %swap3A_940 = arith.index_cast %scan3A_692 : i32 to index
        %swap3A_941 = arith.constant 0 : index
        %swap3A_942 = tpu.vector_load %arg9[%swap3A_939, %swap3A_940, %swap3A_941] {strides = array<i32>} : memref<16x50x64xf32, #tpu.memory_space<vmem>>, vector<1x1x16xf32>,
        %swap3A_943 = vector.shape_cast %swap3A_942 : vector<1x1x16xf32> to vector<16xf32>
        %swap3A_944 = vector.shape_cast %add3A_937 : vector<16xf32> to vector<1x1x16xf32>
        tpu.vector_store %arg9[%swap3A_939, %swap3A_940, %swap3A_941], %swap3A_944 {strides = array<i32>} : memref<16x50x64xf32, #tpu.memory_space<vmem>>, vector<1x1x16xf32>,
        %get3A_945 = arith.constant 4 : i32
        %get3A_946 = arith.index_cast %get3A_945 : i32 to index
        %get3A_947 = arith.index_cast %scan3A_692 : i32 to index
        %get3A_948 = arith.constant 16 : index
        %get3A_949 = tpu.vector_load %arg9[%get3A_946, %get3A_947, %get3A_948] {strides = array<i32>} : memref<16x50x64xf32, #tpu.memory_space<vmem>>, vector<1x1x16xf32>,
        %get3A_950 = vector.shape_cast %get3A_949 : vector<1x1x16xf32> to vector<16xf32>
        %add3A_951 = arith.addf %get3A_950, %get3A_699 : vector<16xf32>
        %swap3A_952 = arith.constant 4 : i32
        %swap3A_953 = arith.index_cast %swap3A_952 : i32 to index
        %swap3A_954 = arith.index_cast %scan3A_692 : i32 to index
        %swap3A_955 = arith.constant 16 : index
        %swap3A_956 = tpu.vector_load %arg9[%swap3A_953, %swap3A_954, %swap3A_955] {strides = array<i32>} : memref<16x50x64xf32, #tpu.memory_space<vmem>>, vector<1x1x16xf32>,
        %swap3A_957 = vector.shape_cast %swap3A_956 : vector<1x1x16xf32> to vector<16xf32>
        %swap3A_958 = vector.shape_cast %add3A_951 : vector<16xf32> to vector<1x1x16xf32>
        tpu.vector_store %arg9[%swap3A_953, %swap3A_954, %swap3A_955], %swap3A_958 {strides = array<i32>} : memref<16x50x64xf32, #tpu.memory_space<vmem>>, vector<1x1x16xf32>,
        %get3A_959 = arith.constant 4 : i32
        %get3A_960 = arith.index_cast %get3A_959 : i32 to index
        %get3A_961 = arith.index_cast %scan3A_692 : i32 to index
        %get3A_962 = arith.constant 32 : index
        %get3A_963 = tpu.vector_load %arg9[%get3A_960, %get3A_961, %get3A_962] {strides = array<i32>} : memref<16x50x64xf32, #tpu.memory_space<vmem>>, vector<1x1x16xf32>,
        %get3A_964 = vector.shape_cast %get3A_963 : vector<1x1x16xf32> to vector<16xf32>
        %add3A_965 = arith.addf %get3A_964, %get3A_703 : vector<16xf32>
        %swap3A_966 = arith.constant 4 : i32
        %swap3A_967 = arith.index_cast %swap3A_966 : i32 to index
        %swap3A_968 = arith.index_cast %scan3A_692 : i32 to index
        %swap3A_969 = arith.constant 32 : index
        %swap3A_970 = tpu.vector_load %arg9[%swap3A_967, %swap3A_968, %swap3A_969] {strides = array<i32>} : memref<16x50x64xf32, #tpu.memory_space<vmem>>, vector<1x1x16xf32>,
        %swap3A_971 = vector.shape_cast %swap3A_970 : vector<1x1x16xf32> to vector<16xf32>
        %swap3A_972 = vector.shape_cast %add3A_965 : vector<16xf32> to vector<1x1x16xf32>
        tpu.vector_store %arg9[%swap3A_967, %swap3A_968, %swap3A_969], %swap3A_972 {strides = array<i32>} : memref<16x50x64xf32, #tpu.memory_space<vmem>>, vector<1x1x16xf32>,
        %get3A_973 = arith.constant 4 : i32
        %get3A_974 = arith.index_cast %get3A_973 : i32 to index
        %get3A_975 = arith.index_cast %scan3A_692 : i32 to index
        %get3A_976 = arith.constant 48 : index
        %get3A_977 = tpu.vector_load %arg9[%get3A_974, %get3A_975, %get3A_976] {strides = array<i32>} : memref<16x50x64xf32, #tpu.memory_space<vmem>>, vector<1x1x16xf32>,
        %get3A_978 = vector.shape_cast %get3A_977 : vector<1x1x16xf32> to vector<16xf32>
        %add3A_979 = arith.addf %get3A_978, %get3A_707 : vector<16xf32>
        %swap3A_980 = arith.constant 4 : i32
        %swap3A_981 = arith.index_cast %swap3A_980 : i32 to index
        %swap3A_982 = arith.index_cast %scan3A_692 : i32 to index
        %swap3A_983 = arith.constant 48 : index
        %swap3A_984 = tpu.vector_load %arg9[%swap3A_981, %swap3A_982, %swap3A_983] {strides = array<i32>} : memref<16x50x64xf32, #tpu.memory_space<vmem>>, vector<1x1x16xf32>,
        %swap3A_985 = vector.shape_cast %swap3A_984 : vector<1x1x16xf32> to vector<16xf32>
        %swap3A_986 = vector.shape_cast %add3A_979 : vector<16xf32> to vector<1x1x16xf32>
        tpu.vector_store %arg9[%swap3A_981, %swap3A_982, %swap3A_983], %swap3A_986 {strides = array<i32>} : memref<16x50x64xf32, #tpu.memory_space<vmem>>, vector<1x1x16xf32>,
        %get3A_987 = arith.constant 5 : i32
        %get3A_988 = arith.index_cast %get3A_987 : i32 to index
        %get3A_989 = arith.index_cast %scan3A_692 : i32 to index
        %get3A_990 = arith.constant 0 : index
        %get3A_991 = tpu.vector_load %arg9[%get3A_988, %get3A_989, %get3A_990] {strides = array<i32>} : memref<16x50x64xf32, #tpu.memory_space<vmem>>, vector<1x1x16xf32>,
        %get3A_992 = vector.shape_cast %get3A_991 : vector<1x1x16xf32> to vector<16xf32>
        %add3A_993 = arith.addf %get3A_992, %get3A_695 : vector<16xf32>
        %swap3A_994 = arith.constant 5 : i32
        %swap3A_995 = arith.index_cast %swap3A_994 : i32 to index
        %swap3A_996 = arith.index_cast %scan3A_692 : i32 to index
        %swap3A_997 = arith.constant 0 : index
        %swap3A_998 = tpu.vector_load %arg9[%swap3A_995, %swap3A_996, %swap3A_997] {strides = array<i32>} : memref<16x50x64xf32, #tpu.memory_space<vmem>>, vector<1x1x16xf32>,
        %swap3A_999 = vector.shape_cast %swap3A_998 : vector<1x1x16xf32> to vector<16xf32>
        %swap3A_1000 = vector.shape_cast %add3A_993 : vector<16xf32> to vector<1x1x16xf32>
        tpu.vector_store %arg9[%swap3A_995, %swap3A_996, %swap3A_997], %swap3A_1000 {strides = array<i32>} : memref<16x50x64xf32, #tpu.memory_space<vmem>>, vector<1x1x16xf32>,
        %get3A_1001 = arith.constant 5 : i32
        %get3A_1002 = arith.index_cast %get3A_1001 : i32 to index
        %get3A_1003 = arith.index_cast %scan3A_692 : i32 to index
        %get3A_1004 = arith.constant 16 : index
        %get3A_1005 = tpu.vector_load %arg9[%get3A_1002, %get3A_1003, %get3A_1004] {strides = array<i32>} : memref<16x50x64xf32, #tpu.memory_space<vmem>>, vector<1x1x16xf32>,
        %get3A_1006 = vector.shape_cast %get3A_1005 : vector<1x1x16xf32> to vector<16xf32>
        %add3A_1007 = arith.addf %get3A_1006, %get3A_699 : vector<16xf32>
        %swap3A_1008 = arith.constant 5 : i32
        %swap3A_1009 = arith.index_cast %swap3A_1008 : i32 to index
        %swap3A_1010 = arith.index_cast %scan3A_692 : i32 to index
        %swap3A_1011 = arith.constant 16 : index
        %swap3A_1012 = tpu.vector_load %arg9[%swap3A_1009, %swap3A_1010, %swap3A_1011] {strides = array<i32>} : memref<16x50x64xf32, #tpu.memory_space<vmem>>, vector<1x1x16xf32>,
        %swap3A_1013 = vector.shape_cast %swap3A_1012 : vector<1x1x16xf32> to vector<16xf32>
        %swap3A_1014 = vector.shape_cast %add3A_1007 : vector<16xf32> to vector<1x1x16xf32>
        tpu.vector_store %arg9[%swap3A_1009, %swap3A_1010, %swap3A_1011], %swap3A_1014 {strides = array<i32>} : memref<16x50x64xf32, #tpu.memory_space<vmem>>, vector<1x1x16xf32>,
        %get3A_1015 = arith.constant 5 : i32
        %get3A_1016 = arith.index_cast %get3A_1015 : i32 to index
        %get3A_1017 = arith.index_cast %scan3A_692 : i32 to index
        %get3A_1018 = arith.constant 32 : index
        %get3A_1019 = tpu.vector_load %arg9[%get3A_1016, %get3A_1017, %get3A_1018] {strides = array<i32>} : memref<16x50x64xf32, #tpu.memory_space<vmem>>, vector<1x1x16xf32>,
        %get3A_1020 = vector.shape_cast %get3A_1019 : vector<1x1x16xf32> to vector<16xf32>
        %add3A_1021 = arith.addf %get3A_1020, %get3A_703 : vector<16xf32>
        %swap3A_1022 = arith.constant 5 : i32
        %swap3A_1023 = arith.index_cast %swap3A_1022 : i32 to index
        %swap3A_1024 = arith.index_cast %scan3A_692 : i32 to index
        %swap3A_1025 = arith.constant 32 : index
        %swap3A_1026 = tpu.vector_load %arg9[%swap3A_1023, %swap3A_1024, %swap3A_1025] {strides = array<i32>} : memref<16x50x64xf32, #tpu.memory_space<vmem>>, vector<1x1x16xf32>,
        %swap3A_1027 = vector.shape_cast %swap3A_1026 : vector<1x1x16xf32> to vector<16xf32>
        %swap3A_1028 = vector.shape_cast %add3A_1021 : vector<16xf32> to vector<1x1x16xf32>
        tpu.vector_store %arg9[%swap3A_1023, %swap3A_1024, %swap3A_1025], %swap3A_1028 {strides = array<i32>} : memref<16x50x64xf32, #tpu.memory_space<vmem>>, vector<1x1x16xf32>,
        %get3A_1029 = arith.constant 5 : i32
        %get3A_1030 = arith.index_cast %get3A_1029 : i32 to index
        %get3A_1031 = arith.index_cast %scan3A_692 : i32 to index
        %get3A_1032 = arith.constant 48 : index
        %get3A_1033 = tpu.vector_load %arg9[%get3A_1030, %get3A_1031, %get3A_1032] {strides = array<i32>} : memref<16x50x64xf32, #tpu.memory_space<vmem>>, vector<1x1x16xf32>,
        %get3A_1034 = vector.shape_cast %get3A_1033 : vector<1x1x16xf32> to vector<16xf32>
        %add3A_1035 = arith.addf %get3A_1034, %get3A_707 : vector<16xf32>
        %swap3A_1036 = arith.constant 5 : i32
        %swap3A_1037 = arith.index_cast %swap3A_1036 : i32 to index
        %swap3A_1038 = arith.index_cast %scan3A_692 : i32 to index
        %swap3A_1039 = arith.constant 48 : index
        %swap3A_1040 = tpu.vector_load %arg9[%swap3A_1037, %swap3A_1038, %swap3A_1039] {strides = array<i32>} : memref<16x50x64xf32, #tpu.memory_space<vmem>>, vector<1x1x16xf32>,
        %swap3A_1041 = vector.shape_cast %swap3A_1040 : vector<1x1x16xf32> to vector<16xf32>
        %swap3A_1042 = vector.shape_cast %add3A_1035 : vector<16xf32> to vector<1x1x16xf32>
        tpu.vector_store %arg9[%swap3A_1037, %swap3A_1038, %swap3A_1039], %swap3A_1042 {strides = array<i32>} : memref<16x50x64xf32, #tpu.memory_space<vmem>>, vector<1x1x16xf32>,
        %get3A_1043 = arith.constant 6 : i32
        %get3A_1044 = arith.index_cast %get3A_1043 : i32 to index
        %get3A_1045 = arith.index_cast %scan3A_692 : i32 to index
        %get3A_1046 = arith.constant 0 : index
        %get3A_1047 = tpu.vector_load %arg9[%get3A_1044, %get3A_1045, %get3A_1046] {strides = array<i32>} : memref<16x50x64xf32, #tpu.memory_space<vmem>>, vector<1x1x16xf32>,
        %get3A_1048 = vector.shape_cast %get3A_1047 : vector<1x1x16xf32> to vector<16xf32>
        %add3A_1049 = arith.addf %get3A_1048, %get3A_695 : vector<16xf32>
        %swap3A_1050 = arith.constant 6 : i32
        %swap3A_1051 = arith.index_cast %swap3A_1050 : i32 to index
        %swap3A_1052 = arith.index_cast %scan3A_692 : i32 to index
        %swap3A_1053 = arith.constant 0 : index
        %swap3A_1054 = tpu.vector_load %arg9[%swap3A_1051, %swap3A_1052, %swap3A_1053] {strides = array<i32>} : memref<16x50x64xf32, #tpu.memory_space<vmem>>, vector<1x1x16xf32>,
        %swap3A_1055 = vector.shape_cast %swap3A_1054 : vector<1x1x16xf32> to vector<16xf32>
        %swap3A_1056 = vector.shape_cast %add3A_1049 : vector<16xf32> to vector<1x1x16xf32>
        tpu.vector_store %arg9[%swap3A_1051, %swap3A_1052, %swap3A_1053], %swap3A_1056 {strides = array<i32>} : memref<16x50x64xf32, #tpu.memory_space<vmem>>, vector<1x1x16xf32>,
        %get3A_1057 = arith.constant 6 : i32
        %get3A_1058 = arith.index_cast %get3A_1057 : i32 to index
        %get3A_1059 = arith.index_cast %scan3A_692 : i32 to index
        %get3A_1060 = arith.constant 16 : index
        %get3A_1061 = tpu.vector_load %arg9[%get3A_1058, %get3A_1059, %get3A_1060] {strides = array<i32>} : memref<16x50x64xf32, #tpu.memory_space<vmem>>, vector<1x1x16xf32>,
        %get3A_1062 = vector.shape_cast %get3A_1061 : vector<1x1x16xf32> to vector<16xf32>
        %add3A_1063 = arith.addf %get3A_1062, %get3A_699 : vector<16xf32>
        %swap3A_1064 = arith.constant 6 : i32
        %swap3A_1065 = arith.index_cast %swap3A_1064 : i32 to index
        %swap3A_1066 = arith.index_cast %scan3A_692 : i32 to index
        %swap3A_1067 = arith.constant 16 : index
        %swap3A_1068 = tpu.vector_load %arg9[%swap3A_1065, %swap3A_1066, %swap3A_1067] {strides = array<i32>} : memref<16x50x64xf32, #tpu.memory_space<vmem>>, vector<1x1x16xf32>,
        %swap3A_1069 = vector.shape_cast %swap3A_1068 : vector<1x1x16xf32> to vector<16xf32>
        %swap3A_1070 = vector.shape_cast %add3A_1063 : vector<16xf32> to vector<1x1x16xf32>
        tpu.vector_store %arg9[%swap3A_1065, %swap3A_1066, %swap3A_1067], %swap3A_1070 {strides = array<i32>} : memref<16x50x64xf32, #tpu.memory_space<vmem>>, vector<1x1x16xf32>,
        %get3A_1071 = arith.constant 6 : i32
        %get3A_1072 = arith.index_cast %get3A_1071 : i32 to index
        %get3A_1073 = arith.index_cast %scan3A_692 : i32 to index
        %get3A_1074 = arith.constant 32 : index
        %get3A_1075 = tpu.vector_load %arg9[%get3A_1072, %get3A_1073, %get3A_1074] {strides = array<i32>} : memref<16x50x64xf32, #tpu.memory_space<vmem>>, vector<1x1x16xf32>,
        %get3A_1076 = vector.shape_cast %get3A_1075 : vector<1x1x16xf32> to vector<16xf32>
        %add3A_1077 = arith.addf %get3A_1076, %get3A_703 : vector<16xf32>
        %swap3A_1078 = arith.constant 6 : i32
        %swap3A_1079 = arith.index_cast %swap3A_1078 : i32 to index
        %swap3A_1080 = arith.index_cast %scan3A_692 : i32 to index
        %swap3A_1081 = arith.constant 32 : index
        %swap3A_1082 = tpu.vector_load %arg9[%swap3A_1079, %swap3A_1080, %swap3A_1081] {strides = array<i32>} : memref<16x50x64xf32, #tpu.memory_space<vmem>>, vector<1x1x16xf32>,
        %swap3A_1083 = vector.shape_cast %swap3A_1082 : vector<1x1x16xf32> to vector<16xf32>
        %swap3A_1084 = vector.shape_cast %add3A_1077 : vector<16xf32> to vector<1x1x16xf32>
        tpu.vector_store %arg9[%swap3A_1079, %swap3A_1080, %swap3A_1081], %swap3A_1084 {strides = array<i32>} : memref<16x50x64xf32, #tpu.memory_space<vmem>>, vector<1x1x16xf32>,
        %get3A_1085 = arith.constant 6 : i32
        %get3A_1086 = arith.index_cast %get3A_1085 : i32 to index
        %get3A_1087 = arith.index_cast %scan3A_692 : i32 to index
        %get3A_1088 = arith.constant 48 : index
        %get3A_1089 = tpu.vector_load %arg9[%get3A_1086, %get3A_1087, %get3A_1088] {strides = array<i32>} : memref<16x50x64xf32, #tpu.memory_space<vmem>>, vector<1x1x16xf32>,
        %get3A_1090 = vector.shape_cast %get3A_1089 : vector<1x1x16xf32> to vector<16xf32>
        %add3A_1091 = arith.addf %get3A_1090, %get3A_707 : vector<16xf32>
        %swap3A_1092 = arith.constant 6 : i32
        %swap3A_1093 = arith.index_cast %swap3A_1092 : i32 to index
        %swap3A_1094 = arith.index_cast %scan3A_692 : i32 to index
        %swap3A_1095 = arith.constant 48 : index
        %swap3A_1096 = tpu.vector_load %arg9[%swap3A_1093, %swap3A_1094, %swap3A_1095] {strides = array<i32>} : memref<16x50x64xf32, #tpu.memory_space<vmem>>, vector<1x1x16xf32>,
        %swap3A_1097 = vector.shape_cast %swap3A_1096 : vector<1x1x16xf32> to vector<16xf32>
        %swap3A_1098 = vector.shape_cast %add3A_1091 : vector<16xf32> to vector<1x1x16xf32>
        tpu.vector_store %arg9[%swap3A_1093, %swap3A_1094, %swap3A_1095], %swap3A_1098 {strides = array<i32>} : memref<16x50x64xf32, #tpu.memory_space<vmem>>, vector<1x1x16xf32>,
        %get3A_1099 = arith.constant 7 : i32
        %get3A_1100 = arith.index_cast %get3A_1099 : i32 to index
        %get3A_1101 = arith.index_cast %scan3A_692 : i32 to index
        %get3A_1102 = arith.constant 0 : index
        %get3A_1103 = tpu.vector_load %arg9[%get3A_1100, %get3A_1101, %get3A_1102] {strides = array<i32>} : memref<16x50x64xf32, #tpu.memory_space<vmem>>, vector<1x1x16xf32>,
        %get3A_1104 = vector.shape_cast %get3A_1103 : vector<1x1x16xf32> to vector<16xf32>
        %add3A_1105 = arith.addf %get3A_1104, %get3A_695 : vector<16xf32>
        %swap3A_1106 = arith.constant 7 : i32
        %swap3A_1107 = arith.index_cast %swap3A_1106 : i32 to index
        %swap3A_1108 = arith.index_cast %scan3A_692 : i32 to index
        %swap3A_1109 = arith.constant 0 : index
        %swap3A_1110 = tpu.vector_load %arg9[%swap3A_1107, %swap3A_1108, %swap3A_1109] {strides = array<i32>} : memref<16x50x64xf32, #tpu.memory_space<vmem>>, vector<1x1x16xf32>,
        %swap3A_1111 = vector.shape_cast %swap3A_1110 : vector<1x1x16xf32> to vector<16xf32>
        %swap3A_1112 = vector.shape_cast %add3A_1105 : vector<16xf32> to vector<1x1x16xf32>
        tpu.vector_store %arg9[%swap3A_1107, %swap3A_1108, %swap3A_1109], %swap3A_1112 {strides = array<i32>} : memref<16x50x64xf32, #tpu.memory_space<vmem>>, vector<1x1x16xf32>,
        %get3A_1113 = arith.constant 7 : i32
        %get3A_1114 = arith.index_cast %get3A_1113 : i32 to index
        %get3A_1115 = arith.index_cast %scan3A_692 : i32 to index
        %get3A_1116 = arith.constant 16 : index
        %get3A_1117 = tpu.vector_load %arg9[%get3A_1114, %get3A_1115, %get3A_1116] {strides = array<i32>} : memref<16x50x64xf32, #tpu.memory_space<vmem>>, vector<1x1x16xf32>,
        %get3A_1118 = vector.shape_cast %get3A_1117 : vector<1x1x16xf32> to vector<16xf32>
        %add3A_1119 = arith.addf %get3A_1118, %get3A_699 : vector<16xf32>
        %swap3A_1120 = arith.constant 7 : i32
        %swap3A_1121 = arith.index_cast %swap3A_1120 : i32 to index
        %swap3A_1122 = arith.index_cast %scan3A_692 : i32 to index
        %swap3A_1123 = arith.constant 16 : index
        %swap3A_1124 = tpu.vector_load %arg9[%swap3A_1121, %swap3A_1122, %swap3A_1123] {strides = array<i32>} : memref<16x50x64xf32, #tpu.memory_space<vmem>>, vector<1x1x16xf32>,
        %swap3A_1125 = vector.shape_cast %swap3A_1124 : vector<1x1x16xf32> to vector<16xf32>
        %swap3A_1126 = vector.shape_cast %add3A_1119 : vector<16xf32> to vector<1x1x16xf32>
        tpu.vector_store %arg9[%swap3A_1121, %swap3A_1122, %swap3A_1123], %swap3A_1126 {strides = array<i32>} : memref<16x50x64xf32, #tpu.memory_space<vmem>>, vector<1x1x16xf32>,
        %get3A_1127 = arith.constant 7 : i32
        %get3A_1128 = arith.index_cast %get3A_1127 : i32 to index
        %get3A_1129 = arith.index_cast %scan3A_692 : i32 to index
        %get3A_1130 = arith.constant 32 : index
        %get3A_1131 = tpu.vector_load %arg9[%get3A_1128, %get3A_1129, %get3A_1130] {strides = array<i32>} : memref<16x50x64xf32, #tpu.memory_space<vmem>>, vector<1x1x16xf32>,
        %get3A_1132 = vector.shape_cast %get3A_1131 : vector<1x1x16xf32> to vector<16xf32>
        %add3A_1133 = arith.addf %get3A_1132, %get3A_703 : vector<16xf32>
        %swap3A_1134 = arith.constant 7 : i32
        %swap3A_1135 = arith.index_cast %swap3A_1134 : i32 to index
        %swap3A_1136 = arith.index_cast %scan3A_692 : i32 to index
        %swap3A_1137 = arith.constant 32 : index
        %swap3A_1138 = tpu.vector_load %arg9[%swap3A_1135, %swap3A_1136, %swap3A_1137] {strides = array<i32>} : memref<16x50x64xf32, #tpu.memory_space<vmem>>, vector<1x1x16xf32>,
        %swap3A_1139 = vector.shape_cast %swap3A_1138 : vector<1x1x16xf32> to vector<16xf32>
        %swap3A_1140 = vector.shape_cast %add3A_1133 : vector<16xf32> to vector<1x1x16xf32>
        tpu.vector_store %arg9[%swap3A_1135, %swap3A_1136, %swap3A_1137], %swap3A_1140 {strides = array<i32>} : memref<16x50x64xf32, #tpu.memory_space<vmem>>, vector<1x1x16xf32>,
        %get3A_1141 = arith.constant 7 : i32
        %get3A_1142 = arith.index_cast %get3A_1141 : i32 to index
        %get3A_1143 = arith.index_cast %scan3A_692 : i32 to index
        %get3A_1144 = arith.constant 48 : index
        %get3A_1145 = tpu.vector_load %arg9[%get3A_1142, %get3A_1143, %get3A_1144] {strides = array<i32>} : memref<16x50x64xf32, #tpu.memory_space<vmem>>, vector<1x1x16xf32>,
        %get3A_1146 = vector.shape_cast %get3A_1145 : vector<1x1x16xf32> to vector<16xf32>
        %add3A_1147 = arith.addf %get3A_1146, %get3A_707 : vector<16xf32>
        %swap3A_1148 = arith.constant 7 : i32
        %swap3A_1149 = arith.index_cast %swap3A_1148 : i32 to index
        %swap3A_1150 = arith.index_cast %scan3A_692 : i32 to index
        %swap3A_1151 = arith.constant 48 : index
        %swap3A_1152 = tpu.vector_load %arg9[%swap3A_1149, %swap3A_1150, %swap3A_1151] {strides = array<i32>} : memref<16x50x64xf32, #tpu.memory_space<vmem>>, vector<1x1x16xf32>,
        %swap3A_1153 = vector.shape_cast %swap3A_1152 : vector<1x1x16xf32> to vector<16xf32>
        %swap3A_1154 = vector.shape_cast %add3A_1147 : vector<16xf32> to vector<1x1x16xf32>
        tpu.vector_store %arg9[%swap3A_1149, %swap3A_1150, %swap3A_1151], %swap3A_1154 {strides = array<i32>} : memref<16x50x64xf32, #tpu.memory_space<vmem>>, vector<1x1x16xf32>,
        %get3A_1155 = arith.constant 8 : i32
        %get3A_1156 = arith.index_cast %get3A_1155 : i32 to index
        %get3A_1157 = arith.index_cast %scan3A_692 : i32 to index
        %get3A_1158 = arith.constant 0 : index
        %get3A_1159 = tpu.vector_load %arg9[%get3A_1156, %get3A_1157, %get3A_1158] {strides = array<i32>} : memref<16x50x64xf32, #tpu.memory_space<vmem>>, vector<1x1x16xf32>,
        %get3A_1160 = vector.shape_cast %get3A_1159 : vector<1x1x16xf32> to vector<16xf32>
        %add3A_1161 = arith.addf %get3A_1160, %get3A_695 : vector<16xf32>
        %swap3A_1162 = arith.constant 8 : i32
        %swap3A_1163 = arith.index_cast %swap3A_1162 : i32 to index
        %swap3A_1164 = arith.index_cast %scan3A_692 : i32 to index
        %swap3A_1165 = arith.constant 0 : index
        %swap3A_1166 = tpu.vector_load %arg9[%swap3A_1163, %swap3A_1164, %swap3A_1165] {strides = array<i32>} : memref<16x50x64xf32, #tpu.memory_space<vmem>>, vector<1x1x16xf32>,
        %swap3A_1167 = vector.shape_cast %swap3A_1166 : vector<1x1x16xf32> to vector<16xf32>
        %swap3A_1168 = vector.shape_cast %add3A_1161 : vector<16xf32> to vector<1x1x16xf32>
        tpu.vector_store %arg9[%swap3A_1163, %swap3A_1164, %swap3A_1165], %swap3A_1168 {strides = array<i32>} : memref<16x50x64xf32, #tpu.memory_space<vmem>>, vector<1x1x16xf32>,
        %get3A_1169 = arith.constant 8 : i32
        %get3A_1170 = arith.index_cast %get3A_1169 : i32 to index
        %get3A_1171 = arith.index_cast %scan3A_692 : i32 to index
        %get3A_1172 = arith.constant 16 : index
        %get3A_1173 = tpu.vector_load %arg9[%get3A_1170, %get3A_1171, %get3A_1172] {strides = array<i32>} : memref<16x50x64xf32, #tpu.memory_space<vmem>>, vector<1x1x16xf32>,
        %get3A_1174 = vector.shape_cast %get3A_1173 : vector<1x1x16xf32> to vector<16xf32>
        %add3A_1175 = arith.addf %get3A_1174, %get3A_699 : vector<16xf32>
        %swap3A_1176 = arith.constant 8 : i32
        %swap3A_1177 = arith.index_cast %swap3A_1176 : i32 to index
        %swap3A_1178 = arith.index_cast %scan3A_692 : i32 to index
        %swap3A_1179 = arith.constant 16 : index
        %swap3A_1180 = tpu.vector_load %arg9[%swap3A_1177, %swap3A_1178, %swap3A_1179] {strides = array<i32>} : memref<16x50x64xf32, #tpu.memory_space<vmem>>, vector<1x1x16xf32>,
        %swap3A_1181 = vector.shape_cast %swap3A_1180 : vector<1x1x16xf32> to vector<16xf32>
        %swap3A_1182 = vector.shape_cast %add3A_1175 : vector<16xf32> to vector<1x1x16xf32>
        tpu.vector_store %arg9[%swap3A_1177, %swap3A_1178, %swap3A_1179], %swap3A_1182 {strides = array<i32>} : memref<16x50x64xf32, #tpu.memory_space<vmem>>, vector<1x1x16xf32>,
        %get3A_1183 = arith.constant 8 : i32
        %get3A_1184 = arith.index_cast %get3A_1183 : i32 to index
        %get3A_1185 = arith.index_cast %scan3A_692 : i32 to index
        %get3A_1186 = arith.constant 32 : index
        %get3A_1187 = tpu.vector_load %arg9[%get3A_1184, %get3A_1185, %get3A_1186] {strides = array<i32>} : memref<16x50x64xf32, #tpu.memory_space<vmem>>, vector<1x1x16xf32>,
        %get3A_1188 = vector.shape_cast %get3A_1187 : vector<1x1x16xf32> to vector<16xf32>
        %add3A_1189 = arith.addf %get3A_1188, %get3A_703 : vector<16xf32>
        %swap3A_1190 = arith.constant 8 : i32
        %swap3A_1191 = arith.index_cast %swap3A_1190 : i32 to index
        %swap3A_1192 = arith.index_cast %scan3A_692 : i32 to index
        %swap3A_1193 = arith.constant 32 : index
        %swap3A_1194 = tpu.vector_load %arg9[%swap3A_1191, %swap3A_1192, %swap3A_1193] {strides = array<i32>} : memref<16x50x64xf32, #tpu.memory_space<vmem>>, vector<1x1x16xf32>,
        %swap3A_1195 = vector.shape_cast %swap3A_1194 : vector<1x1x16xf32> to vector<16xf32>
        %swap3A_1196 = vector.shape_cast %add3A_1189 : vector<16xf32> to vector<1x1x16xf32>
        tpu.vector_store %arg9[%swap3A_1191, %swap3A_1192, %swap3A_1193], %swap3A_1196 {strides = array<i32>} : memref<16x50x64xf32, #tpu.memory_space<vmem>>, vector<1x1x16xf32>,
        %get3A_1197 = arith.constant 8 : i32
        %get3A_1198 = arith.index_cast %get3A_1197 : i32 to index
        %get3A_1199 = arith.index_cast %scan3A_692 : i32 to index
        %get3A_1200 = arith.constant 48 : index
        %get3A_1201 = tpu.vector_load %arg9[%get3A_1198, %get3A_1199, %get3A_1200] {strides = array<i32>} : memref<16x50x64xf32, #tpu.memory_space<vmem>>, vector<1x1x16xf32>,
        %get3A_1202 = vector.shape_cast %get3A_1201 : vector<1x1x16xf32> to vector<16xf32>
        %add3A_1203 = arith.addf %get3A_1202, %get3A_707 : vector<16xf32>
        %swap3A_1204 = arith.constant 8 : i32
        %swap3A_1205 = arith.index_cast %swap3A_1204 : i32 to index
        %swap3A_1206 = arith.index_cast %scan3A_692 : i32 to index
        %swap3A_1207 = arith.constant 48 : index
        %swap3A_1208 = tpu.vector_load %arg9[%swap3A_1205, %swap3A_1206, %swap3A_1207] {strides = array<i32>} : memref<16x50x64xf32, #tpu.memory_space<vmem>>, vector<1x1x16xf32>,
        %swap3A_1209 = vector.shape_cast %swap3A_1208 : vector<1x1x16xf32> to vector<16xf32>
        %swap3A_1210 = vector.shape_cast %add3A_1203 : vector<16xf32> to vector<1x1x16xf32>
        tpu.vector_store %arg9[%swap3A_1205, %swap3A_1206, %swap3A_1207], %swap3A_1210 {strides = array<i32>} : memref<16x50x64xf32, #tpu.memory_space<vmem>>, vector<1x1x16xf32>,
        %get3A_1211 = arith.constant 9 : i32
        %get3A_1212 = arith.index_cast %get3A_1211 : i32 to index
        %get3A_1213 = arith.index_cast %scan3A_692 : i32 to index
        %get3A_1214 = arith.constant 0 : index
        %get3A_1215 = tpu.vector_load %arg9[%get3A_1212, %get3A_1213, %get3A_1214] {strides = array<i32>} : memref<16x50x64xf32, #tpu.memory_space<vmem>>, vector<1x1x16xf32>,
        %get3A_1216 = vector.shape_cast %get3A_1215 : vector<1x1x16xf32> to vector<16xf32>
        %add3A_1217 = arith.addf %get3A_1216, %get3A_695 : vector<16xf32>
        %swap3A_1218 = arith.constant 9 : i32
        %swap3A_1219 = arith.index_cast %swap3A_1218 : i32 to index
        %swap3A_1220 = arith.index_cast %scan3A_692 : i32 to index
        %swap3A_1221 = arith.constant 0 : index
        %swap3A_1222 = tpu.vector_load %arg9[%swap3A_1219, %swap3A_1220, %swap3A_1221] {strides = array<i32>} : memref<16x50x64xf32, #tpu.memory_space<vmem>>, vector<1x1x16xf32>,
        %swap3A_1223 = vector.shape_cast %swap3A_1222 : vector<1x1x16xf32> to vector<16xf32>
        %swap3A_1224 = vector.shape_cast %add3A_1217 : vector<16xf32> to vector<1x1x16xf32>
        tpu.vector_store %arg9[%swap3A_1219, %swap3A_1220, %swap3A_1221], %swap3A_1224 {strides = array<i32>} : memref<16x50x64xf32, #tpu.memory_space<vmem>>, vector<1x1x16xf32>,
        %get3A_1225 = arith.constant 9 : i32
        %get3A_1226 = arith.index_cast %get3A_1225 : i32 to index
        %get3A_1227 = arith.index_cast %scan3A_692 : i32 to index
        %get3A_1228 = arith.constant 16 : index
        %get3A_1229 = tpu.vector_load %arg9[%get3A_1226, %get3A_1227, %get3A_1228] {strides = array<i32>} : memref<16x50x64xf32, #tpu.memory_space<vmem>>, vector<1x1x16xf32>,
        %get3A_1230 = vector.shape_cast %get3A_1229 : vector<1x1x16xf32> to vector<16xf32>
        %add3A_1231 = arith.addf %get3A_1230, %get3A_699 : vector<16xf32>
        %swap3A_1232 = arith.constant 9 : i32
        %swap3A_1233 = arith.index_cast %swap3A_1232 : i32 to index
        %swap3A_1234 = arith.index_cast %scan3A_692 : i32 to index
        %swap3A_1235 = arith.constant 16 : index
        %swap3A_1236 = tpu.vector_load %arg9[%swap3A_1233, %swap3A_1234, %swap3A_1235] {strides = array<i32>} : memref<16x50x64xf32, #tpu.memory_space<vmem>>, vector<1x1x16xf32>,
        %swap3A_1237 = vector.shape_cast %swap3A_1236 : vector<1x1x16xf32> to vector<16xf32>
        %swap3A_1238 = vector.shape_cast %add3A_1231 : vector<16xf32> to vector<1x1x16xf32>
        tpu.vector_store %arg9[%swap3A_1233, %swap3A_1234, %swap3A_1235], %swap3A_1238 {strides = array<i32>} : memref<16x50x64xf32, #tpu.memory_space<vmem>>, vector<1x1x16xf32>,
        %get3A_1239 = arith.constant 9 : i32
        %get3A_1240 = arith.index_cast %get3A_1239 : i32 to index
        %get3A_1241 = arith.index_cast %scan3A_692 : i32 to index
        %get3A_1242 = arith.constant 32 : index
        %get3A_1243 = tpu.vector_load %arg9[%get3A_1240, %get3A_1241, %get3A_1242] {strides = array<i32>} : memref<16x50x64xf32, #tpu.memory_space<vmem>>, vector<1x1x16xf32>,
        %get3A_1244 = vector.shape_cast %get3A_1243 : vector<1x1x16xf32> to vector<16xf32>
        %add3A_1245 = arith.addf %get3A_1244, %get3A_703 : vector<16xf32>
        %swap3A_1246 = arith.constant 9 : i32
        %swap3A_1247 = arith.index_cast %swap3A_1246 : i32 to index
        %swap3A_1248 = arith.index_cast %scan3A_692 : i32 to index
        %swap3A_1249 = arith.constant 32 : index
        %swap3A_1250 = tpu.vector_load %arg9[%swap3A_1247, %swap3A_1248, %swap3A_1249] {strides = array<i32>} : memref<16x50x64xf32, #tpu.memory_space<vmem>>, vector<1x1x16xf32>,
        %swap3A_1251 = vector.shape_cast %swap3A_1250 : vector<1x1x16xf32> to vector<16xf32>
        %swap3A_1252 = vector.shape_cast %add3A_1245 : vector<16xf32> to vector<1x1x16xf32>
        tpu.vector_store %arg9[%swap3A_1247, %swap3A_1248, %swap3A_1249], %swap3A_1252 {strides = array<i32>} : memref<16x50x64xf32, #tpu.memory_space<vmem>>, vector<1x1x16xf32>,
        %get3A_1253 = arith.constant 9 : i32
        %get3A_1254 = arith.index_cast %get3A_1253 : i32 to index
        %get3A_1255 = arith.index_cast %scan3A_692 : i32 to index
        %get3A_1256 = arith.constant 48 : index
        %get3A_1257 = tpu.vector_load %arg9[%get3A_1254, %get3A_1255, %get3A_1256] {strides = array<i32>} : memref<16x50x64xf32, #tpu.memory_space<vmem>>, vector<1x1x16xf32>,
        %get3A_1258 = vector.shape_cast %get3A_1257 : vector<1x1x16xf32> to vector<16xf32>
        %add3A_1259 = arith.addf %get3A_1258, %get3A_707 : vector<16xf32>
        %swap3A_1260 = arith.constant 9 : i32
        %swap3A_1261 = arith.index_cast %swap3A_1260 : i32 to index
        %swap3A_1262 = arith.index_cast %scan3A_692 : i32 to index
        %swap3A_1263 = arith.constant 48 : index
        %swap3A_1264 = tpu.vector_load %arg9[%swap3A_1261, %swap3A_1262, %swap3A_1263] {strides = array<i32>} : memref<16x50x64xf32, #tpu.memory_space<vmem>>, vector<1x1x16xf32>,
        %swap3A_1265 = vector.shape_cast %swap3A_1264 : vector<1x1x16xf32> to vector<16xf32>
        %swap3A_1266 = vector.shape_cast %add3A_1259 : vector<16xf32> to vector<1x1x16xf32>
        tpu.vector_store %arg9[%swap3A_1261, %swap3A_1262, %swap3A_1263], %swap3A_1266 {strides = array<i32>} : memref<16x50x64xf32, #tpu.memory_space<vmem>>, vector<1x1x16xf32>,
        %get3A_1267 = arith.constant 10 : i32
        %get3A_1268 = arith.index_cast %get3A_1267 : i32 to index
        %get3A_1269 = arith.index_cast %scan3A_692 : i32 to index
        %get3A_1270 = arith.constant 0 : index
        %get3A_1271 = tpu.vector_load %arg9[%get3A_1268, %get3A_1269, %get3A_1270] {strides = array<i32>} : memref<16x50x64xf32, #tpu.memory_space<vmem>>, vector<1x1x16xf32>,
        %get3A_1272 = vector.shape_cast %get3A_1271 : vector<1x1x16xf32> to vector<16xf32>
        %add3A_1273 = arith.addf %get3A_1272, %get3A_695 : vector<16xf32>
        %swap3A_1274 = arith.constant 10 : i32
        %swap3A_1275 = arith.index_cast %swap3A_1274 : i32 to index
        %swap3A_1276 = arith.index_cast %scan3A_692 : i32 to index
        %swap3A_1277 = arith.constant 0 : index
        %swap3A_1278 = tpu.vector_load %arg9[%swap3A_1275, %swap3A_1276, %swap3A_1277] {strides = array<i32>} : memref<16x50x64xf32, #tpu.memory_space<vmem>>, vector<1x1x16xf32>,
        %swap3A_1279 = vector.shape_cast %swap3A_1278 : vector<1x1x16xf32> to vector<16xf32>
        %swap3A_1280 = vector.shape_cast %add3A_1273 : vector<16xf32> to vector<1x1x16xf32>
        tpu.vector_store %arg9[%swap3A_1275, %swap3A_1276, %swap3A_1277], %swap3A_1280 {strides = array<i32>} : memref<16x50x64xf32, #tpu.memory_space<vmem>>, vector<1x1x16xf32>,
        %get3A_1281 = arith.constant 10 : i32
        %get3A_1282 = arith.index_cast %get3A_1281 : i32 to index
        %get3A_1283 = arith.index_cast %scan3A_692 : i32 to index
        %get3A_1284 = arith.constant 16 : index
        %get3A_1285 = tpu.vector_load %arg9[%get3A_1282, %get3A_1283, %get3A_1284] {strides = array<i32>} : memref<16x50x64xf32, #tpu.memory_space<vmem>>, vector<1x1x16xf32>,
        %get3A_1286 = vector.shape_cast %get3A_1285 : vector<1x1x16xf32> to vector<16xf32>
        %add3A_1287 = arith.addf %get3A_1286, %get3A_699 : vector<16xf32>
        %swap3A_1288 = arith.constant 10 : i32
        %swap3A_1289 = arith.index_cast %swap3A_1288 : i32 to index
        %swap3A_1290 = arith.index_cast %scan3A_692 : i32 to index
        %swap3A_1291 = arith.constant 16 : index
        %swap3A_1292 = tpu.vector_load %arg9[%swap3A_1289, %swap3A_1290, %swap3A_1291] {strides = array<i32>} : memref<16x50x64xf32, #tpu.memory_space<vmem>>, vector<1x1x16xf32>,
        %swap3A_1293 = vector.shape_cast %swap3A_1292 : vector<1x1x16xf32> to vector<16xf32>
        %swap3A_1294 = vector.shape_cast %add3A_1287 : vector<16xf32> to vector<1x1x16xf32>
        tpu.vector_store %arg9[%swap3A_1289, %swap3A_1290, %swap3A_1291], %swap3A_1294 {strides = array<i32>} : memref<16x50x64xf32, #tpu.memory_space<vmem>>, vector<1x1x16xf32>,
        %get3A_1295 = arith.constant 10 : i32
        %get3A_1296 = arith.index_cast %get3A_1295 : i32 to index
        %get3A_1297 = arith.index_cast %scan3A_692 : i32 to index
        %get3A_1298 = arith.constant 32 : index
        %get3A_1299 = tpu.vector_load %arg9[%get3A_1296, %get3A_1297, %get3A_1298] {strides = array<i32>} : memref<16x50x64xf32, #tpu.memory_space<vmem>>, vector<1x1x16xf32>,
        %get3A_1300 = vector.shape_cast %get3A_1299 : vector<1x1x16xf32> to vector<16xf32>
        %add3A_1301 = arith.addf %get3A_1300, %get3A_703 : vector<16xf32>
        %swap3A_1302 = arith.constant 10 : i32
        %swap3A_1303 = arith.index_cast %swap3A_1302 : i32 to index
        %swap3A_1304 = arith.index_cast %scan3A_692 : i32 to index
        %swap3A_1305 = arith.constant 32 : index
        %swap3A_1306 = tpu.vector_load %arg9[%swap3A_1303, %swap3A_1304, %swap3A_1305] {strides = array<i32>} : memref<16x50x64xf32, #tpu.memory_space<vmem>>, vector<1x1x16xf32>,
        %swap3A_1307 = vector.shape_cast %swap3A_1306 : vector<1x1x16xf32> to vector<16xf32>
        %swap3A_1308 = vector.shape_cast %add3A_1301 : vector<16xf32> to vector<1x1x16xf32>
        tpu.vector_store %arg9[%swap3A_1303, %swap3A_1304, %swap3A_1305], %swap3A_1308 {strides = array<i32>} : memref<16x50x64xf32, #tpu.memory_space<vmem>>, vector<1x1x16xf32>,
        %get3A_1309 = arith.constant 10 : i32
        %get3A_1310 = arith.index_cast %get3A_1309 : i32 to index
        %get3A_1311 = arith.index_cast %scan3A_692 : i32 to index
        %get3A_1312 = arith.constant 48 : index
        %get3A_1313 = tpu.vector_load %arg9[%get3A_1310, %get3A_1311, %get3A_1312] {strides = array<i32>} : memref<16x50x64xf32, #tpu.memory_space<vmem>>, vector<1x1x16xf32>,
        %get3A_1314 = vector.shape_cast %get3A_1313 : vector<1x1x16xf32> to vector<16xf32>
        %add3A_1315 = arith.addf %get3A_1314, %get3A_707 : vector<16xf32>
        %swap3A_1316 = arith.constant 10 : i32
        %swap3A_1317 = arith.index_cast %swap3A_1316 : i32 to index
        %swap3A_1318 = arith.index_cast %scan3A_692 : i32 to index
        %swap3A_1319 = arith.constant 48 : index
        %swap3A_1320 = tpu.vector_load %arg9[%swap3A_1317, %swap3A_1318, %swap3A_1319] {strides = array<i32>} : memref<16x50x64xf32, #tpu.memory_space<vmem>>, vector<1x1x16xf32>,
        %swap3A_1321 = vector.shape_cast %swap3A_1320 : vector<1x1x16xf32> to vector<16xf32>
        %swap3A_1322 = vector.shape_cast %add3A_1315 : vector<16xf32> to vector<1x1x16xf32>
        tpu.vector_store %arg9[%swap3A_1317, %swap3A_1318, %swap3A_1319], %swap3A_1322 {strides = array<i32>} : memref<16x50x64xf32, #tpu.memory_space<vmem>>, vector<1x1x16xf32>,
        %get3A_1323 = arith.constant 11 : i32
        %get3A_1324 = arith.index_cast %get3A_1323 : i32 to index
        %get3A_1325 = arith.index_cast %scan3A_692 : i32 to index
        %get3A_1326 = arith.constant 0 : index
        %get3A_1327 = tpu.vector_load %arg9[%get3A_1324, %get3A_1325, %get3A_1326] {strides = array<i32>} : memref<16x50x64xf32, #tpu.memory_space<vmem>>, vector<1x1x16xf32>,
        %get3A_1328 = vector.shape_cast %get3A_1327 : vector<1x1x16xf32> to vector<16xf32>
        %add3A_1329 = arith.addf %get3A_1328, %get3A_695 : vector<16xf32>
        %swap3A_1330 = arith.constant 11 : i32
        %swap3A_1331 = arith.index_cast %swap3A_1330 : i32 to index
        %swap3A_1332 = arith.index_cast %scan3A_692 : i32 to index
        %swap3A_1333 = arith.constant 0 : index
        %swap3A_1334 = tpu.vector_load %arg9[%swap3A_1331, %swap3A_1332, %swap3A_1333] {strides = array<i32>} : memref<16x50x64xf32, #tpu.memory_space<vmem>>, vector<1x1x16xf32>,
        %swap3A_1335 = vector.shape_cast %swap3A_1334 : vector<1x1x16xf32> to vector<16xf32>
        %swap3A_1336 = vector.shape_cast %add3A_1329 : vector<16xf32> to vector<1x1x16xf32>
        tpu.vector_store %arg9[%swap3A_1331, %swap3A_1332, %swap3A_1333], %swap3A_1336 {strides = array<i32>} : memref<16x50x64xf32, #tpu.memory_space<vmem>>, vector<1x1x16xf32>,
        %get3A_1337 = arith.constant 11 : i32
        %get3A_1338 = arith.index_cast %get3A_1337 : i32 to index
        %get3A_1339 = arith.index_cast %scan3A_692 : i32 to index
        %get3A_1340 = arith.constant 16 : index
        %get3A_1341 = tpu.vector_load %arg9[%get3A_1338, %get3A_1339, %get3A_1340] {strides = array<i32>} : memref<16x50x64xf32, #tpu.memory_space<vmem>>, vector<1x1x16xf32>,
        %get3A_1342 = vector.shape_cast %get3A_1341 : vector<1x1x16xf32> to vector<16xf32>
        %add3A_1343 = arith.addf %get3A_1342, %get3A_699 : vector<16xf32>
        %swap3A_1344 = arith.constant 11 : i32
        %swap3A_1345 = arith.index_cast %swap3A_1344 : i32 to index
        %swap3A_1346 = arith.index_cast %scan3A_692 : i32 to index
        %swap3A_1347 = arith.constant 16 : index
        %swap3A_1348 = tpu.vector_load %arg9[%swap3A_1345, %swap3A_1346, %swap3A_1347] {strides = array<i32>} : memref<16x50x64xf32, #tpu.memory_space<vmem>>, vector<1x1x16xf32>,
        %swap3A_1349 = vector.shape_cast %swap3A_1348 : vector<1x1x16xf32> to vector<16xf32>
        %swap3A_1350 = vector.shape_cast %add3A_1343 : vector<16xf32> to vector<1x1x16xf32>
        tpu.vector_store %arg9[%swap3A_1345, %swap3A_1346, %swap3A_1347], %swap3A_1350 {strides = array<i32>} : memref<16x50x64xf32, #tpu.memory_space<vmem>>, vector<1x1x16xf32>,
        %get3A_1351 = arith.constant 11 : i32
        %get3A_1352 = arith.index_cast %get3A_1351 : i32 to index
        %get3A_1353 = arith.index_cast %scan3A_692 : i32 to index
        %get3A_1354 = arith.constant 32 : index
        %get3A_1355 = tpu.vector_load %arg9[%get3A_1352, %get3A_1353, %get3A_1354] {strides = array<i32>} : memref<16x50x64xf32, #tpu.memory_space<vmem>>, vector<1x1x16xf32>,
        %get3A_1356 = vector.shape_cast %get3A_1355 : vector<1x1x16xf32> to vector<16xf32>
        %add3A_1357 = arith.addf %get3A_1356, %get3A_703 : vector<16xf32>
        %swap3A_1358 = arith.constant 11 : i32
        %swap3A_1359 = arith.index_cast %swap3A_1358 : i32 to index
        %swap3A_1360 = arith.index_cast %scan3A_692 : i32 to index
        %swap3A_1361 = arith.constant 32 : index
        %swap3A_1362 = tpu.vector_load %arg9[%swap3A_1359, %swap3A_1360, %swap3A_1361] {strides = array<i32>} : memref<16x50x64xf32, #tpu.memory_space<vmem>>, vector<1x1x16xf32>,
        %swap3A_1363 = vector.shape_cast %swap3A_1362 : vector<1x1x16xf32> to vector<16xf32>
        %swap3A_1364 = vector.shape_cast %add3A_1357 : vector<16xf32> to vector<1x1x16xf32>
        tpu.vector_store %arg9[%swap3A_1359, %swap3A_1360, %swap3A_1361], %swap3A_1364 {strides = array<i32>} : memref<16x50x64xf32, #tpu.memory_space<vmem>>, vector<1x1x16xf32>,
        %get3A_1365 = arith.constant 11 : i32
        %get3A_1366 = arith.index_cast %get3A_1365 : i32 to index
        %get3A_1367 = arith.index_cast %scan3A_692 : i32 to index
        %get3A_1368 = arith.constant 48 : index
        %get3A_1369 = tpu.vector_load %arg9[%get3A_1366, %get3A_1367, %get3A_1368] {strides = array<i32>} : memref<16x50x64xf32, #tpu.memory_space<vmem>>, vector<1x1x16xf32>,
        %get3A_1370 = vector.shape_cast %get3A_1369 : vector<1x1x16xf32> to vector<16xf32>
        %add3A_1371 = arith.addf %get3A_1370, %get3A_707 : vector<16xf32>
        %swap3A_1372 = arith.constant 11 : i32
        %swap3A_1373 = arith.index_cast %swap3A_1372 : i32 to index
        %swap3A_1374 = arith.index_cast %scan3A_692 : i32 to index
        %swap3A_1375 = arith.constant 48 : index
        %swap3A_1376 = tpu.vector_load %arg9[%swap3A_1373, %swap3A_1374, %swap3A_1375] {strides = array<i32>} : memref<16x50x64xf32, #tpu.memory_space<vmem>>, vector<1x1x16xf32>,
        %swap3A_1377 = vector.shape_cast %swap3A_1376 : vector<1x1x16xf32> to vector<16xf32>
        %swap3A_1378 = vector.shape_cast %add3A_1371 : vector<16xf32> to vector<1x1x16xf32>
        tpu.vector_store %arg9[%swap3A_1373, %swap3A_1374, %swap3A_1375], %swap3A_1378 {strides = array<i32>} : memref<16x50x64xf32, #tpu.memory_space<vmem>>, vector<1x1x16xf32>,
        %get3A_1379 = arith.constant 12 : i32
        %get3A_1380 = arith.index_cast %get3A_1379 : i32 to index
        %get3A_1381 = arith.index_cast %scan3A_692 : i32 to index
        %get3A_1382 = arith.constant 0 : index
        %get3A_1383 = tpu.vector_load %arg9[%get3A_1380, %get3A_1381, %get3A_1382] {strides = array<i32>} : memref<16x50x64xf32, #tpu.memory_space<vmem>>, vector<1x1x16xf32>,
        %get3A_1384 = vector.shape_cast %get3A_1383 : vector<1x1x16xf32> to vector<16xf32>
        %add3A_1385 = arith.addf %get3A_1384, %get3A_695 : vector<16xf32>
        %swap3A_1386 = arith.constant 12 : i32
        %swap3A_1387 = arith.index_cast %swap3A_1386 : i32 to index
        %swap3A_1388 = arith.index_cast %scan3A_692 : i32 to index
        %swap3A_1389 = arith.constant 0 : index
        %swap3A_1390 = tpu.vector_load %arg9[%swap3A_1387, %swap3A_1388, %swap3A_1389] {strides = array<i32>} : memref<16x50x64xf32, #tpu.memory_space<vmem>>, vector<1x1x16xf32>,
        %swap3A_1391 = vector.shape_cast %swap3A_1390 : vector<1x1x16xf32> to vector<16xf32>
        %swap3A_1392 = vector.shape_cast %add3A_1385 : vector<16xf32> to vector<1x1x16xf32>
        tpu.vector_store %arg9[%swap3A_1387, %swap3A_1388, %swap3A_1389], %swap3A_1392 {strides = array<i32>} : memref<16x50x64xf32, #tpu.memory_space<vmem>>, vector<1x1x16xf32>,
        %get3A_1393 = arith.constant 12 : i32
        %get3A_1394 = arith.index_cast %get3A_1393 : i32 to index
        %get3A_1395 = arith.index_cast %scan3A_692 : i32 to index
        %get3A_1396 = arith.constant 16 : index
        %get3A_1397 = tpu.vector_load %arg9[%get3A_1394, %get3A_1395, %get3A_1396] {strides = array<i32>} : memref<16x50x64xf32, #tpu.memory_space<vmem>>, vector<1x1x16xf32>,
        %get3A_1398 = vector.shape_cast %get3A_1397 : vector<1x1x16xf32> to vector<16xf32>
        %add3A_1399 = arith.addf %get3A_1398, %get3A_699 : vector<16xf32>
        %swap3A_1400 = arith.constant 12 : i32
        %swap3A_1401 = arith.index_cast %swap3A_1400 : i32 to index
        %swap3A_1402 = arith.index_cast %scan3A_692 : i32 to index
        %swap3A_1403 = arith.constant 16 : index
        %swap3A_1404 = tpu.vector_load %arg9[%swap3A_1401, %swap3A_1402, %swap3A_1403] {strides = array<i32>} : memref<16x50x64xf32, #tpu.memory_space<vmem>>, vector<1x1x16xf32>,
        %swap3A_1405 = vector.shape_cast %swap3A_1404 : vector<1x1x16xf32> to vector<16xf32>
        %swap3A_1406 = vector.shape_cast %add3A_1399 : vector<16xf32> to vector<1x1x16xf32>
        tpu.vector_store %arg9[%swap3A_1401, %swap3A_1402, %swap3A_1403], %swap3A_1406 {strides = array<i32>} : memref<16x50x64xf32, #tpu.memory_space<vmem>>, vector<1x1x16xf32>,
        %get3A_1407 = arith.constant 12 : i32
        %get3A_1408 = arith.index_cast %get3A_1407 : i32 to index
        %get3A_1409 = arith.index_cast %scan3A_692 : i32 to index
        %get3A_1410 = arith.constant 32 : index
        %get3A_1411 = tpu.vector_load %arg9[%get3A_1408, %get3A_1409, %get3A_1410] {strides = array<i32>} : memref<16x50x64xf32, #tpu.memory_space<vmem>>, vector<1x1x16xf32>,
        %get3A_1412 = vector.shape_cast %get3A_1411 : vector<1x1x16xf32> to vector<16xf32>
        %add3A_1413 = arith.addf %get3A_1412, %get3A_703 : vector<16xf32>
        %swap3A_1414 = arith.constant 12 : i32
        %swap3A_1415 = arith.index_cast %swap3A_1414 : i32 to index
        %swap3A_1416 = arith.index_cast %scan3A_692 : i32 to index
        %swap3A_1417 = arith.constant 32 : index
        %swap3A_1418 = tpu.vector_load %arg9[%swap3A_1415, %swap3A_1416, %swap3A_1417] {strides = array<i32>} : memref<16x50x64xf32, #tpu.memory_space<vmem>>, vector<1x1x16xf32>,
        %swap3A_1419 = vector.shape_cast %swap3A_1418 : vector<1x1x16xf32> to vector<16xf32>
        %swap3A_1420 = vector.shape_cast %add3A_1413 : vector<16xf32> to vector<1x1x16xf32>
        tpu.vector_store %arg9[%swap3A_1415, %swap3A_1416, %swap3A_1417], %swap3A_1420 {strides = array<i32>} : memref<16x50x64xf32, #tpu.memory_space<vmem>>, vector<1x1x16xf32>,
        %get3A_1421 = arith.constant 12 : i32
        %get3A_1422 = arith.index_cast %get3A_1421 : i32 to index
        %get3A_1423 = arith.index_cast %scan3A_692 : i32 to index
        %get3A_1424 = arith.constant 48 : index
        %get3A_1425 = tpu.vector_load %arg9[%get3A_1422, %get3A_1423, %get3A_1424] {strides = array<i32>} : memref<16x50x64xf32, #tpu.memory_space<vmem>>, vector<1x1x16xf32>,
        %get3A_1426 = vector.shape_cast %get3A_1425 : vector<1x1x16xf32> to vector<16xf32>
        %add3A_1427 = arith.addf %get3A_1426, %get3A_707 : vector<16xf32>
        %swap3A_1428 = arith.constant 12 : i32
        %swap3A_1429 = arith.index_cast %swap3A_1428 : i32 to index
        %swap3A_1430 = arith.index_cast %scan3A_692 : i32 to index
        %swap3A_1431 = arith.constant 48 : index
        %swap3A_1432 = tpu.vector_load %arg9[%swap3A_1429, %swap3A_1430, %swap3A_1431] {strides = array<i32>} : memref<16x50x64xf32, #tpu.memory_space<vmem>>, vector<1x1x16xf32>,
        %swap3A_1433 = vector.shape_cast %swap3A_1432 : vector<1x1x16xf32> to vector<16xf32>
        %swap3A_1434 = vector.shape_cast %add3A_1427 : vector<16xf32> to vector<1x1x16xf32>
        tpu.vector_store %arg9[%swap3A_1429, %swap3A_1430, %swap3A_1431], %swap3A_1434 {strides = array<i32>} : memref<16x50x64xf32, #tpu.memory_space<vmem>>, vector<1x1x16xf32>,
        %get3A_1435 = arith.constant 13 : i32
        %get3A_1436 = arith.index_cast %get3A_1435 : i32 to index
        %get3A_1437 = arith.index_cast %scan3A_692 : i32 to index
        %get3A_1438 = arith.constant 0 : index
        %get3A_1439 = tpu.vector_load %arg9[%get3A_1436, %get3A_1437, %get3A_1438] {strides = array<i32>} : memref<16x50x64xf32, #tpu.memory_space<vmem>>, vector<1x1x16xf32>,
        %get3A_1440 = vector.shape_cast %get3A_1439 : vector<1x1x16xf32> to vector<16xf32>
        %add3A_1441 = arith.addf %get3A_1440, %get3A_695 : vector<16xf32>
        %swap3A_1442 = arith.constant 13 : i32
        %swap3A_1443 = arith.index_cast %swap3A_1442 : i32 to index
        %swap3A_1444 = arith.index_cast %scan3A_692 : i32 to index
        %swap3A_1445 = arith.constant 0 : index
        %swap3A_1446 = tpu.vector_load %arg9[%swap3A_1443, %swap3A_1444, %swap3A_1445] {strides = array<i32>} : memref<16x50x64xf32, #tpu.memory_space<vmem>>, vector<1x1x16xf32>,
        %swap3A_1447 = vector.shape_cast %swap3A_1446 : vector<1x1x16xf32> to vector<16xf32>
        %swap3A_1448 = vector.shape_cast %add3A_1441 : vector<16xf32> to vector<1x1x16xf32>
        tpu.vector_store %arg9[%swap3A_1443, %swap3A_1444, %swap3A_1445], %swap3A_1448 {strides = array<i32>} : memref<16x50x64xf32, #tpu.memory_space<vmem>>, vector<1x1x16xf32>,
        %get3A_1449 = arith.constant 13 : i32
        %get3A_1450 = arith.index_cast %get3A_1449 : i32 to index
        %get3A_1451 = arith.index_cast %scan3A_692 : i32 to index
        %get3A_1452 = arith.constant 16 : index
        %get3A_1453 = tpu.vector_load %arg9[%get3A_1450, %get3A_1451, %get3A_1452] {strides = array<i32>} : memref<16x50x64xf32, #tpu.memory_space<vmem>>, vector<1x1x16xf32>,
        %get3A_1454 = vector.shape_cast %get3A_1453 : vector<1x1x16xf32> to vector<16xf32>
        %add3A_1455 = arith.addf %get3A_1454, %get3A_699 : vector<16xf32>
        %swap3A_1456 = arith.constant 13 : i32
        %swap3A_1457 = arith.index_cast %swap3A_1456 : i32 to index
        %swap3A_1458 = arith.index_cast %scan3A_692 : i32 to index
        %swap3A_1459 = arith.constant 16 : index
        %swap3A_1460 = tpu.vector_load %arg9[%swap3A_1457, %swap3A_1458, %swap3A_1459] {strides = array<i32>} : memref<16x50x64xf32, #tpu.memory_space<vmem>>, vector<1x1x16xf32>,
        %swap3A_1461 = vector.shape_cast %swap3A_1460 : vector<1x1x16xf32> to vector<16xf32>
        %swap3A_1462 = vector.shape_cast %add3A_1455 : vector<16xf32> to vector<1x1x16xf32>
        tpu.vector_store %arg9[%swap3A_1457, %swap3A_1458, %swap3A_1459], %swap3A_1462 {strides = array<i32>} : memref<16x50x64xf32, #tpu.memory_space<vmem>>, vector<1x1x16xf32>,
        %get3A_1463 = arith.constant 13 : i32
        %get3A_1464 = arith.index_cast %get3A_1463 : i32 to index
        %get3A_1465 = arith.index_cast %scan3A_692 : i32 to index
        %get3A_1466 = arith.constant 32 : index
        %get3A_1467 = tpu.vector_load %arg9[%get3A_1464, %get3A_1465, %get3A_1466] {strides = array<i32>} : memref<16x50x64xf32, #tpu.memory_space<vmem>>, vector<1x1x16xf32>,
        %get3A_1468 = vector.shape_cast %get3A_1467 : vector<1x1x16xf32> to vector<16xf32>
        %add3A_1469 = arith.addf %get3A_1468, %get3A_703 : vector<16xf32>
        %swap3A_1470 = arith.constant 13 : i32
        %swap3A_1471 = arith.index_cast %swap3A_1470 : i32 to index
        %swap3A_1472 = arith.index_cast %scan3A_692 : i32 to index
        %swap3A_1473 = arith.constant 32 : index
        %swap3A_1474 = tpu.vector_load %arg9[%swap3A_1471, %swap3A_1472, %swap3A_1473] {strides = array<i32>} : memref<16x50x64xf32, #tpu.memory_space<vmem>>, vector<1x1x16xf32>,
        %swap3A_1475 = vector.shape_cast %swap3A_1474 : vector<1x1x16xf32> to vector<16xf32>
        %swap3A_1476 = vector.shape_cast %add3A_1469 : vector<16xf32> to vector<1x1x16xf32>
        tpu.vector_store %arg9[%swap3A_1471, %swap3A_1472, %swap3A_1473], %swap3A_1476 {strides = array<i32>} : memref<16x50x64xf32, #tpu.memory_space<vmem>>, vector<1x1x16xf32>,
        %get3A_1477 = arith.constant 13 : i32
        %get3A_1478 = arith.index_cast %get3A_1477 : i32 to index
        %get3A_1479 = arith.index_cast %scan3A_692 : i32 to index
        %get3A_1480 = arith.constant 48 : index
        %get3A_1481 = tpu.vector_load %arg9[%get3A_1478, %get3A_1479, %get3A_1480] {strides = array<i32>} : memref<16x50x64xf32, #tpu.memory_space<vmem>>, vector<1x1x16xf32>,
        %get3A_1482 = vector.shape_cast %get3A_1481 : vector<1x1x16xf32> to vector<16xf32>
        %add3A_1483 = arith.addf %get3A_1482, %get3A_707 : vector<16xf32>
        %swap3A_1484 = arith.constant 13 : i32
        %swap3A_1485 = arith.index_cast %swap3A_1484 : i32 to index
        %swap3A_1486 = arith.index_cast %scan3A_692 : i32 to index
        %swap3A_1487 = arith.constant 48 : index
        %swap3A_1488 = tpu.vector_load %arg9[%swap3A_1485, %swap3A_1486, %swap3A_1487] {strides = array<i32>} : memref<16x50x64xf32, #tpu.memory_space<vmem>>, vector<1x1x16xf32>,
        %swap3A_1489 = vector.shape_cast %swap3A_1488 : vector<1x1x16xf32> to vector<16xf32>
        %swap3A_1490 = vector.shape_cast %add3A_1483 : vector<16xf32> to vector<1x1x16xf32>
        tpu.vector_store %arg9[%swap3A_1485, %swap3A_1486, %swap3A_1487], %swap3A_1490 {strides = array<i32>} : memref<16x50x64xf32, #tpu.memory_space<vmem>>, vector<1x1x16xf32>,
        %get3A_1491 = arith.constant 14 : i32
        %get3A_1492 = arith.index_cast %get3A_1491 : i32 to index
        %get3A_1493 = arith.index_cast %scan3A_692 : i32 to index
        %get3A_1494 = arith.constant 0 : index
        %get3A_1495 = tpu.vector_load %arg9[%get3A_1492, %get3A_1493, %get3A_1494] {strides = array<i32>} : memref<16x50x64xf32, #tpu.memory_space<vmem>>, vector<1x1x16xf32>,
        %get3A_1496 = vector.shape_cast %get3A_1495 : vector<1x1x16xf32> to vector<16xf32>
        %add3A_1497 = arith.addf %get3A_1496, %get3A_695 : vector<16xf32>
        %swap3A_1498 = arith.constant 14 : i32
        %swap3A_1499 = arith.index_cast %swap3A_1498 : i32 to index
        %swap3A_1500 = arith.index_cast %scan3A_692 : i32 to index
        %swap3A_1501 = arith.constant 0 : index
        %swap3A_1502 = tpu.vector_load %arg9[%swap3A_1499, %swap3A_1500, %swap3A_1501] {strides = array<i32>} : memref<16x50x64xf32, #tpu.memory_space<vmem>>, vector<1x1x16xf32>,
        %swap3A_1503 = vector.shape_cast %swap3A_1502 : vector<1x1x16xf32> to vector<16xf32>
        %swap3A_1504 = vector.shape_cast %add3A_1497 : vector<16xf32> to vector<1x1x16xf32>
        tpu.vector_store %arg9[%swap3A_1499, %swap3A_1500, %swap3A_1501], %swap3A_1504 {strides = array<i32>} : memref<16x50x64xf32, #tpu.memory_space<vmem>>, vector<1x1x16xf32>,
        %get3A_1505 = arith.constant 14 : i32
        %get3A_1506 = arith.index_cast %get3A_1505 : i32 to index
        %get3A_1507 = arith.index_cast %scan3A_692 : i32 to index
        %get3A_1508 = arith.constant 16 : index
        %get3A_1509 = tpu.vector_load %arg9[%get3A_1506, %get3A_1507, %get3A_1508] {strides = array<i32>} : memref<16x50x64xf32, #tpu.memory_space<vmem>>, vector<1x1x16xf32>,
        %get3A_1510 = vector.shape_cast %get3A_1509 : vector<1x1x16xf32> to vector<16xf32>
        %add3A_1511 = arith.addf %get3A_1510, %get3A_699 : vector<16xf32>
        %swap3A_1512 = arith.constant 14 : i32
        %swap3A_1513 = arith.index_cast %swap3A_1512 : i32 to index
        %swap3A_1514 = arith.index_cast %scan3A_692 : i32 to index
        %swap3A_1515 = arith.constant 16 : index
        %swap3A_1516 = tpu.vector_load %arg9[%swap3A_1513, %swap3A_1514, %swap3A_1515] {strides = array<i32>} : memref<16x50x64xf32, #tpu.memory_space<vmem>>, vector<1x1x16xf32>,
        %swap3A_1517 = vector.shape_cast %swap3A_1516 : vector<1x1x16xf32> to vector<16xf32>
        %swap3A_1518 = vector.shape_cast %add3A_1511 : vector<16xf32> to vector<1x1x16xf32>
        tpu.vector_store %arg9[%swap3A_1513, %swap3A_1514, %swap3A_1515], %swap3A_1518 {strides = array<i32>} : memref<16x50x64xf32, #tpu.memory_space<vmem>>, vector<1x1x16xf32>,
        %get3A_1519 = arith.constant 14 : i32
        %get3A_1520 = arith.index_cast %get3A_1519 : i32 to index
        %get3A_1521 = arith.index_cast %scan3A_692 : i32 to index
        %get3A_1522 = arith.constant 32 : index
        %get3A_1523 = tpu.vector_load %arg9[%get3A_1520, %get3A_1521, %get3A_1522] {strides = array<i32>} : memref<16x50x64xf32, #tpu.memory_space<vmem>>, vector<1x1x16xf32>,
        %get3A_1524 = vector.shape_cast %get3A_1523 : vector<1x1x16xf32> to vector<16xf32>
        %add3A_1525 = arith.addf %get3A_1524, %get3A_703 : vector<16xf32>
        %swap3A_1526 = arith.constant 14 : i32
        %swap3A_1527 = arith.index_cast %swap3A_1526 : i32 to index
        %swap3A_1528 = arith.index_cast %scan3A_692 : i32 to index
        %swap3A_1529 = arith.constant 32 : index
        %swap3A_1530 = tpu.vector_load %arg9[%swap3A_1527, %swap3A_1528, %swap3A_1529] {strides = array<i32>} : memref<16x50x64xf32, #tpu.memory_space<vmem>>, vector<1x1x16xf32>,
        %swap3A_1531 = vector.shape_cast %swap3A_1530 : vector<1x1x16xf32> to vector<16xf32>
        %swap3A_1532 = vector.shape_cast %add3A_1525 : vector<16xf32> to vector<1x1x16xf32>
        tpu.vector_store %arg9[%swap3A_1527, %swap3A_1528, %swap3A_1529], %swap3A_1532 {strides = array<i32>} : memref<16x50x64xf32, #tpu.memory_space<vmem>>, vector<1x1x16xf32>,
        %get3A_1533 = arith.constant 14 : i32
        %get3A_1534 = arith.index_cast %get3A_1533 : i32 to index
        %get3A_1535 = arith.index_cast %scan3A_692 : i32 to index
        %get3A_1536 = arith.constant 48 : index
        %get3A_1537 = tpu.vector_load %arg9[%get3A_1534, %get3A_1535, %get3A_1536] {strides = array<i32>} : memref<16x50x64xf32, #tpu.memory_space<vmem>>, vector<1x1x16xf32>,
        %get3A_1538 = vector.shape_cast %get3A_1537 : vector<1x1x16xf32> to vector<16xf32>
        %add3A_1539 = arith.addf %get3A_1538, %get3A_707 : vector<16xf32>
        %swap3A_1540 = arith.constant 14 : i32
        %swap3A_1541 = arith.index_cast %swap3A_1540 : i32 to index
        %swap3A_1542 = arith.index_cast %scan3A_692 : i32 to index
        %swap3A_1543 = arith.constant 48 : index
        %swap3A_1544 = tpu.vector_load %arg9[%swap3A_1541, %swap3A_1542, %swap3A_1543] {strides = array<i32>} : memref<16x50x64xf32, #tpu.memory_space<vmem>>, vector<1x1x16xf32>,
        %swap3A_1545 = vector.shape_cast %swap3A_1544 : vector<1x1x16xf32> to vector<16xf32>
        %swap3A_1546 = vector.shape_cast %add3A_1539 : vector<16xf32> to vector<1x1x16xf32>
        tpu.vector_store %arg9[%swap3A_1541, %swap3A_1542, %swap3A_1543], %swap3A_1546 {strides = array<i32>} : memref<16x50x64xf32, #tpu.memory_space<vmem>>, vector<1x1x16xf32>,
        %get3A_1547 = arith.constant 15 : i32
        %get3A_1548 = arith.index_cast %get3A_1547 : i32 to index
        %get3A_1549 = arith.index_cast %scan3A_692 : i32 to index
        %get3A_1550 = arith.constant 0 : index
        %get3A_1551 = tpu.vector_load %arg9[%get3A_1548, %get3A_1549, %get3A_1550] {strides = array<i32>} : memref<16x50x64xf32, #tpu.memory_space<vmem>>, vector<1x1x16xf32>,
        %get3A_1552 = vector.shape_cast %get3A_1551 : vector<1x1x16xf32> to vector<16xf32>
        %add3A_1553 = arith.addf %get3A_1552, %get3A_695 : vector<16xf32>
        %swap3A_1554 = arith.constant 15 : i32
        %swap3A_1555 = arith.index_cast %swap3A_1554 : i32 to index
        %swap3A_1556 = arith.index_cast %scan3A_692 : i32 to index
        %swap3A_1557 = arith.constant 0 : index
        %swap3A_1558 = tpu.vector_load %arg9[%swap3A_1555, %swap3A_1556, %swap3A_1557] {strides = array<i32>} : memref<16x50x64xf32, #tpu.memory_space<vmem>>, vector<1x1x16xf32>,
        %swap3A_1559 = vector.shape_cast %swap3A_1558 : vector<1x1x16xf32> to vector<16xf32>
        %swap3A_1560 = vector.shape_cast %add3A_1553 : vector<16xf32> to vector<1x1x16xf32>
        tpu.vector_store %arg9[%swap3A_1555, %swap3A_1556, %swap3A_1557], %swap3A_1560 {strides = array<i32>} : memref<16x50x64xf32, #tpu.memory_space<vmem>>, vector<1x1x16xf32>,
        %get3A_1561 = arith.constant 15 : i32
        %get3A_1562 = arith.index_cast %get3A_1561 : i32 to index
        %get3A_1563 = arith.index_cast %scan3A_692 : i32 to index
        %get3A_1564 = arith.constant 16 : index
        %get3A_1565 = tpu.vector_load %arg9[%get3A_1562, %get3A_1563, %get3A_1564] {strides = array<i32>} : memref<16x50x64xf32, #tpu.memory_space<vmem>>, vector<1x1x16xf32>,
        %get3A_1566 = vector.shape_cast %get3A_1565 : vector<1x1x16xf32> to vector<16xf32>
        %add3A_1567 = arith.addf %get3A_1566, %get3A_699 : vector<16xf32>
        %swap3A_1568 = arith.constant 15 : i32
        %swap3A_1569 = arith.index_cast %swap3A_1568 : i32 to index
        %swap3A_1570 = arith.index_cast %scan3A_692 : i32 to index
        %swap3A_1571 = arith.constant 16 : index
        %swap3A_1572 = tpu.vector_load %arg9[%swap3A_1569, %swap3A_1570, %swap3A_1571] {strides = array<i32>} : memref<16x50x64xf32, #tpu.memory_space<vmem>>, vector<1x1x16xf32>,
        %swap3A_1573 = vector.shape_cast %swap3A_1572 : vector<1x1x16xf32> to vector<16xf32>
        %swap3A_1574 = vector.shape_cast %add3A_1567 : vector<16xf32> to vector<1x1x16xf32>
        tpu.vector_store %arg9[%swap3A_1569, %swap3A_1570, %swap3A_1571], %swap3A_1574 {strides = array<i32>} : memref<16x50x64xf32, #tpu.memory_space<vmem>>, vector<1x1x16xf32>,
        %get3A_1575 = arith.constant 15 : i32
        %get3A_1576 = arith.index_cast %get3A_1575 : i32 to index
        %get3A_1577 = arith.index_cast %scan3A_692 : i32 to index
        %get3A_1578 = arith.constant 32 : index
        %get3A_1579 = tpu.vector_load %arg9[%get3A_1576, %get3A_1577, %get3A_1578] {strides = array<i32>} : memref<16x50x64xf32, #tpu.memory_space<vmem>>, vector<1x1x16xf32>,
        %get3A_1580 = vector.shape_cast %get3A_1579 : vector<1x1x16xf32> to vector<16xf32>
        %add3A_1581 = arith.addf %get3A_1580, %get3A_703 : vector<16xf32>
        %swap3A_1582 = arith.constant 15 : i32
        %swap3A_1583 = arith.index_cast %swap3A_1582 : i32 to index
        %swap3A_1584 = arith.index_cast %scan3A_692 : i32 to index
        %swap3A_1585 = arith.constant 32 : index
        %swap3A_1586 = tpu.vector_load %arg9[%swap3A_1583, %swap3A_1584, %swap3A_1585] {strides = array<i32>} : memref<16x50x64xf32, #tpu.memory_space<vmem>>, vector<1x1x16xf32>,
        %swap3A_1587 = vector.shape_cast %swap3A_1586 : vector<1x1x16xf32> to vector<16xf32>
        %swap3A_1588 = vector.shape_cast %add3A_1581 : vector<16xf32> to vector<1x1x16xf32>
        tpu.vector_store %arg9[%swap3A_1583, %swap3A_1584, %swap3A_1585], %swap3A_1588 {strides = array<i32>} : memref<16x50x64xf32, #tpu.memory_space<vmem>>, vector<1x1x16xf32>,
        %get3A_1589 = arith.constant 15 : i32
        %get3A_1590 = arith.index_cast %get3A_1589 : i32 to index
        %get3A_1591 = arith.index_cast %scan3A_692 : i32 to index
        %get3A_1592 = arith.constant 48 : index
        %get3A_1593 = tpu.vector_load %arg9[%get3A_1590, %get3A_1591, %get3A_1592] {strides = array<i32>} : memref<16x50x64xf32, #tpu.memory_space<vmem>>, vector<1x1x16xf32>,
        %get3A_1594 = vector.shape_cast %get3A_1593 : vector<1x1x16xf32> to vector<16xf32>
        %add3A_1595 = arith.addf %get3A_1594, %get3A_707 : vector<16xf32>
        %swap3A_1596 = arith.constant 15 : i32
        %swap3A_1597 = arith.index_cast %swap3A_1596 : i32 to index
        %swap3A_1598 = arith.index_cast %scan3A_692 : i32 to index
        %swap3A_1599 = arith.constant 48 : index
        %swap3A_1600 = tpu.vector_load %arg9[%swap3A_1597, %swap3A_1598, %swap3A_1599] {strides = array<i32>} : memref<16x50x64xf32, #tpu.memory_space<vmem>>, vector<1x1x16xf32>,
        %swap3A_1601 = vector.shape_cast %swap3A_1600 : vector<1x1x16xf32> to vector<16xf32>
        %swap3A_1602 = vector.shape_cast %add3A_1595 : vector<16xf32> to vector<1x1x16xf32>
        tpu.vector_store %arg9[%swap3A_1597, %swap3A_1598, %swap3A_1599], %swap3A_1602 {strides = array<i32>} : memref<16x50x64xf32, #tpu.memory_space<vmem>>, vector<1x1x16xf32>,
      }
      %scan3A_684 = arith.constant 50 : i32
      %mul3A_685 = arith.constant 16 : i32
      %mul3A_686 = arith.muli %add3A_479, %mul3A_685 : i32
      %add3A_687 = arith.addi %mul3A_34, %mul3A_686 : i32
      %dma_start3A_688 = arith.constant 0 : i32
      %dma_start3A_689 = tpu.memref_slice %arg5[%add3A_687, %mul3A_32, %dma_start3A_688] : memref<4096x200x64xf32, #tpu.memory_space<hbm>> -> memref<16x50x64xf32, #tpu.memory_space<hbm>>
      %dma_start3A_690 = arith.constant 0 : i32
      %dma_start3A_691 = tpu.memref_slice %arg5[%add3A_687, %mul3A_32, %dma_start3A_690] : memref<4096x200x64xf32, #tpu.memory_space<hbm>> -> memref<16x50x64xf32, #tpu.memory_space<hbm>>
      tpu.enqueue_dma source(%arg9 : memref<16x50x64xf32, #tpu.memory_space<vmem>>) target(%dma_start3A_691 : memref<16x50x64xf32, #tpu.memory_space<hbm>>) target_semaphore(%arg17 : memref<!tpu.dma_semaphore, #tpu.memory_space<semaphore_mem>>)
    }
    %scan3A_246 = arith.constant 16 : i32
    %add3A_247 = arith.constant 480 : i32
    %add3A_248 = arith.addi %mul3A_34, %add3A_247 : i32
    %dma_wait3A_249 = arith.constant 0 : i32
    %dma_wait3A_250 = tpu.memref_slice %arg5[%add3A_248, %mul3A_32, %dma_wait3A_249] : memref<4096x200x64xf32, #tpu.memory_space<hbm>> -> memref<16x50x64xf32, #tpu.memory_space<hbm>>
    %dma_wait3A_251 = arith.constant 0 : i32
    %dma_wait3A_252 = tpu.memref_slice %arg5[%add3A_248, %mul3A_32, %dma_wait3A_251] : memref<4096x200x64xf32, #tpu.memory_space<hbm>> -> memref<16x50x64xf32, #tpu.memory_space<hbm>>
    tpu.wait_dma2 semaphore(%arg16 : memref<!tpu.dma_semaphore, #tpu.memory_space<semaphore_mem>>) src(%arg8 : memref<16x50x64xf32, #tpu.memory_space<vmem>>) dst(%dma_wait3A_252 : memref<16x50x64xf32, #tpu.memory_space<hbm>>)
    %add3A_253 = arith.constant 496 : i32
    %add3A_254 = arith.addi %mul3A_34, %add3A_253 : i32
    %dma_wait3A_255 = arith.constant 0 : i32
    %dma_wait3A_256 = tpu.memref_slice %arg5[%add3A_254, %mul3A_32, %dma_wait3A_255] : memref<4096x200x64xf32, #tpu.memory_space<hbm>> -> memref<16x50x64xf32, #tpu.memory_space<hbm>>
    %dma_wait3A_257 = arith.constant 0 : i32
    %dma_wait3A_258 = tpu.memref_slice %arg5[%add3A_254, %mul3A_32, %dma_wait3A_257] : memref<4096x200x64xf32, #tpu.memory_space<hbm>> -> memref<16x50x64xf32, #tpu.memory_space<hbm>>
    tpu.wait_dma2 semaphore(%arg17 : memref<!tpu.dma_semaphore, #tpu.memory_space<semaphore_mem>>) src(%arg9 : memref<16x50x64xf32, #tpu.memory_space<vmem>>) dst(%dma_wait3A_258 : memref<16x50x64xf32, #tpu.memory_space<hbm>>)
    return
  }
}

</mosaic_0001>

<sc_bundles>
// kernel: kernel.3.cloned.1.call-start
scs
__scs_entry_jumppad:
0x0: {  	(pc) =	sbr.rel $0x88, $3  }
0x1: {  	(tag) =	ssettag $0x0;
	lr =	simm.s32 $0x1  }
0x2: {  	[smem:$0x3F9E] =	sst lr;
	_ =	strace $0xD0000000  }
0x3: {  	_ = 	snop  }
0x4: {  	_ = 	snop  }
0x5: {  	_ = 	snop  }
0x6: {  	_ = 	snop  }
0x7: {  	_ = 	snop  }
__scs_overlays_trampoline_lowered:
0x8: {  	[smem:$0x3FAD] =	sst s0  }
0x9: {  	[smem:$0x3FAE] =	sst s1  }
0xa: {  	[smem:$0x3FAF] =	sst s2  }
0xb: {  	[smem:$0x3FB0] =	sst s3  }
0xc: {  	[smem:$0x3FB1] =	sst s4  }
0xd: {  	[smem:$0x3FB2] =	sst s5  }
0xe: {  	[smem:$0x3FB3] =	sst s6  }
0xf: {  	[smem:$0x3FB4] =	sst s7  }
0x10: {  	[smem:$0x3FB5] =	sst s8  }
0x11: {  	[smem:$0x3FB6] =	sst s9;
	s0 =	simm.s32 @!p0 $0x0  }
0x12: {  	s1 =	sld [smem:$0x3F9C];
	s0 =	simm.s32 @p0 $0x1  }
0x13: {  	[smem:$0x3FB7] =	sst s0;
	s0 =	simm.s32 @!p1 $0x0  }
0x14: {  	s2 =	sld [smem:$0x3F9B];
	s0 =	simm.s32 @p1 $0x1  }
0x15: {  	[smem:$0x3FB8] =	sst s0;
	s0 =	simm.s32 @!p2 $0x0  }
0x16: {  	s3 =	sld [smem:$0x3FDB];
	s0 =	simm.s32 @p2 $0x1  }
0x17: {  	s4 =	simm.s32 $0x1BF5;
	[smem:$0x3FBA] =	sst s0  }
0x18: {  	s0 =	sld [smem:$0x3F9D];
	_ =	swait.ge [sflag:s4], $0x0  }
0x19: {  	s7 =	sld [smem:$0x3F9E]  }
0x1a: {  	s8 =	sadd.s32 $0xFFFFE003, lr  }
0x1b: {  	s9 =	sadd.s32 $0xFFFFFEF7, lr;
	s5 =	simm.s32 $0xFFFFFFFF;
	p2 =	slt.u32 s8, $0xFFFFF086  }
0x1c: {  	p1 =	slt.u32 s9, $0xF7A;
	s5 =	simm.s32 @!p2 $0x0  }
0x1d: {  	s5 =	simm.s32 @p1 $0x1;
	p0 =	seq.s32 s7, s2  }
0x1e: {  	s7 =	smul.u32 @!p0 $0xF7A, s2;
	p2 =	seq.s32 @!p0 s5, $0x0  }
0x1f: {  	s9 =	smul.u32 $0xF7A, s1;
	s8 =	simm.s32 @!p0 $0x1BF5;
	p2 =	por !p2, p0  }
0x20: {  	[sflag:s8] =	ssyncset.s32 @!p0 $0xFFFFF086;
	s6 =	sadd.s32 @!p0 s3, s7;
	s7 =	simm.s32 @!p0 $0x108  }
0x21: {  	s3 =	sadd.s32 s3, s9;
	s6 =	sadd.s32 @!p0 $0x88, s6;
	s7 =	simm.s32 @p2 $0x1082  }
0x22: {  	[simem:s7], [sflag:s8] =	dma.local @!p0 [hbm:s6], $0xF7A  }
0x23: {  	s9 =	sor.u32 $0xD0000000, s2;
	s6 =	simm.s32 $0x108;
	_ =	swait.ge @!p0 [sflag:s8], $0x0  }
0x24: {  	s3 =	sadd.s32 $0x88, s3;
	s6 =	simm.s32 @!p1 $0x1082;
	[sflag:s4] =	ssyncset.s32 $0xFFFFF086  }
0x25: {  	[simem:s6], [sflag:s4] =	dma.local [hbm:s3], $0xF7A  }
0x26: {  	[smem:$0x3F9E] =	sst s1;
	(tag) =	ssettag s2;
	_ =	strace s9  }
0x27: {  	s1 =	sld [smem:$0x3FAE]  }
0x28: {  	s2 =	sld [smem:$0x3FAF]  }
0x29: {  	s4 =	sld [smem:$0x3FB1]  }
0x2a: {  	p0 =	seq.s32 s5, $0x0;
	s5 =	sld [smem:$0x3FB2]  }
0x2b: {  	s6 =	sld [smem:$0x3FB3]  }
0x2c: {  	s7 =	sld [smem:$0x3FB4]  }
0x2d: {  	s3 =	simm.s32 $0x108;
	s8 =	sld [smem:$0x3FB5]  }
0x2e: {  	s3 =	simm.s32 @!p0 $0x1082;
	s9 =	sld [smem:$0x3FB6]  }
0x2f: {  	lr =	sadd.s32 s0, s3;
	s0 =	sld [smem:$0x3FAD]  }
0x30: {  	s3 =	sld [smem:$0x3FB0]  }
0x31: {  	[smem:$0x3FB9] =	sst s10  }
0x32: {  	s10 =	sld [smem:$0x3FB7];
	_ =	sdelay $0x3  }
0x33: {  	p0 =	seq.s32 s10, $0x1;
	s10 =	sld [smem:$0x3FB9];
	_ =	sdelay $0x3  }
0x34: {  	[smem:$0x3FB9] =	sst s10  }
0x35: {  	s10 =	sld [smem:$0x3FB8];
	_ =	sdelay $0x3  }
0x36: {  	p1 =	seq.s32 s10, $0x1;
	s10 =	sld [smem:$0x3FB9];
	_ =	sdelay $0x3  }
0x37: {  	[smem:$0x3FB9] =	sst s10  }
0x38: {  	s10 =	sld [smem:$0x3FBA]  }
0x39: {  	_ = 	snop;
	(pc) =	sbr.ind lr, $3  }
0x3a: {  	_ = 	snop  }
0x3b: {  	_ = 	snop  }
0x3c: {  	p2 =	seq.s32 s10, $0x1;
	s10 =	sld [smem:$0x3FB9]  }
0x3d: {  	_ =	shalt  }
0x3e: {  	_ =	shalt  }
0x3f: {  	_ =	shalt  }
0x40: {  	_ =	shalt  }
0x41: {  	_ =	shalt  }
0x42: {  	_ =	shalt  }
0x43: {  	_ =	shalt  }
0x44: {  	_ =	shalt  }
0x45: {  	_ =	shalt  }
0x46: {  	_ =	shalt  }
0x47: {  	_ =	shalt  }
0x48: {  	_ =	shalt  }
0x49: {  	_ =	shalt  }
0x4a: {  	_ =	shalt  }
0x4b: {  	_ =	shalt  }
0x4c: {  	_ =	shalt  }
0x4d: {  	_ =	shalt  }
0x4e: {  	_ =	shalt  }
0x4f: {  	_ =	shalt  }
0x50: {  	_ =	shalt  }
0x51: {  	_ =	shalt  }
0x52: {  	_ =	shalt  }
0x53: {  	_ =	shalt  }
0x54: {  	_ =	shalt  }
0x55: {  	_ =	shalt  }
0x56: {  	_ =	shalt  }
0x57: {  	_ =	shalt  }
0x58: {  	_ =	shalt  }
0x59: {  	_ =	shalt  }
0x5a: {  	_ =	shalt  }
0x5b: {  	_ =	shalt  }
0x5c: {  	_ =	shalt  }
0x5d: {  	_ =	shalt  }
0x5e: {  	_ =	shalt  }
0x5f: {  	_ =	shalt  }
0x60: {  	_ =	shalt  }
0x61: {  	_ =	shalt  }
0x62: {  	_ =	shalt  }
0x63: {  	_ =	shalt  }
0x64: {  	_ =	shalt  }
0x65: {  	_ =	shalt  }
0x66: {  	_ =	shalt  }
0x67: {  	_ =	shalt  }
0x68: {  	_ =	shalt  }
0x69: {  	_ =	shalt  }
0x6a: {  	_ =	shalt  }
0x6b: {  	_ =	shalt  }
0x6c: {  	_ =	shalt  }
0x6d: {  	_ =	shalt  }
0x6e: {  	_ =	shalt  }
0x6f: {  	_ =	shalt  }
0x70: {  	_ =	shalt  }
0x71: {  	_ =	shalt  }
0x72: {  	_ =	shalt  }
0x73: {  	_ =	shalt  }
0x74: {  	_ =	shalt  }
0x75: {  	_ =	shalt  }
0x76: {  	_ =	shalt  }
0x77: {  	_ =	shalt  }
0x78: {  	_ =	shalt  }
0x79: {  	_ =	shalt  }
0x7a: {  	_ =	shalt  }
0x7b: {  	_ =	shalt  }
0x7c: {  	_ =	shalt  }
0x7d: {  	_ =	shalt  }
0x7e: {  	_ =	shalt  }
0x7f: {  	_ =	shalt  }
0x80: {  	_ =	shalt  }
0x81: {  	_ =	shalt  }
0x82: {  	_ =	shalt  }
0x83: {  	_ =	shalt  }
0x84: {  	_ =	shalt  }
0x85: {  	_ =	shalt  }
0x86: {  	_ =	shalt  }
0x87: {  	_ =	shalt  }
.Lfunc_end0:
.L_simem_size_0:
called_computation.1_lowered:
.L_overlay_start_0:
0x88: {  	s2 =	sld [smem:$0x3FD9]  }
0x89: {  	s3 =	sld [smem:$0x3FFE];
	_ =	sdelay $0x1  }
0x8a: {  	s1 =	srdreg.scid  }
0x8b: {  	s0 =	sand.u32 $0x1, s1  }
0x8c: {  	s17 =	sshll.u32 s0, $0xA;
	s2 =	sadd.s32 s3, s2  }
0x8d: {  	s2 =	sadd.s32 s2, s17  }
0x8e: {  	[smem:$0x3FC5] =	sst s2  }
0x8f: {  	_ = 	snop  }
0x90: {  	s2 =	sld [smem:$0x3FD0];
	(tm) =	ssettm $0x1  }
0x91: {  	s18 =	sld [smem:$0x3FFB];
	_ =	sdelay $0x3  }
0x92: {  	_ =	strace s18  }
0x93: {  	s3 =	sld [smem:$0x3FFC];
	_ =	sdelay $0x3  }
0x94: {  	_ =	strace s3  }
0x95: {  	s3 =	sld [smem:$0x3FFD];
	_ =	sdelay $0x3  }
0x96: {  	_ =	strace s3  }
0x97: {  	_ =	strace $0x8FFFFFFF  }
0x98: {  	s19 =	sld [smem:$0x3FDB];
	_ =	sdelay $0x1  }
0x99: {  	s4 =	simm.s32 $_scs_section_size  }
0x9a: {  	s5 =	simm.s32 $_size__tile_overlayer_lowered;
	s6 =	simm.s32 $_tile_overlayer_lowered  }
0x9b: {  	s22 =	simm.s32 $0x1BFF;
	s21 =	sshll.u32 s6, $0x1;
	s3 =	sadd.s32 s4, s19  }
0x9c: {  	s7 =	simm.s32 $0x0;
	s20 =	sshll.u32 s5, $0x1;
	s5 =	sadd.s32 s21, s3  }
0x9d: {  	[timem:s7], [sflag:s22] =	dma.local [hbm:s5], s20  }
0x9e: {  	_ =	swait.ge [sflag:s22], s20  }
0x9f: {  	s4 =	ssub.s32 $0x0, s20;
	[sflag:s22] =	ssyncset.done $0x0  }
0xa0: {  	[sflag:s22] =	ssyncadd.s32 s4;
	_ =	sdelay $0x1  }
0xa1: {  	s23 =	simm.s32 $0x1B8B  }
0xa2: {  	_ =	swait.ge [sflag:s23], $0x1  }
0xa3: {  	[sflag:s23] =	ssyncset.done $0x0  }
0xa4: {  	s25 =	simm.s32 $0x1B8E;
	s24 =	sld [smem:$0x3FFE];
	[sflag:s23] =	ssyncadd.s32 $0xFFFFFFFF  }
0xa5: {  	s26 =	simm.s32 $execute0_lowered;
	[smem:$0x3FD2] =	sst s25  }
0xa6: {  	s5 =	sshll.u32 s26, $0x1;
	_ =	strace $0x80000046;
	[dreg:$0x1] =	wrdreg $0xFFFFFFFF  }
0xa7: {  	s28 =	simm.s32 $_size_execute0_lowered;
	s3 =	sadd.s32 s3, s5;
	[dreg:$0x0] =	wrdreg $0x0  }
0xa8: {  	s5 =	sshll.u32 s28, $0x1;
	[dreg:$0x2] =	wrdreg s3  }
0xa9: {  	[dreg:$0x3] =	wrdreg s5  }
0xaa: {  	[dreg:$0x4] =	wrdreg $0xC0  }
0xab: {  	_ =	task [dreg:s7], $0x5FFFF  }
0xac: {  	[dreg:$0x1] =	wrdreg $0xFFFFFFFF  }
0xad: {  	[dreg:$0x0] =	wrdreg $0x60  }
0xae: {  	[dreg:$0x2] =	wrdreg s24  }
0xaf: {  	[dreg:$0x3] =	wrdreg s2  }
0xb0: {  	[dreg:$0x4] =	wrdreg $0x1A3800  }
0xb1: {  	[dreg:$0x5] =	wrdreg $0x9  }
0xb2: {  	_ =	task.clear_ibuf [dreg:s7], $0x6FFFF;
	_ =	strace $0x90000046  }
0xb3: {  	s29 =	simm.s32 $0x9;
	_ =	strace $0x80000048  }
0xb4: {  	_ =	swait.ge [sflag:s29], $0x1  }
0xb5: {  	[sflag:s29] =	ssyncadd.s32 $0xFFFFFFFF  }
0xb6: {  	_ =	strace $0x90000048  }
0xb7: {  	_ =	sfence  }
0xb8: {  	s30 =	sld [smem:$0x0];
	_ =	sdelay $0x2  }
0xb9: {  	s31 =	sshll.u32 s1, $0xD;
	s1 =	sshrl.u32 s1, $0x2  }
0xba: {  	s3 =	sand.u32 $0x4000, s31;
	s1 =	sadd.s32 s1, s30  }
0xbb: {  	s0 =	sor.u32 s3, s0;
	s1 =	sshll.u32 s1, $0x11  }
0xbc: {  	s0 =	sor.u32 s1, s0  }
0xbd: {  	s0 =	sadd.s32 $0x8F2B, s0  }
0xbe: {  	[sflag:s0] =	ssyncadd.remote.s32 $0x1  }
0xbf: {  	_ =	sfence.sel $0xFFFF  }
0xc0: {  	[dreg:$0x0] =	wrdreg $0xFFFFFFFF;
	(pc) =	sbr.abs _section_cstart, $3  }
0xc1: {  	[dreg:$0x1] =	wrdreg $0xFFFFFFFF  }
0xc2: {  	_ =	task.clear_ibuf [dreg:s7], $0x2FFFF;
	_ =	strace $0x9FFFFFFF  }
0xc3: {  	(tm) =	ssettm $0x7FFFFFFF  }
tec
execute0_lowered:
.L_overlay_start_1:
0x0: {  	(tag) =	ssettag $0x1  }
0x1: {  	s1 =	rddreg [dreg:$0x0];
	s7 =	stileid.u32  }
0x2: {  	s0 =	rddreg [dreg:$0x1];
	s3 =	srdreg.scid  }
0x3: {  	s2 =	rddreg [dreg:$0x2];
	s18 =	simm.s32 $0x32;
	s24 =	simm.s32 $0x380  }
0x4: {  	s25 =	simm.s32 $0x2;
	s26 =	simm.s32 $0xCF00;
	s15 =	simm.s32 $0x620  }
0x5: {  	s19 =	simm.s32 $0x16500;
	s20 =	simm.s32 $0x658;
	s21 =	simm.s32 $0x17180  }
0x6: {  	s22 =	simm.s32 $0x690;
	s23 =	simm.s32 $0x17E00;
	s14 =	simm.s32 $0x3200  }
0x7: {  	s16 =	simm.s32 $0x4;
	s28 =	simm.s32 $0x0;
	s4 =	sshll.u32 s7, $0x1  }
0x8: {  	s8 =	sand.u32 $0x1, s3;
	s3 =	simm.s32 $0x0;
	s9 =	sshrl.u32 s7, $0x1  }
0x9: {  	s6 =	sadd.s32 $0x3000, s1;
	s11 =	sadd.s32 $0x1000, s1;
	p0 =	sne.s32 s7, $0x0  }
0xa: {  	s7 =	simm.s32 $0x6C8;
	s4 =	sand.u32 $0x2, s4;
	[smem:$0x7FF] =	sst s3  }
0xb: {  	s10 =	smul.u32 $0x7000, s9;
	s5 =	sor.u32 s8, s4;
	s8 =	ssub.s32 $0x2, s8  }
0xc: {  	_ =	strace $0x80000047;
	s4 =	smul.u32 $0xC80, s5;
	s12 =	sshrl.u32 s8, $0x1  }
0xd: {  	[dreg:$0x4] =	wrdreg s11;
	s5 =	smul.u32 $0x38000, s5;
	s13 =	ssub.s32 s8, s12  }
0xe: {  	s8 =	sshll.u32 s9, $0x9;
	s9 =	simm.s32 $0x18A80;
	s29 =	sshrl.u32 s4, $0x3  }
0xf: {  	s10 =	sadd.s32 s10, s5;
	s31 =	smax.u32 s13, $0x1;
	s1 =	sadd.s32 s29, s1  }
0x10: {  	s30 =	sshrl.u32 s10, $0x3;
	[dreg:$0x7] =	wrdreg s31;
	s1 =	sadd.s32 $0x800, s1  }
0x11: {  	s11 =	sor.u32 $0x10, s8;
	[dreg:$0x5] =	wrdreg s1;
	s1 =	sadd.s32 s6, s30  }
0x12: {  	s12 =	sor.u32 $0x20, s8;
	[dreg:$0x6] =	wrdreg s1;
	s1 =	sshrl.u32 @!p0 s2, $0x3  }
0x13: {  	s13 =	simm.s32 $0xC80;
	s10 =	simm.s32 $0x3;
	[dreg:$0x8] =	wrdreg s1  }
.LBB2_1:
0x14: {  	[dreg:$0x9] =	wrdreg s28  }
0x15: {  	s1 =	rddreg [dreg:$0x4]  }
0x16: {  	s17 =	simm.s32 @!p0 $0x1C07;
	s28 =	rddreg [dreg:$0x8]  }
0x17: {  	[spmem:s28], [sflag:s17] =	dma.local @!p0 [hbm:s1], $0x1F40  }
0x18: {  	s17 =	simm.s32 @!p0 $0x7  }
0x19: {  	_ =	swait.ge @!p0 [sflag:s17], $0x1F40  }
0x1a: {  	[sflag:s17] =	ssyncset.done @!p0 $0x0  }
0x1b: {  	[sflag:s17] =	ssyncadd.s32 @!p0 $0xFFFFE0C0  }
0x1c: {  	[bflag:$0x0] =	sbarrier.arrive $0xFFFF  }
0x1d: {  	s30 =	simm.s32 $0x19700;
	s31 =	simm.s32 $0x7;
	s29 =	rddreg [dreg:$0x5]  }
0x1e: {  	[tilespmem:s30], [sflag:$0x7] =	stream.linear.gather [hbm4b:s29+s3], $0xC80, $0x38;
	[tilespmem:$0x1B320] =	vst v63  }
0x1f: {  	_ =	swait.ge [sflag:s31], $0xC80  }
0x20: {  	[sflag:s31] =	ssyncset.done $0x0  }
0x21: {  	s28 =	simm.s32 $0x1;
	s17 =	rddreg [dreg:$0x6];
	[sflag:s31] =	ssyncadd.s32 $0xFFFFF380  }
0x22: {  	[tilespmem:s3], [sflag:$0x1] =	stream.linear.gather [hbm4b:s17+s3], $0x380, $0x38;
	[tilespmem:$0x1B320] =	vst v63  }
0x23: {  	_ =	swait.ge [sflag:s28], $0x380  }
0x24: {  	[sflag:s28] =	ssyncset.done $0x0  }
0x25: {  	s29 =	simm.s32 $0x700;
	[sflag:s28] =	ssyncadd.s32 $0xFFFFFC80  }
0x26: {  	[tilespmem:s29], [sflag:$0x3] =	stream.indirect.gather [spmem:s2], $0x40, s3, s18, $0xb8;
	[tilespmem:$0x1B320] =	vst v63  }
0x27: {  	s30 =	simm.s32 $0x38;
	s31 =	simm.s32 $0x1380  }
0x28: {  	[tilespmem:s31], [sflag:$0x3] =	stream.indirect.gather [spmem:s2], $0x40, s30, s18, $0xb8;
	[tilespmem:$0x1B320] =	vst v63  }
0x29: {  	s28 =	simm.s32 $0x70;
	s29 =	simm.s32 $0x2000  }
0x2a: {  	[tilespmem:s29], [sflag:$0x3] =	stream.indirect.gather [spmem:s2], $0x40, s28, s18, $0xb8;
	[tilespmem:$0x1B320] =	vst v63  }
0x2b: {  	s30 =	simm.s32 $0xA8;
	s31 =	simm.s32 $0x2C80  }
0x2c: {  	[tilespmem:s31], [sflag:$0x3] =	stream.indirect.gather [spmem:s2], $0x40, s30, s18, $0xb8;
	[tilespmem:$0x1B320] =	vst v63  }
0x2d: {  	s28 =	simm.s32 $0xE0;
	s29 =	simm.s32 $0x3900  }
0x2e: {  	[tilespmem:s29], [sflag:$0x3] =	stream.indirect.gather [spmem:s2], $0x40, s28, s18, $0xb8;
	[tilespmem:$0x1B320] =	vst v63  }
0x2f: {  	s30 =	simm.s32 $0x118;
	s31 =	simm.s32 $0x4580  }
0x30: {  	[tilespmem:s31], [sflag:$0x3] =	stream.indirect.gather [spmem:s2], $0x40, s30, s18, $0xb8;
	[tilespmem:$0x1B320] =	vst v63  }
0x31: {  	s28 =	simm.s32 $0x150;
	s29 =	simm.s32 $0x5200  }
0x32: {  	[tilespmem:s29], [sflag:$0x3] =	stream.indirect.gather [spmem:s2], $0x40, s28, s18, $0xb8;
	[tilespmem:$0x1B320] =	vst v63  }
0x33: {  	s30 =	simm.s32 $0x188;
	s31 =	simm.s32 $0x5E80  }
0x34: {  	[tilespmem:s31], [sflag:$0x3] =	stream.indirect.gather [spmem:s2], $0x40, s30, s18, $0xb8;
	[tilespmem:$0x1B320] =	vst v63  }
0x35: {  	s28 =	simm.s32 $0x1C0;
	s29 =	simm.s32 $0x6B00  }
0x36: {  	[tilespmem:s29], [sflag:$0x3] =	stream.indirect.gather [spmem:s2], $0x40, s28, s18, $0xb8;
	[tilespmem:$0x1B320] =	vst v63  }
0x37: {  	s30 =	simm.s32 $0x1F8;
	s31 =	simm.s32 $0x7780  }
0x38: {  	[tilespmem:s31], [sflag:$0x3] =	stream.indirect.gather [spmem:s2], $0x40, s30, s18, $0xb8;
	[tilespmem:$0x1B320] =	vst v63  }
0x39: {  	s28 =	simm.s32 $0x230;
	s29 =	simm.s32 $0x8400  }
0x3a: {  	[tilespmem:s29], [sflag:$0x3] =	stream.indirect.gather [spmem:s2], $0x40, s28, s18, $0xb8;
	[tilespmem:$0x1B320] =	vst v63  }
0x3b: {  	s30 =	simm.s32 $0x268;
	s31 =	simm.s32 $0x9080  }
0x3c: {  	[tilespmem:s31], [sflag:$0x3] =	stream.indirect.gather [spmem:s2], $0x40, s30, s18, $0xb8;
	[tilespmem:$0x1B320] =	vst v63  }
0x3d: {  	s28 =	simm.s32 $0x2A0;
	s29 =	simm.s32 $0x9D00  }
0x3e: {  	[tilespmem:s29], [sflag:$0x3] =	stream.indirect.gather [spmem:s2], $0x40, s28, s18, $0xb8;
	[tilespmem:$0x1B320] =	vst v63  }
0x3f: {  	s30 =	simm.s32 $0x2D8;
	s31 =	simm.s32 $0xA980  }
0x40: {  	[tilespmem:s31], [sflag:$0x3] =	stream.indirect.gather [spmem:s2], $0x40, s30, s18, $0xb8;
	[tilespmem:$0x1B320] =	vst v63  }
0x41: {  	s28 =	simm.s32 $0x310;
	s29 =	simm.s32 $0xB600  }
0x42: {  	[tilespmem:s29], [sflag:$0x3] =	stream.indirect.gather [spmem:s2], $0x40, s28, s18, $0xb8;
	[tilespmem:$0x1B320] =	vst v63  }
0x43: {  	s17 =	simm.s32 $0x0;
	s30 =	simm.s32 $0x348;
	s31 =	simm.s32 $0xC280  }
0x44: {  	[tilespmem:s31], [sflag:$0x3] =	stream.indirect.gather [spmem:s2], $0x40, s30, s18, $0xb8;
	[tilespmem:$0x1B320] =	vst v63  }
.LBB2_2:
0x45: {  	s29 =	sshll.u32 s17, $0x5  }
0x46: {  	s28 =	sadd.s32 s11, s29  }
0x47: {  	s30 =	smul.u32 $0x38, s28;
	_ =	sdelay $0x1  }
0x48: {  	s30 =	sadd.s32 s5, s30  }
0x49: {  	s30 =	sshrl.u32 s30, $0x3  }
0x4a: {  	p1 =	seq.s32 s17, $0x0;
	s30 =	sadd.s32 s6, s30  }
0x4b: {  	[tilespmem:s24], [sflag:$0x2] =	stream.linear.gather [hbm4b:s30+s3], $0x380, $0x38;
	[tilespmem:$0x1B320] =	vst v63  }
0x4c: {  	s30 =	simm.s32 @!p1 $0x6  }
0x4d: {  	_ =	swait.ge @!p1 [sflag:s30], $0xC800  }
0x4e: {  	[sflag:s30] =	ssyncset.done @!p1 $0x0  }
0x4f: {  	[sflag:s30] =	ssyncadd.s32 @!p1 $0xFFFF3800  }
0x50: {  	_ =	swait.ge [sflag:s25], $0x380  }
0x51: {  	[sflag:s25] =	ssyncset.done $0x0  }
0x52: {  	[sflag:s25] =	ssyncadd.s32 $0xFFFFFC80  }
0x53: {  	[tilespmem:s26], [sflag:$0x4] =	stream.indirect.gather [spmem:s2], $0x40, s24, s18, $0xb8;
	[tilespmem:$0x1B320] =	vst v63  }
0x54: {  	s1 =	simm.s32 $0x3B8;
	s30 =	simm.s32 $0xDB80  }
0x55: {  	[tilespmem:s30], [sflag:$0x4] =	stream.indirect.gather [spmem:s2], $0x40, s1, s18, $0xb8;
	[tilespmem:$0x1B320] =	vst v63  }
0x56: {  	s1 =	simm.s32 $0x3F0;
	s30 =	simm.s32 $0xE800  }
0x57: {  	[tilespmem:s30], [sflag:$0x4] =	stream.indirect.gather [spmem:s2], $0x40, s1, s18, $0xb8;
	[tilespmem:$0x1B320] =	vst v63  }
0x58: {  	s1 =	simm.s32 $0x428;
	s30 =	simm.s32 $0xF480  }
0x59: {  	[tilespmem:s30], [sflag:$0x4] =	stream.indirect.gather [spmem:s2], $0x40, s1, s18, $0xb8;
	[tilespmem:$0x1B320] =	vst v63  }
0x5a: {  	s1 =	simm.s32 $0x460;
	s30 =	simm.s32 $0x10100  }
0x5b: {  	[tilespmem:s30], [sflag:$0x4] =	stream.indirect.gather [spmem:s2], $0x40, s1, s18, $0xb8;
	[tilespmem:$0x1B320] =	vst v63  }
0x5c: {  	s1 =	simm.s32 $0x498;
	s30 =	simm.s32 $0x10D80  }
0x5d: {  	[tilespmem:s30], [sflag:$0x4] =	stream.indirect.gather [spmem:s2], $0x40, s1, s18, $0xb8;
	[tilespmem:$0x1B320] =	vst v63  }
0x5e: {  	s1 =	simm.s32 $0x4D0;
	s30 =	simm.s32 $0x11A00  }
0x5f: {  	[tilespmem:s30], [sflag:$0x4] =	stream.indirect.gather [spmem:s2], $0x40, s1, s18, $0xb8;
	[tilespmem:$0x1B320] =	vst v63  }
0x60: {  	s1 =	simm.s32 $0x508;
	s30 =	simm.s32 $0x12680  }
0x61: {  	[tilespmem:s30], [sflag:$0x4] =	stream.indirect.gather [spmem:s2], $0x40, s1, s18, $0xb8;
	[tilespmem:$0x1B320] =	vst v63  }
0x62: {  	s1 =	simm.s32 $0x540;
	s30 =	simm.s32 $0x13300  }
0x63: {  	[tilespmem:s30], [sflag:$0x4] =	stream.indirect.gather [spmem:s2], $0x40, s1, s18, $0xb8;
	[tilespmem:$0x1B320] =	vst v63  }
0x64: {  	s1 =	simm.s32 $0x578;
	s30 =	simm.s32 $0x13F80  }
0x65: {  	[tilespmem:s30], [sflag:$0x4] =	stream.indirect.gather [spmem:s2], $0x40, s1, s18, $0xb8;
	[tilespmem:$0x1B320] =	vst v63  }
0x66: {  	s1 =	simm.s32 $0x5B0;
	s30 =	simm.s32 $0x14C00  }
0x67: {  	[tilespmem:s30], [sflag:$0x4] =	stream.indirect.gather [spmem:s2], $0x40, s1, s18, $0xb8;
	[tilespmem:$0x1B320] =	vst v63  }
0x68: {  	s1 =	simm.s32 $0x5E8;
	s30 =	simm.s32 $0x15880  }
0x69: {  	[tilespmem:s30], [sflag:$0x4] =	stream.indirect.gather [spmem:s2], $0x40, s1, s18, $0xb8;
	[tilespmem:$0x1B320] =	vst v63  }
0x6a: {  	_ = 	snop  }
0x6b: {  	[tilespmem:s19], [sflag:$0x4] =	stream.indirect.gather [spmem:s2], $0x40, s15, s18, $0xb8;
	[tilespmem:$0x1B320] =	vst v63  }
0x6c: {  	_ = 	snop  }
0x6d: {  	[tilespmem:s21], [sflag:$0x4] =	stream.indirect.gather [spmem:s2], $0x40, s20, s18, $0xb8;
	[tilespmem:$0x1B320] =	vst v63  }
0x6e: {  	_ = 	snop  }
0x6f: {  	[tilespmem:s23], [sflag:$0x4] =	stream.indirect.gather [spmem:s2], $0x40, s22, s18, $0xb8;
	[tilespmem:$0x1B320] =	vst v63  }
0x70: {  	_ = 	snop  }
0x71: {  	[tilespmem:s9], [sflag:$0x4] =	stream.indirect.gather [spmem:s2], $0x40, s7, s18, $0xb8;
	[tilespmem:$0x1B320] =	vst v63  }
0x72: {  	_ =	swait.ge [sflag:s10], $0xC80  }
0x73: {  	[sflag:s10] =	ssyncset.done $0x0  }
0x74: {  	[sflag:s10] =	ssyncadd.s32 $0xFFFFF380  }
0x75: {  	_ =	swait.ge [sflag:s10], $0xC80  }
0x76: {  	[sflag:s10] =	ssyncset.done $0x0  }
0x77: {  	[sflag:s10] =	ssyncadd.s32 $0xFFFFF380  }
0x78: {  	_ =	swait.ge [sflag:s10], $0xC80  }
0x79: {  	[sflag:s10] =	ssyncset.done $0x0  }
0x7a: {  	[sflag:s10] =	ssyncadd.s32 $0xFFFFF380  }
0x7b: {  	_ =	swait.ge [sflag:s10], $0xC80  }
0x7c: {  	[sflag:s10] =	ssyncset.done $0x0  }
0x7d: {  	[sflag:s10] =	ssyncadd.s32 $0xFFFFF380  }
0x7e: {  	_ =	swait.ge [sflag:s10], $0xC80  }
0x7f: {  	[sflag:s10] =	ssyncset.done $0x0  }
0x80: {  	[sflag:s10] =	ssyncadd.s32 $0xFFFFF380  }
0x81: {  	_ =	swait.ge [sflag:s10], $0xC80  }
0x82: {  	[sflag:s10] =	ssyncset.done $0x0  }
0x83: {  	[sflag:s10] =	ssyncadd.s32 $0xFFFFF380  }
0x84: {  	_ =	swait.ge [sflag:s10], $0xC80  }
0x85: {  	[sflag:s10] =	ssyncset.done $0x0  }
0x86: {  	[sflag:s10] =	ssyncadd.s32 $0xFFFFF380  }
0x87: {  	_ =	swait.ge [sflag:s10], $0xC80  }
0x88: {  	[sflag:s10] =	ssyncset.done $0x0  }
0x89: {  	[sflag:s10] =	ssyncadd.s32 $0xFFFFF380  }
0x8a: {  	_ =	swait.ge [sflag:s10], $0xC80  }
0x8b: {  	[sflag:s10] =	ssyncset.done $0x0  }
0x8c: {  	[sflag:s10] =	ssyncadd.s32 $0xFFFFF380  }
0x8d: {  	_ =	swait.ge [sflag:s10], $0xC80  }
0x8e: {  	[sflag:s10] =	ssyncset.done $0x0  }
0x8f: {  	[sflag:s10] =	ssyncadd.s32 $0xFFFFF380  }
0x90: {  	_ =	swait.ge [sflag:s10], $0xC80  }
0x91: {  	[sflag:s10] =	ssyncset.done $0x0  }
0x92: {  	[sflag:s10] =	ssyncadd.s32 $0xFFFFF380  }
0x93: {  	_ =	swait.ge [sflag:s10], $0xC80  }
0x94: {  	[sflag:s10] =	ssyncset.done $0x0  }
0x95: {  	[sflag:s10] =	ssyncadd.s32 $0xFFFFF380  }
0x96: {  	_ =	swait.ge [sflag:s10], $0xC80  }
0x97: {  	[sflag:s10] =	ssyncset.done $0x0  }
0x98: {  	[sflag:s10] =	ssyncadd.s32 $0xFFFFF380  }
0x99: {  	_ =	swait.ge [sflag:s10], $0xC80  }
0x9a: {  	[sflag:s10] =	ssyncset.done $0x0  }
0x9b: {  	[sflag:s10] =	ssyncadd.s32 $0xFFFFF380  }
0x9c: {  	_ =	swait.ge [sflag:s10], $0xC80  }
0x9d: {  	[sflag:s10] =	ssyncset.done $0x0  }
0x9e: {  	[sflag:s10] =	ssyncadd.s32 $0xFFFFF380  }
0x9f: {  	_ =	swait.ge [sflag:s10], $0xC80  }
0xa0: {  	[sflag:s10] =	ssyncset.done $0x0  }
0xa1: {  	s30 =	simm.s32 $0x0;
	[sflag:s10] =	ssyncadd.s32 $0xFFFFF380  }
0xa2: {  	v3 =	vld [tilespmem:s30+$0x19700]  }
0xa3: {  	v2 =	vld [tilespmem:s30+$0x19710]  }
0xa4: {  	v1 =	vld [tilespmem:s30+$0x19720]  }
0xa5: {  	v0 =	vld [tilespmem:s30+$0x19730]  }
0xa6: {  	v4 =	vld [tilespmem:s30+$0x700]  }
0xa7: {  	v5 =	vld [tilespmem:s30+$0x710]  }
0xa8: {  	v6 =	vld [tilespmem:s30+$0x720]  }
0xa9: {  	v7 =	vld [tilespmem:s30+$0x730]  }
0xaa: {  	v8 =	vld [tilespmem:s30+$0x1380]  }
0xab: {  	v9 =	vld [tilespmem:s30+$0x1390];
	v4 =	vadd.f32 v4, v3  }
0xac: {  	v10 =	vld [tilespmem:s30+$0x13A0];
	v5 =	vadd.f32 v5, v2  }
0xad: {  	v6 =	vadd.f32 v6, v1;
	[tilespmem:s30+$0x700] =	vst v4;
	v4 =	vld [tilespmem:s30+$0x13B0]  }
0xae: {  	v7 =	vadd.f32 v7, v0;
	[tilespmem:s30+$0x710] =	vst v5;
	v5 =	vld [tilespmem:s30+$0x2000]  }
0xaf: {  	v8 =	vadd.f32 v8, v3;
	[tilespmem:s30+$0x720] =	vst v6;
	v6 =	vld [tilespmem:s30+$0x2010]  }
0xb0: {  	v9 =	vadd.f32 v9, v2;
	[tilespmem:s30+$0x730] =	vst v7;
	v7 =	vld [tilespmem:s30+$0x2020]  }
0xb1: {  	v10 =	vadd.f32 v10, v1;
	[tilespmem:s30+$0x1380] =	vst v8;
	v8 =	vld [tilespmem:s30+$0x2030]  }
0xb2: {  	[tilespmem:s30+$0x1390] =	vst v9;
	v9 =	vld [tilespmem:s30+$0x2C80];
	v4 =	vadd.f32 v4, v0  }
0xb3: {  	[tilespmem:s30+$0x13A0] =	vst v10;
	v10 =	vld [tilespmem:s30+$0x2C90];
	v5 =	vadd.f32 v5, v3  }
0xb4: {  	v6 =	vadd.f32 v6, v2;
	[tilespmem:s30+$0x13B0] =	vst v4;
	v4 =	vld [tilespmem:s30+$0x2CA0]  }
0xb5: {  	v7 =	vadd.f32 v7, v1;
	[tilespmem:s30+$0x2000] =	vst v5;
	v5 =	vld [tilespmem:s30+$0x2CB0]  }
0xb6: {  	v8 =	vadd.f32 v8, v0;
	[tilespmem:s30+$0x2010] =	vst v6;
	v6 =	vld [tilespmem:s30+$0x3900]  }
0xb7: {  	v9 =	vadd.f32 v9, v3;
	[tilespmem:s30+$0x2020] =	vst v7;
	v7 =	vld [tilespmem:s30+$0x3910]  }
0xb8: {  	v10 =	vadd.f32 v10, v2;
	[tilespmem:s30+$0x2030] =	vst v8;
	v8 =	vld [tilespmem:s30+$0x3920]  }
0xb9: {  	[tilespmem:s30+$0x2C80] =	vst v9;
	v9 =	vld [tilespmem:s30+$0x3930];
	v4 =	vadd.f32 v4, v1  }
0xba: {  	[tilespmem:s30+$0x2C90] =	vst v10;
	v10 =	vld [tilespmem:s30+$0x4580];
	v5 =	vadd.f32 v5, v0  }
0xbb: {  	v6 =	vadd.f32 v6, v3;
	[tilespmem:s30+$0x2CA0] =	vst v4;
	v4 =	vld [tilespmem:s30+$0x4590]  }
0xbc: {  	v7 =	vadd.f32 v7, v2;
	[tilespmem:s30+$0x2CB0] =	vst v5;
	v5 =	vld [tilespmem:s30+$0x45A0]  }
0xbd: {  	v8 =	vadd.f32 v8, v1;
	[tilespmem:s30+$0x3900] =	vst v6;
	v6 =	vld [tilespmem:s30+$0x45B0]  }
0xbe: {  	v9 =	vadd.f32 v9, v0;
	[tilespmem:s30+$0x3910] =	vst v7;
	v7 =	vld [tilespmem:s30+$0x5200]  }
0xbf: {  	v10 =	vadd.f32 v10, v3;
	[tilespmem:s30+$0x3920] =	vst v8;
	v8 =	vld [tilespmem:s30+$0x5210]  }
0xc0: {  	[tilespmem:s30+$0x3930] =	vst v9;
	v9 =	vld [tilespmem:s30+$0x5220];
	v4 =	vadd.f32 v4, v2  }
0xc1: {  	[tilespmem:s30+$0x4580] =	vst v10;
	v10 =	vld [tilespmem:s30+$0x5230];
	v5 =	vadd.f32 v5, v1  }
0xc2: {  	v6 =	vadd.f32 v6, v0;
	[tilespmem:s30+$0x4590] =	vst v4;
	v4 =	vld [tilespmem:s30+$0x5E80]  }
0xc3: {  	v7 =	vadd.f32 v7, v3;
	[tilespmem:s30+$0x45A0] =	vst v5;
	v5 =	vld [tilespmem:s30+$0x5E90]  }
0xc4: {  	v8 =	vadd.f32 v8, v2;
	[tilespmem:s30+$0x45B0] =	vst v6;
	v6 =	vld [tilespmem:s30+$0x5EA0]  }
0xc5: {  	v9 =	vadd.f32 v9, v1;
	[tilespmem:s30+$0x5200] =	vst v7;
	v7 =	vld [tilespmem:s30+$0x5EB0]  }
0xc6: {  	v10 =	vadd.f32 v10, v0;
	[tilespmem:s30+$0x5210] =	vst v8;
	v8 =	vld [tilespmem:s30+$0x6B00]  }
0xc7: {  	[tilespmem:s30+$0x5220] =	vst v9;
	v9 =	vld [tilespmem:s30+$0x6B10];
	v4 =	vadd.f32 v4, v3  }
0xc8: {  	[tilespmem:s30+$0x5230] =	vst v10;
	v10 =	vld [tilespmem:s30+$0x6B20];
	v5 =	vadd.f32 v5, v2  }
0xc9: {  	v6 =	vadd.f32 v6, v1;
	[tilespmem:s30+$0x5E80] =	vst v4;
	v4 =	vld [tilespmem:s30+$0x6B30]  }
0xca: {  	v7 =	vadd.f32 v7, v0;
	[tilespmem:s30+$0x5E90] =	vst v5;
	v5 =	vld [tilespmem:s30+$0x7780]  }
0xcb: {  	v8 =	vadd.f32 v8, v3;
	[tilespmem:s30+$0x5EA0] =	vst v6;
	v6 =	vld [tilespmem:s30+$0x7790]  }
0xcc: {  	v9 =	vadd.f32 v9, v2;
	[tilespmem:s30+$0x5EB0] =	vst v7;
	v7 =	vld [tilespmem:s30+$0x77A0]  }
0xcd: {  	v10 =	vadd.f32 v10, v1;
	[tilespmem:s30+$0x6B00] =	vst v8;
	v8 =	vld [tilespmem:s30+$0x77B0]  }
0xce: {  	[tilespmem:s30+$0x6B10] =	vst v9;
	v9 =	vld [tilespmem:s30+$0x8400];
	v4 =	vadd.f32 v4, v0  }
0xcf: {  	[tilespmem:s30+$0x6B20] =	vst v10;
	v10 =	vld [tilespmem:s30+$0x8410];
	v5 =	vadd.f32 v5, v3  }
0xd0: {  	v6 =	vadd.f32 v6, v2;
	[tilespmem:s30+$0x6B30] =	vst v4;
	v4 =	vld [tilespmem:s30+$0x8420]  }
0xd1: {  	v7 =	vadd.f32 v7, v1;
	[tilespmem:s30+$0x7780] =	vst v5;
	v5 =	vld [tilespmem:s30+$0x8430]  }
0xd2: {  	v8 =	vadd.f32 v8, v0;
	[tilespmem:s30+$0x7790] =	vst v6;
	v6 =	vld [tilespmem:s30+$0x9080]  }
0xd3: {  	v9 =	vadd.f32 v9, v3;
	[tilespmem:s30+$0x77A0] =	vst v7;
	v7 =	vld [tilespmem:s30+$0x9090]  }
0xd4: {  	v10 =	vadd.f32 v10, v2;
	[tilespmem:s30+$0x77B0] =	vst v8;
	v8 =	vld [tilespmem:s30+$0x90A0]  }
0xd5: {  	[tilespmem:s30+$0x8400] =	vst v9;
	v9 =	vld [tilespmem:s30+$0x90B0];
	v4 =	vadd.f32 v4, v1  }
0xd6: {  	[tilespmem:s30+$0x8410] =	vst v10;
	v10 =	vld [tilespmem:s30+$0x9D00];
	v5 =	vadd.f32 v5, v0  }
0xd7: {  	v6 =	vadd.f32 v6, v3;
	[tilespmem:s30+$0x8420] =	vst v4;
	v4 =	vld [tilespmem:s30+$0x9D10]  }
0xd8: {  	v7 =	vadd.f32 v7, v2;
	[tilespmem:s30+$0x8430] =	vst v5;
	v5 =	vld [tilespmem:s30+$0x9D20]  }
0xd9: {  	v8 =	vadd.f32 v8, v1;
	[tilespmem:s30+$0x9080] =	vst v6;
	v6 =	vld [tilespmem:s30+$0x9D30]  }
0xda: {  	v9 =	vadd.f32 v9, v0;
	[tilespmem:s30+$0x9090] =	vst v7;
	v7 =	vld [tilespmem:s30+$0xA980]  }
0xdb: {  	v10 =	vadd.f32 v10, v3;
	[tilespmem:s30+$0x90A0] =	vst v8;
	v8 =	vld [tilespmem:s30+$0xA990]  }
0xdc: {  	[tilespmem:s30+$0x90B0] =	vst v9;
	v9 =	vld [tilespmem:s30+$0xA9A0];
	v4 =	vadd.f32 v4, v2  }
0xdd: {  	[tilespmem:s30+$0x9D00] =	vst v10;
	v10 =	vld [tilespmem:s30+$0xA9B0];
	v5 =	vadd.f32 v5, v1  }
0xde: {  	v11 =	vld [tilespmem:s30+$0xB600];
	[tilespmem:s30+$0x9D10] =	vst v4;
	v4 =	vadd.f32 v6, v0  }
0xdf: {  	v12 =	vld [tilespmem:s30+$0xB610];
	[tilespmem:s30+$0x9D20] =	vst v5;
	v6 =	vadd.f32 v7, v3  }
0xe0: {  	v5 =	vld [tilespmem:s30+$0xB620];
	v7 =	vadd.f32 v8, v2;
	[tilespmem:s30+$0x9D30] =	vst v4  }
0xe1: {  	v8 =	vadd.f32 v9, v1;
	[tilespmem:s30+$0xA980] =	vst v6;
	v4 =	vld [tilespmem:s30+$0xB630]  }
0xe2: {  	v9 =	vadd.f32 v10, v0;
	[tilespmem:s30+$0xA990] =	vst v7;
	v6 =	vld [tilespmem:s30+$0xC280]  }
0xe3: {  	v10 =	vadd.f32 v11, v3;
	[tilespmem:s30+$0xA9A0] =	vst v8;
	v7 =	vld [tilespmem:s30+$0xC290]  }
0xe4: {  	s31 =	simm.s32 $0x100;
	[tilespmem:s30+$0xA9B0] =	vst v9;
	v9 =	vadd.f32 v12, v2;
	v8 =	vld [tilespmem:s30+$0xC2A0]  }
.LBB2_3:
0xe5: {  	s1 =	sshra.s32 s31, $0x2;
	p1 =	sne.s32 s31, $0x3100;
	[tilespmem:s30+$0xB600] =	vst v10;
	v5 =	vadd.f32 v5, v1;
	v10 =	vld [tilespmem:s30+$0xC2B0]  }
0xe6: {  	v11 =	vld [tilespmem:s1+$0x19700];
	[tilespmem:s30+$0xB610] =	vst v9;
	v4 =	vadd.f32 v4, v0  }
0xe7: {  	v9 =	vld [tilespmem:s1+$0x19710];
	[tilespmem:s30+$0xB620] =	vst v5;
	v3 =	vadd.f32 v6, v3  }
0xe8: {  	v5 =	vld [tilespmem:s1+$0x19720];
	[tilespmem:s30+$0xB630] =	vst v4;
	v2 =	vadd.f32 v7, v2  }
0xe9: {  	v4 =	vld [tilespmem:s1+$0x19730];
	[tilespmem:s30+$0xC280] =	vst v3;
	v1 =	vadd.f32 v8, v1  }
0xea: {  	v6 =	vld [tilespmem:s1+$0x700];
	[tilespmem:s30+$0xC290] =	vst v2;
	v0 =	vadd.f32 v10, v0  }
0xeb: {  	v7 =	vld [tilespmem:s1+$0x710];
	[tilespmem:s30+$0xC2A0] =	vst v1;
	v3 =	vmov v11  }
0xec: {  	v8 =	vld [tilespmem:s1+$0x720];
	[tilespmem:s30+$0xC2B0] =	vst v0;
	v2 =	vmov v9;
	s30 =	smov.u32 s1  }
0xed: {  	v9 =	vld [tilespmem:s30+$0x730];
	v1 =	vmov v5  }
0xee: {  	v5 =	vld [tilespmem:s30+$0x1380];
	v0 =	vmov v4  }
0xef: {  	v4 =	vadd.f32 v6, v3;
	v6 =	vld [tilespmem:s30+$0x1390]  }
0xf0: {  	v7 =	vadd.f32 v7, v2;
	v10 =	vld [tilespmem:s30+$0x13A0]  }
0xf1: {  	[tilespmem:s30+$0x700] =	vst v4;
	v4 =	vadd.f32 v8, v1;
	v8 =	vld [tilespmem:s30+$0x13B0]  }
0xf2: {  	[tilespmem:s30+$0x710] =	vst v7;
	v7 =	vadd.f32 v9, v0;
	v9 =	vld [tilespmem:s30+$0x2000]  }
0xf3: {  	[tilespmem:s30+$0x720] =	vst v4;
	v4 =	vadd.f32 v5, v3;
	v5 =	vld [tilespmem:s30+$0x2010]  }
0xf4: {  	[tilespmem:s30+$0x730] =	vst v7;
	v6 =	vadd.f32 v6, v2;
	v7 =	vld [tilespmem:s30+$0x2020]  }
0xf5: {  	[tilespmem:s30+$0x1380] =	vst v4;
	v4 =	vadd.f32 v10, v1;
	v10 =	vld [tilespmem:s30+$0x2030]  }
0xf6: {  	[tilespmem:s30+$0x1390] =	vst v6;
	v6 =	vadd.f32 v8, v0;
	v8 =	vld [tilespmem:s30+$0x2C80]  }
0xf7: {  	[tilespmem:s30+$0x13A0] =	vst v4;
	v4 =	vadd.f32 v9, v3;
	v9 =	vld [tilespmem:s30+$0x2C90]  }
0xf8: {  	[tilespmem:s30+$0x13B0] =	vst v6;
	v5 =	vadd.f32 v5, v2;
	v6 =	vld [tilespmem:s30+$0x2CA0]  }
0xf9: {  	[tilespmem:s30+$0x2000] =	vst v4;
	v4 =	vadd.f32 v7, v1;
	v7 =	vld [tilespmem:s30+$0x2CB0]  }
0xfa: {  	[tilespmem:s30+$0x2010] =	vst v5;
	v5 =	vadd.f32 v10, v0;
	v10 =	vld [tilespmem:s30+$0x3900]  }
0xfb: {  	[tilespmem:s30+$0x2020] =	vst v4;
	v4 =	vadd.f32 v8, v3;
	v8 =	vld [tilespmem:s30+$0x3910]  }
0xfc: {  	[tilespmem:s30+$0x2030] =	vst v5;
	v5 =	vadd.f32 v9, v2;
	v9 =	vld [tilespmem:s30+$0x3920]  }
0xfd: {  	[tilespmem:s30+$0x2C80] =	vst v4;
	v4 =	vadd.f32 v6, v1;
	v6 =	vld [tilespmem:s30+$0x3930]  }
0xfe: {  	[tilespmem:s30+$0x2C90] =	vst v5;
	v5 =	vadd.f32 v7, v0;
	v7 =	vld [tilespmem:s30+$0x4580]  }
0xff: {  	[tilespmem:s30+$0x2CA0] =	vst v4;
	v4 =	vadd.f32 v10, v3;
	v10 =	vld [tilespmem:s30+$0x4590]  }
0x100: {  	[tilespmem:s30+$0x2CB0] =	vst v5;
	v5 =	vadd.f32 v8, v2;
	v8 =	vld [tilespmem:s30+$0x45A0]  }
0x101: {  	[tilespmem:s30+$0x3900] =	vst v4;
	v4 =	vadd.f32 v9, v1;
	v9 =	vld [tilespmem:s30+$0x45B0]  }
0x102: {  	[tilespmem:s30+$0x3910] =	vst v5;
	v5 =	vadd.f32 v6, v0;
	v6 =	vld [tilespmem:s30+$0x5200]  }
0x103: {  	[tilespmem:s30+$0x3920] =	vst v4;
	v4 =	vadd.f32 v7, v3;
	v7 =	vld [tilespmem:s30+$0x5210]  }
0x104: {  	[tilespmem:s30+$0x3930] =	vst v5;
	v5 =	vadd.f32 v10, v2;
	v10 =	vld [tilespmem:s30+$0x5220]  }
0x105: {  	[tilespmem:s30+$0x4580] =	vst v4;
	v4 =	vadd.f32 v8, v1;
	v8 =	vld [tilespmem:s30+$0x5230]  }
0x106: {  	[tilespmem:s30+$0x4590] =	vst v5;
	v5 =	vadd.f32 v9, v0;
	v9 =	vld [tilespmem:s30+$0x5E80]  }
0x107: {  	[tilespmem:s30+$0x45A0] =	vst v4;
	v4 =	vadd.f32 v6, v3;
	v6 =	vld [tilespmem:s30+$0x5E90]  }
0x108: {  	[tilespmem:s30+$0x45B0] =	vst v5;
	v5 =	vadd.f32 v7, v2;
	v7 =	vld [tilespmem:s30+$0x5EA0]  }
0x109: {  	[tilespmem:s30+$0x5200] =	vst v4;
	v4 =	vadd.f32 v10, v1;
	v10 =	vld [tilespmem:s30+$0x5EB0]  }
0x10a: {  	[tilespmem:s30+$0x5210] =	vst v5;
	v5 =	vadd.f32 v8, v0;
	v8 =	vld [tilespmem:s30+$0x6B00]  }
0x10b: {  	[tilespmem:s30+$0x5220] =	vst v4;
	v4 =	vadd.f32 v9, v3;
	v9 =	vld [tilespmem:s30+$0x6B10]  }
0x10c: {  	[tilespmem:s30+$0x5230] =	vst v5;
	v5 =	vadd.f32 v6, v2;
	v6 =	vld [tilespmem:s30+$0x6B20]  }
0x10d: {  	[tilespmem:s30+$0x5E80] =	vst v4;
	v4 =	vadd.f32 v7, v1;
	v7 =	vld [tilespmem:s30+$0x6B30]  }
0x10e: {  	[tilespmem:s30+$0x5E90] =	vst v5;
	v5 =	vadd.f32 v10, v0;
	v10 =	vld [tilespmem:s30+$0x7780]  }
0x10f: {  	[tilespmem:s30+$0x5EA0] =	vst v4;
	v4 =	vadd.f32 v8, v3;
	v8 =	vld [tilespmem:s30+$0x7790]  }
0x110: {  	[tilespmem:s30+$0x5EB0] =	vst v5;
	v5 =	vadd.f32 v9, v2;
	v9 =	vld [tilespmem:s30+$0x77A0]  }
0x111: {  	[tilespmem:s30+$0x6B00] =	vst v4;
	v4 =	vadd.f32 v6, v1;
	v6 =	vld [tilespmem:s30+$0x77B0]  }
0x112: {  	[tilespmem:s30+$0x6B10] =	vst v5;
	v5 =	vadd.f32 v7, v0;
	v7 =	vld [tilespmem:s30+$0x8400]  }
0x113: {  	[tilespmem:s30+$0x6B20] =	vst v4;
	v4 =	vadd.f32 v10, v3;
	v10 =	vld [tilespmem:s30+$0x8410]  }
0x114: {  	[tilespmem:s30+$0x6B30] =	vst v5;
	v5 =	vadd.f32 v8, v2;
	v8 =	vld [tilespmem:s30+$0x8420]  }
0x115: {  	[tilespmem:s30+$0x7780] =	vst v4;
	v4 =	vadd.f32 v9, v1;
	v9 =	vld [tilespmem:s30+$0x8430]  }
0x116: {  	[tilespmem:s30+$0x7790] =	vst v5;
	v5 =	vadd.f32 v6, v0;
	v6 =	vld [tilespmem:s30+$0x9080]  }
0x117: {  	[tilespmem:s30+$0x77A0] =	vst v4;
	v4 =	vadd.f32 v7, v3;
	v7 =	vld [tilespmem:s30+$0x9090]  }
0x118: {  	[tilespmem:s30+$0x77B0] =	vst v5;
	v5 =	vadd.f32 v10, v2;
	v10 =	vld [tilespmem:s30+$0x90A0]  }
0x119: {  	[tilespmem:s30+$0x8400] =	vst v4;
	v4 =	vadd.f32 v8, v1;
	v8 =	vld [tilespmem:s30+$0x90B0]  }
0x11a: {  	[tilespmem:s30+$0x8410] =	vst v5;
	v5 =	vadd.f32 v9, v0;
	v9 =	vld [tilespmem:s30+$0x9D00]  }
0x11b: {  	[tilespmem:s30+$0x8420] =	vst v4;
	v4 =	vadd.f32 v6, v3;
	v6 =	vld [tilespmem:s30+$0x9D10]  }
0x11c: {  	[tilespmem:s30+$0x8430] =	vst v5;
	v5 =	vadd.f32 v7, v2;
	v7 =	vld [tilespmem:s30+$0x9D20]  }
0x11d: {  	[tilespmem:s30+$0x9080] =	vst v4;
	v4 =	vadd.f32 v10, v1;
	v10 =	vld [tilespmem:s30+$0x9D30]  }
0x11e: {  	[tilespmem:s30+$0x9090] =	vst v5;
	v5 =	vadd.f32 v8, v0;
	v8 =	vld [tilespmem:s30+$0xA980]  }
0x11f: {  	[tilespmem:s30+$0x90A0] =	vst v4;
	v4 =	vadd.f32 v9, v3;
	v9 =	vld [tilespmem:s30+$0xA990]  }
0x120: {  	[tilespmem:s30+$0x90B0] =	vst v5;
	v5 =	vadd.f32 v6, v2;
	v6 =	vld [tilespmem:s30+$0xA9A0]  }
0x121: {  	[tilespmem:s30+$0x9D00] =	vst v4;
	v4 =	vadd.f32 v7, v1;
	v7 =	vld [tilespmem:s30+$0xA9B0]  }
0x122: {  	[tilespmem:s30+$0x9D10] =	vst v5;
	v5 =	vadd.f32 v10, v0;
	v10 =	vld [tilespmem:s30+$0xB600]  }
0x123: {  	[tilespmem:s30+$0x9D20] =	vst v4;
	v4 =	vadd.f32 v8, v3;
	v8 =	vld [tilespmem:s30+$0xB610]  }
.Ltmp0:
0x124: {  	[tilespmem:s30+$0x9D30] =	vst v5;
	v9 =	vadd.f32 v9, v2;
	v5 =	vld [tilespmem:s30+$0xB620];
	(pc) =	sbr.rel @p1 .LBB2_3-.Ltmp0, $4  }
0x125: {  	[tilespmem:s30+$0xA980] =	vst v4;
	v11 =	vadd.f32 v6, v1;
	v4 =	vld [tilespmem:s30+$0xB630]  }
0x126: {  	[tilespmem:s30+$0xA990] =	vst v9;
	v9 =	vadd.f32 v7, v0;
	v6 =	vld [tilespmem:s30+$0xC280]  }
0x127: {  	[tilespmem:s30+$0xA9A0] =	vst v11;
	v10 =	vadd.f32 v10, v3;
	v7 =	vld [tilespmem:s30+$0xC290]  }
0x128: {  	s31 =	sadd.s32 $0x100, s31;
	[tilespmem:s30+$0xA9B0] =	vst v9;
	v9 =	vadd.f32 v8, v2;
	v8 =	vld [tilespmem:s30+$0xC2A0]  }
0x129: {  	[tilespmem:s30+$0xB600] =	vst v10;
	v5 =	vadd.f32 v5, v1;
	v10 =	vld [tilespmem:s30+$0xC2B0]  }
0x12a: {  	[tilespmem:s30+$0xB610] =	vst v9;
	v4 =	vadd.f32 v4, v0  }
0x12b: {  	s1 =	sadd.s32 s8, s29;
	[tilespmem:s30+$0xB620] =	vst v5;
	v3 =	vadd.f32 v6, v3  }
0x12c: {  	s1 =	smul.u32 $0x3200, s1;
	[tilespmem:s30+$0xB630] =	vst v4;
	v2 =	vadd.f32 v7, v2  }
0x12d: {  	[tilespmem:s30+$0xC280] =	vst v3;
	v1 =	vadd.f32 v8, v1  }
0x12e: {  	p1 =	seq.s32 s17, $0xF;
	s1 =	sor.u32 s4, s1;
	[tilespmem:s30+$0xC290] =	vst v2;
	v0 =	vadd.f32 v10, v0  }
0x12f: {  	s29 =	sadd.s32 @!p1 s29, s12;
	s1 =	sshrl.u32 s1, $0x3;
	[tilespmem:s30+$0xC2A0] =	vst v1  }
0x130: {  	s29 =	smul.u32 @!p1 $0x38, s29;
	s1 =	sadd.s32 s0, s1;
	[tilespmem:s30+$0xC2B0] =	vst v0;
	s30 =	simm.s32 $0x700  }
0x131: {  	[hbm4b:s1+s13] =	stream.strided.scatter [tilespmem:s30], [sflag:$0x5], $0xC800, s14, s13, $0x38;
	[tilespmem:$0x1B320] =	vst v63  }
0x132: {  	s1 =	sadd.s32 @!p1 s5, s29  }
0x133: {  	s1 =	sshrl.u32 @!p1 s1, $0x3  }
0x134: {  	s29 =	simm.s32 @!p1 $0x0;
	s1 =	sadd.s32 @!p1 s6, s1  }
0x135: {  	[tilespmem:s29], [sflag:$0x1] =	stream.linear.gather @!p1 [hbm4b:s1+s29], $0x380, $0x38;
	[tilespmem:$0x1B320] =	vst v63  }
0x136: {  	s1 =	simm.s32 @!p1 $0x5  }
0x137: {  	_ =	swait.ge @!p1 [sflag:s1], $0xC800  }
0x138: {  	[sflag:s1] =	ssyncset.done @!p1 $0x0  }
0x139: {  	[sflag:s1] =	ssyncadd.s32 @!p1 $0xFFFF3800;
	s1 =	simm.s32 @!p1 $0x1  }
0x13a: {  	_ =	swait.ge @!p1 [sflag:s1], $0x380  }
0x13b: {  	[sflag:s1] =	ssyncset.done @!p1 $0x0  }
0x13c: {  	s30 =	simm.s32 @!p1 $0x700;
	[sflag:s1] =	ssyncadd.s32 @!p1 $0xFFFFFC80;
	s1 =	simm.s32 @!p1 $0x32  }
0x13d: {  	[tilespmem:s30], [sflag:$0x3] =	stream.indirect.gather @!p1 [spmem:s2], $0x40, s29, s1, $0xb8;
	[tilespmem:$0x1B320] =	vst v63  }
0x13e: {  	s29 =	simm.s32 @!p1 $0x38;
	s30 =	simm.s32 @!p1 $0x1380  }
0x13f: {  	[tilespmem:s30], [sflag:$0x3] =	stream.indirect.gather @!p1 [spmem:s2], $0x40, s29, s1, $0xb8;
	[tilespmem:$0x1B320] =	vst v63  }
0x140: {  	s29 =	simm.s32 @!p1 $0x70;
	s30 =	simm.s32 @!p1 $0x2000  }
0x141: {  	[tilespmem:s30], [sflag:$0x3] =	stream.indirect.gather @!p1 [spmem:s2], $0x40, s29, s1, $0xb8;
	[tilespmem:$0x1B320] =	vst v63  }
0x142: {  	s29 =	simm.s32 @!p1 $0xA8;
	s30 =	simm.s32 @!p1 $0x2C80  }
0x143: {  	[tilespmem:s30], [sflag:$0x3] =	stream.indirect.gather @!p1 [spmem:s2], $0x40, s29, s1, $0xb8;
	[tilespmem:$0x1B320] =	vst v63  }
0x144: {  	s29 =	simm.s32 @!p1 $0xE0;
	s30 =	simm.s32 @!p1 $0x3900  }
0x145: {  	[tilespmem:s30], [sflag:$0x3] =	stream.indirect.gather @!p1 [spmem:s2], $0x40, s29, s1, $0xb8;
	[tilespmem:$0x1B320] =	vst v63  }
0x146: {  	s29 =	simm.s32 @!p1 $0x118;
	s30 =	simm.s32 @!p1 $0x4580  }
0x147: {  	[tilespmem:s30], [sflag:$0x3] =	stream.indirect.gather @!p1 [spmem:s2], $0x40, s29, s1, $0xb8;
	[tilespmem:$0x1B320] =	vst v63  }
0x148: {  	s29 =	simm.s32 @!p1 $0x150;
	s30 =	simm.s32 @!p1 $0x5200  }
0x149: {  	[tilespmem:s30], [sflag:$0x3] =	stream.indirect.gather @!p1 [spmem:s2], $0x40, s29, s1, $0xb8;
	[tilespmem:$0x1B320] =	vst v63  }
0x14a: {  	s29 =	simm.s32 @!p1 $0x188;
	s30 =	simm.s32 @!p1 $0x5E80  }
0x14b: {  	[tilespmem:s30], [sflag:$0x3] =	stream.indirect.gather @!p1 [spmem:s2], $0x40, s29, s1, $0xb8;
	[tilespmem:$0x1B320] =	vst v63  }
0x14c: {  	s29 =	simm.s32 @!p1 $0x1C0;
	s30 =	simm.s32 @!p1 $0x6B00  }
0x14d: {  	[tilespmem:s30], [sflag:$0x3] =	stream.indirect.gather @!p1 [spmem:s2], $0x40, s29, s1, $0xb8;
	[tilespmem:$0x1B320] =	vst v63  }
0x14e: {  	s29 =	simm.s32 @!p1 $0x1F8;
	s30 =	simm.s32 @!p1 $0x7780  }
0x14f: {  	[tilespmem:s30], [sflag:$0x3] =	stream.indirect.gather @!p1 [spmem:s2], $0x40, s29, s1, $0xb8;
	[tilespmem:$0x1B320] =	vst v63  }
0x150: {  	s29 =	simm.s32 @!p1 $0x230;
	s30 =	simm.s32 @!p1 $0x8400  }
0x151: {  	[tilespmem:s30], [sflag:$0x3] =	stream.indirect.gather @!p1 [spmem:s2], $0x40, s29, s1, $0xb8;
	[tilespmem:$0x1B320] =	vst v63  }
0x152: {  	s29 =	simm.s32 @!p1 $0x268;
	s30 =	simm.s32 @!p1 $0x9080  }
0x153: {  	[tilespmem:s30], [sflag:$0x3] =	stream.indirect.gather @!p1 [spmem:s2], $0x40, s29, s1, $0xb8;
	[tilespmem:$0x1B320] =	vst v63  }
0x154: {  	s29 =	simm.s32 @!p1 $0x2A0;
	s30 =	simm.s32 @!p1 $0x9D00  }
0x155: {  	[tilespmem:s30], [sflag:$0x3] =	stream.indirect.gather @!p1 [spmem:s2], $0x40, s29, s1, $0xb8;
	[tilespmem:$0x1B320] =	vst v63  }
0x156: {  	s29 =	simm.s32 @!p1 $0x2D8;
	s30 =	simm.s32 @!p1 $0xA980  }
0x157: {  	[tilespmem:s30], [sflag:$0x3] =	stream.indirect.gather @!p1 [spmem:s2], $0x40, s29, s1, $0xb8;
	[tilespmem:$0x1B320] =	vst v63  }
0x158: {  	s29 =	simm.s32 @!p1 $0x310;
	s30 =	simm.s32 @!p1 $0xB600  }
0x159: {  	[tilespmem:s30], [sflag:$0x3] =	stream.indirect.gather @!p1 [spmem:s2], $0x40, s29, s1, $0xb8;
	[tilespmem:$0x1B320] =	vst v63  }
0x15a: {  	s29 =	simm.s32 @!p1 $0x348;
	s30 =	simm.s32 @!p1 $0xC280  }
0x15b: {  	[tilespmem:s30], [sflag:$0x3] =	stream.indirect.gather @!p1 [spmem:s2], $0x40, s29, s1, $0xb8;
	[tilespmem:$0x1B320] =	vst v63  }
0x15c: {  	_ =	swait.ge [sflag:s16], $0xC80  }
0x15d: {  	[sflag:s16] =	ssyncset.done $0x0  }
0x15e: {  	[sflag:s16] =	ssyncadd.s32 $0xFFFFF380  }
0x15f: {  	_ =	swait.ge [sflag:s16], $0xC80  }
0x160: {  	[sflag:s16] =	ssyncset.done $0x0  }
0x161: {  	[sflag:s16] =	ssyncadd.s32 $0xFFFFF380  }
0x162: {  	_ =	swait.ge [sflag:s16], $0xC80  }
0x163: {  	[sflag:s16] =	ssyncset.done $0x0  }
0x164: {  	[sflag:s16] =	ssyncadd.s32 $0xFFFFF380  }
0x165: {  	_ =	swait.ge [sflag:s16], $0xC80  }
0x166: {  	[sflag:s16] =	ssyncset.done $0x0  }
0x167: {  	[sflag:s16] =	ssyncadd.s32 $0xFFFFF380  }
0x168: {  	_ =	swait.ge [sflag:s16], $0xC80  }
0x169: {  	[sflag:s16] =	ssyncset.done $0x0  }
0x16a: {  	[sflag:s16] =	ssyncadd.s32 $0xFFFFF380  }
0x16b: {  	_ =	swait.ge [sflag:s16], $0xC80  }
0x16c: {  	[sflag:s16] =	ssyncset.done $0x0  }
0x16d: {  	[sflag:s16] =	ssyncadd.s32 $0xFFFFF380  }
0x16e: {  	_ =	swait.ge [sflag:s16], $0xC80  }
0x16f: {  	[sflag:s16] =	ssyncset.done $0x0  }
0x170: {  	[sflag:s16] =	ssyncadd.s32 $0xFFFFF380  }
0x171: {  	_ =	swait.ge [sflag:s16], $0xC80  }
0x172: {  	[sflag:s16] =	ssyncset.done $0x0  }
0x173: {  	[sflag:s16] =	ssyncadd.s32 $0xFFFFF380  }
0x174: {  	_ =	swait.ge [sflag:s16], $0xC80  }
0x175: {  	[sflag:s16] =	ssyncset.done $0x0  }
0x176: {  	[sflag:s16] =	ssyncadd.s32 $0xFFFFF380  }
0x177: {  	_ =	swait.ge [sflag:s16], $0xC80  }
0x178: {  	[sflag:s16] =	ssyncset.done $0x0  }
0x179: {  	[sflag:s16] =	ssyncadd.s32 $0xFFFFF380  }
0x17a: {  	_ =	swait.ge [sflag:s16], $0xC80  }
0x17b: {  	[sflag:s16] =	ssyncset.done $0x0  }
0x17c: {  	[sflag:s16] =	ssyncadd.s32 $0xFFFFF380  }
0x17d: {  	_ =	swait.ge [sflag:s16], $0xC80  }
0x17e: {  	[sflag:s16] =	ssyncset.done $0x0  }
0x17f: {  	[sflag:s16] =	ssyncadd.s32 $0xFFFFF380  }
0x180: {  	_ =	swait.ge [sflag:s16], $0xC80  }
0x181: {  	[sflag:s16] =	ssyncset.done $0x0  }
0x182: {  	[sflag:s16] =	ssyncadd.s32 $0xFFFFF380  }
0x183: {  	_ =	swait.ge [sflag:s16], $0xC80  }
0x184: {  	[sflag:s16] =	ssyncset.done $0x0  }
0x185: {  	[sflag:s16] =	ssyncadd.s32 $0xFFFFF380  }
0x186: {  	_ =	swait.ge [sflag:s16], $0xC80  }
0x187: {  	[sflag:s16] =	ssyncset.done $0x0  }
0x188: {  	[sflag:s16] =	ssyncadd.s32 $0xFFFFF380  }
0x189: {  	_ =	swait.ge [sflag:s16], $0xC80  }
0x18a: {  	[sflag:s16] =	ssyncset.done $0x0  }
0x18b: {  	s29 =	simm.s32 $0x0;
	[sflag:s16] =	ssyncadd.s32 $0xFFFFF380  }
0x18c: {  	v3 =	vld [tilespmem:s29+$0x19700]  }
0x18d: {  	v2 =	vld [tilespmem:s29+$0x19710]  }
0x18e: {  	v1 =	vld [tilespmem:s29+$0x19720]  }
0x18f: {  	v0 =	vld [tilespmem:s29+$0x19730]  }
0x190: {  	v4 =	vld [tilespmem:s29+$0xCF00]  }
0x191: {  	v5 =	vld [tilespmem:s29+$0xCF10]  }
0x192: {  	v6 =	vld [tilespmem:s29+$0xCF20]  }
0x193: {  	v7 =	vld [tilespmem:s29+$0xCF30]  }
0x194: {  	v8 =	vld [tilespmem:s29+$0xDB80]  }
0x195: {  	v9 =	vld [tilespmem:s29+$0xDB90];
	v4 =	vadd.f32 v4, v3  }
0x196: {  	v10 =	vld [tilespmem:s29+$0xDBA0];
	v5 =	vadd.f32 v5, v2  }
0x197: {  	v6 =	vadd.f32 v6, v1;
	[tilespmem:s29+$0xCF00] =	vst v4;
	v4 =	vld [tilespmem:s29+$0xDBB0]  }
0x198: {  	v7 =	vadd.f32 v7, v0;
	[tilespmem:s29+$0xCF10] =	vst v5;
	v5 =	vld [tilespmem:s29+$0xE800]  }
0x199: {  	v8 =	vadd.f32 v8, v3;
	[tilespmem:s29+$0xCF20] =	vst v6;
	v6 =	vld [tilespmem:s29+$0xE810]  }
0x19a: {  	v9 =	vadd.f32 v9, v2;
	[tilespmem:s29+$0xCF30] =	vst v7;
	v7 =	vld [tilespmem:s29+$0xE820]  }
0x19b: {  	v10 =	vadd.f32 v10, v1;
	[tilespmem:s29+$0xDB80] =	vst v8;
	v8 =	vld [tilespmem:s29+$0xE830]  }
0x19c: {  	[tilespmem:s29+$0xDB90] =	vst v9;
	v9 =	vld [tilespmem:s29+$0xF480];
	v4 =	vadd.f32 v4, v0  }
0x19d: {  	[tilespmem:s29+$0xDBA0] =	vst v10;
	v10 =	vld [tilespmem:s29+$0xF490];
	v5 =	vadd.f32 v5, v3  }
0x19e: {  	v6 =	vadd.f32 v6, v2;
	[tilespmem:s29+$0xDBB0] =	vst v4;
	v4 =	vld [tilespmem:s29+$0xF4A0]  }
0x19f: {  	v7 =	vadd.f32 v7, v1;
	[tilespmem:s29+$0xE800] =	vst v5;
	v5 =	vld [tilespmem:s29+$0xF4B0]  }
0x1a0: {  	v8 =	vadd.f32 v8, v0;
	[tilespmem:s29+$0xE810] =	vst v6;
	v6 =	vld [tilespmem:s29+$0x10100]  }
0x1a1: {  	v9 =	vadd.f32 v9, v3;
	[tilespmem:s29+$0xE820] =	vst v7;
	v7 =	vld [tilespmem:s29+$0x10110]  }
0x1a2: {  	v10 =	vadd.f32 v10, v2;
	[tilespmem:s29+$0xE830] =	vst v8;
	v8 =	vld [tilespmem:s29+$0x10120]  }
0x1a3: {  	[tilespmem:s29+$0xF480] =	vst v9;
	v9 =	vld [tilespmem:s29+$0x10130];
	v4 =	vadd.f32 v4, v1  }
0x1a4: {  	[tilespmem:s29+$0xF490] =	vst v10;
	v10 =	vld [tilespmem:s29+$0x10D80];
	v5 =	vadd.f32 v5, v0  }
0x1a5: {  	v6 =	vadd.f32 v6, v3;
	[tilespmem:s29+$0xF4A0] =	vst v4;
	v4 =	vld [tilespmem:s29+$0x10D90]  }
0x1a6: {  	v7 =	vadd.f32 v7, v2;
	[tilespmem:s29+$0xF4B0] =	vst v5;
	v5 =	vld [tilespmem:s29+$0x10DA0]  }
0x1a7: {  	v8 =	vadd.f32 v8, v1;
	[tilespmem:s29+$0x10100] =	vst v6;
	v6 =	vld [tilespmem:s29+$0x10DB0]  }
0x1a8: {  	v9 =	vadd.f32 v9, v0;
	[tilespmem:s29+$0x10110] =	vst v7;
	v7 =	vld [tilespmem:s29+$0x11A00]  }
0x1a9: {  	v10 =	vadd.f32 v10, v3;
	[tilespmem:s29+$0x10120] =	vst v8;
	v8 =	vld [tilespmem:s29+$0x11A10]  }
0x1aa: {  	[tilespmem:s29+$0x10130] =	vst v9;
	v9 =	vld [tilespmem:s29+$0x11A20];
	v4 =	vadd.f32 v4, v2  }
0x1ab: {  	[tilespmem:s29+$0x10D80] =	vst v10;
	v10 =	vld [tilespmem:s29+$0x11A30];
	v5 =	vadd.f32 v5, v1  }
0x1ac: {  	v6 =	vadd.f32 v6, v0;
	[tilespmem:s29+$0x10D90] =	vst v4;
	v4 =	vld [tilespmem:s29+$0x12680]  }
0x1ad: {  	v7 =	vadd.f32 v7, v3;
	[tilespmem:s29+$0x10DA0] =	vst v5;
	v5 =	vld [tilespmem:s29+$0x12690]  }
0x1ae: {  	v8 =	vadd.f32 v8, v2;
	[tilespmem:s29+$0x10DB0] =	vst v6;
	v6 =	vld [tilespmem:s29+$0x126A0]  }
0x1af: {  	v9 =	vadd.f32 v9, v1;
	[tilespmem:s29+$0x11A00] =	vst v7;
	v7 =	vld [tilespmem:s29+$0x126B0]  }
0x1b0: {  	v10 =	vadd.f32 v10, v0;
	[tilespmem:s29+$0x11A10] =	vst v8;
	v8 =	vld [tilespmem:s29+$0x13300]  }
0x1b1: {  	[tilespmem:s29+$0x11A20] =	vst v9;
	v9 =	vld [tilespmem:s29+$0x13310];
	v4 =	vadd.f32 v4, v3  }
0x1b2: {  	[tilespmem:s29+$0x11A30] =	vst v10;
	v10 =	vld [tilespmem:s29+$0x13320];
	v5 =	vadd.f32 v5, v2  }
0x1b3: {  	v6 =	vadd.f32 v6, v1;
	[tilespmem:s29+$0x12680] =	vst v4;
	v4 =	vld [tilespmem:s29+$0x13330]  }
0x1b4: {  	v7 =	vadd.f32 v7, v0;
	[tilespmem:s29+$0x12690] =	vst v5;
	v5 =	vld [tilespmem:s29+$0x13F80]  }
0x1b5: {  	v8 =	vadd.f32 v8, v3;
	[tilespmem:s29+$0x126A0] =	vst v6;
	v6 =	vld [tilespmem:s29+$0x13F90]  }
0x1b6: {  	v9 =	vadd.f32 v9, v2;
	[tilespmem:s29+$0x126B0] =	vst v7;
	v7 =	vld [tilespmem:s29+$0x13FA0]  }
0x1b7: {  	v10 =	vadd.f32 v10, v1;
	[tilespmem:s29+$0x13300] =	vst v8;
	v8 =	vld [tilespmem:s29+$0x13FB0]  }
0x1b8: {  	[tilespmem:s29+$0x13310] =	vst v9;
	v9 =	vld [tilespmem:s29+$0x14C00];
	v4 =	vadd.f32 v4, v0  }
0x1b9: {  	[tilespmem:s29+$0x13320] =	vst v10;
	v10 =	vld [tilespmem:s29+$0x14C10];
	v5 =	vadd.f32 v5, v3  }
0x1ba: {  	v6 =	vadd.f32 v6, v2;
	[tilespmem:s29+$0x13330] =	vst v4;
	v4 =	vld [tilespmem:s29+$0x14C20]  }
0x1bb: {  	v7 =	vadd.f32 v7, v1;
	[tilespmem:s29+$0x13F80] =	vst v5;
	v5 =	vld [tilespmem:s29+$0x14C30]  }
0x1bc: {  	v8 =	vadd.f32 v8, v0;
	[tilespmem:s29+$0x13F90] =	vst v6;
	v6 =	vld [tilespmem:s29+$0x15880]  }
0x1bd: {  	v9 =	vadd.f32 v9, v3;
	[tilespmem:s29+$0x13FA0] =	vst v7;
	v7 =	vld [tilespmem:s29+$0x15890]  }
0x1be: {  	v10 =	vadd.f32 v10, v2;
	[tilespmem:s29+$0x13FB0] =	vst v8;
	v8 =	vld [tilespmem:s29+$0x158A0]  }
0x1bf: {  	[tilespmem:s29+$0x14C00] =	vst v9;
	v9 =	vld [tilespmem:s29+$0x158B0];
	v4 =	vadd.f32 v4, v1  }
0x1c0: {  	[tilespmem:s29+$0x14C10] =	vst v10;
	v10 =	vld [tilespmem:s29+$0x16500];
	v5 =	vadd.f32 v5, v0  }
0x1c1: {  	v6 =	vadd.f32 v6, v3;
	[tilespmem:s29+$0x14C20] =	vst v4;
	v4 =	vld [tilespmem:s29+$0x16510]  }
0x1c2: {  	v7 =	vadd.f32 v7, v2;
	[tilespmem:s29+$0x14C30] =	vst v5;
	v5 =	vld [tilespmem:s29+$0x16520]  }
0x1c3: {  	v8 =	vadd.f32 v8, v1;
	[tilespmem:s29+$0x15880] =	vst v6;
	v6 =	vld [tilespmem:s29+$0x16530]  }
0x1c4: {  	v9 =	vadd.f32 v9, v0;
	[tilespmem:s29+$0x15890] =	vst v7;
	v7 =	vld [tilespmem:s29+$0x17180]  }
0x1c5: {  	v10 =	vadd.f32 v10, v3;
	[tilespmem:s29+$0x158A0] =	vst v8;
	v8 =	vld [tilespmem:s29+$0x17190]  }
0x1c6: {  	[tilespmem:s29+$0x158B0] =	vst v9;
	v9 =	vld [tilespmem:s29+$0x171A0];
	v4 =	vadd.f32 v4, v2  }
0x1c7: {  	[tilespmem:s29+$0x16500] =	vst v10;
	v10 =	vld [tilespmem:s29+$0x171B0];
	v5 =	vadd.f32 v5, v1  }
0x1c8: {  	v11 =	vld [tilespmem:s29+$0x17E00];
	[tilespmem:s29+$0x16510] =	vst v4;
	v4 =	vadd.f32 v6, v0  }
0x1c9: {  	v12 =	vld [tilespmem:s29+$0x17E10];
	[tilespmem:s29+$0x16520] =	vst v5;
	v6 =	vadd.f32 v7, v3  }
0x1ca: {  	v5 =	vld [tilespmem:s29+$0x17E20];
	v7 =	vadd.f32 v8, v2;
	[tilespmem:s29+$0x16530] =	vst v4  }
0x1cb: {  	v8 =	vadd.f32 v9, v1;
	[tilespmem:s29+$0x17180] =	vst v6;
	v4 =	vld [tilespmem:s29+$0x17E30]  }
0x1cc: {  	v9 =	vadd.f32 v10, v0;
	[tilespmem:s29+$0x17190] =	vst v7;
	v6 =	vld [tilespmem:s29+$0x18A80]  }
0x1cd: {  	v10 =	vadd.f32 v11, v3;
	[tilespmem:s29+$0x171A0] =	vst v8;
	v7 =	vld [tilespmem:s29+$0x18A90]  }
0x1ce: {  	s30 =	simm.s32 $0x100;
	[tilespmem:s29+$0x171B0] =	vst v9;
	v9 =	vadd.f32 v12, v2;
	v8 =	vld [tilespmem:s29+$0x18AA0]  }
.LBB2_5:
0x1cf: {  	s1 =	sshra.s32 s30, $0x2;
	p1 =	sne.s32 s30, $0x3100;
	[tilespmem:s29+$0x17E00] =	vst v10;
	v5 =	vadd.f32 v5, v1;
	v10 =	vld [tilespmem:s29+$0x18AB0]  }
0x1d0: {  	v11 =	vld [tilespmem:s1+$0x19700];
	[tilespmem:s29+$0x17E10] =	vst v9;
	v4 =	vadd.f32 v4, v0  }
0x1d1: {  	v9 =	vld [tilespmem:s1+$0x19710];
	[tilespmem:s29+$0x17E20] =	vst v5;
	v3 =	vadd.f32 v6, v3  }
0x1d2: {  	v5 =	vld [tilespmem:s1+$0x19720];
	[tilespmem:s29+$0x17E30] =	vst v4;
	v2 =	vadd.f32 v7, v2  }
0x1d3: {  	v4 =	vld [tilespmem:s1+$0x19730];
	[tilespmem:s29+$0x18A80] =	vst v3;
	v1 =	vadd.f32 v8, v1  }
0x1d4: {  	v6 =	vld [tilespmem:s1+$0xCF00];
	[tilespmem:s29+$0x18A90] =	vst v2;
	v0 =	vadd.f32 v10, v0  }
0x1d5: {  	v7 =	vld [tilespmem:s1+$0xCF10];
	[tilespmem:s29+$0x18AA0] =	vst v1;
	v3 =	vmov v11  }
0x1d6: {  	v8 =	vld [tilespmem:s1+$0xCF20];
	[tilespmem:s29+$0x18AB0] =	vst v0;
	v2 =	vmov v9;
	s29 =	smov.u32 s1  }
0x1d7: {  	v9 =	vld [tilespmem:s29+$0xCF30];
	v1 =	vmov v5  }
0x1d8: {  	v5 =	vld [tilespmem:s29+$0xDB80];
	v0 =	vmov v4  }
0x1d9: {  	v4 =	vadd.f32 v6, v3;
	v6 =	vld [tilespmem:s29+$0xDB90]  }
0x1da: {  	v7 =	vadd.f32 v7, v2;
	v10 =	vld [tilespmem:s29+$0xDBA0]  }
0x1db: {  	[tilespmem:s29+$0xCF00] =	vst v4;
	v4 =	vadd.f32 v8, v1;
	v8 =	vld [tilespmem:s29+$0xDBB0]  }
0x1dc: {  	[tilespmem:s29+$0xCF10] =	vst v7;
	v7 =	vadd.f32 v9, v0;
	v9 =	vld [tilespmem:s29+$0xE800]  }
0x1dd: {  	[tilespmem:s29+$0xCF20] =	vst v4;
	v4 =	vadd.f32 v5, v3;
	v5 =	vld [tilespmem:s29+$0xE810]  }
0x1de: {  	[tilespmem:s29+$0xCF30] =	vst v7;
	v6 =	vadd.f32 v6, v2;
	v7 =	vld [tilespmem:s29+$0xE820]  }
0x1df: {  	[tilespmem:s29+$0xDB80] =	vst v4;
	v4 =	vadd.f32 v10, v1;
	v10 =	vld [tilespmem:s29+$0xE830]  }
0x1e0: {  	[tilespmem:s29+$0xDB90] =	vst v6;
	v6 =	vadd.f32 v8, v0;
	v8 =	vld [tilespmem:s29+$0xF480]  }
0x1e1: {  	[tilespmem:s29+$0xDBA0] =	vst v4;
	v4 =	vadd.f32 v9, v3;
	v9 =	vld [tilespmem:s29+$0xF490]  }
0x1e2: {  	[tilespmem:s29+$0xDBB0] =	vst v6;
	v5 =	vadd.f32 v5, v2;
	v6 =	vld [tilespmem:s29+$0xF4A0]  }
0x1e3: {  	[tilespmem:s29+$0xE800] =	vst v4;
	v4 =	vadd.f32 v7, v1;
	v7 =	vld [tilespmem:s29+$0xF4B0]  }
0x1e4: {  	[tilespmem:s29+$0xE810] =	vst v5;
	v5 =	vadd.f32 v10, v0;
	v10 =	vld [tilespmem:s29+$0x10100]  }
0x1e5: {  	[tilespmem:s29+$0xE820] =	vst v4;
	v4 =	vadd.f32 v8, v3;
	v8 =	vld [tilespmem:s29+$0x10110]  }
0x1e6: {  	[tilespmem:s29+$0xE830] =	vst v5;
	v5 =	vadd.f32 v9, v2;
	v9 =	vld [tilespmem:s29+$0x10120]  }
0x1e7: {  	[tilespmem:s29+$0xF480] =	vst v4;
	v4 =	vadd.f32 v6, v1;
	v6 =	vld [tilespmem:s29+$0x10130]  }
0x1e8: {  	[tilespmem:s29+$0xF490] =	vst v5;
	v5 =	vadd.f32 v7, v0;
	v7 =	vld [tilespmem:s29+$0x10D80]  }
0x1e9: {  	[tilespmem:s29+$0xF4A0] =	vst v4;
	v4 =	vadd.f32 v10, v3;
	v10 =	vld [tilespmem:s29+$0x10D90]  }
0x1ea: {  	[tilespmem:s29+$0xF4B0] =	vst v5;
	v5 =	vadd.f32 v8, v2;
	v8 =	vld [tilespmem:s29+$0x10DA0]  }
0x1eb: {  	[tilespmem:s29+$0x10100] =	vst v4;
	v4 =	vadd.f32 v9, v1;
	v9 =	vld [tilespmem:s29+$0x10DB0]  }
0x1ec: {  	[tilespmem:s29+$0x10110] =	vst v5;
	v5 =	vadd.f32 v6, v0;
	v6 =	vld [tilespmem:s29+$0x11A00]  }
0x1ed: {  	[tilespmem:s29+$0x10120] =	vst v4;
	v4 =	vadd.f32 v7, v3;
	v7 =	vld [tilespmem:s29+$0x11A10]  }
0x1ee: {  	[tilespmem:s29+$0x10130] =	vst v5;
	v5 =	vadd.f32 v10, v2;
	v10 =	vld [tilespmem:s29+$0x11A20]  }
0x1ef: {  	[tilespmem:s29+$0x10D80] =	vst v4;
	v4 =	vadd.f32 v8, v1;
	v8 =	vld [tilespmem:s29+$0x11A30]  }
0x1f0: {  	[tilespmem:s29+$0x10D90] =	vst v5;
	v5 =	vadd.f32 v9, v0;
	v9 =	vld [tilespmem:s29+$0x12680]  }
0x1f1: {  	[tilespmem:s29+$0x10DA0] =	vst v4;
	v4 =	vadd.f32 v6, v3;
	v6 =	vld [tilespmem:s29+$0x12690]  }
0x1f2: {  	[tilespmem:s29+$0x10DB0] =	vst v5;
	v5 =	vadd.f32 v7, v2;
	v7 =	vld [tilespmem:s29+$0x126A0]  }
0x1f3: {  	[tilespmem:s29+$0x11A00] =	vst v4;
	v4 =	vadd.f32 v10, v1;
	v10 =	vld [tilespmem:s29+$0x126B0]  }
0x1f4: {  	[tilespmem:s29+$0x11A10] =	vst v5;
	v5 =	vadd.f32 v8, v0;
	v8 =	vld [tilespmem:s29+$0x13300]  }
0x1f5: {  	[tilespmem:s29+$0x11A20] =	vst v4;
	v4 =	vadd.f32 v9, v3;
	v9 =	vld [tilespmem:s29+$0x13310]  }
0x1f6: {  	[tilespmem:s29+$0x11A30] =	vst v5;
	v5 =	vadd.f32 v6, v2;
	v6 =	vld [tilespmem:s29+$0x13320]  }
0x1f7: {  	[tilespmem:s29+$0x12680] =	vst v4;
	v4 =	vadd.f32 v7, v1;
	v7 =	vld [tilespmem:s29+$0x13330]  }
0x1f8: {  	[tilespmem:s29+$0x12690] =	vst v5;
	v5 =	vadd.f32 v10, v0;
	v10 =	vld [tilespmem:s29+$0x13F80]  }
0x1f9: {  	[tilespmem:s29+$0x126A0] =	vst v4;
	v4 =	vadd.f32 v8, v3;
	v8 =	vld [tilespmem:s29+$0x13F90]  }
0x1fa: {  	[tilespmem:s29+$0x126B0] =	vst v5;
	v5 =	vadd.f32 v9, v2;
	v9 =	vld [tilespmem:s29+$0x13FA0]  }
0x1fb: {  	[tilespmem:s29+$0x13300] =	vst v4;
	v4 =	vadd.f32 v6, v1;
	v6 =	vld [tilespmem:s29+$0x13FB0]  }
0x1fc: {  	[tilespmem:s29+$0x13310] =	vst v5;
	v5 =	vadd.f32 v7, v0;
	v7 =	vld [tilespmem:s29+$0x14C00]  }
0x1fd: {  	[tilespmem:s29+$0x13320] =	vst v4;
	v4 =	vadd.f32 v10, v3;
	v10 =	vld [tilespmem:s29+$0x14C10]  }
0x1fe: {  	[tilespmem:s29+$0x13330] =	vst v5;
	v5 =	vadd.f32 v8, v2;
	v8 =	vld [tilespmem:s29+$0x14C20]  }
0x1ff: {  	[tilespmem:s29+$0x13F80] =	vst v4;
	v4 =	vadd.f32 v9, v1;
	v9 =	vld [tilespmem:s29+$0x14C30]  }
0x200: {  	[tilespmem:s29+$0x13F90] =	vst v5;
	v5 =	vadd.f32 v6, v0;
	v6 =	vld [tilespmem:s29+$0x15880]  }
0x201: {  	[tilespmem:s29+$0x13FA0] =	vst v4;
	v4 =	vadd.f32 v7, v3;
	v7 =	vld [tilespmem:s29+$0x15890]  }
0x202: {  	[tilespmem:s29+$0x13FB0] =	vst v5;
	v5 =	vadd.f32 v10, v2;
	v10 =	vld [tilespmem:s29+$0x158A0]  }
0x203: {  	[tilespmem:s29+$0x14C00] =	vst v4;
	v4 =	vadd.f32 v8, v1;
	v8 =	vld [tilespmem:s29+$0x158B0]  }
0x204: {  	[tilespmem:s29+$0x14C10] =	vst v5;
	v5 =	vadd.f32 v9, v0;
	v9 =	vld [tilespmem:s29+$0x16500]  }
0x205: {  	[tilespmem:s29+$0x14C20] =	vst v4;
	v4 =	vadd.f32 v6, v3;
	v6 =	vld [tilespmem:s29+$0x16510]  }
0x206: {  	[tilespmem:s29+$0x14C30] =	vst v5;
	v5 =	vadd.f32 v7, v2;
	v7 =	vld [tilespmem:s29+$0x16520]  }
0x207: {  	[tilespmem:s29+$0x15880] =	vst v4;
	v4 =	vadd.f32 v10, v1;
	v10 =	vld [tilespmem:s29+$0x16530]  }
0x208: {  	[tilespmem:s29+$0x15890] =	vst v5;
	v5 =	vadd.f32 v8, v0;
	v8 =	vld [tilespmem:s29+$0x17180]  }
0x209: {  	[tilespmem:s29+$0x158A0] =	vst v4;
	v4 =	vadd.f32 v9, v3;
	v9 =	vld [tilespmem:s29+$0x17190]  }
0x20a: {  	[tilespmem:s29+$0x158B0] =	vst v5;
	v5 =	vadd.f32 v6, v2;
	v6 =	vld [tilespmem:s29+$0x171A0]  }
0x20b: {  	[tilespmem:s29+$0x16500] =	vst v4;
	v4 =	vadd.f32 v7, v1;
	v7 =	vld [tilespmem:s29+$0x171B0]  }
0x20c: {  	[tilespmem:s29+$0x16510] =	vst v5;
	v5 =	vadd.f32 v10, v0;
	v10 =	vld [tilespmem:s29+$0x17E00]  }
0x20d: {  	[tilespmem:s29+$0x16520] =	vst v4;
	v4 =	vadd.f32 v8, v3;
	v8 =	vld [tilespmem:s29+$0x17E10]  }
.Ltmp1:
0x20e: {  	[tilespmem:s29+$0x16530] =	vst v5;
	v9 =	vadd.f32 v9, v2;
	v5 =	vld [tilespmem:s29+$0x17E20];
	(pc) =	sbr.rel @p1 .LBB2_5-.Ltmp1, $4  }
0x20f: {  	[tilespmem:s29+$0x17180] =	vst v4;
	v11 =	vadd.f32 v6, v1;
	v4 =	vld [tilespmem:s29+$0x17E30]  }
0x210: {  	[tilespmem:s29+$0x17190] =	vst v9;
	v9 =	vadd.f32 v7, v0;
	v6 =	vld [tilespmem:s29+$0x18A80]  }
0x211: {  	[tilespmem:s29+$0x171A0] =	vst v11;
	v10 =	vadd.f32 v10, v3;
	v7 =	vld [tilespmem:s29+$0x18A90]  }
0x212: {  	s30 =	sadd.s32 $0x100, s30;
	[tilespmem:s29+$0x171B0] =	vst v9;
	v9 =	vadd.f32 v8, v2;
	v8 =	vld [tilespmem:s29+$0x18AA0]  }
0x213: {  	[tilespmem:s29+$0x17E00] =	vst v10;
	v5 =	vadd.f32 v5, v1;
	v61 =	vld [tilespmem:s29+$0x18AB0]  }
0x214: {  	[tilespmem:s29+$0x17E10] =	vst v9;
	v4 =	vadd.f32 v4, v0  }
0x215: {  	s17 =	sadd.s32 $0x1, s17;
	[tilespmem:s29+$0x17E20] =	vst v5;
	v3 =	vadd.f32 v6, v3  }
0x216: {  	s1 =	smul.u32 $0x3200, s28;
	p1 =	sne.s32 s17, $0x10;
	[tilespmem:s29+$0x17E30] =	vst v4;
	v2 =	vadd.f32 v7, v2  }
.Ltmp2:
0x217: {  	[tilespmem:s29+$0x18A80] =	vst v3;
	v62 =	vadd.f32 v8, v1;
	(pc) =	sbr.rel @p1 .LBB2_2-.Ltmp2, $4  }
0x218: {  	s1 =	sadd.s32 s4, s1;
	[tilespmem:s29+$0x18A90] =	vst v2;
	v63 =	vadd.f32 v61, v0  }
0x219: {  	s1 =	sshrl.u32 s1, $0x3;
	[tilespmem:s29+$0x18AA0] =	vst v62  }
0x21a: {  	s1 =	sadd.s32 s0, s1;
	[tilespmem:s29+$0x18AB0] =	vst v63  }
0x21b: {  	[hbm4b:s1+s13] =	stream.strided.scatter [tilespmem:s26], [sflag:$0x6], $0xC800, s14, s13, $0x38;
	[tilespmem:$0x1B320] =	vst v63  }
0x21c: {  	s1 =	simm.s32 $0x5  }
0x21d: {  	_ =	swait.ge [sflag:s1], $0xC800  }
0x21e: {  	[sflag:s1] =	ssyncset.done $0x0  }
0x21f: {  	s17 =	simm.s32 $0x6;
	[sflag:s1] =	ssyncadd.s32 $0xFFFF3800  }
0x220: {  	_ =	swait.ge [sflag:s17], $0xC800  }
0x221: {  	s28 =	rddreg [dreg:$0x9]  }
0x222: {  	s31 =	rddreg [dreg:$0x7];
	s28 =	sadd.s32 $0x1, s28  }
0x223: {  	p1 =	sne.s32 s28, s31  }
.Ltmp3:
0x224: {  	_ = 	snop;
	(pc) =	sbr.rel @p1 .LBB2_1-.Ltmp3, $3  }
0x225: {  	_ =	sdelay $0x1  }
0x226: {  	[sflag:s17] =	ssyncset.done $0x0  }
0x227: {  	[sflag:s17] =	ssyncadd.s32 $0xFFFF3800  }
0x228: {  	_ =	sfence.sel $0x180000  }
0x229: {  	[bflag:$0x0] =	sbarrier.arrive $0xFFFF  }
0x22a: {  	_ =	strace $0x90000047  }
0x22b: {  	[bflag:$0x2] =	sbarrier.arrive $0xFFFF  }
0x22c: {  	s0 =	rddreg [dreg:$0x3]  }
0x22d: {  	s0 =	sadd.s32 @!p0 $0x100000, s0  }
0x22e: {  	[sflag:s0] =	ssyncadd.tile.s32 @!p0 $0x1;
	_ =	shalt  }
.Lfunc_end2:
_tile_overlayer_lowered:
.L_overlay_start_2:
0x22f: {  	(tag) =	ssettag $0x2  }
0x230: {  	s0 =	rddreg [dreg:$0x0];
	s2 =	stileid.u32  }
0x231: {  	s1 =	rddreg [dreg:$0x1];
	p0 =	sne.s32 s2, $0x0  }
0x232: {  	s3 =	rddreg [dreg:$0x2];
	[bflag:$0x3] =	sbarrier.arrive $0xFFFF;
	s2 =	simm.s32 @!p0 $0x1C07  }
0x233: {  	[timem:s3], [sflag:s2] =	dma.local @!p0 [hbm:s0], s1  }
0x234: {  	s0 =	simm.s32 @!p0 $0x7  }
0x235: {  	_ =	swait.ge @!p0 [sflag:s0], s1  }
0x236: {  	s1 =	ssub.s32 @!p0 $0x0, s1;
	[sflag:s0] =	ssyncset.done @!p0 $0x0  }
0x237: {  	[sflag:s0] =	ssyncadd.s32 @!p0 s1  }
0x238: {  	[bflag:$0x3] =	sbarrier.arrive $0xFFFF  }
0x239: {  	_ =	shalt  }

// kernel: sparse-core-data-format-call.cloned.1.call-start
scs
called_computation_lowered:
.L_overlay_start_0:
0x0: {  	s2 =	sld [smem:$0x3FD9]  }
0x1: {  	s3 =	sld [smem:$0x3FFE];
	_ =	sdelay $0x1  }
0x2: {  	s1 =	srdreg.scid  }
0x3: {  	s0 =	sand.u32 $0x1, s1  }
0x4: {  	s18 =	sshll.u32 s0, $0xA;
	s2 =	sadd.s32 s3, s2  }
0x5: {  	s2 =	sadd.s32 s2, s18  }
0x6: {  	[smem:$0x3FC5] =	sst s2  }
0x7: {  	_ = 	snop  }
0x8: {  	s2 =	sld [smem:$0x3FD0];
	(tm) =	ssettm $0x1  }
0x9: {  	s19 =	sld [smem:$0x3FFB];
	_ =	sdelay $0x3  }
0xa: {  	_ =	strace s19  }
0xb: {  	s3 =	sld [smem:$0x3FFC];
	_ =	sdelay $0x3  }
0xc: {  	_ =	strace s3  }
0xd: {  	s3 =	sld [smem:$0x3FFD];
	_ =	sdelay $0x3  }
0xe: {  	_ =	strace s3  }
0xf: {  	_ =	strace $0x8FFFFFFF  }
0x10: {  	s20 =	sld [smem:$0x3FDB];
	_ =	sdelay $0x1  }
0x11: {  	s4 =	simm.s32 $_scs_section_size  }
0x12: {  	s5 =	simm.s32 $_size__tile_overlayer_lowered;
	s6 =	simm.s32 $_tile_overlayer_lowered  }
0x13: {  	s23 =	simm.s32 $0x1BFF;
	s22 =	sshll.u32 s6, $0x1;
	s3 =	sadd.s32 s4, s20  }
0x14: {  	s7 =	simm.s32 $0x0;
	s21 =	sshll.u32 s5, $0x1;
	s5 =	sadd.s32 s22, s3  }
0x15: {  	[timem:s7], [sflag:s23] =	dma.local [hbm:s5], s21  }
0x16: {  	_ =	swait.ge [sflag:s23], s21  }
0x17: {  	s4 =	ssub.s32 $0x0, s21;
	[sflag:s23] =	ssyncset.done $0x0  }
0x18: {  	[sflag:s23] =	ssyncadd.s32 s4;
	_ =	sdelay $0x1  }
0x19: {  	s24 =	simm.s32 $0x1B8B  }
0x1a: {  	_ =	swait.ge [sflag:s24], $0x1  }
0x1b: {  	[sflag:s24] =	ssyncset.done $0x0  }
0x1c: {  	s26 =	simm.s32 $0x1B8E;
	s25 =	sld [smem:$0x3FFE];
	[sflag:s24] =	ssyncadd.s32 $0xFFFFFFFF  }
0x1d: {  	s27 =	simm.s32 $execute0_lowered;
	[smem:$0x3FD2] =	sst s26  }
0x1e: {  	s5 =	sshll.u32 s27, $0x1;
	_ =	strace $0x80000049;
	[dreg:$0x1] =	wrdreg $0xFFFFFFFF  }
0x1f: {  	s28 =	simm.s32 $_size_execute0_lowered;
	s3 =	sadd.s32 s3, s5;
	[dreg:$0x0] =	wrdreg $0x0  }
0x20: {  	s5 =	sshll.u32 s28, $0x1;
	[dreg:$0x2] =	wrdreg s3  }
0x21: {  	[dreg:$0x3] =	wrdreg s5  }
0x22: {  	[dreg:$0x4] =	wrdreg $0xC0  }
0x23: {  	_ =	task [dreg:s7], $0x5FFFF  }
0x24: {  	[dreg:$0x1] =	wrdreg $0xFFFFFFFF  }
0x25: {  	[dreg:$0x0] =	wrdreg $0x60  }
0x26: {  	[dreg:$0x2] =	wrdreg s25  }
0x27: {  	[dreg:$0x3] =	wrdreg s2  }
0x28: {  	[dreg:$0x4] =	wrdreg $0x9  }
0x29: {  	_ =	task.clear_ibuf [dreg:s7], $0x5FFFF;
	_ =	strace $0x90000049  }
0x2a: {  	s29 =	simm.s32 $0x9;
	_ =	strace $0x8000004B  }
0x2b: {  	_ =	swait.ge [sflag:s29], $0x1  }
0x2c: {  	[sflag:s29] =	ssyncadd.s32 $0xFFFFFFFF  }
0x2d: {  	_ =	strace $0x9000004B  }
0x2e: {  	_ =	sfence  }
0x2f: {  	s30 =	sld [smem:$0x0];
	_ =	sdelay $0x2  }
0x30: {  	s31 =	sshll.u32 s1, $0xD;
	s1 =	sshrl.u32 s1, $0x2  }
0x31: {  	s3 =	sand.u32 $0x4000, s31;
	s1 =	sadd.s32 s1, s30  }
0x32: {  	s0 =	sor.u32 s3, s0;
	s1 =	sshll.u32 s1, $0x11  }
0x33: {  	s0 =	sor.u32 s1, s0  }
0x34: {  	s0 =	sadd.s32 $0x8F2B, s0  }
0x35: {  	[sflag:s0] =	ssyncadd.remote.s32 $0x1  }
0x36: {  	_ =	sfence.sel $0xFFFF  }
0x37: {  	[dreg:$0x0] =	wrdreg $0xFFFFFFFF;
	(pc) =	sbr.abs _section_cstart, $3  }
0x38: {  	[dreg:$0x1] =	wrdreg $0xFFFFFFFF  }
0x39: {  	_ =	task.clear_ibuf [dreg:s7], $0x2FFFF;
	_ =	strace $0x9FFFFFFF  }
0x3a: {  	(tm) =	ssettm $0x7FFFFFFF  }
0x3b: {  	_ =	shalt  }
tec
execute0_lowered:
.L_overlay_start_1:
0x0: {  	(tag) =	ssettag $0x1  }
0x1: {  	s0 =	srdreg.scid  }
0x2: {  	s1 =	sshll.u32 s0, $0x4  }
0x3: {  	s0 =	stileid.u32;
	s1 =	sand.u32 $0x10, s1  }
0x4: {  	s1 =	sor.u32 s0, s1  }
0x5: {  	s6 =	rddreg [dreg:$0x0];
	s4 =	simm.s32 $0x1;
	s2 =	sshll.u32 s1, $0x7  }
0x6: {  	s7 =	simm.s32 $0x2;
	s12 =	simm.s32 $0x0;
	s1 =	ssub.s32 $0x1000, s2  }
0x7: {  	s8 =	simm.s32 $0x8000;
	s13 =	simm.s32 $0x0;
	s3 =	sand.u32 $0xF80, s1  }
0x8: {  	s9 =	simm.s32 $0x0;
	s5 =	sshrl.u32 s1, $0xC;
	p0 =	sne.s32 s3, $0x0  }
.Ltmp0:
0x9: {  	s1 =	rddreg [dreg:$0x2];
	s4 =	simm.s32 @!p0 $0x0;
	(pc) =	sbr.rel .LBB1_1-.Ltmp0, $4  }
0xa: {  	s11 =	simm.s32 $0x0;
	s3 =	rddreg [dreg:$0x1];
	s5 =	sadd.s32 s4, s5  }
0xb: {  	_ =	strace $0x8000004A;
	s4 =	simm.s32 $0x1;
	s5 =	smul.u32 $0xC8, s5  }
0xc: {  	s6 =	sadd.s32 $0x800, s6;
	s10 =	smov.u32 s2;
	[sflag:s4] =	ssyncpa.u1 $0x0  }
0xd: {  	p0 =	por $0x0, $0x0;
	[sflag:s7] =	ssyncpa.u1 $0x0;
	s7 =	sor.u32 $0x1, s5  }
.LBB1_4:
0xe: {  	s16 =	sshll.u32 s13, $0x3;
	s17 =	sand.u32 $0x78, s13  }
0xf: {  	s30 =	sand.u32 $0x7E00, s13;
	s12 =	sshll.u32 s12, $0xF;
	s16 =	sand.u32 $0xC00, s16  }
0x10: {  	[tilespmem:s15+$0x810 ss:$0x81] =	vst.msk $0xffff, v2;
	s31 =	sand.u32 $0x7, s13;
	s16 =	sor.u32 s17, s16;
	s17 =	sadd.s32 s3, s30  }
0x11: {  	[tilespmem:s15+$0x1020 ss:$0x81] =	vst.msk $0xffff, v0;
	s13 =	sshll.u32 s31, $0x12;
	s12 =	sadd.s32 s12, s17;
	s16 =	sshrl.u32 s16, $0x3  }
0x12: {  	[tilespmem:s15+$0x0 ss:$0x81] =	vst.msk $0xffff, v1;
	s13 =	sor.u32 $0x400, s13;
	s12 =	sadd.s32 s16, s12  }
0x13: {  	[hbm4b:s12+s13] =	stream.strided.scatter [tilespmem:s14], [sflag:$0x2], $0x2000, s8, s13, $0x20;
	[tilespmem:$0x8080] =	vst v63  }
.LBB1_5:
0x14: {  	s14 =	sadd.s32 $0x1, s9  }
0x15: {  	s12 =	sadd.s32 $0x1000, s10;
	s16 =	smov.u32 s10;
	p2 =	sgt.s32 s14, $0xC7  }
0x16: {  	s16 =	smov.u32 @p2 s12  }
0x17: {  	s14 =	simm.s32 @p2 $0x0;
	p2 =	sgt.s32 s16, $0xFFF  }
0x18: {  	s16 =	smov.u32 @p2 s2;
	p2 =	sne.s32 s11, s7  }
.Ltmp1:
0x19: {  	p1 =	slt.u32 s11, $0x2;
	(pc) =	sbr.rel @!p2 .LBB1_6-.Ltmp1, $4  }
0x1a: {  	s15 =	simm.s32 @!p1 $0x2  }
0x1b: {  	s13 =	smov.u32 s10;
	p0 =	por !p0, !p0;
	_ =	swait.ge @!p1 [sflag:s15], $0x2000  }
0x1c: {  	s12 =	smov.u32 s9;
	[sflag:s15] =	ssyncset.done @!p1 $0x0;
	s9 =	smov.u32 s14  }
0x1d: {  	s11 =	sadd.s32 $0x1, s11;
	[sflag:s15] =	ssyncadd.s32 @!p1 $0xFFFFE000;
	s10 =	smov.u32 s16  }
.LBB1_1:
0x1e: {  	p1 =	sge.u32 s11, s5  }
0x1f: {  	s14 =	sand.u32 @!p1 $0x1FFFFFF, s9  }
0x20: {  	s15 =	smulhi.u32 @!p1 $0x147AE15, s14;
	_ =	sdelay $0x1  }
0x21: {  	s15 =	smul.u32 @!p1 $0xC8, s15  }
0x22: {  	s16 =	sxor.u32 @!p1 $0xFFFFFFFF, s11;
	s17 =	smul.u32 @!p1 $0xC80, s10  }
0x23: {  	s31 =	sadd.s32 $0xFFFFFFFF, s11;
	s16 =	sshll.u32 @!p1 s16, $0xD;
	s14 =	ssub.s32 @!p1 s14, s15  }
0x24: {  	s15 =	sand.u32 @!p1 $0x2000, s16;
	s16 =	sadd.s32 @!p1 s6, s17;
	s14 =	sshll.u32 @!p1 s14, $0x4  }
0x25: {  	s17 =	simm.s32 @!p1 $0x6400;
	s14 =	sadd.s32 @!p1 s14, s16;
	s16 =	simm.s32 @!p1 $0x40  }
0x26: {  	[tilespmem:s15], [sflag:$0x1] =	stream.strided.gather @!p1 [hbm4b:s14+s16], $0x2000, s17, s16, $0x38;
	[tilespmem:$0x8080] =	vst v63  }
0x27: {  	p1 =	sge.u32 s31, s5  }
.Ltmp2:
0x28: {  	_ = 	snop;
	(pc) =	sbr.rel @p1 .LBB1_5-.Ltmp2, $1  }
0x29: {  	_ =	sdelay $0x3  }
0x2a: {  	s14 =	simm.s32 $0x1  }
0x2b: {  	_ =	swait.ge [sflag:s4], $0x2000;
	s14 =	simm.s32 @!p0 $0x0  }
0x2c: {  	[sflag:s4] =	ssyncset.done $0x0;
	s15 =	sshll.u32 s14, $0xD  }
0x2d: {  	[sflag:s4] =	ssyncadd.s32 $0xFFFFE000;
	s18 =	sor.u32 $0x20, s15  }
0x2e: {  	s14 =	smul.u32 $0x8100, s14;
	v3 =	vld [tilespmem:s18+$0x10]  }
0x2f: {  	s30 =	sand.u32 $0x1, s11;
	v2 =	vld [tilespmem:s18+$0xFFFFFFF0]  }
0x30: {  	s15 =	smul.u32 $0x8100, s30;
	s14 =	sshrl.u32 s14, $0x2;
	v0 =	vld [tilespmem:s18+$0x0]  }
0x31: {  	v1 =	vld [tilespmem:s18+$0xFFFFFFE0];
	s16 =	sor.u32 $0x4000, s14  }
0x32: {  	s31 =	sshrl.u32 s15, $0x2;
	s15 =	sadd.s32 $0x0, s16  }
0x33: {  	s17 =	simm.s32 $0x4;
	s18 =	sadd.s32 $0x40, s18;
	s14 =	sor.u32 $0x4000, s31;
	[tilespmem:s15+$0x1830 ss:$0x81] =	vst.msk $0xffff, v3  }
.LBB1_3:
0x34: {  	v3 =	vld [tilespmem:s18+$0x10];
	p1 =	sne.s32 s17, $0x1FC;
	[tilespmem:s15+$0x810 ss:$0x81] =	vst.msk $0xffff, v2;
	s19 =	smov.u32 s17;
	s17 =	sadd.s32 $0x4, s17  }
.Ltmp3:
0x35: {  	v2 =	vld [tilespmem:s18+$0xFFFFFFF0];
	[tilespmem:s15+$0x1020 ss:$0x81] =	vst.msk $0xffff, v0;
	(pc) =	sbr.rel @p1 .LBB1_3-.Ltmp3, $4  }
0x36: {  	v0 =	vld [tilespmem:s18+$0x0];
	[tilespmem:s15+$0x0 ss:$0x81] =	vst.msk $0xffff, v1  }
0x37: {  	s15 =	sshra.s32 s19, $0x2;
	v1 =	vld [tilespmem:s18+$0xFFFFFFE0]  }
0x38: {  	s15 =	sadd.s32 s15, s16  }
0x39: {  	s18 =	sadd.s32 $0x40, s18;
	[tilespmem:s15+$0x1830 ss:$0x81] =	vst.msk $0xffff, v3  }
.Ltmp4:
0x3a: {  	_ = 	snop;
	(pc) =	sbr.rel .LBB1_4-.Ltmp4, $1  }
0x3b: {  	_ =	sdelay $0x3  }
.LBB1_6:
0x3c: {  	_ =	sfence.sel $0x180000  }
0x3d: {  	s2 =	simm.s32 $0x1;
	[bflag:$0x0] =	sbarrier.arrive $0xFFFF  }
0x3e: {  	s31 =	simm.s32 $0x2;
	[sflag:s2] =	ssyncpa.u1 $0x1  }
0x3f: {  	[sflag:s31] =	ssyncpa.u1 $0x1  }
0x40: {  	p0 =	sne.s32 s0, $0x0;
	_ =	strace $0x9000004A  }
0x41: {  	s0 =	sadd.s32 @!p0 $0x100000, s1;
	[bflag:$0x2] =	sbarrier.arrive $0xFFFF  }
0x42: {  	[sflag:s0] =	ssyncadd.tile.s32 @!p0 $0x1;
	_ =	shalt  }
.Lfunc_end1:
_tile_overlayer_lowered:
.L_overlay_start_2:
0x43: {  	(tag) =	ssettag $0x2  }
0x44: {  	s0 =	rddreg [dreg:$0x0];
	s2 =	stileid.u32  }
0x45: {  	s1 =	rddreg [dreg:$0x1];
	p0 =	sne.s32 s2, $0x0  }
0x46: {  	s3 =	rddreg [dreg:$0x2];
	[bflag:$0x3] =	sbarrier.arrive $0xFFFF;
	s2 =	simm.s32 @!p0 $0x1C01  }
0x47: {  	[timem:s3], [sflag:s2] =	dma.local @!p0 [hbm:s0], s1  }
0x48: {  	s0 =	simm.s32 @!p0 $0x1  }
0x49: {  	_ =	swait.ge @!p0 [sflag:s0], s1  }
0x4a: {  	s1 =	ssub.s32 @!p0 $0x0, s1;
	[sflag:s0] =	ssyncset.done @!p0 $0x0  }
0x4b: {  	[sflag:s0] =	ssyncadd.s32 @!p0 s1  }
0x4c: {  	[bflag:$0x3] =	sbarrier.arrive $0xFFFF  }
0x4d: {  	_ =	shalt  }

</sc_bundles>
